<compile_context>
chip_gen: v7x
topology: tpu7x:2x2x1
jax: 0.10.2.dev20260603
libtpu: 0.0.44.dev20260713+nightly
codegen_flags: <defaults>
</compile_context>

<pallas_src>
import functools

import jax
import jax.numpy as jnp
from jax import lax
from jax.experimental import pallas as pl
from jax.experimental.pallas import tpu as pltpu
from jax.experimental.pallas import tpu_sc as plsc

N = 10000
E = 320000
NC = 2
NS = 16
NW = NC * NS
K = 128
CPW = 80
E_PAD = NW * CPW * K
N_ACC = 10112
RPT = N_ACC // NS
DEG_W = 8
NBUF = 4
LAG = 2


def _make_seg_pass(D, with_deg, dtype, cpw0, cpw1):
    assert cpw0 % NBUF == 0 and cpw1 % NBUF == 0
    assert min(cpw0, cpw1) >= NBUF + LAG
    cpw_max = max(cpw0, cpw1)
    out_type = [jax.ShapeDtypeStruct((NC, N_ACC, D), dtype)]
    if with_deg:
        out_type.append(jax.ShapeDtypeStruct((NC, N_ACC, DEG_W), jnp.float32))
    scratch = [
        pltpu.VMEM((cpw_max, K), jnp.int32),
        pltpu.VMEM((cpw_max, K), jnp.int32),
        pltpu.VMEM((NBUF, K, D), dtype),
        pltpu.VMEM_SHARED((N_ACC, D), dtype),
        pltpu.SemaphoreType.DMA((NBUF,)),
        pltpu.SemaphoreType.DMA((NBUF,)),
    ]
    if with_deg:
        scratch.append(pltpu.VMEM((K, DEG_W), jnp.float32))
        scratch.append(pltpu.VMEM_SHARED((N_ACC, DEG_W), jnp.float32))
        scratch.append(pltpu.SemaphoreType.DMA)

    def body(h_hbm, srcp_hbm, dstp_hbm, zeros_hbm, *rest):
        if with_deg:
            (zeros_deg_hbm, ones_hbm, out_hbm, deg_out_hbm,
             src_v, dst_v, bufs, acc, gsems, ssems, ones_v, dacc,
             dsem) = rest
        else:
            (out_hbm, src_v, dst_v, bufs, acc, gsems, ssems) = rest
        c = lax.axis_index("c")
        s = lax.axis_index("s")
        count = jnp.where(c == 0, cpw0, cpw1)

        @pl.when(c == 0)
        def _():
            base = s * cpw0
            pltpu.sync_copy(srcp_hbm.at[pl.ds(base, cpw0)],
                            src_v.at[pl.ds(0, cpw0)])
            pltpu.sync_copy(dstp_hbm.at[pl.ds(base, cpw0)],
                            dst_v.at[pl.ds(0, cpw0)])

        @pl.when(c == 1)
        def _():
            base = NS * cpw0 + s * cpw1
            pltpu.sync_copy(srcp_hbm.at[pl.ds(base, cpw1)],
                            src_v.at[pl.ds(0, cpw1)])
            pltpu.sync_copy(dstp_hbm.at[pl.ds(base, cpw1)],
                            dst_v.at[pl.ds(0, cpw1)])

        rows = pl.ds(s * RPT, RPT)
        pltpu.sync_copy(zeros_hbm.at[rows], acc.at[rows])
        if with_deg:
            pltpu.sync_copy(zeros_deg_hbm.at[rows], dacc.at[rows])
            pltpu.sync_copy(ones_hbm, ones_v)
        plsc.subcore_barrier()

        def gather_start(j, b):
            pltpu.async_copy(h_hbm.at[src_v.at[j]], bufs.at[b], gsems.at[b])

        for b in range(NBUF):
            gather_start(b, b)

        def step(i, _):
            for b in range(NBUF):
                j = i * NBUF + b
                pltpu.make_async_copy(
                    h_hbm.at[src_v.at[j]], bufs.at[b], gsems.at[b]).wait()
                pltpu.async_copy(bufs.at[b], acc.at[dst_v.at[j]],
                                 ssems.at[b], add=True)
                if with_deg:
                    @pl.when(j > 0)
                    def _():
                        pltpu.make_async_copy(
                            ones_v, dacc.at[dst_v.at[j - 1]], dsem).wait()
                    pltpu.async_copy(ones_v, dacc.at[dst_v.at[j]], dsem,
                                     add=True)
                bg = (b - LAG) % NBUF
                g = j - LAG

                @pl.when((g >= 0) & (j < count - LAG))
                def _():
                    pltpu.make_async_copy(
                        bufs.at[bg], acc.at[dst_v.at[g]], ssems.at[bg]).wait()
                    gather_start(g + NBUF, bg)
            return _

        lax.fori_loop(0, count // NBUF, step, None)
        for b in range(NBUF):
            j = count - NBUF + b
            pltpu.make_async_copy(
                bufs.at[b], acc.at[dst_v.at[j]], ssems.at[b]).wait()
        if with_deg:
            pltpu.make_async_copy(
                ones_v, dacc.at[dst_v.at[count - 1]], dsem).wait()
        plsc.subcore_barrier()

        pltpu.sync_copy(acc.at[rows], out_hbm.at[c, rows])
        if with_deg:
            pltpu.sync_copy(dacc.at[rows], deg_out_hbm.at[c, rows])

    mesh = plsc.VectorSubcoreMesh(core_axis_name="c", subcore_axis_name="s",
                                  num_cores=NC, num_subcores=NS)
    return pl.kernel(body, out_type=tuple(out_type), mesh=mesh,
                     scratch_types=scratch,
                     compiler_params=pltpu.CompilerParams(
                         use_tc_tiling_on_sc=False))


_make_seg_pass = functools.lru_cache(maxsize=None)(_make_seg_pass)


def _row_blocks(nrows, width):
    return pl.BlockSpec((nrows, width), lambda i: (i, 0))


def _part_blocks(nrows, width):
    return pl.BlockSpec((NC, nrows, width), lambda i: (0, i, 0))


def _full(shape):
    return pl.BlockSpec(shape, lambda i: (0,) * len(shape))


_BLK = 1000
_GRID = N // _BLK


def _inv_deg(deg_ref):
    d = deg_ref[0, :, 0] + deg_ref[1, :, 0]
    return (1.0 / (d + 1.0))[:, None]


def _tc1_body(agg_ref, deg_ref, x_ref, w1_ref, b1_ref, w2_ref,
              g2_ref, g2b_ref):
    agg = agg_ref[0].astype(jnp.float32) + agg_ref[1].astype(jnp.float32)
    hn = (agg + x_ref[...]) * _inv_deg(deg_ref)
    h1 = jnp.maximum(
        jnp.dot(hn, w1_ref[...], preferred_element_type=jnp.float32)
        + b1_ref[...], 0.0)
    g2 = jnp.dot(h1, w2_ref[...], preferred_element_type=jnp.float32)
    g2_ref[...] = g2
    g2b_ref[...] = g2.astype(jnp.bfloat16)


def _tc2_body(q_ref, deg_ref, g2_ref, b2_ref, w3_ref, g3_ref):
    q = q_ref[0].astype(jnp.float32) + q_ref[1].astype(jnp.float32)
    h2 = jnp.maximum(
        (q + g2_ref[...]) * _inv_deg(deg_ref)
        + b2_ref[...], 0.0)
    g3_ref[...] = jnp.dot(h2, w3_ref[...], preferred_element_type=jnp.float32)


def _tc3_body(r_ref, deg_ref, g3_ref, b3_ref, wd1_ref, bd1_ref, wd2_ref,
              bd2_ref, wd3_ref, bd3_ref, xen_ref, xde_ref):
    xen = ((r_ref[0] + r_ref[1] + g3_ref[...]) * _inv_deg(deg_ref)
           + b3_ref[...])
    xen_ref[...] = xen
    d = jnp.maximum(
        jnp.dot(xen, wd1_ref[...], preferred_element_type=jnp.float32)
        + bd1_ref[...], 0.0)
    d = jnp.maximum(
        jnp.dot(d, wd2_ref[...], preferred_element_type=jnp.float32)
        + bd2_ref[...], 0.0)
    xde_ref[...] = (jnp.dot(d, wd3_ref[...], preferred_element_type=jnp.float32)
                    + bd3_ref[...])


def kernel(x, edge_index, W1, b1, W2, b2, W3, b3, Wd1, bd1, Wd2, bd2, Wd3, bd3):
    src = edge_index[0]
    dst = edge_index[1]
    pad = E_PAD - E
    srcp = jnp.concatenate([src, jnp.zeros((pad,), jnp.int32)]).reshape(
        E_PAD // K, K)
    dummy = N + jnp.arange(pad, dtype=jnp.int32) % (N_ACC - N)
    dstp = jnp.concatenate([dst, dummy]).reshape(E_PAD // K, K)
    z128b = jnp.zeros((N_ACC, 128), jnp.bfloat16)
    z64b = jnp.zeros((N_ACC, 64), jnp.bfloat16)
    z16 = jnp.zeros((N_ACC, 16), jnp.float32)
    zdeg = jnp.zeros((N_ACC, DEG_W), jnp.float32)
    ones = jnp.ones((K, DEG_W), jnp.float32)

    xb = x.astype(jnp.bfloat16)
    agg1, deg = _make_seg_pass(128, True, jnp.bfloat16, 124, 36)(
        xb, srcp, dstp, z128b, zdeg, ones)

    g2, g2b = pl.pallas_call(
        _tc1_body,
        grid=(_GRID,),
        in_specs=[_part_blocks(_BLK, 128), _part_blocks(_BLK, DEG_W),
                  _row_blocks(_BLK, 128), _full((128, 256)), _full((256,)),
                  _full((256, 64))],
        out_specs=[_row_blocks(_BLK, 64), _row_blocks(_BLK, 64)],
        out_shape=[jax.ShapeDtypeStruct((N, 64), jnp.float32),
                   jax.ShapeDtypeStruct((N, 64), jnp.bfloat16)],
    )(agg1, deg, x, W1, b1, W2)

    (agg2,) = _make_seg_pass(64, False, jnp.bfloat16, 112, 48)(
        g2b, srcp, dstp, z64b)

    g3 = pl.pallas_call(
        _tc2_body,
        grid=(_GRID,),
        in_specs=[_part_blocks(_BLK, 64), _part_blocks(_BLK, DEG_W),
                  _row_blocks(_BLK, 64), _full((64,)), _full((64, 16))],
        out_specs=_row_blocks(_BLK, 16),
        out_shape=jax.ShapeDtypeStruct((N, 16), jnp.float32),
    )(agg2, deg, g2, b2, W3)

    (agg3,) = _make_seg_pass(16, False, jnp.float32, 104, 56)(
        g3, srcp, dstp, z16)

    x_en, x_de = pl.pallas_call(
        _tc3_body,
        grid=(_GRID,),
        in_specs=[_part_blocks(_BLK, 16), _part_blocks(_BLK, DEG_W),
                  _row_blocks(_BLK, 16), _full((16,)), _full((16, 64)),
                  _full((64,)), _full((64, 256)), _full((256,)),
                  _full((256, 128)), _full((128,))],
        out_specs=[_row_blocks(_BLK, 16), _row_blocks(_BLK, 128)],
        out_shape=[jax.ShapeDtypeStruct((N, 16), jnp.float32),
                   jax.ShapeDtypeStruct((N, 128), jnp.float32)],
    )(agg3, deg, g3, b3, Wd1, bd1, Wd2, bd2, Wd3, bd3)

    return (x_en, x_de)

# --- scband reference (transcript-rebuilt; emitter-appended) ---
"""Pipeline reference for scband-idec-52853867544719 (READ-ONLY COPY).

The authoritative reference and input builder live on the scoring server;
editing this copy changes nothing except your own understanding.
"""

import jax, jax.numpy as jnp
import numpy as np

N_NODES = 10000
N_EDGES = 320000
D_IN = 128
DIMS = [256, 64, 16]


def setup_inputs(seed: int = 0) -> dict:
    key = jax.random.key(seed)
    ks = jax.random.split(key, 20)
    x = jax.random.normal(ks[0], (N_NODES, D_IN), dtype=jnp.float32)
    edge_index = jax.random.randint(ks[1], (2, N_EDGES), 0, N_NODES, dtype=jnp.int32)
    # encoder SAGE-gcn linear weights
    W1 = jax.random.normal(ks[2], (D_IN, DIMS[0]), dtype=jnp.float32) / np.sqrt(D_IN)
    b1 = jnp.zeros((DIMS[0],), dtype=jnp.float32)
    W2 = jax.random.normal(ks[3], (DIMS[0], DIMS[1]), dtype=jnp.float32) / np.sqrt(DIMS[0])
    b2 = jnp.zeros((DIMS[1],), dtype=jnp.float32)
    W3 = jax.random.normal(ks[4], (DIMS[1], DIMS[2]), dtype=jnp.float32) / np.sqrt(DIMS[1])
    b3 = jnp.zeros((DIMS[2],), dtype=jnp.float32)
    # decoder DNN weights: [16 -> 64 -> 256 -> 128]
    Wd1 = jax.random.normal(ks[5], (DIMS[2], DIMS[1]), dtype=jnp.float32) / np.sqrt(DIMS[2])
    bd1 = jnp.zeros((DIMS[1],), dtype=jnp.float32)
    Wd2 = jax.random.normal(ks[6], (DIMS[1], DIMS[0]), dtype=jnp.float32) / np.sqrt(DIMS[1])
    bd2 = jnp.zeros((DIMS[0],), dtype=jnp.float32)
    Wd3 = jax.random.normal(ks[7], (DIMS[0], D_IN), dtype=jnp.float32) / np.sqrt(DIMS[0])
    bd3 = jnp.zeros((D_IN,), dtype=jnp.float32)
    return {"x": x, "edge_index": edge_index,
            "W1": W1, "b1": b1, "W2": W2, "b2": b2, "W3": W3, "b3": b3,
            "Wd1": Wd1, "bd1": bd1, "Wd2": Wd2, "bd2": bd2, "Wd3": Wd3, "bd3": bd3}


def _sage_gcn_layer(h, src, dst, W, b, act):
    # DGL SAGEConv with aggregator_type='gcn':
    # h_i = W * ( (sum_{j in N(i)} h_j + h_i) / (deg_i + 1) ) + b
    msg = jnp.take(h, src, axis=0)
    agg = jax.ops.segment_sum(msg, dst, num_segments=N_NODES)
    deg = jax.ops.segment_sum(jnp.ones((src.shape[0],), dtype=h.dtype), dst, num_segments=N_NODES)
    hn = (agg + h) / (deg[:, None] + 1.0)
    out = hn @ W + b
    if act:
        out = jax.nn.relu(out)
    return out


def reference(x, edge_index, W1, b1, W2, b2, W3, b3, Wd1, bd1, Wd2, bd2, Wd3, bd3):
    src = edge_index[0]
    dst = edge_index[1]
    # encoder: MultiLayerGNN with activations ['relu','relu','none']
    h = _sage_gcn_layer(x, src, dst, W1, b1, True)
    h = _sage_gcn_layer(h, src, dst, W2, b2, True)
    x_en = _sage_gcn_layer(h, src, dst, W3, b3, False)
    # decoder: MultiLayerDNN 16 -> 64 -> 256 -> 128
    d = jax.nn.relu(x_en @ Wd1 + bd1)
    d = jax.nn.relu(d @ Wd2 + bd2)
    x_de = d @ Wd3 + bd3
    return (x_en, x_de)

if __name__ == "__main__":
    import jax
    _d = setup_inputs()
    print(jax.jit(kernel)(*tuple(_d.values())))

</pallas_src>

<mosaic_0001>
#map = affine_map<(d0, d1) -> (0, 0)>
#map1 = affine_map<(d0, d1) -> (0, 0, 0)>
module attributes {stable_mosaic.version = 14 : i64} {
  func.func @body(%arg0: i32, %arg1: i32, %arg2: memref<10000x16xf32, #tpu.memory_space<hbm>>, %arg3: memref<2560x128xi32, #tpu.memory_space<hbm>>, %arg4: memref<2560x128xi32, #tpu.memory_space<hbm>>, %arg5: memref<10112x16xf32, #tpu.memory_space<hbm>>, %arg6: memref<2x10112x16xf32, #tpu.memory_space<hbm>>, %arg7: memref<104x128xi32, #tpu.memory_space<vmem>>, %arg8: memref<104x128xi32, #tpu.memory_space<vmem>>, %arg9: memref<4x128x16xf32, #tpu.memory_space<vmem>>, %arg10: memref<10112x16xf32, #tpu.memory_space<vmem_shared>>, %arg11: memref<4x!tpu.dma_semaphore, #tpu.memory_space<semaphore_mem>>, %arg12: memref<4x!tpu.dma_semaphore, #tpu.memory_space<semaphore_mem>>) attributes {dimension_semantics = [#tpu.dimension_semantics<core_parallel>, #tpu.dimension_semantics<subcore_parallel>], iteration_bounds = array<i64: 2, 16>, scalar_prefetch = 0 : i64, scratch_operands = 6 : i64, tpu.core_type = #tpu.core_type<sc_vector_subcore>, window_params = [{transform_indices = #map}, {transform_indices = #map}, {transform_indices = #map}, {transform_indices = #map}, {transform_indices = #map1}]} {
    %eq3A = arith.constant 0 : i32
    %eq3A_0 = arith.cmpi eq, %arg0, %eq3A : i32
    %jit3A = arith.constant 104 : i32
    %jit3A_1 = arith.constant 56 : i32
    %select_n3A = arith.select %eq3A_0, %jit3A, %jit3A_1 : i32
    %eq3A_2 = arith.constant 0 : i32
    %eq3A_3 = arith.cmpi eq, %arg0, %eq3A_2 : i32
    %convert_element_type3A = arith.extui %eq3A_3 : i1 to i32
    %cond3A = arith.constant 0 : i32
    %cond3A_4 = arith.cmpi ne, %convert_element_type3A, %cond3A : i32
    scf.if %cond3A_4 {
      %mul3A_167 = arith.constant 104 : i32
      %mul3A_168 = arith.muli %arg1, %mul3A_167 : i32
      "tpu.region"() ({
        %run_scoped3A = tpu.sem_alloc : memref<!tpu.dma_semaphore, #tpu.memory_space<semaphore_mem>>
        %dma_start3A_169 = arith.constant 0 : i32
        %dma_start3A_170 = arith.constant 0 : i32
        %dma_start3A_171 = tpu.memref_slice %arg7[%dma_start3A_169, %dma_start3A_170] : memref<104x128xi32, #tpu.memory_space<vmem>> -> memref<104x128xi32, #tpu.memory_space<vmem>>
        %dma_start3A_172 = arith.constant 0 : i32
        %dma_start3A_173 = tpu.memref_slice %arg3[%mul3A_168, %dma_start3A_172] : memref<2560x128xi32, #tpu.memory_space<hbm>> -> memref<104x128xi32, #tpu.memory_space<hbm>>
        %dma_start3A_174 = arith.constant 0 : i32
        %dma_start3A_175 = arith.constant 0 : i32
        %dma_start3A_176 = tpu.memref_slice %arg7[%dma_start3A_174, %dma_start3A_175] : memref<104x128xi32, #tpu.memory_space<vmem>> -> memref<104x128xi32, #tpu.memory_space<vmem>>
        %dma_start3A_177 = arith.constant 0 : i32
        %dma_start3A_178 = tpu.memref_slice %arg3[%mul3A_168, %dma_start3A_177] : memref<2560x128xi32, #tpu.memory_space<hbm>> -> memref<104x128xi32, #tpu.memory_space<hbm>>
        tpu.enqueue_dma source(%dma_start3A_178 : memref<104x128xi32, #tpu.memory_space<hbm>>) target(%dma_start3A_176 : memref<104x128xi32, #tpu.memory_space<vmem>>) target_semaphore(%run_scoped3A : memref<!tpu.dma_semaphore, #tpu.memory_space<semaphore_mem>>)
        %dma_wait3A_179 = arith.constant 0 : i32
        %dma_wait3A_180 = arith.constant 0 : i32
        %dma_wait3A_181 = tpu.memref_slice %arg7[%dma_wait3A_179, %dma_wait3A_180] : memref<104x128xi32, #tpu.memory_space<vmem>> -> memref<104x128xi32, #tpu.memory_space<vmem>>
        %dma_wait3A_182 = arith.constant 0 : i32
        %dma_wait3A_183 = tpu.memref_slice %arg3[%mul3A_168, %dma_wait3A_182] : memref<2560x128xi32, #tpu.memory_space<hbm>> -> memref<104x128xi32, #tpu.memory_space<hbm>>
        %dma_wait3A_184 = arith.constant 0 : i32
        %dma_wait3A_185 = arith.constant 0 : i32
        %dma_wait3A_186 = tpu.memref_slice %arg7[%dma_wait3A_184, %dma_wait3A_185] : memref<104x128xi32, #tpu.memory_space<vmem>> -> memref<104x128xi32, #tpu.memory_space<vmem>>
        %dma_wait3A_187 = arith.constant 0 : i32
        %dma_wait3A_188 = tpu.memref_slice %arg3[%mul3A_168, %dma_wait3A_187] : memref<2560x128xi32, #tpu.memory_space<hbm>> -> memref<104x128xi32, #tpu.memory_space<hbm>>
        tpu.wait_dma2 semaphore(%run_scoped3A : memref<!tpu.dma_semaphore, #tpu.memory_space<semaphore_mem>>) src(%dma_wait3A_188 : memref<104x128xi32, #tpu.memory_space<hbm>>) dst(%dma_wait3A_186 : memref<104x128xi32, #tpu.memory_space<vmem>>)
        tpu.yield
      }) : () -> ()
      "tpu.region"() ({
        %run_scoped3A = tpu.sem_alloc : memref<!tpu.dma_semaphore, #tpu.memory_space<semaphore_mem>>
        %dma_start3A_169 = arith.constant 0 : i32
        %dma_start3A_170 = arith.constant 0 : i32
        %dma_start3A_171 = tpu.memref_slice %arg8[%dma_start3A_169, %dma_start3A_170] : memref<104x128xi32, #tpu.memory_space<vmem>> -> memref<104x128xi32, #tpu.memory_space<vmem>>
        %dma_start3A_172 = arith.constant 0 : i32
        %dma_start3A_173 = tpu.memref_slice %arg4[%mul3A_168, %dma_start3A_172] : memref<2560x128xi32, #tpu.memory_space<hbm>> -> memref<104x128xi32, #tpu.memory_space<hbm>>
        %dma_start3A_174 = arith.constant 0 : i32
        %dma_start3A_175 = arith.constant 0 : i32
        %dma_start3A_176 = tpu.memref_slice %arg8[%dma_start3A_174, %dma_start3A_175] : memref<104x128xi32, #tpu.memory_space<vmem>> -> memref<104x128xi32, #tpu.memory_space<vmem>>
        %dma_start3A_177 = arith.constant 0 : i32
        %dma_start3A_178 = tpu.memref_slice %arg4[%mul3A_168, %dma_start3A_177] : memref<2560x128xi32, #tpu.memory_space<hbm>> -> memref<104x128xi32, #tpu.memory_space<hbm>>
        tpu.enqueue_dma source(%dma_start3A_178 : memref<104x128xi32, #tpu.memory_space<hbm>>) target(%dma_start3A_176 : memref<104x128xi32, #tpu.memory_space<vmem>>) target_semaphore(%run_scoped3A : memref<!tpu.dma_semaphore, #tpu.memory_space<semaphore_mem>>)
        %dma_wait3A_179 = arith.constant 0 : i32
        %dma_wait3A_180 = arith.constant 0 : i32
        %dma_wait3A_181 = tpu.memref_slice %arg8[%dma_wait3A_179, %dma_wait3A_180] : memref<104x128xi32, #tpu.memory_space<vmem>> -> memref<104x128xi32, #tpu.memory_space<vmem>>
        %dma_wait3A_182 = arith.constant 0 : i32
        %dma_wait3A_183 = tpu.memref_slice %arg4[%mul3A_168, %dma_wait3A_182] : memref<2560x128xi32, #tpu.memory_space<hbm>> -> memref<104x128xi32, #tpu.memory_space<hbm>>
        %dma_wait3A_184 = arith.constant 0 : i32
        %dma_wait3A_185 = arith.constant 0 : i32
        %dma_wait3A_186 = tpu.memref_slice %arg8[%dma_wait3A_184, %dma_wait3A_185] : memref<104x128xi32, #tpu.memory_space<vmem>> -> memref<104x128xi32, #tpu.memory_space<vmem>>
        %dma_wait3A_187 = arith.constant 0 : i32
        %dma_wait3A_188 = tpu.memref_slice %arg4[%mul3A_168, %dma_wait3A_187] : memref<2560x128xi32, #tpu.memory_space<hbm>> -> memref<104x128xi32, #tpu.memory_space<hbm>>
        tpu.wait_dma2 semaphore(%run_scoped3A : memref<!tpu.dma_semaphore, #tpu.memory_space<semaphore_mem>>) src(%dma_wait3A_188 : memref<104x128xi32, #tpu.memory_space<hbm>>) dst(%dma_wait3A_186 : memref<104x128xi32, #tpu.memory_space<vmem>>)
        tpu.yield
      }) : () -> ()
    } else {
    }
    %eq3A_5 = arith.constant 1 : i32
    %eq3A_6 = arith.cmpi eq, %arg0, %eq3A_5 : i32
    %convert_element_type3A_7 = arith.extui %eq3A_6 : i1 to i32
    %cond3A_8 = arith.constant 0 : i32
    %cond3A_9 = arith.cmpi ne, %convert_element_type3A_7, %cond3A_8 : i32
    scf.if %cond3A_9 {
      %mul3A_167 = arith.constant 56 : i32
      %mul3A_168 = arith.muli %arg1, %mul3A_167 : i32
      %add3A_169 = arith.constant 1664 : i32
      %add3A_170 = arith.addi %add3A_169, %mul3A_168 : i32
      "tpu.region"() ({
        %run_scoped3A = tpu.sem_alloc : memref<!tpu.dma_semaphore, #tpu.memory_space<semaphore_mem>>
        %dma_start3A_171 = arith.constant 0 : i32
        %dma_start3A_172 = arith.constant 0 : i32
        %dma_start3A_173 = tpu.memref_slice %arg7[%dma_start3A_171, %dma_start3A_172] : memref<104x128xi32, #tpu.memory_space<vmem>> -> memref<56x128xi32, #tpu.memory_space<vmem>>
        %dma_start3A_174 = arith.constant 0 : i32
        %dma_start3A_175 = tpu.memref_slice %arg3[%add3A_170, %dma_start3A_174] : memref<2560x128xi32, #tpu.memory_space<hbm>> -> memref<56x128xi32, #tpu.memory_space<hbm>>
        %dma_start3A_176 = arith.constant 0 : i32
        %dma_start3A_177 = arith.constant 0 : i32
        %dma_start3A_178 = tpu.memref_slice %arg7[%dma_start3A_176, %dma_start3A_177] : memref<104x128xi32, #tpu.memory_space<vmem>> -> memref<56x128xi32, #tpu.memory_space<vmem>>
        %dma_start3A_179 = arith.constant 0 : i32
        %dma_start3A_180 = tpu.memref_slice %arg3[%add3A_170, %dma_start3A_179] : memref<2560x128xi32, #tpu.memory_space<hbm>> -> memref<56x128xi32, #tpu.memory_space<hbm>>
        tpu.enqueue_dma source(%dma_start3A_180 : memref<56x128xi32, #tpu.memory_space<hbm>>) target(%dma_start3A_178 : memref<56x128xi32, #tpu.memory_space<vmem>>) target_semaphore(%run_scoped3A : memref<!tpu.dma_semaphore, #tpu.memory_space<semaphore_mem>>)
        %dma_wait3A_181 = arith.constant 0 : i32
        %dma_wait3A_182 = arith.constant 0 : i32
        %dma_wait3A_183 = tpu.memref_slice %arg7[%dma_wait3A_181, %dma_wait3A_182] : memref<104x128xi32, #tpu.memory_space<vmem>> -> memref<56x128xi32, #tpu.memory_space<vmem>>
        %dma_wait3A_184 = arith.constant 0 : i32
        %dma_wait3A_185 = tpu.memref_slice %arg3[%add3A_170, %dma_wait3A_184] : memref<2560x128xi32, #tpu.memory_space<hbm>> -> memref<56x128xi32, #tpu.memory_space<hbm>>
        %dma_wait3A_186 = arith.constant 0 : i32
        %dma_wait3A_187 = arith.constant 0 : i32
        %dma_wait3A_188 = tpu.memref_slice %arg7[%dma_wait3A_186, %dma_wait3A_187] : memref<104x128xi32, #tpu.memory_space<vmem>> -> memref<56x128xi32, #tpu.memory_space<vmem>>
        %dma_wait3A_189 = arith.constant 0 : i32
        %dma_wait3A_190 = tpu.memref_slice %arg3[%add3A_170, %dma_wait3A_189] : memref<2560x128xi32, #tpu.memory_space<hbm>> -> memref<56x128xi32, #tpu.memory_space<hbm>>
        tpu.wait_dma2 semaphore(%run_scoped3A : memref<!tpu.dma_semaphore, #tpu.memory_space<semaphore_mem>>) src(%dma_wait3A_190 : memref<56x128xi32, #tpu.memory_space<hbm>>) dst(%dma_wait3A_188 : memref<56x128xi32, #tpu.memory_space<vmem>>)
        tpu.yield
      }) : () -> ()
      "tpu.region"() ({
        %run_scoped3A = tpu.sem_alloc : memref<!tpu.dma_semaphore, #tpu.memory_space<semaphore_mem>>
        %dma_start3A_171 = arith.constant 0 : i32
        %dma_start3A_172 = arith.constant 0 : i32
        %dma_start3A_173 = tpu.memref_slice %arg8[%dma_start3A_171, %dma_start3A_172] : memref<104x128xi32, #tpu.memory_space<vmem>> -> memref<56x128xi32, #tpu.memory_space<vmem>>
        %dma_start3A_174 = arith.constant 0 : i32
        %dma_start3A_175 = tpu.memref_slice %arg4[%add3A_170, %dma_start3A_174] : memref<2560x128xi32, #tpu.memory_space<hbm>> -> memref<56x128xi32, #tpu.memory_space<hbm>>
        %dma_start3A_176 = arith.constant 0 : i32
        %dma_start3A_177 = arith.constant 0 : i32
        %dma_start3A_178 = tpu.memref_slice %arg8[%dma_start3A_176, %dma_start3A_177] : memref<104x128xi32, #tpu.memory_space<vmem>> -> memref<56x128xi32, #tpu.memory_space<vmem>>
        %dma_start3A_179 = arith.constant 0 : i32
        %dma_start3A_180 = tpu.memref_slice %arg4[%add3A_170, %dma_start3A_179] : memref<2560x128xi32, #tpu.memory_space<hbm>> -> memref<56x128xi32, #tpu.memory_space<hbm>>
        tpu.enqueue_dma source(%dma_start3A_180 : memref<56x128xi32, #tpu.memory_space<hbm>>) target(%dma_start3A_178 : memref<56x128xi32, #tpu.memory_space<vmem>>) target_semaphore(%run_scoped3A : memref<!tpu.dma_semaphore, #tpu.memory_space<semaphore_mem>>)
        %dma_wait3A_181 = arith.constant 0 : i32
        %dma_wait3A_182 = arith.constant 0 : i32
        %dma_wait3A_183 = tpu.memref_slice %arg8[%dma_wait3A_181, %dma_wait3A_182] : memref<104x128xi32, #tpu.memory_space<vmem>> -> memref<56x128xi32, #tpu.memory_space<vmem>>
        %dma_wait3A_184 = arith.constant 0 : i32
        %dma_wait3A_185 = tpu.memref_slice %arg4[%add3A_170, %dma_wait3A_184] : memref<2560x128xi32, #tpu.memory_space<hbm>> -> memref<56x128xi32, #tpu.memory_space<hbm>>
        %dma_wait3A_186 = arith.constant 0 : i32
        %dma_wait3A_187 = arith.constant 0 : i32
        %dma_wait3A_188 = tpu.memref_slice %arg8[%dma_wait3A_186, %dma_wait3A_187] : memref<104x128xi32, #tpu.memory_space<vmem>> -> memref<56x128xi32, #tpu.memory_space<vmem>>
        %dma_wait3A_189 = arith.constant 0 : i32
        %dma_wait3A_190 = tpu.memref_slice %arg4[%add3A_170, %dma_wait3A_189] : memref<2560x128xi32, #tpu.memory_space<hbm>> -> memref<56x128xi32, #tpu.memory_space<hbm>>
        tpu.wait_dma2 semaphore(%run_scoped3A : memref<!tpu.dma_semaphore, #tpu.memory_space<semaphore_mem>>) src(%dma_wait3A_190 : memref<56x128xi32, #tpu.memory_space<hbm>>) dst(%dma_wait3A_188 : memref<56x128xi32, #tpu.memory_space<vmem>>)
        tpu.yield
      }) : () -> ()
    } else {
    }
    %mul3A = arith.constant 632 : i32
    %mul3A_10 = arith.muli %arg1, %mul3A : i32
    "tpu.region"() ({
      %run_scoped3A = tpu.sem_alloc : memref<!tpu.dma_semaphore, #tpu.memory_space<semaphore_mem>>
      %dma_start3A_167 = arith.constant 0 : i32
      %dma_start3A_168 = tpu.memref_slice %arg10[%mul3A_10, %dma_start3A_167] : memref<10112x16xf32, #tpu.memory_space<vmem_shared>> -> memref<632x16xf32, #tpu.memory_space<vmem_shared>>
      %dma_start3A_169 = arith.constant 0 : i32
      %dma_start3A_170 = tpu.memref_slice %arg5[%mul3A_10, %dma_start3A_169] : memref<10112x16xf32, #tpu.memory_space<hbm>> -> memref<632x16xf32, #tpu.memory_space<hbm>>
      tpu.enqueue_dma source(%dma_start3A_170 : memref<632x16xf32, #tpu.memory_space<hbm>>) target(%dma_start3A_168 : memref<632x16xf32, #tpu.memory_space<vmem_shared>>) target_semaphore(%run_scoped3A : memref<!tpu.dma_semaphore, #tpu.memory_space<semaphore_mem>>)
      %dma_wait3A_171 = arith.constant 0 : i32
      %dma_wait3A_172 = tpu.memref_slice %arg10[%mul3A_10, %dma_wait3A_171] : memref<10112x16xf32, #tpu.memory_space<vmem_shared>> -> memref<632x16xf32, #tpu.memory_space<vmem_shared>>
      %dma_wait3A_173 = arith.constant 0 : i32
      %dma_wait3A_174 = tpu.memref_slice %arg5[%mul3A_10, %dma_wait3A_173] : memref<10112x16xf32, #tpu.memory_space<hbm>> -> memref<632x16xf32, #tpu.memory_space<hbm>>
      tpu.wait_dma2 semaphore(%run_scoped3A : memref<!tpu.dma_semaphore, #tpu.memory_space<semaphore_mem>>) src(%dma_wait3A_174 : memref<632x16xf32, #tpu.memory_space<hbm>>) dst(%dma_wait3A_172 : memref<632x16xf32, #tpu.memory_space<vmem_shared>>)
      tpu.yield
    }) : () -> ()
    %barrier3A = arith.constant 0 : index
    tpu.barrier barrier_id(%barrier3A)
    %dma_start3A = arith.constant 0 : i32
    %dma_start3A_11 = arith.constant 0 : i32
    %dma_start3A_12 = arith.constant 0 : i32
    %dma_start3A_13 = arith.constant 0 : i32
    %dma_start3A_14 = arith.constant 0 : i32
    %dma_start3A_15 = tpu.memref_slice %arg9[%dma_start3A_11, %dma_start3A_13, %dma_start3A_14] : memref<4x128x16xf32, #tpu.memory_space<vmem>> -> memref<1x128x16xf32, #tpu.memory_space<vmem>>
    %dma_start3A_16 = tpu.memref_squeeze %dma_start3A_15 : memref<1x128x16xf32, #tpu.memory_space<vmem>> -> memref<128x16xf32, #tpu.memory_space<vmem>>
    %dma_start3A_17 = arith.constant 0 : i32
    %dma_start3A_18 = tpu.memref_slice %arg7[%dma_start3A, %dma_start3A_17] : memref<104x128xi32, #tpu.memory_space<vmem>> -> memref<1x128xi32, #tpu.memory_space<vmem>>
    %dma_start3A_19 = tpu.memref_squeeze %dma_start3A_18 : memref<1x128xi32, #tpu.memory_space<vmem>> -> memref<128xi32, #tpu.memory_space<vmem>>
    %dma_start3A_20 = arith.constant 0 : i32
    %dma_start3A_21 = arith.constant 0 : i32
    %dma_start3A_22 = tpu.memref_slice %arg2[%dma_start3A_20, %dma_start3A_21] : memref<10000x16xf32, #tpu.memory_space<hbm>> -> memref<10000x16xf32, #tpu.memory_space<hbm>>
    %dma_start3A_23 = tpu.memref_slice %arg11[%dma_start3A_12] : memref<4x!tpu.dma_semaphore, #tpu.memory_space<semaphore_mem>> -> memref<1x!tpu.dma_semaphore, #tpu.memory_space<semaphore_mem>>
    %dma_start3A_24 = tpu.memref_squeeze %dma_start3A_23 : memref<1x!tpu.dma_semaphore, #tpu.memory_space<semaphore_mem>> -> memref<!tpu.dma_semaphore, #tpu.memory_space<semaphore_mem>>
    tpu.enqueue_indirect_dma source(%dma_start3A_22 : memref<10000x16xf32, #tpu.memory_space<hbm>>) target(%dma_start3A_16 : memref<128x16xf32, #tpu.memory_space<vmem>>) offsets(%dma_start3A_19 : memref<128xi32, #tpu.memory_space<vmem>>) semaphore(%dma_start3A_24 : memref<!tpu.dma_semaphore, #tpu.memory_space<semaphore_mem>>)
    %dma_start3A_25 = arith.constant 1 : i32
    %dma_start3A_26 = arith.constant 1 : i32
    %dma_start3A_27 = arith.constant 1 : i32
    %dma_start3A_28 = arith.constant 0 : i32
    %dma_start3A_29 = arith.constant 0 : i32
    %dma_start3A_30 = tpu.memref_slice %arg9[%dma_start3A_26, %dma_start3A_28, %dma_start3A_29] : memref<4x128x16xf32, #tpu.memory_space<vmem>> -> memref<1x128x16xf32, #tpu.memory_space<vmem>>
    %dma_start3A_31 = tpu.memref_squeeze %dma_start3A_30 : memref<1x128x16xf32, #tpu.memory_space<vmem>> -> memref<128x16xf32, #tpu.memory_space<vmem>>
    %dma_start3A_32 = arith.constant 0 : i32
    %dma_start3A_33 = tpu.memref_slice %arg7[%dma_start3A_25, %dma_start3A_32] : memref<104x128xi32, #tpu.memory_space<vmem>> -> memref<1x128xi32, #tpu.memory_space<vmem>>
    %dma_start3A_34 = tpu.memref_squeeze %dma_start3A_33 : memref<1x128xi32, #tpu.memory_space<vmem>> -> memref<128xi32, #tpu.memory_space<vmem>>
    %dma_start3A_35 = arith.constant 0 : i32
    %dma_start3A_36 = arith.constant 0 : i32
    %dma_start3A_37 = tpu.memref_slice %arg2[%dma_start3A_35, %dma_start3A_36] : memref<10000x16xf32, #tpu.memory_space<hbm>> -> memref<10000x16xf32, #tpu.memory_space<hbm>>
    %dma_start3A_38 = tpu.memref_slice %arg11[%dma_start3A_27] : memref<4x!tpu.dma_semaphore, #tpu.memory_space<semaphore_mem>> -> memref<1x!tpu.dma_semaphore, #tpu.memory_space<semaphore_mem>>
    %dma_start3A_39 = tpu.memref_squeeze %dma_start3A_38 : memref<1x!tpu.dma_semaphore, #tpu.memory_space<semaphore_mem>> -> memref<!tpu.dma_semaphore, #tpu.memory_space<semaphore_mem>>
    tpu.enqueue_indirect_dma source(%dma_start3A_37 : memref<10000x16xf32, #tpu.memory_space<hbm>>) target(%dma_start3A_31 : memref<128x16xf32, #tpu.memory_space<vmem>>) offsets(%dma_start3A_34 : memref<128xi32, #tpu.memory_space<vmem>>) semaphore(%dma_start3A_39 : memref<!tpu.dma_semaphore, #tpu.memory_space<semaphore_mem>>)
    %dma_start3A_40 = arith.constant 2 : i32
    %dma_start3A_41 = arith.constant 2 : i32
    %dma_start3A_42 = arith.constant 2 : i32
    %dma_start3A_43 = arith.constant 0 : i32
    %dma_start3A_44 = arith.constant 0 : i32
    %dma_start3A_45 = tpu.memref_slice %arg9[%dma_start3A_41, %dma_start3A_43, %dma_start3A_44] : memref<4x128x16xf32, #tpu.memory_space<vmem>> -> memref<1x128x16xf32, #tpu.memory_space<vmem>>
    %dma_start3A_46 = tpu.memref_squeeze %dma_start3A_45 : memref<1x128x16xf32, #tpu.memory_space<vmem>> -> memref<128x16xf32, #tpu.memory_space<vmem>>
    %dma_start3A_47 = arith.constant 0 : i32
    %dma_start3A_48 = tpu.memref_slice %arg7[%dma_start3A_40, %dma_start3A_47] : memref<104x128xi32, #tpu.memory_space<vmem>> -> memref<1x128xi32, #tpu.memory_space<vmem>>
    %dma_start3A_49 = tpu.memref_squeeze %dma_start3A_48 : memref<1x128xi32, #tpu.memory_space<vmem>> -> memref<128xi32, #tpu.memory_space<vmem>>
    %dma_start3A_50 = arith.constant 0 : i32
    %dma_start3A_51 = arith.constant 0 : i32
    %dma_start3A_52 = tpu.memref_slice %arg2[%dma_start3A_50, %dma_start3A_51] : memref<10000x16xf32, #tpu.memory_space<hbm>> -> memref<10000x16xf32, #tpu.memory_space<hbm>>
    %dma_start3A_53 = tpu.memref_slice %arg11[%dma_start3A_42] : memref<4x!tpu.dma_semaphore, #tpu.memory_space<semaphore_mem>> -> memref<1x!tpu.dma_semaphore, #tpu.memory_space<semaphore_mem>>
    %dma_start3A_54 = tpu.memref_squeeze %dma_start3A_53 : memref<1x!tpu.dma_semaphore, #tpu.memory_space<semaphore_mem>> -> memref<!tpu.dma_semaphore, #tpu.memory_space<semaphore_mem>>
    tpu.enqueue_indirect_dma source(%dma_start3A_52 : memref<10000x16xf32, #tpu.memory_space<hbm>>) target(%dma_start3A_46 : memref<128x16xf32, #tpu.memory_space<vmem>>) offsets(%dma_start3A_49 : memref<128xi32, #tpu.memory_space<vmem>>) semaphore(%dma_start3A_54 : memref<!tpu.dma_semaphore, #tpu.memory_space<semaphore_mem>>)
    %dma_start3A_55 = arith.constant 3 : i32
    %dma_start3A_56 = arith.constant 3 : i32
    %dma_start3A_57 = arith.constant 3 : i32
    %dma_start3A_58 = arith.constant 0 : i32
    %dma_start3A_59 = arith.constant 0 : i32
    %dma_start3A_60 = tpu.memref_slice %arg9[%dma_start3A_56, %dma_start3A_58, %dma_start3A_59] : memref<4x128x16xf32, #tpu.memory_space<vmem>> -> memref<1x128x16xf32, #tpu.memory_space<vmem>>
    %dma_start3A_61 = tpu.memref_squeeze %dma_start3A_60 : memref<1x128x16xf32, #tpu.memory_space<vmem>> -> memref<128x16xf32, #tpu.memory_space<vmem>>
    %dma_start3A_62 = arith.constant 0 : i32
    %dma_start3A_63 = tpu.memref_slice %arg7[%dma_start3A_55, %dma_start3A_62] : memref<104x128xi32, #tpu.memory_space<vmem>> -> memref<1x128xi32, #tpu.memory_space<vmem>>
    %dma_start3A_64 = tpu.memref_squeeze %dma_start3A_63 : memref<1x128xi32, #tpu.memory_space<vmem>> -> memref<128xi32, #tpu.memory_space<vmem>>
    %dma_start3A_65 = arith.constant 0 : i32
    %dma_start3A_66 = arith.constant 0 : i32
    %dma_start3A_67 = tpu.memref_slice %arg2[%dma_start3A_65, %dma_start3A_66] : memref<10000x16xf32, #tpu.memory_space<hbm>> -> memref<10000x16xf32, #tpu.memory_space<hbm>>
    %dma_start3A_68 = tpu.memref_slice %arg11[%dma_start3A_57] : memref<4x!tpu.dma_semaphore, #tpu.memory_space<semaphore_mem>> -> memref<1x!tpu.dma_semaphore, #tpu.memory_space<semaphore_mem>>
    %dma_start3A_69 = tpu.memref_squeeze %dma_start3A_68 : memref<1x!tpu.dma_semaphore, #tpu.memory_space<semaphore_mem>> -> memref<!tpu.dma_semaphore, #tpu.memory_space<semaphore_mem>>
    tpu.enqueue_indirect_dma source(%dma_start3A_67 : memref<10000x16xf32, #tpu.memory_space<hbm>>) target(%dma_start3A_61 : memref<128x16xf32, #tpu.memory_space<vmem>>) offsets(%dma_start3A_64 : memref<128xi32, #tpu.memory_space<vmem>>) semaphore(%dma_start3A_69 : memref<!tpu.dma_semaphore, #tpu.memory_space<semaphore_mem>>)
    %jit3A_70 = arith.constant 4 : i32
    %div3A = arith.divsi %select_n3A, %jit3A_70 : i32
    %sign3A = arith.constant 0 : i32
    %sign3A_71 = arith.cmpi sgt, %select_n3A, %sign3A : i32
    %sign3A_72 = arith.extui %sign3A_71 : i1 to i32
    %sign3A_73 = arith.constant 0 : i32
    %sign3A_74 = arith.cmpi slt, %select_n3A, %sign3A_73 : i32
    %sign3A_75 = arith.extui %sign3A_74 : i1 to i32
    %sign3A_76 = arith.subi %sign3A_72, %sign3A_75 : i32
    %sign3A_77 = arith.constant 0 : i32
    %sign3A_78 = arith.cmpi sgt, %jit3A_70, %sign3A_77 : i32
    %sign3A_79 = arith.extui %sign3A_78 : i1 to i32
    %sign3A_80 = arith.constant 0 : i32
    %sign3A_81 = arith.cmpi slt, %jit3A_70, %sign3A_80 : i32
    %sign3A_82 = arith.extui %sign3A_81 : i1 to i32
    %sign3A_83 = arith.subi %sign3A_79, %sign3A_82 : i32
    %ne3A = arith.cmpi ne, %sign3A_76, %sign3A_83 : i32
    %rem3A = arith.remsi %select_n3A, %jit3A_70 : i32
    %ne3A_84 = arith.constant 0 : i32
    %ne3A_85 = arith.cmpi ne, %rem3A, %ne3A_84 : i32
    %and3A = arith.andi %ne3A, %ne3A_85 : i1
    %sub3A = arith.constant 1 : i32
    %sub3A_86 = arith.subi %div3A, %sub3A : i32
    %select_n3A_87 = arith.select %and3A, %sub3A_86, %div3A : i32
    %while3A = arith.constant 0 : i32
    %while3A_88 = arith.subi %select_n3A_87, %while3A : i32
    %while3A_89 = arith.addi %while3A, %while3A_88 : i32
    %while3A_90 = arith.constant 1 : i32
    %while3A_91 = arith.divsi %while3A_88, %while3A_90 : i32
    %while3A_92 = arith.muli %while3A_91, %while3A_90 : i32
    %while3A_93 = arith.addi %while3A, %while3A_92 : i32
    %while3A_94 = arith.constant 1 : i32
    scf.for %while3A_167 = %while3A to %while3A_93 step %while3A_94  : i32 {
      %mul3A_168 = arith.constant 4 : i32
      %mul3A_169 = arith.muli %while3A_167, %mul3A_168 : i32
      %add3A_170 = arith.constant 0 : i32
      %add3A_171 = arith.addi %mul3A_169, %add3A_170 : i32
      %dma_wait3A_172 = arith.constant 0 : i32
      %dma_wait3A_173 = arith.constant 0 : i32
      %dma_wait3A_174 = arith.constant 0 : i32
      %dma_wait3A_175 = arith.constant 0 : i32
      %dma_wait3A_176 = tpu.memref_slice %arg9[%dma_wait3A_172, %dma_wait3A_174, %dma_wait3A_175] : memref<4x128x16xf32, #tpu.memory_space<vmem>> -> memref<1x128x16xf32, #tpu.memory_space<vmem>>
      %dma_wait3A_177 = tpu.memref_squeeze %dma_wait3A_176 : memref<1x128x16xf32, #tpu.memory_space<vmem>> -> memref<128x16xf32, #tpu.memory_space<vmem>>
      %dma_wait3A_178 = arith.constant 0 : i32
      %dma_wait3A_179 = tpu.memref_slice %arg7[%add3A_171, %dma_wait3A_178] : memref<104x128xi32, #tpu.memory_space<vmem>> -> memref<1x128xi32, #tpu.memory_space<vmem>>
      %dma_wait3A_180 = tpu.memref_squeeze %dma_wait3A_179 : memref<1x128xi32, #tpu.memory_space<vmem>> -> memref<128xi32, #tpu.memory_space<vmem>>
      %dma_wait3A_181 = arith.constant 0 : i32
      %dma_wait3A_182 = arith.constant 0 : i32
      %dma_wait3A_183 = tpu.memref_slice %arg2[%dma_wait3A_181, %dma_wait3A_182] : memref<10000x16xf32, #tpu.memory_space<hbm>> -> memref<10000x16xf32, #tpu.memory_space<hbm>>
      %dma_wait3A_184 = tpu.memref_slice %arg11[%dma_wait3A_173] : memref<4x!tpu.dma_semaphore, #tpu.memory_space<semaphore_mem>> -> memref<1x!tpu.dma_semaphore, #tpu.memory_space<semaphore_mem>>
      %dma_wait3A_185 = tpu.memref_squeeze %dma_wait3A_184 : memref<1x!tpu.dma_semaphore, #tpu.memory_space<semaphore_mem>> -> memref<!tpu.dma_semaphore, #tpu.memory_space<semaphore_mem>>
      tpu.wait_indirect_dma semaphore(%dma_wait3A_185 : memref<!tpu.dma_semaphore, #tpu.memory_space<semaphore_mem>>) src(%dma_wait3A_183 : memref<10000x16xf32, #tpu.memory_space<hbm>>) dst(%dma_wait3A_177 : memref<128x16xf32, #tpu.memory_space<vmem>>)
      %dma_start3A_186 = arith.constant 0 : i32
      %dma_start3A_187 = arith.constant 0 : i32
      %dma_start3A_188 = arith.constant 0 : i32
      %dma_start3A_189 = arith.constant 0 : i32
      %dma_start3A_190 = tpu.memref_slice %arg9[%dma_start3A_186, %dma_start3A_188, %dma_start3A_189] : memref<4x128x16xf32, #tpu.memory_space<vmem>> -> memref<1x128x16xf32, #tpu.memory_space<vmem>>
      %dma_start3A_191 = tpu.memref_squeeze %dma_start3A_190 : memref<1x128x16xf32, #tpu.memory_space<vmem>> -> memref<128x16xf32, #tpu.memory_space<vmem>>
      %dma_start3A_192 = arith.constant 0 : i32
      %dma_start3A_193 = tpu.memref_slice %arg8[%add3A_171, %dma_start3A_192] : memref<104x128xi32, #tpu.memory_space<vmem>> -> memref<1x128xi32, #tpu.memory_space<vmem>>
      %dma_start3A_194 = tpu.memref_squeeze %dma_start3A_193 : memref<1x128xi32, #tpu.memory_space<vmem>> -> memref<128xi32, #tpu.memory_space<vmem>>
      %dma_start3A_195 = arith.constant 0 : i32
      %dma_start3A_196 = arith.constant 0 : i32
      %dma_start3A_197 = tpu.memref_slice %arg10[%dma_start3A_195, %dma_start3A_196] : memref<10112x16xf32, #tpu.memory_space<vmem_shared>> -> memref<10112x16xf32, #tpu.memory_space<vmem_shared>>
      %dma_start3A_198 = tpu.memref_slice %arg12[%dma_start3A_187] : memref<4x!tpu.dma_semaphore, #tpu.memory_space<semaphore_mem>> -> memref<1x!tpu.dma_semaphore, #tpu.memory_space<semaphore_mem>>
      %dma_start3A_199 = tpu.memref_squeeze %dma_start3A_198 : memref<1x!tpu.dma_semaphore, #tpu.memory_space<semaphore_mem>> -> memref<!tpu.dma_semaphore, #tpu.memory_space<semaphore_mem>>
      tpu.enqueue_indirect_dma source(%dma_start3A_191 : memref<128x16xf32, #tpu.memory_space<vmem>>) target(%dma_start3A_197 : memref<10112x16xf32, #tpu.memory_space<vmem_shared>>) offsets(%dma_start3A_194 : memref<128xi32, #tpu.memory_space<vmem>>) semaphore(%dma_start3A_199 : memref<!tpu.dma_semaphore, #tpu.memory_space<semaphore_mem>>) {add = true}
      %sub3A_200 = arith.constant 2 : i32
      %sub3A_201 = arith.subi %add3A_171, %sub3A_200 : i32
      %ge3A = arith.constant 0 : i32
      %ge3A_202 = arith.cmpi sge, %sub3A_201, %ge3A : i32
      %sub3A_203 = arith.constant 2 : i32
      %sub3A_204 = arith.subi %select_n3A, %sub3A_203 : i32
      %lt3A = arith.cmpi slt, %add3A_171, %sub3A_204 : i32
      %and3A_205 = arith.andi %ge3A_202, %lt3A : i1
      %convert_element_type3A_206 = arith.extui %and3A_205 : i1 to i32
      %cond3A_207 = arith.constant 0 : i32
      %cond3A_208 = arith.cmpi ne, %convert_element_type3A_206, %cond3A_207 : i32
      scf.if %cond3A_208 {
        %dma_wait3A_338 = arith.constant 2 : i32
        %dma_wait3A_339 = arith.constant 2 : i32
        %dma_wait3A_340 = arith.constant 0 : i32
        %dma_wait3A_341 = arith.constant 0 : i32
        %dma_wait3A_342 = tpu.memref_slice %arg9[%dma_wait3A_338, %dma_wait3A_340, %dma_wait3A_341] : memref<4x128x16xf32, #tpu.memory_space<vmem>> -> memref<1x128x16xf32, #tpu.memory_space<vmem>>
        %dma_wait3A_343 = tpu.memref_squeeze %dma_wait3A_342 : memref<1x128x16xf32, #tpu.memory_space<vmem>> -> memref<128x16xf32, #tpu.memory_space<vmem>>
        %dma_wait3A_344 = arith.constant 0 : i32
        %dma_wait3A_345 = tpu.memref_slice %arg8[%sub3A_201, %dma_wait3A_344] : memref<104x128xi32, #tpu.memory_space<vmem>> -> memref<1x128xi32, #tpu.memory_space<vmem>>
        %dma_wait3A_346 = tpu.memref_squeeze %dma_wait3A_345 : memref<1x128xi32, #tpu.memory_space<vmem>> -> memref<128xi32, #tpu.memory_space<vmem>>
        %dma_wait3A_347 = arith.constant 0 : i32
        %dma_wait3A_348 = arith.constant 0 : i32
        %dma_wait3A_349 = tpu.memref_slice %arg10[%dma_wait3A_347, %dma_wait3A_348] : memref<10112x16xf32, #tpu.memory_space<vmem_shared>> -> memref<10112x16xf32, #tpu.memory_space<vmem_shared>>
        %dma_wait3A_350 = tpu.memref_slice %arg12[%dma_wait3A_339] : memref<4x!tpu.dma_semaphore, #tpu.memory_space<semaphore_mem>> -> memref<1x!tpu.dma_semaphore, #tpu.memory_space<semaphore_mem>>
        %dma_wait3A_351 = tpu.memref_squeeze %dma_wait3A_350 : memref<1x!tpu.dma_semaphore, #tpu.memory_space<semaphore_mem>> -> memref<!tpu.dma_semaphore, #tpu.memory_space<semaphore_mem>>
        tpu.wait_indirect_dma semaphore(%dma_wait3A_351 : memref<!tpu.dma_semaphore, #tpu.memory_space<semaphore_mem>>) src(%dma_wait3A_343 : memref<128x16xf32, #tpu.memory_space<vmem>>) dst(%dma_wait3A_349 : memref<10112x16xf32, #tpu.memory_space<vmem_shared>>)
        %add3A_352 = arith.constant 4 : i32
        %add3A_353 = arith.addi %sub3A_201, %add3A_352 : i32
        %dma_start3A_354 = arith.constant 2 : i32
        %dma_start3A_355 = arith.constant 2 : i32
        %dma_start3A_356 = arith.constant 0 : i32
        %dma_start3A_357 = arith.constant 0 : i32
        %dma_start3A_358 = tpu.memref_slice %arg9[%dma_start3A_354, %dma_start3A_356, %dma_start3A_357] : memref<4x128x16xf32, #tpu.memory_space<vmem>> -> memref<1x128x16xf32, #tpu.memory_space<vmem>>
        %dma_start3A_359 = tpu.memref_squeeze %dma_start3A_358 : memref<1x128x16xf32, #tpu.memory_space<vmem>> -> memref<128x16xf32, #tpu.memory_space<vmem>>
        %dma_start3A_360 = arith.constant 0 : i32
        %dma_start3A_361 = tpu.memref_slice %arg7[%add3A_353, %dma_start3A_360] : memref<104x128xi32, #tpu.memory_space<vmem>> -> memref<1x128xi32, #tpu.memory_space<vmem>>
        %dma_start3A_362 = tpu.memref_squeeze %dma_start3A_361 : memref<1x128xi32, #tpu.memory_space<vmem>> -> memref<128xi32, #tpu.memory_space<vmem>>
        %dma_start3A_363 = arith.constant 0 : i32
        %dma_start3A_364 = arith.constant 0 : i32
        %dma_start3A_365 = tpu.memref_slice %arg2[%dma_start3A_363, %dma_start3A_364] : memref<10000x16xf32, #tpu.memory_space<hbm>> -> memref<10000x16xf32, #tpu.memory_space<hbm>>
        %dma_start3A_366 = tpu.memref_slice %arg11[%dma_start3A_355] : memref<4x!tpu.dma_semaphore, #tpu.memory_space<semaphore_mem>> -> memref<1x!tpu.dma_semaphore, #tpu.memory_space<semaphore_mem>>
        %dma_start3A_367 = tpu.memref_squeeze %dma_start3A_366 : memref<1x!tpu.dma_semaphore, #tpu.memory_space<semaphore_mem>> -> memref<!tpu.dma_semaphore, #tpu.memory_space<semaphore_mem>>
        tpu.enqueue_indirect_dma source(%dma_start3A_365 : memref<10000x16xf32, #tpu.memory_space<hbm>>) target(%dma_start3A_359 : memref<128x16xf32, #tpu.memory_space<vmem>>) offsets(%dma_start3A_362 : memref<128xi32, #tpu.memory_space<vmem>>) semaphore(%dma_start3A_367 : memref<!tpu.dma_semaphore, #tpu.memory_space<semaphore_mem>>)
      } else {
      }
      %mul3A_209 = arith.constant 4 : i32
      %mul3A_210 = arith.muli %while3A_167, %mul3A_209 : i32
      %add3A_211 = arith.constant 1 : i32
      %add3A_212 = arith.addi %mul3A_210, %add3A_211 : i32
      %dma_wait3A_213 = arith.constant 1 : i32
      %dma_wait3A_214 = arith.constant 1 : i32
      %dma_wait3A_215 = arith.constant 0 : i32
      %dma_wait3A_216 = arith.constant 0 : i32
      %dma_wait3A_217 = tpu.memref_slice %arg9[%dma_wait3A_213, %dma_wait3A_215, %dma_wait3A_216] : memref<4x128x16xf32, #tpu.memory_space<vmem>> -> memref<1x128x16xf32, #tpu.memory_space<vmem>>
      %dma_wait3A_218 = tpu.memref_squeeze %dma_wait3A_217 : memref<1x128x16xf32, #tpu.memory_space<vmem>> -> memref<128x16xf32, #tpu.memory_space<vmem>>
      %dma_wait3A_219 = arith.constant 0 : i32
      %dma_wait3A_220 = tpu.memref_slice %arg7[%add3A_212, %dma_wait3A_219] : memref<104x128xi32, #tpu.memory_space<vmem>> -> memref<1x128xi32, #tpu.memory_space<vmem>>
      %dma_wait3A_221 = tpu.memref_squeeze %dma_wait3A_220 : memref<1x128xi32, #tpu.memory_space<vmem>> -> memref<128xi32, #tpu.memory_space<vmem>>
      %dma_wait3A_222 = arith.constant 0 : i32
      %dma_wait3A_223 = arith.constant 0 : i32
      %dma_wait3A_224 = tpu.memref_slice %arg2[%dma_wait3A_222, %dma_wait3A_223] : memref<10000x16xf32, #tpu.memory_space<hbm>> -> memref<10000x16xf32, #tpu.memory_space<hbm>>
      %dma_wait3A_225 = tpu.memref_slice %arg11[%dma_wait3A_214] : memref<4x!tpu.dma_semaphore, #tpu.memory_space<semaphore_mem>> -> memref<1x!tpu.dma_semaphore, #tpu.memory_space<semaphore_mem>>
      %dma_wait3A_226 = tpu.memref_squeeze %dma_wait3A_225 : memref<1x!tpu.dma_semaphore, #tpu.memory_space<semaphore_mem>> -> memref<!tpu.dma_semaphore, #tpu.memory_space<semaphore_mem>>
      tpu.wait_indirect_dma semaphore(%dma_wait3A_226 : memref<!tpu.dma_semaphore, #tpu.memory_space<semaphore_mem>>) src(%dma_wait3A_224 : memref<10000x16xf32, #tpu.memory_space<hbm>>) dst(%dma_wait3A_218 : memref<128x16xf32, #tpu.memory_space<vmem>>)
      %dma_start3A_227 = arith.constant 1 : i32
      %dma_start3A_228 = arith.constant 1 : i32
      %dma_start3A_229 = arith.constant 0 : i32
      %dma_start3A_230 = arith.constant 0 : i32
      %dma_start3A_231 = tpu.memref_slice %arg9[%dma_start3A_227, %dma_start3A_229, %dma_start3A_230] : memref<4x128x16xf32, #tpu.memory_space<vmem>> -> memref<1x128x16xf32, #tpu.memory_space<vmem>>
      %dma_start3A_232 = tpu.memref_squeeze %dma_start3A_231 : memref<1x128x16xf32, #tpu.memory_space<vmem>> -> memref<128x16xf32, #tpu.memory_space<vmem>>
      %dma_start3A_233 = arith.constant 0 : i32
      %dma_start3A_234 = tpu.memref_slice %arg8[%add3A_212, %dma_start3A_233] : memref<104x128xi32, #tpu.memory_space<vmem>> -> memref<1x128xi32, #tpu.memory_space<vmem>>
      %dma_start3A_235 = tpu.memref_squeeze %dma_start3A_234 : memref<1x128xi32, #tpu.memory_space<vmem>> -> memref<128xi32, #tpu.memory_space<vmem>>
      %dma_start3A_236 = arith.constant 0 : i32
      %dma_start3A_237 = arith.constant 0 : i32
      %dma_start3A_238 = tpu.memref_slice %arg10[%dma_start3A_236, %dma_start3A_237] : memref<10112x16xf32, #tpu.memory_space<vmem_shared>> -> memref<10112x16xf32, #tpu.memory_space<vmem_shared>>
      %dma_start3A_239 = tpu.memref_slice %arg12[%dma_start3A_228] : memref<4x!tpu.dma_semaphore, #tpu.memory_space<semaphore_mem>> -> memref<1x!tpu.dma_semaphore, #tpu.memory_space<semaphore_mem>>
      %dma_start3A_240 = tpu.memref_squeeze %dma_start3A_239 : memref<1x!tpu.dma_semaphore, #tpu.memory_space<semaphore_mem>> -> memref<!tpu.dma_semaphore, #tpu.memory_space<semaphore_mem>>
      tpu.enqueue_indirect_dma source(%dma_start3A_232 : memref<128x16xf32, #tpu.memory_space<vmem>>) target(%dma_start3A_238 : memref<10112x16xf32, #tpu.memory_space<vmem_shared>>) offsets(%dma_start3A_235 : memref<128xi32, #tpu.memory_space<vmem>>) semaphore(%dma_start3A_240 : memref<!tpu.dma_semaphore, #tpu.memory_space<semaphore_mem>>) {add = true}
      %sub3A_241 = arith.constant 2 : i32
      %sub3A_242 = arith.subi %add3A_212, %sub3A_241 : i32
      %ge3A_243 = arith.constant 0 : i32
      %ge3A_244 = arith.cmpi sge, %sub3A_242, %ge3A_243 : i32
      %sub3A_245 = arith.constant 2 : i32
      %sub3A_246 = arith.subi %select_n3A, %sub3A_245 : i32
      %lt3A_247 = arith.cmpi slt, %add3A_212, %sub3A_246 : i32
      %and3A_248 = arith.andi %ge3A_244, %lt3A_247 : i1
      %convert_element_type3A_249 = arith.extui %and3A_248 : i1 to i32
      %cond3A_250 = arith.constant 0 : i32
      %cond3A_251 = arith.cmpi ne, %convert_element_type3A_249, %cond3A_250 : i32
      scf.if %cond3A_251 {
        %dma_wait3A_338 = arith.constant 3 : i32
        %dma_wait3A_339 = arith.constant 3 : i32
        %dma_wait3A_340 = arith.constant 0 : i32
        %dma_wait3A_341 = arith.constant 0 : i32
        %dma_wait3A_342 = tpu.memref_slice %arg9[%dma_wait3A_338, %dma_wait3A_340, %dma_wait3A_341] : memref<4x128x16xf32, #tpu.memory_space<vmem>> -> memref<1x128x16xf32, #tpu.memory_space<vmem>>
        %dma_wait3A_343 = tpu.memref_squeeze %dma_wait3A_342 : memref<1x128x16xf32, #tpu.memory_space<vmem>> -> memref<128x16xf32, #tpu.memory_space<vmem>>
        %dma_wait3A_344 = arith.constant 0 : i32
        %dma_wait3A_345 = tpu.memref_slice %arg8[%sub3A_242, %dma_wait3A_344] : memref<104x128xi32, #tpu.memory_space<vmem>> -> memref<1x128xi32, #tpu.memory_space<vmem>>
        %dma_wait3A_346 = tpu.memref_squeeze %dma_wait3A_345 : memref<1x128xi32, #tpu.memory_space<vmem>> -> memref<128xi32, #tpu.memory_space<vmem>>
        %dma_wait3A_347 = arith.constant 0 : i32
        %dma_wait3A_348 = arith.constant 0 : i32
        %dma_wait3A_349 = tpu.memref_slice %arg10[%dma_wait3A_347, %dma_wait3A_348] : memref<10112x16xf32, #tpu.memory_space<vmem_shared>> -> memref<10112x16xf32, #tpu.memory_space<vmem_shared>>
        %dma_wait3A_350 = tpu.memref_slice %arg12[%dma_wait3A_339] : memref<4x!tpu.dma_semaphore, #tpu.memory_space<semaphore_mem>> -> memref<1x!tpu.dma_semaphore, #tpu.memory_space<semaphore_mem>>
        %dma_wait3A_351 = tpu.memref_squeeze %dma_wait3A_350 : memref<1x!tpu.dma_semaphore, #tpu.memory_space<semaphore_mem>> -> memref<!tpu.dma_semaphore, #tpu.memory_space<semaphore_mem>>
        tpu.wait_indirect_dma semaphore(%dma_wait3A_351 : memref<!tpu.dma_semaphore, #tpu.memory_space<semaphore_mem>>) src(%dma_wait3A_343 : memref<128x16xf32, #tpu.memory_space<vmem>>) dst(%dma_wait3A_349 : memref<10112x16xf32, #tpu.memory_space<vmem_shared>>)
        %add3A_352 = arith.constant 4 : i32
        %add3A_353 = arith.addi %sub3A_242, %add3A_352 : i32
        %dma_start3A_354 = arith.constant 3 : i32
        %dma_start3A_355 = arith.constant 3 : i32
        %dma_start3A_356 = arith.constant 0 : i32
        %dma_start3A_357 = arith.constant 0 : i32
        %dma_start3A_358 = tpu.memref_slice %arg9[%dma_start3A_354, %dma_start3A_356, %dma_start3A_357] : memref<4x128x16xf32, #tpu.memory_space<vmem>> -> memref<1x128x16xf32, #tpu.memory_space<vmem>>
        %dma_start3A_359 = tpu.memref_squeeze %dma_start3A_358 : memref<1x128x16xf32, #tpu.memory_space<vmem>> -> memref<128x16xf32, #tpu.memory_space<vmem>>
        %dma_start3A_360 = arith.constant 0 : i32
        %dma_start3A_361 = tpu.memref_slice %arg7[%add3A_353, %dma_start3A_360] : memref<104x128xi32, #tpu.memory_space<vmem>> -> memref<1x128xi32, #tpu.memory_space<vmem>>
        %dma_start3A_362 = tpu.memref_squeeze %dma_start3A_361 : memref<1x128xi32, #tpu.memory_space<vmem>> -> memref<128xi32, #tpu.memory_space<vmem>>
        %dma_start3A_363 = arith.constant 0 : i32
        %dma_start3A_364 = arith.constant 0 : i32
        %dma_start3A_365 = tpu.memref_slice %arg2[%dma_start3A_363, %dma_start3A_364] : memref<10000x16xf32, #tpu.memory_space<hbm>> -> memref<10000x16xf32, #tpu.memory_space<hbm>>
        %dma_start3A_366 = tpu.memref_slice %arg11[%dma_start3A_355] : memref<4x!tpu.dma_semaphore, #tpu.memory_space<semaphore_mem>> -> memref<1x!tpu.dma_semaphore, #tpu.memory_space<semaphore_mem>>
        %dma_start3A_367 = tpu.memref_squeeze %dma_start3A_366 : memref<1x!tpu.dma_semaphore, #tpu.memory_space<semaphore_mem>> -> memref<!tpu.dma_semaphore, #tpu.memory_space<semaphore_mem>>
        tpu.enqueue_indirect_dma source(%dma_start3A_365 : memref<10000x16xf32, #tpu.memory_space<hbm>>) target(%dma_start3A_359 : memref<128x16xf32, #tpu.memory_space<vmem>>) offsets(%dma_start3A_362 : memref<128xi32, #tpu.memory_space<vmem>>) semaphore(%dma_start3A_367 : memref<!tpu.dma_semaphore, #tpu.memory_space<semaphore_mem>>)
      } else {
      }
      %mul3A_252 = arith.constant 4 : i32
      %mul3A_253 = arith.muli %while3A_167, %mul3A_252 : i32
      %add3A_254 = arith.constant 2 : i32
      %add3A_255 = arith.addi %mul3A_253, %add3A_254 : i32
      %dma_wait3A_256 = arith.constant 2 : i32
      %dma_wait3A_257 = arith.constant 2 : i32
      %dma_wait3A_258 = arith.constant 0 : i32
      %dma_wait3A_259 = arith.constant 0 : i32
      %dma_wait3A_260 = tpu.memref_slice %arg9[%dma_wait3A_256, %dma_wait3A_258, %dma_wait3A_259] : memref<4x128x16xf32, #tpu.memory_space<vmem>> -> memref<1x128x16xf32, #tpu.memory_space<vmem>>
      %dma_wait3A_261 = tpu.memref_squeeze %dma_wait3A_260 : memref<1x128x16xf32, #tpu.memory_space<vmem>> -> memref<128x16xf32, #tpu.memory_space<vmem>>
      %dma_wait3A_262 = arith.constant 0 : i32
      %dma_wait3A_263 = tpu.memref_slice %arg7[%add3A_255, %dma_wait3A_262] : memref<104x128xi32, #tpu.memory_space<vmem>> -> memref<1x128xi32, #tpu.memory_space<vmem>>
      %dma_wait3A_264 = tpu.memref_squeeze %dma_wait3A_263 : memref<1x128xi32, #tpu.memory_space<vmem>> -> memref<128xi32, #tpu.memory_space<vmem>>
      %dma_wait3A_265 = arith.constant 0 : i32
      %dma_wait3A_266 = arith.constant 0 : i32
      %dma_wait3A_267 = tpu.memref_slice %arg2[%dma_wait3A_265, %dma_wait3A_266] : memref<10000x16xf32, #tpu.memory_space<hbm>> -> memref<10000x16xf32, #tpu.memory_space<hbm>>
      %dma_wait3A_268 = tpu.memref_slice %arg11[%dma_wait3A_257] : memref<4x!tpu.dma_semaphore, #tpu.memory_space<semaphore_mem>> -> memref<1x!tpu.dma_semaphore, #tpu.memory_space<semaphore_mem>>
      %dma_wait3A_269 = tpu.memref_squeeze %dma_wait3A_268 : memref<1x!tpu.dma_semaphore, #tpu.memory_space<semaphore_mem>> -> memref<!tpu.dma_semaphore, #tpu.memory_space<semaphore_mem>>
      tpu.wait_indirect_dma semaphore(%dma_wait3A_269 : memref<!tpu.dma_semaphore, #tpu.memory_space<semaphore_mem>>) src(%dma_wait3A_267 : memref<10000x16xf32, #tpu.memory_space<hbm>>) dst(%dma_wait3A_261 : memref<128x16xf32, #tpu.memory_space<vmem>>)
      %dma_start3A_270 = arith.constant 2 : i32
      %dma_start3A_271 = arith.constant 2 : i32
      %dma_start3A_272 = arith.constant 0 : i32
      %dma_start3A_273 = arith.constant 0 : i32
      %dma_start3A_274 = tpu.memref_slice %arg9[%dma_start3A_270, %dma_start3A_272, %dma_start3A_273] : memref<4x128x16xf32, #tpu.memory_space<vmem>> -> memref<1x128x16xf32, #tpu.memory_space<vmem>>
      %dma_start3A_275 = tpu.memref_squeeze %dma_start3A_274 : memref<1x128x16xf32, #tpu.memory_space<vmem>> -> memref<128x16xf32, #tpu.memory_space<vmem>>
      %dma_start3A_276 = arith.constant 0 : i32
      %dma_start3A_277 = tpu.memref_slice %arg8[%add3A_255, %dma_start3A_276] : memref<104x128xi32, #tpu.memory_space<vmem>> -> memref<1x128xi32, #tpu.memory_space<vmem>>
      %dma_start3A_278 = tpu.memref_squeeze %dma_start3A_277 : memref<1x128xi32, #tpu.memory_space<vmem>> -> memref<128xi32, #tpu.memory_space<vmem>>
      %dma_start3A_279 = arith.constant 0 : i32
      %dma_start3A_280 = arith.constant 0 : i32
      %dma_start3A_281 = tpu.memref_slice %arg10[%dma_start3A_279, %dma_start3A_280] : memref<10112x16xf32, #tpu.memory_space<vmem_shared>> -> memref<10112x16xf32, #tpu.memory_space<vmem_shared>>
      %dma_start3A_282 = tpu.memref_slice %arg12[%dma_start3A_271] : memref<4x!tpu.dma_semaphore, #tpu.memory_space<semaphore_mem>> -> memref<1x!tpu.dma_semaphore, #tpu.memory_space<semaphore_mem>>
      %dma_start3A_283 = tpu.memref_squeeze %dma_start3A_282 : memref<1x!tpu.dma_semaphore, #tpu.memory_space<semaphore_mem>> -> memref<!tpu.dma_semaphore, #tpu.memory_space<semaphore_mem>>
      tpu.enqueue_indirect_dma source(%dma_start3A_275 : memref<128x16xf32, #tpu.memory_space<vmem>>) target(%dma_start3A_281 : memref<10112x16xf32, #tpu.memory_space<vmem_shared>>) offsets(%dma_start3A_278 : memref<128xi32, #tpu.memory_space<vmem>>) semaphore(%dma_start3A_283 : memref<!tpu.dma_semaphore, #tpu.memory_space<semaphore_mem>>) {add = true}
      %sub3A_284 = arith.constant 2 : i32
      %sub3A_285 = arith.subi %add3A_255, %sub3A_284 : i32
      %ge3A_286 = arith.constant 0 : i32
      %ge3A_287 = arith.cmpi sge, %sub3A_285, %ge3A_286 : i32
      %sub3A_288 = arith.constant 2 : i32
      %sub3A_289 = arith.subi %select_n3A, %sub3A_288 : i32
      %lt3A_290 = arith.cmpi slt, %add3A_255, %sub3A_289 : i32
      %and3A_291 = arith.andi %ge3A_287, %lt3A_290 : i1
      %convert_element_type3A_292 = arith.extui %and3A_291 : i1 to i32
      %cond3A_293 = arith.constant 0 : i32
      %cond3A_294 = arith.cmpi ne, %convert_element_type3A_292, %cond3A_293 : i32
      scf.if %cond3A_294 {
        %dma_wait3A_338 = arith.constant 0 : i32
        %dma_wait3A_339 = arith.constant 0 : i32
        %dma_wait3A_340 = arith.constant 0 : i32
        %dma_wait3A_341 = arith.constant 0 : i32
        %dma_wait3A_342 = tpu.memref_slice %arg9[%dma_wait3A_338, %dma_wait3A_340, %dma_wait3A_341] : memref<4x128x16xf32, #tpu.memory_space<vmem>> -> memref<1x128x16xf32, #tpu.memory_space<vmem>>
        %dma_wait3A_343 = tpu.memref_squeeze %dma_wait3A_342 : memref<1x128x16xf32, #tpu.memory_space<vmem>> -> memref<128x16xf32, #tpu.memory_space<vmem>>
        %dma_wait3A_344 = arith.constant 0 : i32
        %dma_wait3A_345 = tpu.memref_slice %arg8[%sub3A_285, %dma_wait3A_344] : memref<104x128xi32, #tpu.memory_space<vmem>> -> memref<1x128xi32, #tpu.memory_space<vmem>>
        %dma_wait3A_346 = tpu.memref_squeeze %dma_wait3A_345 : memref<1x128xi32, #tpu.memory_space<vmem>> -> memref<128xi32, #tpu.memory_space<vmem>>
        %dma_wait3A_347 = arith.constant 0 : i32
        %dma_wait3A_348 = arith.constant 0 : i32
        %dma_wait3A_349 = tpu.memref_slice %arg10[%dma_wait3A_347, %dma_wait3A_348] : memref<10112x16xf32, #tpu.memory_space<vmem_shared>> -> memref<10112x16xf32, #tpu.memory_space<vmem_shared>>
        %dma_wait3A_350 = tpu.memref_slice %arg12[%dma_wait3A_339] : memref<4x!tpu.dma_semaphore, #tpu.memory_space<semaphore_mem>> -> memref<1x!tpu.dma_semaphore, #tpu.memory_space<semaphore_mem>>
        %dma_wait3A_351 = tpu.memref_squeeze %dma_wait3A_350 : memref<1x!tpu.dma_semaphore, #tpu.memory_space<semaphore_mem>> -> memref<!tpu.dma_semaphore, #tpu.memory_space<semaphore_mem>>
        tpu.wait_indirect_dma semaphore(%dma_wait3A_351 : memref<!tpu.dma_semaphore, #tpu.memory_space<semaphore_mem>>) src(%dma_wait3A_343 : memref<128x16xf32, #tpu.memory_space<vmem>>) dst(%dma_wait3A_349 : memref<10112x16xf32, #tpu.memory_space<vmem_shared>>)
        %add3A_352 = arith.constant 4 : i32
        %add3A_353 = arith.addi %sub3A_285, %add3A_352 : i32
        %dma_start3A_354 = arith.constant 0 : i32
        %dma_start3A_355 = arith.constant 0 : i32
        %dma_start3A_356 = arith.constant 0 : i32
        %dma_start3A_357 = arith.constant 0 : i32
        %dma_start3A_358 = tpu.memref_slice %arg9[%dma_start3A_354, %dma_start3A_356, %dma_start3A_357] : memref<4x128x16xf32, #tpu.memory_space<vmem>> -> memref<1x128x16xf32, #tpu.memory_space<vmem>>
        %dma_start3A_359 = tpu.memref_squeeze %dma_start3A_358 : memref<1x128x16xf32, #tpu.memory_space<vmem>> -> memref<128x16xf32, #tpu.memory_space<vmem>>
        %dma_start3A_360 = arith.constant 0 : i32
        %dma_start3A_361 = tpu.memref_slice %arg7[%add3A_353, %dma_start3A_360] : memref<104x128xi32, #tpu.memory_space<vmem>> -> memref<1x128xi32, #tpu.memory_space<vmem>>
        %dma_start3A_362 = tpu.memref_squeeze %dma_start3A_361 : memref<1x128xi32, #tpu.memory_space<vmem>> -> memref<128xi32, #tpu.memory_space<vmem>>
        %dma_start3A_363 = arith.constant 0 : i32
        %dma_start3A_364 = arith.constant 0 : i32
        %dma_start3A_365 = tpu.memref_slice %arg2[%dma_start3A_363, %dma_start3A_364] : memref<10000x16xf32, #tpu.memory_space<hbm>> -> memref<10000x16xf32, #tpu.memory_space<hbm>>
        %dma_start3A_366 = tpu.memref_slice %arg11[%dma_start3A_355] : memref<4x!tpu.dma_semaphore, #tpu.memory_space<semaphore_mem>> -> memref<1x!tpu.dma_semaphore, #tpu.memory_space<semaphore_mem>>
        %dma_start3A_367 = tpu.memref_squeeze %dma_start3A_366 : memref<1x!tpu.dma_semaphore, #tpu.memory_space<semaphore_mem>> -> memref<!tpu.dma_semaphore, #tpu.memory_space<semaphore_mem>>
        tpu.enqueue_indirect_dma source(%dma_start3A_365 : memref<10000x16xf32, #tpu.memory_space<hbm>>) target(%dma_start3A_359 : memref<128x16xf32, #tpu.memory_space<vmem>>) offsets(%dma_start3A_362 : memref<128xi32, #tpu.memory_space<vmem>>) semaphore(%dma_start3A_367 : memref<!tpu.dma_semaphore, #tpu.memory_space<semaphore_mem>>)
      } else {
      }
      %mul3A_295 = arith.constant 4 : i32
      %mul3A_296 = arith.muli %while3A_167, %mul3A_295 : i32
      %add3A_297 = arith.constant 3 : i32
      %add3A_298 = arith.addi %mul3A_296, %add3A_297 : i32
      %dma_wait3A_299 = arith.constant 3 : i32
      %dma_wait3A_300 = arith.constant 3 : i32
      %dma_wait3A_301 = arith.constant 0 : i32
      %dma_wait3A_302 = arith.constant 0 : i32
      %dma_wait3A_303 = tpu.memref_slice %arg9[%dma_wait3A_299, %dma_wait3A_301, %dma_wait3A_302] : memref<4x128x16xf32, #tpu.memory_space<vmem>> -> memref<1x128x16xf32, #tpu.memory_space<vmem>>
      %dma_wait3A_304 = tpu.memref_squeeze %dma_wait3A_303 : memref<1x128x16xf32, #tpu.memory_space<vmem>> -> memref<128x16xf32, #tpu.memory_space<vmem>>
      %dma_wait3A_305 = arith.constant 0 : i32
      %dma_wait3A_306 = tpu.memref_slice %arg7[%add3A_298, %dma_wait3A_305] : memref<104x128xi32, #tpu.memory_space<vmem>> -> memref<1x128xi32, #tpu.memory_space<vmem>>
      %dma_wait3A_307 = tpu.memref_squeeze %dma_wait3A_306 : memref<1x128xi32, #tpu.memory_space<vmem>> -> memref<128xi32, #tpu.memory_space<vmem>>
      %dma_wait3A_308 = arith.constant 0 : i32
      %dma_wait3A_309 = arith.constant 0 : i32
      %dma_wait3A_310 = tpu.memref_slice %arg2[%dma_wait3A_308, %dma_wait3A_309] : memref<10000x16xf32, #tpu.memory_space<hbm>> -> memref<10000x16xf32, #tpu.memory_space<hbm>>
      %dma_wait3A_311 = tpu.memref_slice %arg11[%dma_wait3A_300] : memref<4x!tpu.dma_semaphore, #tpu.memory_space<semaphore_mem>> -> memref<1x!tpu.dma_semaphore, #tpu.memory_space<semaphore_mem>>
      %dma_wait3A_312 = tpu.memref_squeeze %dma_wait3A_311 : memref<1x!tpu.dma_semaphore, #tpu.memory_space<semaphore_mem>> -> memref<!tpu.dma_semaphore, #tpu.memory_space<semaphore_mem>>
      tpu.wait_indirect_dma semaphore(%dma_wait3A_312 : memref<!tpu.dma_semaphore, #tpu.memory_space<semaphore_mem>>) src(%dma_wait3A_310 : memref<10000x16xf32, #tpu.memory_space<hbm>>) dst(%dma_wait3A_304 : memref<128x16xf32, #tpu.memory_space<vmem>>)
      %dma_start3A_313 = arith.constant 3 : i32
      %dma_start3A_314 = arith.constant 3 : i32
      %dma_start3A_315 = arith.constant 0 : i32
      %dma_start3A_316 = arith.constant 0 : i32
      %dma_start3A_317 = tpu.memref_slice %arg9[%dma_start3A_313, %dma_start3A_315, %dma_start3A_316] : memref<4x128x16xf32, #tpu.memory_space<vmem>> -> memref<1x128x16xf32, #tpu.memory_space<vmem>>
      %dma_start3A_318 = tpu.memref_squeeze %dma_start3A_317 : memref<1x128x16xf32, #tpu.memory_space<vmem>> -> memref<128x16xf32, #tpu.memory_space<vmem>>
      %dma_start3A_319 = arith.constant 0 : i32
      %dma_start3A_320 = tpu.memref_slice %arg8[%add3A_298, %dma_start3A_319] : memref<104x128xi32, #tpu.memory_space<vmem>> -> memref<1x128xi32, #tpu.memory_space<vmem>>
      %dma_start3A_321 = tpu.memref_squeeze %dma_start3A_320 : memref<1x128xi32, #tpu.memory_space<vmem>> -> memref<128xi32, #tpu.memory_space<vmem>>
      %dma_start3A_322 = arith.constant 0 : i32
      %dma_start3A_323 = arith.constant 0 : i32
      %dma_start3A_324 = tpu.memref_slice %arg10[%dma_start3A_322, %dma_start3A_323] : memref<10112x16xf32, #tpu.memory_space<vmem_shared>> -> memref<10112x16xf32, #tpu.memory_space<vmem_shared>>
      %dma_start3A_325 = tpu.memref_slice %arg12[%dma_start3A_314] : memref<4x!tpu.dma_semaphore, #tpu.memory_space<semaphore_mem>> -> memref<1x!tpu.dma_semaphore, #tpu.memory_space<semaphore_mem>>
      %dma_start3A_326 = tpu.memref_squeeze %dma_start3A_325 : memref<1x!tpu.dma_semaphore, #tpu.memory_space<semaphore_mem>> -> memref<!tpu.dma_semaphore, #tpu.memory_space<semaphore_mem>>
      tpu.enqueue_indirect_dma source(%dma_start3A_318 : memref<128x16xf32, #tpu.memory_space<vmem>>) target(%dma_start3A_324 : memref<10112x16xf32, #tpu.memory_space<vmem_shared>>) offsets(%dma_start3A_321 : memref<128xi32, #tpu.memory_space<vmem>>) semaphore(%dma_start3A_326 : memref<!tpu.dma_semaphore, #tpu.memory_space<semaphore_mem>>) {add = true}
      %sub3A_327 = arith.constant 2 : i32
      %sub3A_328 = arith.subi %add3A_298, %sub3A_327 : i32
      %ge3A_329 = arith.constant 0 : i32
      %ge3A_330 = arith.cmpi sge, %sub3A_328, %ge3A_329 : i32
      %sub3A_331 = arith.constant 2 : i32
      %sub3A_332 = arith.subi %select_n3A, %sub3A_331 : i32
      %lt3A_333 = arith.cmpi slt, %add3A_298, %sub3A_332 : i32
      %and3A_334 = arith.andi %ge3A_330, %lt3A_333 : i1
      %convert_element_type3A_335 = arith.extui %and3A_334 : i1 to i32
      %cond3A_336 = arith.constant 0 : i32
      %cond3A_337 = arith.cmpi ne, %convert_element_type3A_335, %cond3A_336 : i32
      scf.if %cond3A_337 {
        %dma_wait3A_338 = arith.constant 1 : i32
        %dma_wait3A_339 = arith.constant 1 : i32
        %dma_wait3A_340 = arith.constant 0 : i32
        %dma_wait3A_341 = arith.constant 0 : i32
        %dma_wait3A_342 = tpu.memref_slice %arg9[%dma_wait3A_338, %dma_wait3A_340, %dma_wait3A_341] : memref<4x128x16xf32, #tpu.memory_space<vmem>> -> memref<1x128x16xf32, #tpu.memory_space<vmem>>
        %dma_wait3A_343 = tpu.memref_squeeze %dma_wait3A_342 : memref<1x128x16xf32, #tpu.memory_space<vmem>> -> memref<128x16xf32, #tpu.memory_space<vmem>>
        %dma_wait3A_344 = arith.constant 0 : i32
        %dma_wait3A_345 = tpu.memref_slice %arg8[%sub3A_328, %dma_wait3A_344] : memref<104x128xi32, #tpu.memory_space<vmem>> -> memref<1x128xi32, #tpu.memory_space<vmem>>
        %dma_wait3A_346 = tpu.memref_squeeze %dma_wait3A_345 : memref<1x128xi32, #tpu.memory_space<vmem>> -> memref<128xi32, #tpu.memory_space<vmem>>
        %dma_wait3A_347 = arith.constant 0 : i32
        %dma_wait3A_348 = arith.constant 0 : i32
        %dma_wait3A_349 = tpu.memref_slice %arg10[%dma_wait3A_347, %dma_wait3A_348] : memref<10112x16xf32, #tpu.memory_space<vmem_shared>> -> memref<10112x16xf32, #tpu.memory_space<vmem_shared>>
        %dma_wait3A_350 = tpu.memref_slice %arg12[%dma_wait3A_339] : memref<4x!tpu.dma_semaphore, #tpu.memory_space<semaphore_mem>> -> memref<1x!tpu.dma_semaphore, #tpu.memory_space<semaphore_mem>>
        %dma_wait3A_351 = tpu.memref_squeeze %dma_wait3A_350 : memref<1x!tpu.dma_semaphore, #tpu.memory_space<semaphore_mem>> -> memref<!tpu.dma_semaphore, #tpu.memory_space<semaphore_mem>>
        tpu.wait_indirect_dma semaphore(%dma_wait3A_351 : memref<!tpu.dma_semaphore, #tpu.memory_space<semaphore_mem>>) src(%dma_wait3A_343 : memref<128x16xf32, #tpu.memory_space<vmem>>) dst(%dma_wait3A_349 : memref<10112x16xf32, #tpu.memory_space<vmem_shared>>)
        %add3A_352 = arith.constant 4 : i32
        %add3A_353 = arith.addi %sub3A_328, %add3A_352 : i32
        %dma_start3A_354 = arith.constant 1 : i32
        %dma_start3A_355 = arith.constant 1 : i32
        %dma_start3A_356 = arith.constant 0 : i32
        %dma_start3A_357 = arith.constant 0 : i32
        %dma_start3A_358 = tpu.memref_slice %arg9[%dma_start3A_354, %dma_start3A_356, %dma_start3A_357] : memref<4x128x16xf32, #tpu.memory_space<vmem>> -> memref<1x128x16xf32, #tpu.memory_space<vmem>>
        %dma_start3A_359 = tpu.memref_squeeze %dma_start3A_358 : memref<1x128x16xf32, #tpu.memory_space<vmem>> -> memref<128x16xf32, #tpu.memory_space<vmem>>
        %dma_start3A_360 = arith.constant 0 : i32
        %dma_start3A_361 = tpu.memref_slice %arg7[%add3A_353, %dma_start3A_360] : memref<104x128xi32, #tpu.memory_space<vmem>> -> memref<1x128xi32, #tpu.memory_space<vmem>>
        %dma_start3A_362 = tpu.memref_squeeze %dma_start3A_361 : memref<1x128xi32, #tpu.memory_space<vmem>> -> memref<128xi32, #tpu.memory_space<vmem>>
        %dma_start3A_363 = arith.constant 0 : i32
        %dma_start3A_364 = arith.constant 0 : i32
        %dma_start3A_365 = tpu.memref_slice %arg2[%dma_start3A_363, %dma_start3A_364] : memref<10000x16xf32, #tpu.memory_space<hbm>> -> memref<10000x16xf32, #tpu.memory_space<hbm>>
        %dma_start3A_366 = tpu.memref_slice %arg11[%dma_start3A_355] : memref<4x!tpu.dma_semaphore, #tpu.memory_space<semaphore_mem>> -> memref<1x!tpu.dma_semaphore, #tpu.memory_space<semaphore_mem>>
        %dma_start3A_367 = tpu.memref_squeeze %dma_start3A_366 : memref<1x!tpu.dma_semaphore, #tpu.memory_space<semaphore_mem>> -> memref<!tpu.dma_semaphore, #tpu.memory_space<semaphore_mem>>
        tpu.enqueue_indirect_dma source(%dma_start3A_365 : memref<10000x16xf32, #tpu.memory_space<hbm>>) target(%dma_start3A_359 : memref<128x16xf32, #tpu.memory_space<vmem>>) offsets(%dma_start3A_362 : memref<128xi32, #tpu.memory_space<vmem>>) semaphore(%dma_start3A_367 : memref<!tpu.dma_semaphore, #tpu.memory_space<semaphore_mem>>)
      } else {
      }
    }
    %while3A_95 = arith.constant 1 : i32
    scf.for %while3A_167 = %while3A_93 to %while3A_89 step %while3A_95  : i32 {
      %mul3A_168 = arith.constant 4 : i32
      %mul3A_169 = arith.muli %while3A_167, %mul3A_168 : i32
      %add3A_170 = arith.constant 0 : i32
      %add3A_171 = arith.addi %mul3A_169, %add3A_170 : i32
      %dma_wait3A_172 = arith.constant 0 : i32
      %dma_wait3A_173 = arith.constant 0 : i32
      %dma_wait3A_174 = arith.constant 0 : i32
      %dma_wait3A_175 = arith.constant 0 : i32
      %dma_wait3A_176 = tpu.memref_slice %arg9[%dma_wait3A_172, %dma_wait3A_174, %dma_wait3A_175] : memref<4x128x16xf32, #tpu.memory_space<vmem>> -> memref<1x128x16xf32, #tpu.memory_space<vmem>>
      %dma_wait3A_177 = tpu.memref_squeeze %dma_wait3A_176 : memref<1x128x16xf32, #tpu.memory_space<vmem>> -> memref<128x16xf32, #tpu.memory_space<vmem>>
      %dma_wait3A_178 = arith.constant 0 : i32
      %dma_wait3A_179 = tpu.memref_slice %arg7[%add3A_171, %dma_wait3A_178] : memref<104x128xi32, #tpu.memory_space<vmem>> -> memref<1x128xi32, #tpu.memory_space<vmem>>
      %dma_wait3A_180 = tpu.memref_squeeze %dma_wait3A_179 : memref<1x128xi32, #tpu.memory_space<vmem>> -> memref<128xi32, #tpu.memory_space<vmem>>
      %dma_wait3A_181 = arith.constant 0 : i32
      %dma_wait3A_182 = arith.constant 0 : i32
      %dma_wait3A_183 = tpu.memref_slice %arg2[%dma_wait3A_181, %dma_wait3A_182] : memref<10000x16xf32, #tpu.memory_space<hbm>> -> memref<10000x16xf32, #tpu.memory_space<hbm>>
      %dma_wait3A_184 = tpu.memref_slice %arg11[%dma_wait3A_173] : memref<4x!tpu.dma_semaphore, #tpu.memory_space<semaphore_mem>> -> memref<1x!tpu.dma_semaphore, #tpu.memory_space<semaphore_mem>>
      %dma_wait3A_185 = tpu.memref_squeeze %dma_wait3A_184 : memref<1x!tpu.dma_semaphore, #tpu.memory_space<semaphore_mem>> -> memref<!tpu.dma_semaphore, #tpu.memory_space<semaphore_mem>>
      tpu.wait_indirect_dma semaphore(%dma_wait3A_185 : memref<!tpu.dma_semaphore, #tpu.memory_space<semaphore_mem>>) src(%dma_wait3A_183 : memref<10000x16xf32, #tpu.memory_space<hbm>>) dst(%dma_wait3A_177 : memref<128x16xf32, #tpu.memory_space<vmem>>)
      %dma_start3A_186 = arith.constant 0 : i32
      %dma_start3A_187 = arith.constant 0 : i32
      %dma_start3A_188 = arith.constant 0 : i32
      %dma_start3A_189 = arith.constant 0 : i32
      %dma_start3A_190 = tpu.memref_slice %arg9[%dma_start3A_186, %dma_start3A_188, %dma_start3A_189] : memref<4x128x16xf32, #tpu.memory_space<vmem>> -> memref<1x128x16xf32, #tpu.memory_space<vmem>>
      %dma_start3A_191 = tpu.memref_squeeze %dma_start3A_190 : memref<1x128x16xf32, #tpu.memory_space<vmem>> -> memref<128x16xf32, #tpu.memory_space<vmem>>
      %dma_start3A_192 = arith.constant 0 : i32
      %dma_start3A_193 = tpu.memref_slice %arg8[%add3A_171, %dma_start3A_192] : memref<104x128xi32, #tpu.memory_space<vmem>> -> memref<1x128xi32, #tpu.memory_space<vmem>>
      %dma_start3A_194 = tpu.memref_squeeze %dma_start3A_193 : memref<1x128xi32, #tpu.memory_space<vmem>> -> memref<128xi32, #tpu.memory_space<vmem>>
      %dma_start3A_195 = arith.constant 0 : i32
      %dma_start3A_196 = arith.constant 0 : i32
      %dma_start3A_197 = tpu.memref_slice %arg10[%dma_start3A_195, %dma_start3A_196] : memref<10112x16xf32, #tpu.memory_space<vmem_shared>> -> memref<10112x16xf32, #tpu.memory_space<vmem_shared>>
      %dma_start3A_198 = tpu.memref_slice %arg12[%dma_start3A_187] : memref<4x!tpu.dma_semaphore, #tpu.memory_space<semaphore_mem>> -> memref<1x!tpu.dma_semaphore, #tpu.memory_space<semaphore_mem>>
      %dma_start3A_199 = tpu.memref_squeeze %dma_start3A_198 : memref<1x!tpu.dma_semaphore, #tpu.memory_space<semaphore_mem>> -> memref<!tpu.dma_semaphore, #tpu.memory_space<semaphore_mem>>
      tpu.enqueue_indirect_dma source(%dma_start3A_191 : memref<128x16xf32, #tpu.memory_space<vmem>>) target(%dma_start3A_197 : memref<10112x16xf32, #tpu.memory_space<vmem_shared>>) offsets(%dma_start3A_194 : memref<128xi32, #tpu.memory_space<vmem>>) semaphore(%dma_start3A_199 : memref<!tpu.dma_semaphore, #tpu.memory_space<semaphore_mem>>) {add = true}
      %sub3A_200 = arith.constant 2 : i32
      %sub3A_201 = arith.subi %add3A_171, %sub3A_200 : i32
      %ge3A = arith.constant 0 : i32
      %ge3A_202 = arith.cmpi sge, %sub3A_201, %ge3A : i32
      %sub3A_203 = arith.constant 2 : i32
      %sub3A_204 = arith.subi %select_n3A, %sub3A_203 : i32
      %lt3A = arith.cmpi slt, %add3A_171, %sub3A_204 : i32
      %and3A_205 = arith.andi %ge3A_202, %lt3A : i1
      %convert_element_type3A_206 = arith.extui %and3A_205 : i1 to i32
      %cond3A_207 = arith.constant 0 : i32
      %cond3A_208 = arith.cmpi ne, %convert_element_type3A_206, %cond3A_207 : i32
      scf.if %cond3A_208 {
        %dma_wait3A_338 = arith.constant 2 : i32
        %dma_wait3A_339 = arith.constant 2 : i32
        %dma_wait3A_340 = arith.constant 0 : i32
        %dma_wait3A_341 = arith.constant 0 : i32
        %dma_wait3A_342 = tpu.memref_slice %arg9[%dma_wait3A_338, %dma_wait3A_340, %dma_wait3A_341] : memref<4x128x16xf32, #tpu.memory_space<vmem>> -> memref<1x128x16xf32, #tpu.memory_space<vmem>>
        %dma_wait3A_343 = tpu.memref_squeeze %dma_wait3A_342 : memref<1x128x16xf32, #tpu.memory_space<vmem>> -> memref<128x16xf32, #tpu.memory_space<vmem>>
        %dma_wait3A_344 = arith.constant 0 : i32
        %dma_wait3A_345 = tpu.memref_slice %arg8[%sub3A_201, %dma_wait3A_344] : memref<104x128xi32, #tpu.memory_space<vmem>> -> memref<1x128xi32, #tpu.memory_space<vmem>>
        %dma_wait3A_346 = tpu.memref_squeeze %dma_wait3A_345 : memref<1x128xi32, #tpu.memory_space<vmem>> -> memref<128xi32, #tpu.memory_space<vmem>>
        %dma_wait3A_347 = arith.constant 0 : i32
        %dma_wait3A_348 = arith.constant 0 : i32
        %dma_wait3A_349 = tpu.memref_slice %arg10[%dma_wait3A_347, %dma_wait3A_348] : memref<10112x16xf32, #tpu.memory_space<vmem_shared>> -> memref<10112x16xf32, #tpu.memory_space<vmem_shared>>
        %dma_wait3A_350 = tpu.memref_slice %arg12[%dma_wait3A_339] : memref<4x!tpu.dma_semaphore, #tpu.memory_space<semaphore_mem>> -> memref<1x!tpu.dma_semaphore, #tpu.memory_space<semaphore_mem>>
        %dma_wait3A_351 = tpu.memref_squeeze %dma_wait3A_350 : memref<1x!tpu.dma_semaphore, #tpu.memory_space<semaphore_mem>> -> memref<!tpu.dma_semaphore, #tpu.memory_space<semaphore_mem>>
        tpu.wait_indirect_dma semaphore(%dma_wait3A_351 : memref<!tpu.dma_semaphore, #tpu.memory_space<semaphore_mem>>) src(%dma_wait3A_343 : memref<128x16xf32, #tpu.memory_space<vmem>>) dst(%dma_wait3A_349 : memref<10112x16xf32, #tpu.memory_space<vmem_shared>>)
        %add3A_352 = arith.constant 4 : i32
        %add3A_353 = arith.addi %sub3A_201, %add3A_352 : i32
        %dma_start3A_354 = arith.constant 2 : i32
        %dma_start3A_355 = arith.constant 2 : i32
        %dma_start3A_356 = arith.constant 0 : i32
        %dma_start3A_357 = arith.constant 0 : i32
        %dma_start3A_358 = tpu.memref_slice %arg9[%dma_start3A_354, %dma_start3A_356, %dma_start3A_357] : memref<4x128x16xf32, #tpu.memory_space<vmem>> -> memref<1x128x16xf32, #tpu.memory_space<vmem>>
        %dma_start3A_359 = tpu.memref_squeeze %dma_start3A_358 : memref<1x128x16xf32, #tpu.memory_space<vmem>> -> memref<128x16xf32, #tpu.memory_space<vmem>>
        %dma_start3A_360 = arith.constant 0 : i32
        %dma_start3A_361 = tpu.memref_slice %arg7[%add3A_353, %dma_start3A_360] : memref<104x128xi32, #tpu.memory_space<vmem>> -> memref<1x128xi32, #tpu.memory_space<vmem>>
        %dma_start3A_362 = tpu.memref_squeeze %dma_start3A_361 : memref<1x128xi32, #tpu.memory_space<vmem>> -> memref<128xi32, #tpu.memory_space<vmem>>
        %dma_start3A_363 = arith.constant 0 : i32
        %dma_start3A_364 = arith.constant 0 : i32
        %dma_start3A_365 = tpu.memref_slice %arg2[%dma_start3A_363, %dma_start3A_364] : memref<10000x16xf32, #tpu.memory_space<hbm>> -> memref<10000x16xf32, #tpu.memory_space<hbm>>
        %dma_start3A_366 = tpu.memref_slice %arg11[%dma_start3A_355] : memref<4x!tpu.dma_semaphore, #tpu.memory_space<semaphore_mem>> -> memref<1x!tpu.dma_semaphore, #tpu.memory_space<semaphore_mem>>
        %dma_start3A_367 = tpu.memref_squeeze %dma_start3A_366 : memref<1x!tpu.dma_semaphore, #tpu.memory_space<semaphore_mem>> -> memref<!tpu.dma_semaphore, #tpu.memory_space<semaphore_mem>>
        tpu.enqueue_indirect_dma source(%dma_start3A_365 : memref<10000x16xf32, #tpu.memory_space<hbm>>) target(%dma_start3A_359 : memref<128x16xf32, #tpu.memory_space<vmem>>) offsets(%dma_start3A_362 : memref<128xi32, #tpu.memory_space<vmem>>) semaphore(%dma_start3A_367 : memref<!tpu.dma_semaphore, #tpu.memory_space<semaphore_mem>>)
      } else {
      }
      %mul3A_209 = arith.constant 4 : i32
      %mul3A_210 = arith.muli %while3A_167, %mul3A_209 : i32
      %add3A_211 = arith.constant 1 : i32
      %add3A_212 = arith.addi %mul3A_210, %add3A_211 : i32
      %dma_wait3A_213 = arith.constant 1 : i32
      %dma_wait3A_214 = arith.constant 1 : i32
      %dma_wait3A_215 = arith.constant 0 : i32
      %dma_wait3A_216 = arith.constant 0 : i32
      %dma_wait3A_217 = tpu.memref_slice %arg9[%dma_wait3A_213, %dma_wait3A_215, %dma_wait3A_216] : memref<4x128x16xf32, #tpu.memory_space<vmem>> -> memref<1x128x16xf32, #tpu.memory_space<vmem>>
      %dma_wait3A_218 = tpu.memref_squeeze %dma_wait3A_217 : memref<1x128x16xf32, #tpu.memory_space<vmem>> -> memref<128x16xf32, #tpu.memory_space<vmem>>
      %dma_wait3A_219 = arith.constant 0 : i32
      %dma_wait3A_220 = tpu.memref_slice %arg7[%add3A_212, %dma_wait3A_219] : memref<104x128xi32, #tpu.memory_space<vmem>> -> memref<1x128xi32, #tpu.memory_space<vmem>>
      %dma_wait3A_221 = tpu.memref_squeeze %dma_wait3A_220 : memref<1x128xi32, #tpu.memory_space<vmem>> -> memref<128xi32, #tpu.memory_space<vmem>>
      %dma_wait3A_222 = arith.constant 0 : i32
      %dma_wait3A_223 = arith.constant 0 : i32
      %dma_wait3A_224 = tpu.memref_slice %arg2[%dma_wait3A_222, %dma_wait3A_223] : memref<10000x16xf32, #tpu.memory_space<hbm>> -> memref<10000x16xf32, #tpu.memory_space<hbm>>
      %dma_wait3A_225 = tpu.memref_slice %arg11[%dma_wait3A_214] : memref<4x!tpu.dma_semaphore, #tpu.memory_space<semaphore_mem>> -> memref<1x!tpu.dma_semaphore, #tpu.memory_space<semaphore_mem>>
      %dma_wait3A_226 = tpu.memref_squeeze %dma_wait3A_225 : memref<1x!tpu.dma_semaphore, #tpu.memory_space<semaphore_mem>> -> memref<!tpu.dma_semaphore, #tpu.memory_space<semaphore_mem>>
      tpu.wait_indirect_dma semaphore(%dma_wait3A_226 : memref<!tpu.dma_semaphore, #tpu.memory_space<semaphore_mem>>) src(%dma_wait3A_224 : memref<10000x16xf32, #tpu.memory_space<hbm>>) dst(%dma_wait3A_218 : memref<128x16xf32, #tpu.memory_space<vmem>>)
      %dma_start3A_227 = arith.constant 1 : i32
      %dma_start3A_228 = arith.constant 1 : i32
      %dma_start3A_229 = arith.constant 0 : i32
      %dma_start3A_230 = arith.constant 0 : i32
      %dma_start3A_231 = tpu.memref_slice %arg9[%dma_start3A_227, %dma_start3A_229, %dma_start3A_230] : memref<4x128x16xf32, #tpu.memory_space<vmem>> -> memref<1x128x16xf32, #tpu.memory_space<vmem>>
      %dma_start3A_232 = tpu.memref_squeeze %dma_start3A_231 : memref<1x128x16xf32, #tpu.memory_space<vmem>> -> memref<128x16xf32, #tpu.memory_space<vmem>>
      %dma_start3A_233 = arith.constant 0 : i32
      %dma_start3A_234 = tpu.memref_slice %arg8[%add3A_212, %dma_start3A_233] : memref<104x128xi32, #tpu.memory_space<vmem>> -> memref<1x128xi32, #tpu.memory_space<vmem>>
      %dma_start3A_235 = tpu.memref_squeeze %dma_start3A_234 : memref<1x128xi32, #tpu.memory_space<vmem>> -> memref<128xi32, #tpu.memory_space<vmem>>
      %dma_start3A_236 = arith.constant 0 : i32
      %dma_start3A_237 = arith.constant 0 : i32
      %dma_start3A_238 = tpu.memref_slice %arg10[%dma_start3A_236, %dma_start3A_237] : memref<10112x16xf32, #tpu.memory_space<vmem_shared>> -> memref<10112x16xf32, #tpu.memory_space<vmem_shared>>
      %dma_start3A_239 = tpu.memref_slice %arg12[%dma_start3A_228] : memref<4x!tpu.dma_semaphore, #tpu.memory_space<semaphore_mem>> -> memref<1x!tpu.dma_semaphore, #tpu.memory_space<semaphore_mem>>
      %dma_start3A_240 = tpu.memref_squeeze %dma_start3A_239 : memref<1x!tpu.dma_semaphore, #tpu.memory_space<semaphore_mem>> -> memref<!tpu.dma_semaphore, #tpu.memory_space<semaphore_mem>>
      tpu.enqueue_indirect_dma source(%dma_start3A_232 : memref<128x16xf32, #tpu.memory_space<vmem>>) target(%dma_start3A_238 : memref<10112x16xf32, #tpu.memory_space<vmem_shared>>) offsets(%dma_start3A_235 : memref<128xi32, #tpu.memory_space<vmem>>) semaphore(%dma_start3A_240 : memref<!tpu.dma_semaphore, #tpu.memory_space<semaphore_mem>>) {add = true}
      %sub3A_241 = arith.constant 2 : i32
      %sub3A_242 = arith.subi %add3A_212, %sub3A_241 : i32
      %ge3A_243 = arith.constant 0 : i32
      %ge3A_244 = arith.cmpi sge, %sub3A_242, %ge3A_243 : i32
      %sub3A_245 = arith.constant 2 : i32
      %sub3A_246 = arith.subi %select_n3A, %sub3A_245 : i32
      %lt3A_247 = arith.cmpi slt, %add3A_212, %sub3A_246 : i32
      %and3A_248 = arith.andi %ge3A_244, %lt3A_247 : i1
      %convert_element_type3A_249 = arith.extui %and3A_248 : i1 to i32
      %cond3A_250 = arith.constant 0 : i32
      %cond3A_251 = arith.cmpi ne, %convert_element_type3A_249, %cond3A_250 : i32
      scf.if %cond3A_251 {
        %dma_wait3A_338 = arith.constant 3 : i32
        %dma_wait3A_339 = arith.constant 3 : i32
        %dma_wait3A_340 = arith.constant 0 : i32
        %dma_wait3A_341 = arith.constant 0 : i32
        %dma_wait3A_342 = tpu.memref_slice %arg9[%dma_wait3A_338, %dma_wait3A_340, %dma_wait3A_341] : memref<4x128x16xf32, #tpu.memory_space<vmem>> -> memref<1x128x16xf32, #tpu.memory_space<vmem>>
        %dma_wait3A_343 = tpu.memref_squeeze %dma_wait3A_342 : memref<1x128x16xf32, #tpu.memory_space<vmem>> -> memref<128x16xf32, #tpu.memory_space<vmem>>
        %dma_wait3A_344 = arith.constant 0 : i32
        %dma_wait3A_345 = tpu.memref_slice %arg8[%sub3A_242, %dma_wait3A_344] : memref<104x128xi32, #tpu.memory_space<vmem>> -> memref<1x128xi32, #tpu.memory_space<vmem>>
        %dma_wait3A_346 = tpu.memref_squeeze %dma_wait3A_345 : memref<1x128xi32, #tpu.memory_space<vmem>> -> memref<128xi32, #tpu.memory_space<vmem>>
        %dma_wait3A_347 = arith.constant 0 : i32
        %dma_wait3A_348 = arith.constant 0 : i32
        %dma_wait3A_349 = tpu.memref_slice %arg10[%dma_wait3A_347, %dma_wait3A_348] : memref<10112x16xf32, #tpu.memory_space<vmem_shared>> -> memref<10112x16xf32, #tpu.memory_space<vmem_shared>>
        %dma_wait3A_350 = tpu.memref_slice %arg12[%dma_wait3A_339] : memref<4x!tpu.dma_semaphore, #tpu.memory_space<semaphore_mem>> -> memref<1x!tpu.dma_semaphore, #tpu.memory_space<semaphore_mem>>
        %dma_wait3A_351 = tpu.memref_squeeze %dma_wait3A_350 : memref<1x!tpu.dma_semaphore, #tpu.memory_space<semaphore_mem>> -> memref<!tpu.dma_semaphore, #tpu.memory_space<semaphore_mem>>
        tpu.wait_indirect_dma semaphore(%dma_wait3A_351 : memref<!tpu.dma_semaphore, #tpu.memory_space<semaphore_mem>>) src(%dma_wait3A_343 : memref<128x16xf32, #tpu.memory_space<vmem>>) dst(%dma_wait3A_349 : memref<10112x16xf32, #tpu.memory_space<vmem_shared>>)
        %add3A_352 = arith.constant 4 : i32
        %add3A_353 = arith.addi %sub3A_242, %add3A_352 : i32
        %dma_start3A_354 = arith.constant 3 : i32
        %dma_start3A_355 = arith.constant 3 : i32
        %dma_start3A_356 = arith.constant 0 : i32
        %dma_start3A_357 = arith.constant 0 : i32
        %dma_start3A_358 = tpu.memref_slice %arg9[%dma_start3A_354, %dma_start3A_356, %dma_start3A_357] : memref<4x128x16xf32, #tpu.memory_space<vmem>> -> memref<1x128x16xf32, #tpu.memory_space<vmem>>
        %dma_start3A_359 = tpu.memref_squeeze %dma_start3A_358 : memref<1x128x16xf32, #tpu.memory_space<vmem>> -> memref<128x16xf32, #tpu.memory_space<vmem>>
        %dma_start3A_360 = arith.constant 0 : i32
        %dma_start3A_361 = tpu.memref_slice %arg7[%add3A_353, %dma_start3A_360] : memref<104x128xi32, #tpu.memory_space<vmem>> -> memref<1x128xi32, #tpu.memory_space<vmem>>
        %dma_start3A_362 = tpu.memref_squeeze %dma_start3A_361 : memref<1x128xi32, #tpu.memory_space<vmem>> -> memref<128xi32, #tpu.memory_space<vmem>>
        %dma_start3A_363 = arith.constant 0 : i32
        %dma_start3A_364 = arith.constant 0 : i32
        %dma_start3A_365 = tpu.memref_slice %arg2[%dma_start3A_363, %dma_start3A_364] : memref<10000x16xf32, #tpu.memory_space<hbm>> -> memref<10000x16xf32, #tpu.memory_space<hbm>>
        %dma_start3A_366 = tpu.memref_slice %arg11[%dma_start3A_355] : memref<4x!tpu.dma_semaphore, #tpu.memory_space<semaphore_mem>> -> memref<1x!tpu.dma_semaphore, #tpu.memory_space<semaphore_mem>>
        %dma_start3A_367 = tpu.memref_squeeze %dma_start3A_366 : memref<1x!tpu.dma_semaphore, #tpu.memory_space<semaphore_mem>> -> memref<!tpu.dma_semaphore, #tpu.memory_space<semaphore_mem>>
        tpu.enqueue_indirect_dma source(%dma_start3A_365 : memref<10000x16xf32, #tpu.memory_space<hbm>>) target(%dma_start3A_359 : memref<128x16xf32, #tpu.memory_space<vmem>>) offsets(%dma_start3A_362 : memref<128xi32, #tpu.memory_space<vmem>>) semaphore(%dma_start3A_367 : memref<!tpu.dma_semaphore, #tpu.memory_space<semaphore_mem>>)
      } else {
      }
      %mul3A_252 = arith.constant 4 : i32
      %mul3A_253 = arith.muli %while3A_167, %mul3A_252 : i32
      %add3A_254 = arith.constant 2 : i32
      %add3A_255 = arith.addi %mul3A_253, %add3A_254 : i32
      %dma_wait3A_256 = arith.constant 2 : i32
      %dma_wait3A_257 = arith.constant 2 : i32
      %dma_wait3A_258 = arith.constant 0 : i32
      %dma_wait3A_259 = arith.constant 0 : i32
      %dma_wait3A_260 = tpu.memref_slice %arg9[%dma_wait3A_256, %dma_wait3A_258, %dma_wait3A_259] : memref<4x128x16xf32, #tpu.memory_space<vmem>> -> memref<1x128x16xf32, #tpu.memory_space<vmem>>
      %dma_wait3A_261 = tpu.memref_squeeze %dma_wait3A_260 : memref<1x128x16xf32, #tpu.memory_space<vmem>> -> memref<128x16xf32, #tpu.memory_space<vmem>>
      %dma_wait3A_262 = arith.constant 0 : i32
      %dma_wait3A_263 = tpu.memref_slice %arg7[%add3A_255, %dma_wait3A_262] : memref<104x128xi32, #tpu.memory_space<vmem>> -> memref<1x128xi32, #tpu.memory_space<vmem>>
      %dma_wait3A_264 = tpu.memref_squeeze %dma_wait3A_263 : memref<1x128xi32, #tpu.memory_space<vmem>> -> memref<128xi32, #tpu.memory_space<vmem>>
      %dma_wait3A_265 = arith.constant 0 : i32
      %dma_wait3A_266 = arith.constant 0 : i32
      %dma_wait3A_267 = tpu.memref_slice %arg2[%dma_wait3A_265, %dma_wait3A_266] : memref<10000x16xf32, #tpu.memory_space<hbm>> -> memref<10000x16xf32, #tpu.memory_space<hbm>>
      %dma_wait3A_268 = tpu.memref_slice %arg11[%dma_wait3A_257] : memref<4x!tpu.dma_semaphore, #tpu.memory_space<semaphore_mem>> -> memref<1x!tpu.dma_semaphore, #tpu.memory_space<semaphore_mem>>
      %dma_wait3A_269 = tpu.memref_squeeze %dma_wait3A_268 : memref<1x!tpu.dma_semaphore, #tpu.memory_space<semaphore_mem>> -> memref<!tpu.dma_semaphore, #tpu.memory_space<semaphore_mem>>
      tpu.wait_indirect_dma semaphore(%dma_wait3A_269 : memref<!tpu.dma_semaphore, #tpu.memory_space<semaphore_mem>>) src(%dma_wait3A_267 : memref<10000x16xf32, #tpu.memory_space<hbm>>) dst(%dma_wait3A_261 : memref<128x16xf32, #tpu.memory_space<vmem>>)
      %dma_start3A_270 = arith.constant 2 : i32
      %dma_start3A_271 = arith.constant 2 : i32
      %dma_start3A_272 = arith.constant 0 : i32
      %dma_start3A_273 = arith.constant 0 : i32
      %dma_start3A_274 = tpu.memref_slice %arg9[%dma_start3A_270, %dma_start3A_272, %dma_start3A_273] : memref<4x128x16xf32, #tpu.memory_space<vmem>> -> memref<1x128x16xf32, #tpu.memory_space<vmem>>
      %dma_start3A_275 = tpu.memref_squeeze %dma_start3A_274 : memref<1x128x16xf32, #tpu.memory_space<vmem>> -> memref<128x16xf32, #tpu.memory_space<vmem>>
      %dma_start3A_276 = arith.constant 0 : i32
      %dma_start3A_277 = tpu.memref_slice %arg8[%add3A_255, %dma_start3A_276] : memref<104x128xi32, #tpu.memory_space<vmem>> -> memref<1x128xi32, #tpu.memory_space<vmem>>
      %dma_start3A_278 = tpu.memref_squeeze %dma_start3A_277 : memref<1x128xi32, #tpu.memory_space<vmem>> -> memref<128xi32, #tpu.memory_space<vmem>>
      %dma_start3A_279 = arith.constant 0 : i32
      %dma_start3A_280 = arith.constant 0 : i32
      %dma_start3A_281 = tpu.memref_slice %arg10[%dma_start3A_279, %dma_start3A_280] : memref<10112x16xf32, #tpu.memory_space<vmem_shared>> -> memref<10112x16xf32, #tpu.memory_space<vmem_shared>>
      %dma_start3A_282 = tpu.memref_slice %arg12[%dma_start3A_271] : memref<4x!tpu.dma_semaphore, #tpu.memory_space<semaphore_mem>> -> memref<1x!tpu.dma_semaphore, #tpu.memory_space<semaphore_mem>>
      %dma_start3A_283 = tpu.memref_squeeze %dma_start3A_282 : memref<1x!tpu.dma_semaphore, #tpu.memory_space<semaphore_mem>> -> memref<!tpu.dma_semaphore, #tpu.memory_space<semaphore_mem>>
      tpu.enqueue_indirect_dma source(%dma_start3A_275 : memref<128x16xf32, #tpu.memory_space<vmem>>) target(%dma_start3A_281 : memref<10112x16xf32, #tpu.memory_space<vmem_shared>>) offsets(%dma_start3A_278 : memref<128xi32, #tpu.memory_space<vmem>>) semaphore(%dma_start3A_283 : memref<!tpu.dma_semaphore, #tpu.memory_space<semaphore_mem>>) {add = true}
      %sub3A_284 = arith.constant 2 : i32
      %sub3A_285 = arith.subi %add3A_255, %sub3A_284 : i32
      %ge3A_286 = arith.constant 0 : i32
      %ge3A_287 = arith.cmpi sge, %sub3A_285, %ge3A_286 : i32
      %sub3A_288 = arith.constant 2 : i32
      %sub3A_289 = arith.subi %select_n3A, %sub3A_288 : i32
      %lt3A_290 = arith.cmpi slt, %add3A_255, %sub3A_289 : i32
      %and3A_291 = arith.andi %ge3A_287, %lt3A_290 : i1
      %convert_element_type3A_292 = arith.extui %and3A_291 : i1 to i32
      %cond3A_293 = arith.constant 0 : i32
      %cond3A_294 = arith.cmpi ne, %convert_element_type3A_292, %cond3A_293 : i32
      scf.if %cond3A_294 {
        %dma_wait3A_338 = arith.constant 0 : i32
        %dma_wait3A_339 = arith.constant 0 : i32
        %dma_wait3A_340 = arith.constant 0 : i32
        %dma_wait3A_341 = arith.constant 0 : i32
        %dma_wait3A_342 = tpu.memref_slice %arg9[%dma_wait3A_338, %dma_wait3A_340, %dma_wait3A_341] : memref<4x128x16xf32, #tpu.memory_space<vmem>> -> memref<1x128x16xf32, #tpu.memory_space<vmem>>
        %dma_wait3A_343 = tpu.memref_squeeze %dma_wait3A_342 : memref<1x128x16xf32, #tpu.memory_space<vmem>> -> memref<128x16xf32, #tpu.memory_space<vmem>>
        %dma_wait3A_344 = arith.constant 0 : i32
        %dma_wait3A_345 = tpu.memref_slice %arg8[%sub3A_285, %dma_wait3A_344] : memref<104x128xi32, #tpu.memory_space<vmem>> -> memref<1x128xi32, #tpu.memory_space<vmem>>
        %dma_wait3A_346 = tpu.memref_squeeze %dma_wait3A_345 : memref<1x128xi32, #tpu.memory_space<vmem>> -> memref<128xi32, #tpu.memory_space<vmem>>
        %dma_wait3A_347 = arith.constant 0 : i32
        %dma_wait3A_348 = arith.constant 0 : i32
        %dma_wait3A_349 = tpu.memref_slice %arg10[%dma_wait3A_347, %dma_wait3A_348] : memref<10112x16xf32, #tpu.memory_space<vmem_shared>> -> memref<10112x16xf32, #tpu.memory_space<vmem_shared>>
        %dma_wait3A_350 = tpu.memref_slice %arg12[%dma_wait3A_339] : memref<4x!tpu.dma_semaphore, #tpu.memory_space<semaphore_mem>> -> memref<1x!tpu.dma_semaphore, #tpu.memory_space<semaphore_mem>>
        %dma_wait3A_351 = tpu.memref_squeeze %dma_wait3A_350 : memref<1x!tpu.dma_semaphore, #tpu.memory_space<semaphore_mem>> -> memref<!tpu.dma_semaphore, #tpu.memory_space<semaphore_mem>>
        tpu.wait_indirect_dma semaphore(%dma_wait3A_351 : memref<!tpu.dma_semaphore, #tpu.memory_space<semaphore_mem>>) src(%dma_wait3A_343 : memref<128x16xf32, #tpu.memory_space<vmem>>) dst(%dma_wait3A_349 : memref<10112x16xf32, #tpu.memory_space<vmem_shared>>)
        %add3A_352 = arith.constant 4 : i32
        %add3A_353 = arith.addi %sub3A_285, %add3A_352 : i32
        %dma_start3A_354 = arith.constant 0 : i32
        %dma_start3A_355 = arith.constant 0 : i32
        %dma_start3A_356 = arith.constant 0 : i32
        %dma_start3A_357 = arith.constant 0 : i32
        %dma_start3A_358 = tpu.memref_slice %arg9[%dma_start3A_354, %dma_start3A_356, %dma_start3A_357] : memref<4x128x16xf32, #tpu.memory_space<vmem>> -> memref<1x128x16xf32, #tpu.memory_space<vmem>>
        %dma_start3A_359 = tpu.memref_squeeze %dma_start3A_358 : memref<1x128x16xf32, #tpu.memory_space<vmem>> -> memref<128x16xf32, #tpu.memory_space<vmem>>
        %dma_start3A_360 = arith.constant 0 : i32
        %dma_start3A_361 = tpu.memref_slice %arg7[%add3A_353, %dma_start3A_360] : memref<104x128xi32, #tpu.memory_space<vmem>> -> memref<1x128xi32, #tpu.memory_space<vmem>>
        %dma_start3A_362 = tpu.memref_squeeze %dma_start3A_361 : memref<1x128xi32, #tpu.memory_space<vmem>> -> memref<128xi32, #tpu.memory_space<vmem>>
        %dma_start3A_363 = arith.constant 0 : i32
        %dma_start3A_364 = arith.constant 0 : i32
        %dma_start3A_365 = tpu.memref_slice %arg2[%dma_start3A_363, %dma_start3A_364] : memref<10000x16xf32, #tpu.memory_space<hbm>> -> memref<10000x16xf32, #tpu.memory_space<hbm>>
        %dma_start3A_366 = tpu.memref_slice %arg11[%dma_start3A_355] : memref<4x!tpu.dma_semaphore, #tpu.memory_space<semaphore_mem>> -> memref<1x!tpu.dma_semaphore, #tpu.memory_space<semaphore_mem>>
        %dma_start3A_367 = tpu.memref_squeeze %dma_start3A_366 : memref<1x!tpu.dma_semaphore, #tpu.memory_space<semaphore_mem>> -> memref<!tpu.dma_semaphore, #tpu.memory_space<semaphore_mem>>
        tpu.enqueue_indirect_dma source(%dma_start3A_365 : memref<10000x16xf32, #tpu.memory_space<hbm>>) target(%dma_start3A_359 : memref<128x16xf32, #tpu.memory_space<vmem>>) offsets(%dma_start3A_362 : memref<128xi32, #tpu.memory_space<vmem>>) semaphore(%dma_start3A_367 : memref<!tpu.dma_semaphore, #tpu.memory_space<semaphore_mem>>)
      } else {
      }
      %mul3A_295 = arith.constant 4 : i32
      %mul3A_296 = arith.muli %while3A_167, %mul3A_295 : i32
      %add3A_297 = arith.constant 3 : i32
      %add3A_298 = arith.addi %mul3A_296, %add3A_297 : i32
      %dma_wait3A_299 = arith.constant 3 : i32
      %dma_wait3A_300 = arith.constant 3 : i32
      %dma_wait3A_301 = arith.constant 0 : i32
      %dma_wait3A_302 = arith.constant 0 : i32
      %dma_wait3A_303 = tpu.memref_slice %arg9[%dma_wait3A_299, %dma_wait3A_301, %dma_wait3A_302] : memref<4x128x16xf32, #tpu.memory_space<vmem>> -> memref<1x128x16xf32, #tpu.memory_space<vmem>>
      %dma_wait3A_304 = tpu.memref_squeeze %dma_wait3A_303 : memref<1x128x16xf32, #tpu.memory_space<vmem>> -> memref<128x16xf32, #tpu.memory_space<vmem>>
      %dma_wait3A_305 = arith.constant 0 : i32
      %dma_wait3A_306 = tpu.memref_slice %arg7[%add3A_298, %dma_wait3A_305] : memref<104x128xi32, #tpu.memory_space<vmem>> -> memref<1x128xi32, #tpu.memory_space<vmem>>
      %dma_wait3A_307 = tpu.memref_squeeze %dma_wait3A_306 : memref<1x128xi32, #tpu.memory_space<vmem>> -> memref<128xi32, #tpu.memory_space<vmem>>
      %dma_wait3A_308 = arith.constant 0 : i32
      %dma_wait3A_309 = arith.constant 0 : i32
      %dma_wait3A_310 = tpu.memref_slice %arg2[%dma_wait3A_308, %dma_wait3A_309] : memref<10000x16xf32, #tpu.memory_space<hbm>> -> memref<10000x16xf32, #tpu.memory_space<hbm>>
      %dma_wait3A_311 = tpu.memref_slice %arg11[%dma_wait3A_300] : memref<4x!tpu.dma_semaphore, #tpu.memory_space<semaphore_mem>> -> memref<1x!tpu.dma_semaphore, #tpu.memory_space<semaphore_mem>>
      %dma_wait3A_312 = tpu.memref_squeeze %dma_wait3A_311 : memref<1x!tpu.dma_semaphore, #tpu.memory_space<semaphore_mem>> -> memref<!tpu.dma_semaphore, #tpu.memory_space<semaphore_mem>>
      tpu.wait_indirect_dma semaphore(%dma_wait3A_312 : memref<!tpu.dma_semaphore, #tpu.memory_space<semaphore_mem>>) src(%dma_wait3A_310 : memref<10000x16xf32, #tpu.memory_space<hbm>>) dst(%dma_wait3A_304 : memref<128x16xf32, #tpu.memory_space<vmem>>)
      %dma_start3A_313 = arith.constant 3 : i32
      %dma_start3A_314 = arith.constant 3 : i32
      %dma_start3A_315 = arith.constant 0 : i32
      %dma_start3A_316 = arith.constant 0 : i32
      %dma_start3A_317 = tpu.memref_slice %arg9[%dma_start3A_313, %dma_start3A_315, %dma_start3A_316] : memref<4x128x16xf32, #tpu.memory_space<vmem>> -> memref<1x128x16xf32, #tpu.memory_space<vmem>>
      %dma_start3A_318 = tpu.memref_squeeze %dma_start3A_317 : memref<1x128x16xf32, #tpu.memory_space<vmem>> -> memref<128x16xf32, #tpu.memory_space<vmem>>
      %dma_start3A_319 = arith.constant 0 : i32
      %dma_start3A_320 = tpu.memref_slice %arg8[%add3A_298, %dma_start3A_319] : memref<104x128xi32, #tpu.memory_space<vmem>> -> memref<1x128xi32, #tpu.memory_space<vmem>>
      %dma_start3A_321 = tpu.memref_squeeze %dma_start3A_320 : memref<1x128xi32, #tpu.memory_space<vmem>> -> memref<128xi32, #tpu.memory_space<vmem>>
      %dma_start3A_322 = arith.constant 0 : i32
      %dma_start3A_323 = arith.constant 0 : i32
      %dma_start3A_324 = tpu.memref_slice %arg10[%dma_start3A_322, %dma_start3A_323] : memref<10112x16xf32, #tpu.memory_space<vmem_shared>> -> memref<10112x16xf32, #tpu.memory_space<vmem_shared>>
      %dma_start3A_325 = tpu.memref_slice %arg12[%dma_start3A_314] : memref<4x!tpu.dma_semaphore, #tpu.memory_space<semaphore_mem>> -> memref<1x!tpu.dma_semaphore, #tpu.memory_space<semaphore_mem>>
      %dma_start3A_326 = tpu.memref_squeeze %dma_start3A_325 : memref<1x!tpu.dma_semaphore, #tpu.memory_space<semaphore_mem>> -> memref<!tpu.dma_semaphore, #tpu.memory_space<semaphore_mem>>
      tpu.enqueue_indirect_dma source(%dma_start3A_318 : memref<128x16xf32, #tpu.memory_space<vmem>>) target(%dma_start3A_324 : memref<10112x16xf32, #tpu.memory_space<vmem_shared>>) offsets(%dma_start3A_321 : memref<128xi32, #tpu.memory_space<vmem>>) semaphore(%dma_start3A_326 : memref<!tpu.dma_semaphore, #tpu.memory_space<semaphore_mem>>) {add = true}
      %sub3A_327 = arith.constant 2 : i32
      %sub3A_328 = arith.subi %add3A_298, %sub3A_327 : i32
      %ge3A_329 = arith.constant 0 : i32
      %ge3A_330 = arith.cmpi sge, %sub3A_328, %ge3A_329 : i32
      %sub3A_331 = arith.constant 2 : i32
      %sub3A_332 = arith.subi %select_n3A, %sub3A_331 : i32
      %lt3A_333 = arith.cmpi slt, %add3A_298, %sub3A_332 : i32
      %and3A_334 = arith.andi %ge3A_330, %lt3A_333 : i1
      %convert_element_type3A_335 = arith.extui %and3A_334 : i1 to i32
      %cond3A_336 = arith.constant 0 : i32
      %cond3A_337 = arith.cmpi ne, %convert_element_type3A_335, %cond3A_336 : i32
      scf.if %cond3A_337 {
        %dma_wait3A_338 = arith.constant 1 : i32
        %dma_wait3A_339 = arith.constant 1 : i32
        %dma_wait3A_340 = arith.constant 0 : i32
        %dma_wait3A_341 = arith.constant 0 : i32
        %dma_wait3A_342 = tpu.memref_slice %arg9[%dma_wait3A_338, %dma_wait3A_340, %dma_wait3A_341] : memref<4x128x16xf32, #tpu.memory_space<vmem>> -> memref<1x128x16xf32, #tpu.memory_space<vmem>>
        %dma_wait3A_343 = tpu.memref_squeeze %dma_wait3A_342 : memref<1x128x16xf32, #tpu.memory_space<vmem>> -> memref<128x16xf32, #tpu.memory_space<vmem>>
        %dma_wait3A_344 = arith.constant 0 : i32
        %dma_wait3A_345 = tpu.memref_slice %arg8[%sub3A_328, %dma_wait3A_344] : memref<104x128xi32, #tpu.memory_space<vmem>> -> memref<1x128xi32, #tpu.memory_space<vmem>>
        %dma_wait3A_346 = tpu.memref_squeeze %dma_wait3A_345 : memref<1x128xi32, #tpu.memory_space<vmem>> -> memref<128xi32, #tpu.memory_space<vmem>>
        %dma_wait3A_347 = arith.constant 0 : i32
        %dma_wait3A_348 = arith.constant 0 : i32
        %dma_wait3A_349 = tpu.memref_slice %arg10[%dma_wait3A_347, %dma_wait3A_348] : memref<10112x16xf32, #tpu.memory_space<vmem_shared>> -> memref<10112x16xf32, #tpu.memory_space<vmem_shared>>
        %dma_wait3A_350 = tpu.memref_slice %arg12[%dma_wait3A_339] : memref<4x!tpu.dma_semaphore, #tpu.memory_space<semaphore_mem>> -> memref<1x!tpu.dma_semaphore, #tpu.memory_space<semaphore_mem>>
        %dma_wait3A_351 = tpu.memref_squeeze %dma_wait3A_350 : memref<1x!tpu.dma_semaphore, #tpu.memory_space<semaphore_mem>> -> memref<!tpu.dma_semaphore, #tpu.memory_space<semaphore_mem>>
        tpu.wait_indirect_dma semaphore(%dma_wait3A_351 : memref<!tpu.dma_semaphore, #tpu.memory_space<semaphore_mem>>) src(%dma_wait3A_343 : memref<128x16xf32, #tpu.memory_space<vmem>>) dst(%dma_wait3A_349 : memref<10112x16xf32, #tpu.memory_space<vmem_shared>>)
        %add3A_352 = arith.constant 4 : i32
        %add3A_353 = arith.addi %sub3A_328, %add3A_352 : i32
        %dma_start3A_354 = arith.constant 1 : i32
        %dma_start3A_355 = arith.constant 1 : i32
        %dma_start3A_356 = arith.constant 0 : i32
        %dma_start3A_357 = arith.constant 0 : i32
        %dma_start3A_358 = tpu.memref_slice %arg9[%dma_start3A_354, %dma_start3A_356, %dma_start3A_357] : memref<4x128x16xf32, #tpu.memory_space<vmem>> -> memref<1x128x16xf32, #tpu.memory_space<vmem>>
        %dma_start3A_359 = tpu.memref_squeeze %dma_start3A_358 : memref<1x128x16xf32, #tpu.memory_space<vmem>> -> memref<128x16xf32, #tpu.memory_space<vmem>>
        %dma_start3A_360 = arith.constant 0 : i32
        %dma_start3A_361 = tpu.memref_slice %arg7[%add3A_353, %dma_start3A_360] : memref<104x128xi32, #tpu.memory_space<vmem>> -> memref<1x128xi32, #tpu.memory_space<vmem>>
        %dma_start3A_362 = tpu.memref_squeeze %dma_start3A_361 : memref<1x128xi32, #tpu.memory_space<vmem>> -> memref<128xi32, #tpu.memory_space<vmem>>
        %dma_start3A_363 = arith.constant 0 : i32
        %dma_start3A_364 = arith.constant 0 : i32
        %dma_start3A_365 = tpu.memref_slice %arg2[%dma_start3A_363, %dma_start3A_364] : memref<10000x16xf32, #tpu.memory_space<hbm>> -> memref<10000x16xf32, #tpu.memory_space<hbm>>
        %dma_start3A_366 = tpu.memref_slice %arg11[%dma_start3A_355] : memref<4x!tpu.dma_semaphore, #tpu.memory_space<semaphore_mem>> -> memref<1x!tpu.dma_semaphore, #tpu.memory_space<semaphore_mem>>
        %dma_start3A_367 = tpu.memref_squeeze %dma_start3A_366 : memref<1x!tpu.dma_semaphore, #tpu.memory_space<semaphore_mem>> -> memref<!tpu.dma_semaphore, #tpu.memory_space<semaphore_mem>>
        tpu.enqueue_indirect_dma source(%dma_start3A_365 : memref<10000x16xf32, #tpu.memory_space<hbm>>) target(%dma_start3A_359 : memref<128x16xf32, #tpu.memory_space<vmem>>) offsets(%dma_start3A_362 : memref<128xi32, #tpu.memory_space<vmem>>) semaphore(%dma_start3A_367 : memref<!tpu.dma_semaphore, #tpu.memory_space<semaphore_mem>>)
      } else {
      }
    }
    %sub3A_96 = arith.constant 4 : i32
    %sub3A_97 = arith.subi %select_n3A, %sub3A_96 : i32
    %add3A = arith.constant 0 : i32
    %add3A_98 = arith.addi %sub3A_97, %add3A : i32
    %dma_wait3A = arith.constant 0 : i32
    %dma_wait3A_99 = arith.constant 0 : i32
    %dma_wait3A_100 = arith.constant 0 : i32
    %dma_wait3A_101 = arith.constant 0 : i32
    %dma_wait3A_102 = tpu.memref_slice %arg9[%dma_wait3A, %dma_wait3A_100, %dma_wait3A_101] : memref<4x128x16xf32, #tpu.memory_space<vmem>> -> memref<1x128x16xf32, #tpu.memory_space<vmem>>
    %dma_wait3A_103 = tpu.memref_squeeze %dma_wait3A_102 : memref<1x128x16xf32, #tpu.memory_space<vmem>> -> memref<128x16xf32, #tpu.memory_space<vmem>>
    %dma_wait3A_104 = arith.constant 0 : i32
    %dma_wait3A_105 = tpu.memref_slice %arg8[%add3A_98, %dma_wait3A_104] : memref<104x128xi32, #tpu.memory_space<vmem>> -> memref<1x128xi32, #tpu.memory_space<vmem>>
    %dma_wait3A_106 = tpu.memref_squeeze %dma_wait3A_105 : memref<1x128xi32, #tpu.memory_space<vmem>> -> memref<128xi32, #tpu.memory_space<vmem>>
    %dma_wait3A_107 = arith.constant 0 : i32
    %dma_wait3A_108 = arith.constant 0 : i32
    %dma_wait3A_109 = tpu.memref_slice %arg10[%dma_wait3A_107, %dma_wait3A_108] : memref<10112x16xf32, #tpu.memory_space<vmem_shared>> -> memref<10112x16xf32, #tpu.memory_space<vmem_shared>>
    %dma_wait3A_110 = tpu.memref_slice %arg12[%dma_wait3A_99] : memref<4x!tpu.dma_semaphore, #tpu.memory_space<semaphore_mem>> -> memref<1x!tpu.dma_semaphore, #tpu.memory_space<semaphore_mem>>
    %dma_wait3A_111 = tpu.memref_squeeze %dma_wait3A_110 : memref<1x!tpu.dma_semaphore, #tpu.memory_space<semaphore_mem>> -> memref<!tpu.dma_semaphore, #tpu.memory_space<semaphore_mem>>
    tpu.wait_indirect_dma semaphore(%dma_wait3A_111 : memref<!tpu.dma_semaphore, #tpu.memory_space<semaphore_mem>>) src(%dma_wait3A_103 : memref<128x16xf32, #tpu.memory_space<vmem>>) dst(%dma_wait3A_109 : memref<10112x16xf32, #tpu.memory_space<vmem_shared>>)
    %sub3A_112 = arith.constant 4 : i32
    %sub3A_113 = arith.subi %select_n3A, %sub3A_112 : i32
    %add3A_114 = arith.constant 1 : i32
    %add3A_115 = arith.addi %sub3A_113, %add3A_114 : i32
    %dma_wait3A_116 = arith.constant 1 : i32
    %dma_wait3A_117 = arith.constant 1 : i32
    %dma_wait3A_118 = arith.constant 0 : i32
    %dma_wait3A_119 = arith.constant 0 : i32
    %dma_wait3A_120 = tpu.memref_slice %arg9[%dma_wait3A_116, %dma_wait3A_118, %dma_wait3A_119] : memref<4x128x16xf32, #tpu.memory_space<vmem>> -> memref<1x128x16xf32, #tpu.memory_space<vmem>>
    %dma_wait3A_121 = tpu.memref_squeeze %dma_wait3A_120 : memref<1x128x16xf32, #tpu.memory_space<vmem>> -> memref<128x16xf32, #tpu.memory_space<vmem>>
    %dma_wait3A_122 = arith.constant 0 : i32
    %dma_wait3A_123 = tpu.memref_slice %arg8[%add3A_115, %dma_wait3A_122] : memref<104x128xi32, #tpu.memory_space<vmem>> -> memref<1x128xi32, #tpu.memory_space<vmem>>
    %dma_wait3A_124 = tpu.memref_squeeze %dma_wait3A_123 : memref<1x128xi32, #tpu.memory_space<vmem>> -> memref<128xi32, #tpu.memory_space<vmem>>
    %dma_wait3A_125 = arith.constant 0 : i32
    %dma_wait3A_126 = arith.constant 0 : i32
    %dma_wait3A_127 = tpu.memref_slice %arg10[%dma_wait3A_125, %dma_wait3A_126] : memref<10112x16xf32, #tpu.memory_space<vmem_shared>> -> memref<10112x16xf32, #tpu.memory_space<vmem_shared>>
    %dma_wait3A_128 = tpu.memref_slice %arg12[%dma_wait3A_117] : memref<4x!tpu.dma_semaphore, #tpu.memory_space<semaphore_mem>> -> memref<1x!tpu.dma_semaphore, #tpu.memory_space<semaphore_mem>>
    %dma_wait3A_129 = tpu.memref_squeeze %dma_wait3A_128 : memref<1x!tpu.dma_semaphore, #tpu.memory_space<semaphore_mem>> -> memref<!tpu.dma_semaphore, #tpu.memory_space<semaphore_mem>>
    tpu.wait_indirect_dma semaphore(%dma_wait3A_129 : memref<!tpu.dma_semaphore, #tpu.memory_space<semaphore_mem>>) src(%dma_wait3A_121 : memref<128x16xf32, #tpu.memory_space<vmem>>) dst(%dma_wait3A_127 : memref<10112x16xf32, #tpu.memory_space<vmem_shared>>)
    %sub3A_130 = arith.constant 4 : i32
    %sub3A_131 = arith.subi %select_n3A, %sub3A_130 : i32
    %add3A_132 = arith.constant 2 : i32
    %add3A_133 = arith.addi %sub3A_131, %add3A_132 : i32
    %dma_wait3A_134 = arith.constant 2 : i32
    %dma_wait3A_135 = arith.constant 2 : i32
    %dma_wait3A_136 = arith.constant 0 : i32
    %dma_wait3A_137 = arith.constant 0 : i32
    %dma_wait3A_138 = tpu.memref_slice %arg9[%dma_wait3A_134, %dma_wait3A_136, %dma_wait3A_137] : memref<4x128x16xf32, #tpu.memory_space<vmem>> -> memref<1x128x16xf32, #tpu.memory_space<vmem>>
    %dma_wait3A_139 = tpu.memref_squeeze %dma_wait3A_138 : memref<1x128x16xf32, #tpu.memory_space<vmem>> -> memref<128x16xf32, #tpu.memory_space<vmem>>
    %dma_wait3A_140 = arith.constant 0 : i32
    %dma_wait3A_141 = tpu.memref_slice %arg8[%add3A_133, %dma_wait3A_140] : memref<104x128xi32, #tpu.memory_space<vmem>> -> memref<1x128xi32, #tpu.memory_space<vmem>>
    %dma_wait3A_142 = tpu.memref_squeeze %dma_wait3A_141 : memref<1x128xi32, #tpu.memory_space<vmem>> -> memref<128xi32, #tpu.memory_space<vmem>>
    %dma_wait3A_143 = arith.constant 0 : i32
    %dma_wait3A_144 = arith.constant 0 : i32
    %dma_wait3A_145 = tpu.memref_slice %arg10[%dma_wait3A_143, %dma_wait3A_144] : memref<10112x16xf32, #tpu.memory_space<vmem_shared>> -> memref<10112x16xf32, #tpu.memory_space<vmem_shared>>
    %dma_wait3A_146 = tpu.memref_slice %arg12[%dma_wait3A_135] : memref<4x!tpu.dma_semaphore, #tpu.memory_space<semaphore_mem>> -> memref<1x!tpu.dma_semaphore, #tpu.memory_space<semaphore_mem>>
    %dma_wait3A_147 = tpu.memref_squeeze %dma_wait3A_146 : memref<1x!tpu.dma_semaphore, #tpu.memory_space<semaphore_mem>> -> memref<!tpu.dma_semaphore, #tpu.memory_space<semaphore_mem>>
    tpu.wait_indirect_dma semaphore(%dma_wait3A_147 : memref<!tpu.dma_semaphore, #tpu.memory_space<semaphore_mem>>) src(%dma_wait3A_139 : memref<128x16xf32, #tpu.memory_space<vmem>>) dst(%dma_wait3A_145 : memref<10112x16xf32, #tpu.memory_space<vmem_shared>>)
    %sub3A_148 = arith.constant 4 : i32
    %sub3A_149 = arith.subi %select_n3A, %sub3A_148 : i32
    %add3A_150 = arith.constant 3 : i32
    %add3A_151 = arith.addi %sub3A_149, %add3A_150 : i32
    %dma_wait3A_152 = arith.constant 3 : i32
    %dma_wait3A_153 = arith.constant 3 : i32
    %dma_wait3A_154 = arith.constant 0 : i32
    %dma_wait3A_155 = arith.constant 0 : i32
    %dma_wait3A_156 = tpu.memref_slice %arg9[%dma_wait3A_152, %dma_wait3A_154, %dma_wait3A_155] : memref<4x128x16xf32, #tpu.memory_space<vmem>> -> memref<1x128x16xf32, #tpu.memory_space<vmem>>
    %dma_wait3A_157 = tpu.memref_squeeze %dma_wait3A_156 : memref<1x128x16xf32, #tpu.memory_space<vmem>> -> memref<128x16xf32, #tpu.memory_space<vmem>>
    %dma_wait3A_158 = arith.constant 0 : i32
    %dma_wait3A_159 = tpu.memref_slice %arg8[%add3A_151, %dma_wait3A_158] : memref<104x128xi32, #tpu.memory_space<vmem>> -> memref<1x128xi32, #tpu.memory_space<vmem>>
    %dma_wait3A_160 = tpu.memref_squeeze %dma_wait3A_159 : memref<1x128xi32, #tpu.memory_space<vmem>> -> memref<128xi32, #tpu.memory_space<vmem>>
    %dma_wait3A_161 = arith.constant 0 : i32
    %dma_wait3A_162 = arith.constant 0 : i32
    %dma_wait3A_163 = tpu.memref_slice %arg10[%dma_wait3A_161, %dma_wait3A_162] : memref<10112x16xf32, #tpu.memory_space<vmem_shared>> -> memref<10112x16xf32, #tpu.memory_space<vmem_shared>>
    %dma_wait3A_164 = tpu.memref_slice %arg12[%dma_wait3A_153] : memref<4x!tpu.dma_semaphore, #tpu.memory_space<semaphore_mem>> -> memref<1x!tpu.dma_semaphore, #tpu.memory_space<semaphore_mem>>
    %dma_wait3A_165 = tpu.memref_squeeze %dma_wait3A_164 : memref<1x!tpu.dma_semaphore, #tpu.memory_space<semaphore_mem>> -> memref<!tpu.dma_semaphore, #tpu.memory_space<semaphore_mem>>
    tpu.wait_indirect_dma semaphore(%dma_wait3A_165 : memref<!tpu.dma_semaphore, #tpu.memory_space<semaphore_mem>>) src(%dma_wait3A_157 : memref<128x16xf32, #tpu.memory_space<vmem>>) dst(%dma_wait3A_163 : memref<10112x16xf32, #tpu.memory_space<vmem_shared>>)
    %barrier3A_166 = arith.constant 0 : index
    tpu.barrier barrier_id(%barrier3A_166)
    "tpu.region"() ({
      %run_scoped3A = tpu.sem_alloc : memref<!tpu.dma_semaphore, #tpu.memory_space<semaphore_mem>>
      %dma_start3A_167 = arith.constant 0 : i32
      %dma_start3A_168 = tpu.memref_slice %arg6[%arg0, %mul3A_10, %dma_start3A_167] : memref<2x10112x16xf32, #tpu.memory_space<hbm>> -> memref<1x632x16xf32, #tpu.memory_space<hbm>>
      %dma_start3A_169 = tpu.memref_squeeze %dma_start3A_168 : memref<1x632x16xf32, #tpu.memory_space<hbm>> -> memref<632x16xf32, #tpu.memory_space<hbm>>
      %dma_start3A_170 = arith.constant 0 : i32
      %dma_start3A_171 = tpu.memref_slice %arg10[%mul3A_10, %dma_start3A_170] : memref<10112x16xf32, #tpu.memory_space<vmem_shared>> -> memref<632x16xf32, #tpu.memory_space<vmem_shared>>
      tpu.enqueue_dma source(%dma_start3A_171 : memref<632x16xf32, #tpu.memory_space<vmem_shared>>) target(%dma_start3A_169 : memref<632x16xf32, #tpu.memory_space<hbm>>) target_semaphore(%run_scoped3A : memref<!tpu.dma_semaphore, #tpu.memory_space<semaphore_mem>>)
      %dma_wait3A_172 = arith.constant 0 : i32
      %dma_wait3A_173 = tpu.memref_slice %arg6[%arg0, %mul3A_10, %dma_wait3A_172] : memref<2x10112x16xf32, #tpu.memory_space<hbm>> -> memref<1x632x16xf32, #tpu.memory_space<hbm>>
      %dma_wait3A_174 = tpu.memref_squeeze %dma_wait3A_173 : memref<1x632x16xf32, #tpu.memory_space<hbm>> -> memref<632x16xf32, #tpu.memory_space<hbm>>
      %dma_wait3A_175 = arith.constant 0 : i32
      %dma_wait3A_176 = tpu.memref_slice %arg10[%mul3A_10, %dma_wait3A_175] : memref<10112x16xf32, #tpu.memory_space<vmem_shared>> -> memref<632x16xf32, #tpu.memory_space<vmem_shared>>
      tpu.wait_dma2 semaphore(%run_scoped3A : memref<!tpu.dma_semaphore, #tpu.memory_space<semaphore_mem>>) src(%dma_wait3A_176 : memref<632x16xf32, #tpu.memory_space<vmem_shared>>) dst(%dma_wait3A_174 : memref<632x16xf32, #tpu.memory_space<hbm>>)
      tpu.yield
    }) : () -> ()
    return
  }
}

#map = affine_map<(d0, d1) -> (0, 0)>
#map1 = affine_map<(d0, d1) -> (0, 0, 0)>
module attributes {stable_mosaic.version = 14 : i64} {
  func.func @body(%arg0: i32, %arg1: i32, %arg2: memref<10000x64xbf16, #tpu.memory_space<hbm>>, %arg3: memref<2560x128xi32, #tpu.memory_space<hbm>>, %arg4: memref<2560x128xi32, #tpu.memory_space<hbm>>, %arg5: memref<10112x64xbf16, #tpu.memory_space<hbm>>, %arg6: memref<2x10112x64xbf16, #tpu.memory_space<hbm>>, %arg7: memref<112x128xi32, #tpu.memory_space<vmem>>, %arg8: memref<112x128xi32, #tpu.memory_space<vmem>>, %arg9: memref<4x128x64xbf16, #tpu.memory_space<vmem>>, %arg10: memref<10112x64xbf16, #tpu.memory_space<vmem_shared>>, %arg11: memref<4x!tpu.dma_semaphore, #tpu.memory_space<semaphore_mem>>, %arg12: memref<4x!tpu.dma_semaphore, #tpu.memory_space<semaphore_mem>>) attributes {dimension_semantics = [#tpu.dimension_semantics<core_parallel>, #tpu.dimension_semantics<subcore_parallel>], iteration_bounds = array<i64: 2, 16>, scalar_prefetch = 0 : i64, scratch_operands = 6 : i64, tpu.core_type = #tpu.core_type<sc_vector_subcore>, window_params = [{transform_indices = #map}, {transform_indices = #map}, {transform_indices = #map}, {transform_indices = #map}, {transform_indices = #map1}]} {
    %eq3A = arith.constant 0 : i32
    %eq3A_0 = arith.cmpi eq, %arg0, %eq3A : i32
    %jit3A = arith.constant 112 : i32
    %jit3A_1 = arith.constant 48 : i32
    %select_n3A = arith.select %eq3A_0, %jit3A, %jit3A_1 : i32
    %eq3A_2 = arith.constant 0 : i32
    %eq3A_3 = arith.cmpi eq, %arg0, %eq3A_2 : i32
    %convert_element_type3A = arith.extui %eq3A_3 : i1 to i32
    %cond3A = arith.constant 0 : i32
    %cond3A_4 = arith.cmpi ne, %convert_element_type3A, %cond3A : i32
    scf.if %cond3A_4 {
      %mul3A_167 = arith.constant 112 : i32
      %mul3A_168 = arith.muli %arg1, %mul3A_167 : i32
      "tpu.region"() ({
        %run_scoped3A = tpu.sem_alloc : memref<!tpu.dma_semaphore, #tpu.memory_space<semaphore_mem>>
        %dma_start3A_169 = arith.constant 0 : i32
        %dma_start3A_170 = arith.constant 0 : i32
        %dma_start3A_171 = tpu.memref_slice %arg7[%dma_start3A_169, %dma_start3A_170] : memref<112x128xi32, #tpu.memory_space<vmem>> -> memref<112x128xi32, #tpu.memory_space<vmem>>
        %dma_start3A_172 = arith.constant 0 : i32
        %dma_start3A_173 = tpu.memref_slice %arg3[%mul3A_168, %dma_start3A_172] : memref<2560x128xi32, #tpu.memory_space<hbm>> -> memref<112x128xi32, #tpu.memory_space<hbm>>
        %dma_start3A_174 = arith.constant 0 : i32
        %dma_start3A_175 = arith.constant 0 : i32
        %dma_start3A_176 = tpu.memref_slice %arg7[%dma_start3A_174, %dma_start3A_175] : memref<112x128xi32, #tpu.memory_space<vmem>> -> memref<112x128xi32, #tpu.memory_space<vmem>>
        %dma_start3A_177 = arith.constant 0 : i32
        %dma_start3A_178 = tpu.memref_slice %arg3[%mul3A_168, %dma_start3A_177] : memref<2560x128xi32, #tpu.memory_space<hbm>> -> memref<112x128xi32, #tpu.memory_space<hbm>>
        tpu.enqueue_dma source(%dma_start3A_178 : memref<112x128xi32, #tpu.memory_space<hbm>>) target(%dma_start3A_176 : memref<112x128xi32, #tpu.memory_space<vmem>>) target_semaphore(%run_scoped3A : memref<!tpu.dma_semaphore, #tpu.memory_space<semaphore_mem>>)
        %dma_wait3A_179 = arith.constant 0 : i32
        %dma_wait3A_180 = arith.constant 0 : i32
        %dma_wait3A_181 = tpu.memref_slice %arg7[%dma_wait3A_179, %dma_wait3A_180] : memref<112x128xi32, #tpu.memory_space<vmem>> -> memref<112x128xi32, #tpu.memory_space<vmem>>
        %dma_wait3A_182 = arith.constant 0 : i32
        %dma_wait3A_183 = tpu.memref_slice %arg3[%mul3A_168, %dma_wait3A_182] : memref<2560x128xi32, #tpu.memory_space<hbm>> -> memref<112x128xi32, #tpu.memory_space<hbm>>
        %dma_wait3A_184 = arith.constant 0 : i32
        %dma_wait3A_185 = arith.constant 0 : i32
        %dma_wait3A_186 = tpu.memref_slice %arg7[%dma_wait3A_184, %dma_wait3A_185] : memref<112x128xi32, #tpu.memory_space<vmem>> -> memref<112x128xi32, #tpu.memory_space<vmem>>
        %dma_wait3A_187 = arith.constant 0 : i32
        %dma_wait3A_188 = tpu.memref_slice %arg3[%mul3A_168, %dma_wait3A_187] : memref<2560x128xi32, #tpu.memory_space<hbm>> -> memref<112x128xi32, #tpu.memory_space<hbm>>
        tpu.wait_dma2 semaphore(%run_scoped3A : memref<!tpu.dma_semaphore, #tpu.memory_space<semaphore_mem>>) src(%dma_wait3A_188 : memref<112x128xi32, #tpu.memory_space<hbm>>) dst(%dma_wait3A_186 : memref<112x128xi32, #tpu.memory_space<vmem>>)
        tpu.yield
      }) : () -> ()
      "tpu.region"() ({
        %run_scoped3A = tpu.sem_alloc : memref<!tpu.dma_semaphore, #tpu.memory_space<semaphore_mem>>
        %dma_start3A_169 = arith.constant 0 : i32
        %dma_start3A_170 = arith.constant 0 : i32
        %dma_start3A_171 = tpu.memref_slice %arg8[%dma_start3A_169, %dma_start3A_170] : memref<112x128xi32, #tpu.memory_space<vmem>> -> memref<112x128xi32, #tpu.memory_space<vmem>>
        %dma_start3A_172 = arith.constant 0 : i32
        %dma_start3A_173 = tpu.memref_slice %arg4[%mul3A_168, %dma_start3A_172] : memref<2560x128xi32, #tpu.memory_space<hbm>> -> memref<112x128xi32, #tpu.memory_space<hbm>>
        %dma_start3A_174 = arith.constant 0 : i32
        %dma_start3A_175 = arith.constant 0 : i32
        %dma_start3A_176 = tpu.memref_slice %arg8[%dma_start3A_174, %dma_start3A_175] : memref<112x128xi32, #tpu.memory_space<vmem>> -> memref<112x128xi32, #tpu.memory_space<vmem>>
        %dma_start3A_177 = arith.constant 0 : i32
        %dma_start3A_178 = tpu.memref_slice %arg4[%mul3A_168, %dma_start3A_177] : memref<2560x128xi32, #tpu.memory_space<hbm>> -> memref<112x128xi32, #tpu.memory_space<hbm>>
        tpu.enqueue_dma source(%dma_start3A_178 : memref<112x128xi32, #tpu.memory_space<hbm>>) target(%dma_start3A_176 : memref<112x128xi32, #tpu.memory_space<vmem>>) target_semaphore(%run_scoped3A : memref<!tpu.dma_semaphore, #tpu.memory_space<semaphore_mem>>)
        %dma_wait3A_179 = arith.constant 0 : i32
        %dma_wait3A_180 = arith.constant 0 : i32
        %dma_wait3A_181 = tpu.memref_slice %arg8[%dma_wait3A_179, %dma_wait3A_180] : memref<112x128xi32, #tpu.memory_space<vmem>> -> memref<112x128xi32, #tpu.memory_space<vmem>>
        %dma_wait3A_182 = arith.constant 0 : i32
        %dma_wait3A_183 = tpu.memref_slice %arg4[%mul3A_168, %dma_wait3A_182] : memref<2560x128xi32, #tpu.memory_space<hbm>> -> memref<112x128xi32, #tpu.memory_space<hbm>>
        %dma_wait3A_184 = arith.constant 0 : i32
        %dma_wait3A_185 = arith.constant 0 : i32
        %dma_wait3A_186 = tpu.memref_slice %arg8[%dma_wait3A_184, %dma_wait3A_185] : memref<112x128xi32, #tpu.memory_space<vmem>> -> memref<112x128xi32, #tpu.memory_space<vmem>>
        %dma_wait3A_187 = arith.constant 0 : i32
        %dma_wait3A_188 = tpu.memref_slice %arg4[%mul3A_168, %dma_wait3A_187] : memref<2560x128xi32, #tpu.memory_space<hbm>> -> memref<112x128xi32, #tpu.memory_space<hbm>>
        tpu.wait_dma2 semaphore(%run_scoped3A : memref<!tpu.dma_semaphore, #tpu.memory_space<semaphore_mem>>) src(%dma_wait3A_188 : memref<112x128xi32, #tpu.memory_space<hbm>>) dst(%dma_wait3A_186 : memref<112x128xi32, #tpu.memory_space<vmem>>)
        tpu.yield
      }) : () -> ()
    } else {
    }
    %eq3A_5 = arith.constant 1 : i32
    %eq3A_6 = arith.cmpi eq, %arg0, %eq3A_5 : i32
    %convert_element_type3A_7 = arith.extui %eq3A_6 : i1 to i32
    %cond3A_8 = arith.constant 0 : i32
    %cond3A_9 = arith.cmpi ne, %convert_element_type3A_7, %cond3A_8 : i32
    scf.if %cond3A_9 {
      %mul3A_167 = arith.constant 48 : i32
      %mul3A_168 = arith.muli %arg1, %mul3A_167 : i32
      %add3A_169 = arith.constant 1792 : i32
      %add3A_170 = arith.addi %add3A_169, %mul3A_168 : i32
      "tpu.region"() ({
        %run_scoped3A = tpu.sem_alloc : memref<!tpu.dma_semaphore, #tpu.memory_space<semaphore_mem>>
        %dma_start3A_171 = arith.constant 0 : i32
        %dma_start3A_172 = arith.constant 0 : i32
        %dma_start3A_173 = tpu.memref_slice %arg7[%dma_start3A_171, %dma_start3A_172] : memref<112x128xi32, #tpu.memory_space<vmem>> -> memref<48x128xi32, #tpu.memory_space<vmem>>
        %dma_start3A_174 = arith.constant 0 : i32
        %dma_start3A_175 = tpu.memref_slice %arg3[%add3A_170, %dma_start3A_174] : memref<2560x128xi32, #tpu.memory_space<hbm>> -> memref<48x128xi32, #tpu.memory_space<hbm>>
        %dma_start3A_176 = arith.constant 0 : i32
        %dma_start3A_177 = arith.constant 0 : i32
        %dma_start3A_178 = tpu.memref_slice %arg7[%dma_start3A_176, %dma_start3A_177] : memref<112x128xi32, #tpu.memory_space<vmem>> -> memref<48x128xi32, #tpu.memory_space<vmem>>
        %dma_start3A_179 = arith.constant 0 : i32
        %dma_start3A_180 = tpu.memref_slice %arg3[%add3A_170, %dma_start3A_179] : memref<2560x128xi32, #tpu.memory_space<hbm>> -> memref<48x128xi32, #tpu.memory_space<hbm>>
        tpu.enqueue_dma source(%dma_start3A_180 : memref<48x128xi32, #tpu.memory_space<hbm>>) target(%dma_start3A_178 : memref<48x128xi32, #tpu.memory_space<vmem>>) target_semaphore(%run_scoped3A : memref<!tpu.dma_semaphore, #tpu.memory_space<semaphore_mem>>)
        %dma_wait3A_181 = arith.constant 0 : i32
        %dma_wait3A_182 = arith.constant 0 : i32
        %dma_wait3A_183 = tpu.memref_slice %arg7[%dma_wait3A_181, %dma_wait3A_182] : memref<112x128xi32, #tpu.memory_space<vmem>> -> memref<48x128xi32, #tpu.memory_space<vmem>>
        %dma_wait3A_184 = arith.constant 0 : i32
        %dma_wait3A_185 = tpu.memref_slice %arg3[%add3A_170, %dma_wait3A_184] : memref<2560x128xi32, #tpu.memory_space<hbm>> -> memref<48x128xi32, #tpu.memory_space<hbm>>
        %dma_wait3A_186 = arith.constant 0 : i32
        %dma_wait3A_187 = arith.constant 0 : i32
        %dma_wait3A_188 = tpu.memref_slice %arg7[%dma_wait3A_186, %dma_wait3A_187] : memref<112x128xi32, #tpu.memory_space<vmem>> -> memref<48x128xi32, #tpu.memory_space<vmem>>
        %dma_wait3A_189 = arith.constant 0 : i32
        %dma_wait3A_190 = tpu.memref_slice %arg3[%add3A_170, %dma_wait3A_189] : memref<2560x128xi32, #tpu.memory_space<hbm>> -> memref<48x128xi32, #tpu.memory_space<hbm>>
        tpu.wait_dma2 semaphore(%run_scoped3A : memref<!tpu.dma_semaphore, #tpu.memory_space<semaphore_mem>>) src(%dma_wait3A_190 : memref<48x128xi32, #tpu.memory_space<hbm>>) dst(%dma_wait3A_188 : memref<48x128xi32, #tpu.memory_space<vmem>>)
        tpu.yield
      }) : () -> ()
      "tpu.region"() ({
        %run_scoped3A = tpu.sem_alloc : memref<!tpu.dma_semaphore, #tpu.memory_space<semaphore_mem>>
        %dma_start3A_171 = arith.constant 0 : i32
        %dma_start3A_172 = arith.constant 0 : i32
        %dma_start3A_173 = tpu.memref_slice %arg8[%dma_start3A_171, %dma_start3A_172] : memref<112x128xi32, #tpu.memory_space<vmem>> -> memref<48x128xi32, #tpu.memory_space<vmem>>
        %dma_start3A_174 = arith.constant 0 : i32
        %dma_start3A_175 = tpu.memref_slice %arg4[%add3A_170, %dma_start3A_174] : memref<2560x128xi32, #tpu.memory_space<hbm>> -> memref<48x128xi32, #tpu.memory_space<hbm>>
        %dma_start3A_176 = arith.constant 0 : i32
        %dma_start3A_177 = arith.constant 0 : i32
        %dma_start3A_178 = tpu.memref_slice %arg8[%dma_start3A_176, %dma_start3A_177] : memref<112x128xi32, #tpu.memory_space<vmem>> -> memref<48x128xi32, #tpu.memory_space<vmem>>
        %dma_start3A_179 = arith.constant 0 : i32
        %dma_start3A_180 = tpu.memref_slice %arg4[%add3A_170, %dma_start3A_179] : memref<2560x128xi32, #tpu.memory_space<hbm>> -> memref<48x128xi32, #tpu.memory_space<hbm>>
        tpu.enqueue_dma source(%dma_start3A_180 : memref<48x128xi32, #tpu.memory_space<hbm>>) target(%dma_start3A_178 : memref<48x128xi32, #tpu.memory_space<vmem>>) target_semaphore(%run_scoped3A : memref<!tpu.dma_semaphore, #tpu.memory_space<semaphore_mem>>)
        %dma_wait3A_181 = arith.constant 0 : i32
        %dma_wait3A_182 = arith.constant 0 : i32
        %dma_wait3A_183 = tpu.memref_slice %arg8[%dma_wait3A_181, %dma_wait3A_182] : memref<112x128xi32, #tpu.memory_space<vmem>> -> memref<48x128xi32, #tpu.memory_space<vmem>>
        %dma_wait3A_184 = arith.constant 0 : i32
        %dma_wait3A_185 = tpu.memref_slice %arg4[%add3A_170, %dma_wait3A_184] : memref<2560x128xi32, #tpu.memory_space<hbm>> -> memref<48x128xi32, #tpu.memory_space<hbm>>
        %dma_wait3A_186 = arith.constant 0 : i32
        %dma_wait3A_187 = arith.constant 0 : i32
        %dma_wait3A_188 = tpu.memref_slice %arg8[%dma_wait3A_186, %dma_wait3A_187] : memref<112x128xi32, #tpu.memory_space<vmem>> -> memref<48x128xi32, #tpu.memory_space<vmem>>
        %dma_wait3A_189 = arith.constant 0 : i32
        %dma_wait3A_190 = tpu.memref_slice %arg4[%add3A_170, %dma_wait3A_189] : memref<2560x128xi32, #tpu.memory_space<hbm>> -> memref<48x128xi32, #tpu.memory_space<hbm>>
        tpu.wait_dma2 semaphore(%run_scoped3A : memref<!tpu.dma_semaphore, #tpu.memory_space<semaphore_mem>>) src(%dma_wait3A_190 : memref<48x128xi32, #tpu.memory_space<hbm>>) dst(%dma_wait3A_188 : memref<48x128xi32, #tpu.memory_space<vmem>>)
        tpu.yield
      }) : () -> ()
    } else {
    }
    %mul3A = arith.constant 632 : i32
    %mul3A_10 = arith.muli %arg1, %mul3A : i32
    "tpu.region"() ({
      %run_scoped3A = tpu.sem_alloc : memref<!tpu.dma_semaphore, #tpu.memory_space<semaphore_mem>>
      %dma_start3A_167 = arith.constant 0 : i32
      %dma_start3A_168 = tpu.memref_slice %arg10[%mul3A_10, %dma_start3A_167] : memref<10112x64xbf16, #tpu.memory_space<vmem_shared>> -> memref<632x64xbf16, #tpu.memory_space<vmem_shared>>
      %dma_start3A_169 = arith.constant 0 : i32
      %dma_start3A_170 = tpu.memref_slice %arg5[%mul3A_10, %dma_start3A_169] : memref<10112x64xbf16, #tpu.memory_space<hbm>> -> memref<632x64xbf16, #tpu.memory_space<hbm>>
      tpu.enqueue_dma source(%dma_start3A_170 : memref<632x64xbf16, #tpu.memory_space<hbm>>) target(%dma_start3A_168 : memref<632x64xbf16, #tpu.memory_space<vmem_shared>>) target_semaphore(%run_scoped3A : memref<!tpu.dma_semaphore, #tpu.memory_space<semaphore_mem>>)
      %dma_wait3A_171 = arith.constant 0 : i32
      %dma_wait3A_172 = tpu.memref_slice %arg10[%mul3A_10, %dma_wait3A_171] : memref<10112x64xbf16, #tpu.memory_space<vmem_shared>> -> memref<632x64xbf16, #tpu.memory_space<vmem_shared>>
      %dma_wait3A_173 = arith.constant 0 : i32
      %dma_wait3A_174 = tpu.memref_slice %arg5[%mul3A_10, %dma_wait3A_173] : memref<10112x64xbf16, #tpu.memory_space<hbm>> -> memref<632x64xbf16, #tpu.memory_space<hbm>>
      tpu.wait_dma2 semaphore(%run_scoped3A : memref<!tpu.dma_semaphore, #tpu.memory_space<semaphore_mem>>) src(%dma_wait3A_174 : memref<632x64xbf16, #tpu.memory_space<hbm>>) dst(%dma_wait3A_172 : memref<632x64xbf16, #tpu.memory_space<vmem_shared>>)
      tpu.yield
    }) : () -> ()
    %barrier3A = arith.constant 0 : index
    tpu.barrier barrier_id(%barrier3A)
    %dma_start3A = arith.constant 0 : i32
    %dma_start3A_11 = arith.constant 0 : i32
    %dma_start3A_12 = arith.constant 0 : i32
    %dma_start3A_13 = arith.constant 0 : i32
    %dma_start3A_14 = arith.constant 0 : i32
    %dma_start3A_15 = tpu.memref_slice %arg9[%dma_start3A_11, %dma_start3A_13, %dma_start3A_14] : memref<4x128x64xbf16, #tpu.memory_space<vmem>> -> memref<1x128x64xbf16, #tpu.memory_space<vmem>>
    %dma_start3A_16 = tpu.memref_squeeze %dma_start3A_15 : memref<1x128x64xbf16, #tpu.memory_space<vmem>> -> memref<128x64xbf16, #tpu.memory_space<vmem>>
    %dma_start3A_17 = arith.constant 0 : i32
    %dma_start3A_18 = tpu.memref_slice %arg7[%dma_start3A, %dma_start3A_17] : memref<112x128xi32, #tpu.memory_space<vmem>> -> memref<1x128xi32, #tpu.memory_space<vmem>>
    %dma_start3A_19 = tpu.memref_squeeze %dma_start3A_18 : memref<1x128xi32, #tpu.memory_space<vmem>> -> memref<128xi32, #tpu.memory_space<vmem>>
    %dma_start3A_20 = arith.constant 0 : i32
    %dma_start3A_21 = arith.constant 0 : i32
    %dma_start3A_22 = tpu.memref_slice %arg2[%dma_start3A_20, %dma_start3A_21] : memref<10000x64xbf16, #tpu.memory_space<hbm>> -> memref<10000x64xbf16, #tpu.memory_space<hbm>>
    %dma_start3A_23 = tpu.memref_slice %arg11[%dma_start3A_12] : memref<4x!tpu.dma_semaphore, #tpu.memory_space<semaphore_mem>> -> memref<1x!tpu.dma_semaphore, #tpu.memory_space<semaphore_mem>>
    %dma_start3A_24 = tpu.memref_squeeze %dma_start3A_23 : memref<1x!tpu.dma_semaphore, #tpu.memory_space<semaphore_mem>> -> memref<!tpu.dma_semaphore, #tpu.memory_space<semaphore_mem>>
    tpu.enqueue_indirect_dma source(%dma_start3A_22 : memref<10000x64xbf16, #tpu.memory_space<hbm>>) target(%dma_start3A_16 : memref<128x64xbf16, #tpu.memory_space<vmem>>) offsets(%dma_start3A_19 : memref<128xi32, #tpu.memory_space<vmem>>) semaphore(%dma_start3A_24 : memref<!tpu.dma_semaphore, #tpu.memory_space<semaphore_mem>>)
    %dma_start3A_25 = arith.constant 1 : i32
    %dma_start3A_26 = arith.constant 1 : i32
    %dma_start3A_27 = arith.constant 1 : i32
    %dma_start3A_28 = arith.constant 0 : i32
    %dma_start3A_29 = arith.constant 0 : i32
    %dma_start3A_30 = tpu.memref_slice %arg9[%dma_start3A_26, %dma_start3A_28, %dma_start3A_29] : memref<4x128x64xbf16, #tpu.memory_space<vmem>> -> memref<1x128x64xbf16, #tpu.memory_space<vmem>>
    %dma_start3A_31 = tpu.memref_squeeze %dma_start3A_30 : memref<1x128x64xbf16, #tpu.memory_space<vmem>> -> memref<128x64xbf16, #tpu.memory_space<vmem>>
    %dma_start3A_32 = arith.constant 0 : i32
    %dma_start3A_33 = tpu.memref_slice %arg7[%dma_start3A_25, %dma_start3A_32] : memref<112x128xi32, #tpu.memory_space<vmem>> -> memref<1x128xi32, #tpu.memory_space<vmem>>
    %dma_start3A_34 = tpu.memref_squeeze %dma_start3A_33 : memref<1x128xi32, #tpu.memory_space<vmem>> -> memref<128xi32, #tpu.memory_space<vmem>>
    %dma_start3A_35 = arith.constant 0 : i32
    %dma_start3A_36 = arith.constant 0 : i32
    %dma_start3A_37 = tpu.memref_slice %arg2[%dma_start3A_35, %dma_start3A_36] : memref<10000x64xbf16, #tpu.memory_space<hbm>> -> memref<10000x64xbf16, #tpu.memory_space<hbm>>
    %dma_start3A_38 = tpu.memref_slice %arg11[%dma_start3A_27] : memref<4x!tpu.dma_semaphore, #tpu.memory_space<semaphore_mem>> -> memref<1x!tpu.dma_semaphore, #tpu.memory_space<semaphore_mem>>
    %dma_start3A_39 = tpu.memref_squeeze %dma_start3A_38 : memref<1x!tpu.dma_semaphore, #tpu.memory_space<semaphore_mem>> -> memref<!tpu.dma_semaphore, #tpu.memory_space<semaphore_mem>>
    tpu.enqueue_indirect_dma source(%dma_start3A_37 : memref<10000x64xbf16, #tpu.memory_space<hbm>>) target(%dma_start3A_31 : memref<128x64xbf16, #tpu.memory_space<vmem>>) offsets(%dma_start3A_34 : memref<128xi32, #tpu.memory_space<vmem>>) semaphore(%dma_start3A_39 : memref<!tpu.dma_semaphore, #tpu.memory_space<semaphore_mem>>)
    %dma_start3A_40 = arith.constant 2 : i32
    %dma_start3A_41 = arith.constant 2 : i32
    %dma_start3A_42 = arith.constant 2 : i32
    %dma_start3A_43 = arith.constant 0 : i32
    %dma_start3A_44 = arith.constant 0 : i32
    %dma_start3A_45 = tpu.memref_slice %arg9[%dma_start3A_41, %dma_start3A_43, %dma_start3A_44] : memref<4x128x64xbf16, #tpu.memory_space<vmem>> -> memref<1x128x64xbf16, #tpu.memory_space<vmem>>
    %dma_start3A_46 = tpu.memref_squeeze %dma_start3A_45 : memref<1x128x64xbf16, #tpu.memory_space<vmem>> -> memref<128x64xbf16, #tpu.memory_space<vmem>>
    %dma_start3A_47 = arith.constant 0 : i32
    %dma_start3A_48 = tpu.memref_slice %arg7[%dma_start3A_40, %dma_start3A_47] : memref<112x128xi32, #tpu.memory_space<vmem>> -> memref<1x128xi32, #tpu.memory_space<vmem>>
    %dma_start3A_49 = tpu.memref_squeeze %dma_start3A_48 : memref<1x128xi32, #tpu.memory_space<vmem>> -> memref<128xi32, #tpu.memory_space<vmem>>
    %dma_start3A_50 = arith.constant 0 : i32
    %dma_start3A_51 = arith.constant 0 : i32
    %dma_start3A_52 = tpu.memref_slice %arg2[%dma_start3A_50, %dma_start3A_51] : memref<10000x64xbf16, #tpu.memory_space<hbm>> -> memref<10000x64xbf16, #tpu.memory_space<hbm>>
    %dma_start3A_53 = tpu.memref_slice %arg11[%dma_start3A_42] : memref<4x!tpu.dma_semaphore, #tpu.memory_space<semaphore_mem>> -> memref<1x!tpu.dma_semaphore, #tpu.memory_space<semaphore_mem>>
    %dma_start3A_54 = tpu.memref_squeeze %dma_start3A_53 : memref<1x!tpu.dma_semaphore, #tpu.memory_space<semaphore_mem>> -> memref<!tpu.dma_semaphore, #tpu.memory_space<semaphore_mem>>
    tpu.enqueue_indirect_dma source(%dma_start3A_52 : memref<10000x64xbf16, #tpu.memory_space<hbm>>) target(%dma_start3A_46 : memref<128x64xbf16, #tpu.memory_space<vmem>>) offsets(%dma_start3A_49 : memref<128xi32, #tpu.memory_space<vmem>>) semaphore(%dma_start3A_54 : memref<!tpu.dma_semaphore, #tpu.memory_space<semaphore_mem>>)
    %dma_start3A_55 = arith.constant 3 : i32
    %dma_start3A_56 = arith.constant 3 : i32
    %dma_start3A_57 = arith.constant 3 : i32
    %dma_start3A_58 = arith.constant 0 : i32
    %dma_start3A_59 = arith.constant 0 : i32
    %dma_start3A_60 = tpu.memref_slice %arg9[%dma_start3A_56, %dma_start3A_58, %dma_start3A_59] : memref<4x128x64xbf16, #tpu.memory_space<vmem>> -> memref<1x128x64xbf16, #tpu.memory_space<vmem>>
    %dma_start3A_61 = tpu.memref_squeeze %dma_start3A_60 : memref<1x128x64xbf16, #tpu.memory_space<vmem>> -> memref<128x64xbf16, #tpu.memory_space<vmem>>
    %dma_start3A_62 = arith.constant 0 : i32
    %dma_start3A_63 = tpu.memref_slice %arg7[%dma_start3A_55, %dma_start3A_62] : memref<112x128xi32, #tpu.memory_space<vmem>> -> memref<1x128xi32, #tpu.memory_space<vmem>>
    %dma_start3A_64 = tpu.memref_squeeze %dma_start3A_63 : memref<1x128xi32, #tpu.memory_space<vmem>> -> memref<128xi32, #tpu.memory_space<vmem>>
    %dma_start3A_65 = arith.constant 0 : i32
    %dma_start3A_66 = arith.constant 0 : i32
    %dma_start3A_67 = tpu.memref_slice %arg2[%dma_start3A_65, %dma_start3A_66] : memref<10000x64xbf16, #tpu.memory_space<hbm>> -> memref<10000x64xbf16, #tpu.memory_space<hbm>>
    %dma_start3A_68 = tpu.memref_slice %arg11[%dma_start3A_57] : memref<4x!tpu.dma_semaphore, #tpu.memory_space<semaphore_mem>> -> memref<1x!tpu.dma_semaphore, #tpu.memory_space<semaphore_mem>>
    %dma_start3A_69 = tpu.memref_squeeze %dma_start3A_68 : memref<1x!tpu.dma_semaphore, #tpu.memory_space<semaphore_mem>> -> memref<!tpu.dma_semaphore, #tpu.memory_space<semaphore_mem>>
    tpu.enqueue_indirect_dma source(%dma_start3A_67 : memref<10000x64xbf16, #tpu.memory_space<hbm>>) target(%dma_start3A_61 : memref<128x64xbf16, #tpu.memory_space<vmem>>) offsets(%dma_start3A_64 : memref<128xi32, #tpu.memory_space<vmem>>) semaphore(%dma_start3A_69 : memref<!tpu.dma_semaphore, #tpu.memory_space<semaphore_mem>>)
    %jit3A_70 = arith.constant 4 : i32
    %div3A = arith.divsi %select_n3A, %jit3A_70 : i32
    %sign3A = arith.constant 0 : i32
    %sign3A_71 = arith.cmpi sgt, %select_n3A, %sign3A : i32
    %sign3A_72 = arith.extui %sign3A_71 : i1 to i32
    %sign3A_73 = arith.constant 0 : i32
    %sign3A_74 = arith.cmpi slt, %select_n3A, %sign3A_73 : i32
    %sign3A_75 = arith.extui %sign3A_74 : i1 to i32
    %sign3A_76 = arith.subi %sign3A_72, %sign3A_75 : i32
    %sign3A_77 = arith.constant 0 : i32
    %sign3A_78 = arith.cmpi sgt, %jit3A_70, %sign3A_77 : i32
    %sign3A_79 = arith.extui %sign3A_78 : i1 to i32
    %sign3A_80 = arith.constant 0 : i32
    %sign3A_81 = arith.cmpi slt, %jit3A_70, %sign3A_80 : i32
    %sign3A_82 = arith.extui %sign3A_81 : i1 to i32
    %sign3A_83 = arith.subi %sign3A_79, %sign3A_82 : i32
    %ne3A = arith.cmpi ne, %sign3A_76, %sign3A_83 : i32
    %rem3A = arith.remsi %select_n3A, %jit3A_70 : i32
    %ne3A_84 = arith.constant 0 : i32
    %ne3A_85 = arith.cmpi ne, %rem3A, %ne3A_84 : i32
    %and3A = arith.andi %ne3A, %ne3A_85 : i1
    %sub3A = arith.constant 1 : i32
    %sub3A_86 = arith.subi %div3A, %sub3A : i32
    %select_n3A_87 = arith.select %and3A, %sub3A_86, %div3A : i32
    %while3A = arith.constant 0 : i32
    %while3A_88 = arith.subi %select_n3A_87, %while3A : i32
    %while3A_89 = arith.addi %while3A, %while3A_88 : i32
    %while3A_90 = arith.constant 1 : i32
    %while3A_91 = arith.divsi %while3A_88, %while3A_90 : i32
    %while3A_92 = arith.muli %while3A_91, %while3A_90 : i32
    %while3A_93 = arith.addi %while3A, %while3A_92 : i32
    %while3A_94 = arith.constant 1 : i32
    scf.for %while3A_167 = %while3A to %while3A_93 step %while3A_94  : i32 {
      %mul3A_168 = arith.constant 4 : i32
      %mul3A_169 = arith.muli %while3A_167, %mul3A_168 : i32
      %add3A_170 = arith.constant 0 : i32
      %add3A_171 = arith.addi %mul3A_169, %add3A_170 : i32
      %dma_wait3A_172 = arith.constant 0 : i32
      %dma_wait3A_173 = arith.constant 0 : i32
      %dma_wait3A_174 = arith.constant 0 : i32
      %dma_wait3A_175 = arith.constant 0 : i32
      %dma_wait3A_176 = tpu.memref_slice %arg9[%dma_wait3A_172, %dma_wait3A_174, %dma_wait3A_175] : memref<4x128x64xbf16, #tpu.memory_space<vmem>> -> memref<1x128x64xbf16, #tpu.memory_space<vmem>>
      %dma_wait3A_177 = tpu.memref_squeeze %dma_wait3A_176 : memref<1x128x64xbf16, #tpu.memory_space<vmem>> -> memref<128x64xbf16, #tpu.memory_space<vmem>>
      %dma_wait3A_178 = arith.constant 0 : i32
      %dma_wait3A_179 = tpu.memref_slice %arg7[%add3A_171, %dma_wait3A_178] : memref<112x128xi32, #tpu.memory_space<vmem>> -> memref<1x128xi32, #tpu.memory_space<vmem>>
      %dma_wait3A_180 = tpu.memref_squeeze %dma_wait3A_179 : memref<1x128xi32, #tpu.memory_space<vmem>> -> memref<128xi32, #tpu.memory_space<vmem>>
      %dma_wait3A_181 = arith.constant 0 : i32
      %dma_wait3A_182 = arith.constant 0 : i32
      %dma_wait3A_183 = tpu.memref_slice %arg2[%dma_wait3A_181, %dma_wait3A_182] : memref<10000x64xbf16, #tpu.memory_space<hbm>> -> memref<10000x64xbf16, #tpu.memory_space<hbm>>
      %dma_wait3A_184 = tpu.memref_slice %arg11[%dma_wait3A_173] : memref<4x!tpu.dma_semaphore, #tpu.memory_space<semaphore_mem>> -> memref<1x!tpu.dma_semaphore, #tpu.memory_space<semaphore_mem>>
      %dma_wait3A_185 = tpu.memref_squeeze %dma_wait3A_184 : memref<1x!tpu.dma_semaphore, #tpu.memory_space<semaphore_mem>> -> memref<!tpu.dma_semaphore, #tpu.memory_space<semaphore_mem>>
      tpu.wait_indirect_dma semaphore(%dma_wait3A_185 : memref<!tpu.dma_semaphore, #tpu.memory_space<semaphore_mem>>) src(%dma_wait3A_183 : memref<10000x64xbf16, #tpu.memory_space<hbm>>) dst(%dma_wait3A_177 : memref<128x64xbf16, #tpu.memory_space<vmem>>)
      %dma_start3A_186 = arith.constant 0 : i32
      %dma_start3A_187 = arith.constant 0 : i32
      %dma_start3A_188 = arith.constant 0 : i32
      %dma_start3A_189 = arith.constant 0 : i32
      %dma_start3A_190 = tpu.memref_slice %arg9[%dma_start3A_186, %dma_start3A_188, %dma_start3A_189] : memref<4x128x64xbf16, #tpu.memory_space<vmem>> -> memref<1x128x64xbf16, #tpu.memory_space<vmem>>
      %dma_start3A_191 = tpu.memref_squeeze %dma_start3A_190 : memref<1x128x64xbf16, #tpu.memory_space<vmem>> -> memref<128x64xbf16, #tpu.memory_space<vmem>>
      %dma_start3A_192 = arith.constant 0 : i32
      %dma_start3A_193 = tpu.memref_slice %arg8[%add3A_171, %dma_start3A_192] : memref<112x128xi32, #tpu.memory_space<vmem>> -> memref<1x128xi32, #tpu.memory_space<vmem>>
      %dma_start3A_194 = tpu.memref_squeeze %dma_start3A_193 : memref<1x128xi32, #tpu.memory_space<vmem>> -> memref<128xi32, #tpu.memory_space<vmem>>
      %dma_start3A_195 = arith.constant 0 : i32
      %dma_start3A_196 = arith.constant 0 : i32
      %dma_start3A_197 = tpu.memref_slice %arg10[%dma_start3A_195, %dma_start3A_196] : memref<10112x64xbf16, #tpu.memory_space<vmem_shared>> -> memref<10112x64xbf16, #tpu.memory_space<vmem_shared>>
      %dma_start3A_198 = tpu.memref_slice %arg12[%dma_start3A_187] : memref<4x!tpu.dma_semaphore, #tpu.memory_space<semaphore_mem>> -> memref<1x!tpu.dma_semaphore, #tpu.memory_space<semaphore_mem>>
      %dma_start3A_199 = tpu.memref_squeeze %dma_start3A_198 : memref<1x!tpu.dma_semaphore, #tpu.memory_space<semaphore_mem>> -> memref<!tpu.dma_semaphore, #tpu.memory_space<semaphore_mem>>
      tpu.enqueue_indirect_dma source(%dma_start3A_191 : memref<128x64xbf16, #tpu.memory_space<vmem>>) target(%dma_start3A_197 : memref<10112x64xbf16, #tpu.memory_space<vmem_shared>>) offsets(%dma_start3A_194 : memref<128xi32, #tpu.memory_space<vmem>>) semaphore(%dma_start3A_199 : memref<!tpu.dma_semaphore, #tpu.memory_space<semaphore_mem>>) {add = true}
      %sub3A_200 = arith.constant 2 : i32
      %sub3A_201 = arith.subi %add3A_171, %sub3A_200 : i32
      %ge3A = arith.constant 0 : i32
      %ge3A_202 = arith.cmpi sge, %sub3A_201, %ge3A : i32
      %sub3A_203 = arith.constant 2 : i32
      %sub3A_204 = arith.subi %select_n3A, %sub3A_203 : i32
      %lt3A = arith.cmpi slt, %add3A_171, %sub3A_204 : i32
      %and3A_205 = arith.andi %ge3A_202, %lt3A : i1
      %convert_element_type3A_206 = arith.extui %and3A_205 : i1 to i32
      %cond3A_207 = arith.constant 0 : i32
      %cond3A_208 = arith.cmpi ne, %convert_element_type3A_206, %cond3A_207 : i32
      scf.if %cond3A_208 {
        %dma_wait3A_338 = arith.constant 2 : i32
        %dma_wait3A_339 = arith.constant 2 : i32
        %dma_wait3A_340 = arith.constant 0 : i32
        %dma_wait3A_341 = arith.constant 0 : i32
        %dma_wait3A_342 = tpu.memref_slice %arg9[%dma_wait3A_338, %dma_wait3A_340, %dma_wait3A_341] : memref<4x128x64xbf16, #tpu.memory_space<vmem>> -> memref<1x128x64xbf16, #tpu.memory_space<vmem>>
        %dma_wait3A_343 = tpu.memref_squeeze %dma_wait3A_342 : memref<1x128x64xbf16, #tpu.memory_space<vmem>> -> memref<128x64xbf16, #tpu.memory_space<vmem>>
        %dma_wait3A_344 = arith.constant 0 : i32
        %dma_wait3A_345 = tpu.memref_slice %arg8[%sub3A_201, %dma_wait3A_344] : memref<112x128xi32, #tpu.memory_space<vmem>> -> memref<1x128xi32, #tpu.memory_space<vmem>>
        %dma_wait3A_346 = tpu.memref_squeeze %dma_wait3A_345 : memref<1x128xi32, #tpu.memory_space<vmem>> -> memref<128xi32, #tpu.memory_space<vmem>>
        %dma_wait3A_347 = arith.constant 0 : i32
        %dma_wait3A_348 = arith.constant 0 : i32
        %dma_wait3A_349 = tpu.memref_slice %arg10[%dma_wait3A_347, %dma_wait3A_348] : memref<10112x64xbf16, #tpu.memory_space<vmem_shared>> -> memref<10112x64xbf16, #tpu.memory_space<vmem_shared>>
        %dma_wait3A_350 = tpu.memref_slice %arg12[%dma_wait3A_339] : memref<4x!tpu.dma_semaphore, #tpu.memory_space<semaphore_mem>> -> memref<1x!tpu.dma_semaphore, #tpu.memory_space<semaphore_mem>>
        %dma_wait3A_351 = tpu.memref_squeeze %dma_wait3A_350 : memref<1x!tpu.dma_semaphore, #tpu.memory_space<semaphore_mem>> -> memref<!tpu.dma_semaphore, #tpu.memory_space<semaphore_mem>>
        tpu.wait_indirect_dma semaphore(%dma_wait3A_351 : memref<!tpu.dma_semaphore, #tpu.memory_space<semaphore_mem>>) src(%dma_wait3A_343 : memref<128x64xbf16, #tpu.memory_space<vmem>>) dst(%dma_wait3A_349 : memref<10112x64xbf16, #tpu.memory_space<vmem_shared>>)
        %add3A_352 = arith.constant 4 : i32
        %add3A_353 = arith.addi %sub3A_201, %add3A_352 : i32
        %dma_start3A_354 = arith.constant 2 : i32
        %dma_start3A_355 = arith.constant 2 : i32
        %dma_start3A_356 = arith.constant 0 : i32
        %dma_start3A_357 = arith.constant 0 : i32
        %dma_start3A_358 = tpu.memref_slice %arg9[%dma_start3A_354, %dma_start3A_356, %dma_start3A_357] : memref<4x128x64xbf16, #tpu.memory_space<vmem>> -> memref<1x128x64xbf16, #tpu.memory_space<vmem>>
        %dma_start3A_359 = tpu.memref_squeeze %dma_start3A_358 : memref<1x128x64xbf16, #tpu.memory_space<vmem>> -> memref<128x64xbf16, #tpu.memory_space<vmem>>
        %dma_start3A_360 = arith.constant 0 : i32
        %dma_start3A_361 = tpu.memref_slice %arg7[%add3A_353, %dma_start3A_360] : memref<112x128xi32, #tpu.memory_space<vmem>> -> memref<1x128xi32, #tpu.memory_space<vmem>>
        %dma_start3A_362 = tpu.memref_squeeze %dma_start3A_361 : memref<1x128xi32, #tpu.memory_space<vmem>> -> memref<128xi32, #tpu.memory_space<vmem>>
        %dma_start3A_363 = arith.constant 0 : i32
        %dma_start3A_364 = arith.constant 0 : i32
        %dma_start3A_365 = tpu.memref_slice %arg2[%dma_start3A_363, %dma_start3A_364] : memref<10000x64xbf16, #tpu.memory_space<hbm>> -> memref<10000x64xbf16, #tpu.memory_space<hbm>>
        %dma_start3A_366 = tpu.memref_slice %arg11[%dma_start3A_355] : memref<4x!tpu.dma_semaphore, #tpu.memory_space<semaphore_mem>> -> memref<1x!tpu.dma_semaphore, #tpu.memory_space<semaphore_mem>>
        %dma_start3A_367 = tpu.memref_squeeze %dma_start3A_366 : memref<1x!tpu.dma_semaphore, #tpu.memory_space<semaphore_mem>> -> memref<!tpu.dma_semaphore, #tpu.memory_space<semaphore_mem>>
        tpu.enqueue_indirect_dma source(%dma_start3A_365 : memref<10000x64xbf16, #tpu.memory_space<hbm>>) target(%dma_start3A_359 : memref<128x64xbf16, #tpu.memory_space<vmem>>) offsets(%dma_start3A_362 : memref<128xi32, #tpu.memory_space<vmem>>) semaphore(%dma_start3A_367 : memref<!tpu.dma_semaphore, #tpu.memory_space<semaphore_mem>>)
      } else {
      }
      %mul3A_209 = arith.constant 4 : i32
      %mul3A_210 = arith.muli %while3A_167, %mul3A_209 : i32
      %add3A_211 = arith.constant 1 : i32
      %add3A_212 = arith.addi %mul3A_210, %add3A_211 : i32
      %dma_wait3A_213 = arith.constant 1 : i32
      %dma_wait3A_214 = arith.constant 1 : i32
      %dma_wait3A_215 = arith.constant 0 : i32
      %dma_wait3A_216 = arith.constant 0 : i32
      %dma_wait3A_217 = tpu.memref_slice %arg9[%dma_wait3A_213, %dma_wait3A_215, %dma_wait3A_216] : memref<4x128x64xbf16, #tpu.memory_space<vmem>> -> memref<1x128x64xbf16, #tpu.memory_space<vmem>>
      %dma_wait3A_218 = tpu.memref_squeeze %dma_wait3A_217 : memref<1x128x64xbf16, #tpu.memory_space<vmem>> -> memref<128x64xbf16, #tpu.memory_space<vmem>>
      %dma_wait3A_219 = arith.constant 0 : i32
      %dma_wait3A_220 = tpu.memref_slice %arg7[%add3A_212, %dma_wait3A_219] : memref<112x128xi32, #tpu.memory_space<vmem>> -> memref<1x128xi32, #tpu.memory_space<vmem>>
      %dma_wait3A_221 = tpu.memref_squeeze %dma_wait3A_220 : memref<1x128xi32, #tpu.memory_space<vmem>> -> memref<128xi32, #tpu.memory_space<vmem>>
      %dma_wait3A_222 = arith.constant 0 : i32
      %dma_wait3A_223 = arith.constant 0 : i32
      %dma_wait3A_224 = tpu.memref_slice %arg2[%dma_wait3A_222, %dma_wait3A_223] : memref<10000x64xbf16, #tpu.memory_space<hbm>> -> memref<10000x64xbf16, #tpu.memory_space<hbm>>
      %dma_wait3A_225 = tpu.memref_slice %arg11[%dma_wait3A_214] : memref<4x!tpu.dma_semaphore, #tpu.memory_space<semaphore_mem>> -> memref<1x!tpu.dma_semaphore, #tpu.memory_space<semaphore_mem>>
      %dma_wait3A_226 = tpu.memref_squeeze %dma_wait3A_225 : memref<1x!tpu.dma_semaphore, #tpu.memory_space<semaphore_mem>> -> memref<!tpu.dma_semaphore, #tpu.memory_space<semaphore_mem>>
      tpu.wait_indirect_dma semaphore(%dma_wait3A_226 : memref<!tpu.dma_semaphore, #tpu.memory_space<semaphore_mem>>) src(%dma_wait3A_224 : memref<10000x64xbf16, #tpu.memory_space<hbm>>) dst(%dma_wait3A_218 : memref<128x64xbf16, #tpu.memory_space<vmem>>)
      %dma_start3A_227 = arith.constant 1 : i32
      %dma_start3A_228 = arith.constant 1 : i32
      %dma_start3A_229 = arith.constant 0 : i32
      %dma_start3A_230 = arith.constant 0 : i32
      %dma_start3A_231 = tpu.memref_slice %arg9[%dma_start3A_227, %dma_start3A_229, %dma_start3A_230] : memref<4x128x64xbf16, #tpu.memory_space<vmem>> -> memref<1x128x64xbf16, #tpu.memory_space<vmem>>
      %dma_start3A_232 = tpu.memref_squeeze %dma_start3A_231 : memref<1x128x64xbf16, #tpu.memory_space<vmem>> -> memref<128x64xbf16, #tpu.memory_space<vmem>>
      %dma_start3A_233 = arith.constant 0 : i32
      %dma_start3A_234 = tpu.memref_slice %arg8[%add3A_212, %dma_start3A_233] : memref<112x128xi32, #tpu.memory_space<vmem>> -> memref<1x128xi32, #tpu.memory_space<vmem>>
      %dma_start3A_235 = tpu.memref_squeeze %dma_start3A_234 : memref<1x128xi32, #tpu.memory_space<vmem>> -> memref<128xi32, #tpu.memory_space<vmem>>
      %dma_start3A_236 = arith.constant 0 : i32
      %dma_start3A_237 = arith.constant 0 : i32
      %dma_start3A_238 = tpu.memref_slice %arg10[%dma_start3A_236, %dma_start3A_237] : memref<10112x64xbf16, #tpu.memory_space<vmem_shared>> -> memref<10112x64xbf16, #tpu.memory_space<vmem_shared>>
      %dma_start3A_239 = tpu.memref_slice %arg12[%dma_start3A_228] : memref<4x!tpu.dma_semaphore, #tpu.memory_space<semaphore_mem>> -> memref<1x!tpu.dma_semaphore, #tpu.memory_space<semaphore_mem>>
      %dma_start3A_240 = tpu.memref_squeeze %dma_start3A_239 : memref<1x!tpu.dma_semaphore, #tpu.memory_space<semaphore_mem>> -> memref<!tpu.dma_semaphore, #tpu.memory_space<semaphore_mem>>
      tpu.enqueue_indirect_dma source(%dma_start3A_232 : memref<128x64xbf16, #tpu.memory_space<vmem>>) target(%dma_start3A_238 : memref<10112x64xbf16, #tpu.memory_space<vmem_shared>>) offsets(%dma_start3A_235 : memref<128xi32, #tpu.memory_space<vmem>>) semaphore(%dma_start3A_240 : memref<!tpu.dma_semaphore, #tpu.memory_space<semaphore_mem>>) {add = true}
      %sub3A_241 = arith.constant 2 : i32
      %sub3A_242 = arith.subi %add3A_212, %sub3A_241 : i32
      %ge3A_243 = arith.constant 0 : i32
      %ge3A_244 = arith.cmpi sge, %sub3A_242, %ge3A_243 : i32
      %sub3A_245 = arith.constant 2 : i32
      %sub3A_246 = arith.subi %select_n3A, %sub3A_245 : i32
      %lt3A_247 = arith.cmpi slt, %add3A_212, %sub3A_246 : i32
      %and3A_248 = arith.andi %ge3A_244, %lt3A_247 : i1
      %convert_element_type3A_249 = arith.extui %and3A_248 : i1 to i32
      %cond3A_250 = arith.constant 0 : i32
      %cond3A_251 = arith.cmpi ne, %convert_element_type3A_249, %cond3A_250 : i32
      scf.if %cond3A_251 {
        %dma_wait3A_338 = arith.constant 3 : i32
        %dma_wait3A_339 = arith.constant 3 : i32
        %dma_wait3A_340 = arith.constant 0 : i32
        %dma_wait3A_341 = arith.constant 0 : i32
        %dma_wait3A_342 = tpu.memref_slice %arg9[%dma_wait3A_338, %dma_wait3A_340, %dma_wait3A_341] : memref<4x128x64xbf16, #tpu.memory_space<vmem>> -> memref<1x128x64xbf16, #tpu.memory_space<vmem>>
        %dma_wait3A_343 = tpu.memref_squeeze %dma_wait3A_342 : memref<1x128x64xbf16, #tpu.memory_space<vmem>> -> memref<128x64xbf16, #tpu.memory_space<vmem>>
        %dma_wait3A_344 = arith.constant 0 : i32
        %dma_wait3A_345 = tpu.memref_slice %arg8[%sub3A_242, %dma_wait3A_344] : memref<112x128xi32, #tpu.memory_space<vmem>> -> memref<1x128xi32, #tpu.memory_space<vmem>>
        %dma_wait3A_346 = tpu.memref_squeeze %dma_wait3A_345 : memref<1x128xi32, #tpu.memory_space<vmem>> -> memref<128xi32, #tpu.memory_space<vmem>>
        %dma_wait3A_347 = arith.constant 0 : i32
        %dma_wait3A_348 = arith.constant 0 : i32
        %dma_wait3A_349 = tpu.memref_slice %arg10[%dma_wait3A_347, %dma_wait3A_348] : memref<10112x64xbf16, #tpu.memory_space<vmem_shared>> -> memref<10112x64xbf16, #tpu.memory_space<vmem_shared>>
        %dma_wait3A_350 = tpu.memref_slice %arg12[%dma_wait3A_339] : memref<4x!tpu.dma_semaphore, #tpu.memory_space<semaphore_mem>> -> memref<1x!tpu.dma_semaphore, #tpu.memory_space<semaphore_mem>>
        %dma_wait3A_351 = tpu.memref_squeeze %dma_wait3A_350 : memref<1x!tpu.dma_semaphore, #tpu.memory_space<semaphore_mem>> -> memref<!tpu.dma_semaphore, #tpu.memory_space<semaphore_mem>>
        tpu.wait_indirect_dma semaphore(%dma_wait3A_351 : memref<!tpu.dma_semaphore, #tpu.memory_space<semaphore_mem>>) src(%dma_wait3A_343 : memref<128x64xbf16, #tpu.memory_space<vmem>>) dst(%dma_wait3A_349 : memref<10112x64xbf16, #tpu.memory_space<vmem_shared>>)
        %add3A_352 = arith.constant 4 : i32
        %add3A_353 = arith.addi %sub3A_242, %add3A_352 : i32
        %dma_start3A_354 = arith.constant 3 : i32
        %dma_start3A_355 = arith.constant 3 : i32
        %dma_start3A_356 = arith.constant 0 : i32
        %dma_start3A_357 = arith.constant 0 : i32
        %dma_start3A_358 = tpu.memref_slice %arg9[%dma_start3A_354, %dma_start3A_356, %dma_start3A_357] : memref<4x128x64xbf16, #tpu.memory_space<vmem>> -> memref<1x128x64xbf16, #tpu.memory_space<vmem>>
        %dma_start3A_359 = tpu.memref_squeeze %dma_start3A_358 : memref<1x128x64xbf16, #tpu.memory_space<vmem>> -> memref<128x64xbf16, #tpu.memory_space<vmem>>
        %dma_start3A_360 = arith.constant 0 : i32
        %dma_start3A_361 = tpu.memref_slice %arg7[%add3A_353, %dma_start3A_360] : memref<112x128xi32, #tpu.memory_space<vmem>> -> memref<1x128xi32, #tpu.memory_space<vmem>>
        %dma_start3A_362 = tpu.memref_squeeze %dma_start3A_361 : memref<1x128xi32, #tpu.memory_space<vmem>> -> memref<128xi32, #tpu.memory_space<vmem>>
        %dma_start3A_363 = arith.constant 0 : i32
        %dma_start3A_364 = arith.constant 0 : i32
        %dma_start3A_365 = tpu.memref_slice %arg2[%dma_start3A_363, %dma_start3A_364] : memref<10000x64xbf16, #tpu.memory_space<hbm>> -> memref<10000x64xbf16, #tpu.memory_space<hbm>>
        %dma_start3A_366 = tpu.memref_slice %arg11[%dma_start3A_355] : memref<4x!tpu.dma_semaphore, #tpu.memory_space<semaphore_mem>> -> memref<1x!tpu.dma_semaphore, #tpu.memory_space<semaphore_mem>>
        %dma_start3A_367 = tpu.memref_squeeze %dma_start3A_366 : memref<1x!tpu.dma_semaphore, #tpu.memory_space<semaphore_mem>> -> memref<!tpu.dma_semaphore, #tpu.memory_space<semaphore_mem>>
        tpu.enqueue_indirect_dma source(%dma_start3A_365 : memref<10000x64xbf16, #tpu.memory_space<hbm>>) target(%dma_start3A_359 : memref<128x64xbf16, #tpu.memory_space<vmem>>) offsets(%dma_start3A_362 : memref<128xi32, #tpu.memory_space<vmem>>) semaphore(%dma_start3A_367 : memref<!tpu.dma_semaphore, #tpu.memory_space<semaphore_mem>>)
      } else {
      }
      %mul3A_252 = arith.constant 4 : i32
      %mul3A_253 = arith.muli %while3A_167, %mul3A_252 : i32
      %add3A_254 = arith.constant 2 : i32
      %add3A_255 = arith.addi %mul3A_253, %add3A_254 : i32
      %dma_wait3A_256 = arith.constant 2 : i32
      %dma_wait3A_257 = arith.constant 2 : i32
      %dma_wait3A_258 = arith.constant 0 : i32
      %dma_wait3A_259 = arith.constant 0 : i32
      %dma_wait3A_260 = tpu.memref_slice %arg9[%dma_wait3A_256, %dma_wait3A_258, %dma_wait3A_259] : memref<4x128x64xbf16, #tpu.memory_space<vmem>> -> memref<1x128x64xbf16, #tpu.memory_space<vmem>>
      %dma_wait3A_261 = tpu.memref_squeeze %dma_wait3A_260 : memref<1x128x64xbf16, #tpu.memory_space<vmem>> -> memref<128x64xbf16, #tpu.memory_space<vmem>>
      %dma_wait3A_262 = arith.constant 0 : i32
      %dma_wait3A_263 = tpu.memref_slice %arg7[%add3A_255, %dma_wait3A_262] : memref<112x128xi32, #tpu.memory_space<vmem>> -> memref<1x128xi32, #tpu.memory_space<vmem>>
      %dma_wait3A_264 = tpu.memref_squeeze %dma_wait3A_263 : memref<1x128xi32, #tpu.memory_space<vmem>> -> memref<128xi32, #tpu.memory_space<vmem>>
      %dma_wait3A_265 = arith.constant 0 : i32
      %dma_wait3A_266 = arith.constant 0 : i32
      %dma_wait3A_267 = tpu.memref_slice %arg2[%dma_wait3A_265, %dma_wait3A_266] : memref<10000x64xbf16, #tpu.memory_space<hbm>> -> memref<10000x64xbf16, #tpu.memory_space<hbm>>
      %dma_wait3A_268 = tpu.memref_slice %arg11[%dma_wait3A_257] : memref<4x!tpu.dma_semaphore, #tpu.memory_space<semaphore_mem>> -> memref<1x!tpu.dma_semaphore, #tpu.memory_space<semaphore_mem>>
      %dma_wait3A_269 = tpu.memref_squeeze %dma_wait3A_268 : memref<1x!tpu.dma_semaphore, #tpu.memory_space<semaphore_mem>> -> memref<!tpu.dma_semaphore, #tpu.memory_space<semaphore_mem>>
      tpu.wait_indirect_dma semaphore(%dma_wait3A_269 : memref<!tpu.dma_semaphore, #tpu.memory_space<semaphore_mem>>) src(%dma_wait3A_267 : memref<10000x64xbf16, #tpu.memory_space<hbm>>) dst(%dma_wait3A_261 : memref<128x64xbf16, #tpu.memory_space<vmem>>)
      %dma_start3A_270 = arith.constant 2 : i32
      %dma_start3A_271 = arith.constant 2 : i32
      %dma_start3A_272 = arith.constant 0 : i32
      %dma_start3A_273 = arith.constant 0 : i32
      %dma_start3A_274 = tpu.memref_slice %arg9[%dma_start3A_270, %dma_start3A_272, %dma_start3A_273] : memref<4x128x64xbf16, #tpu.memory_space<vmem>> -> memref<1x128x64xbf16, #tpu.memory_space<vmem>>
      %dma_start3A_275 = tpu.memref_squeeze %dma_start3A_274 : memref<1x128x64xbf16, #tpu.memory_space<vmem>> -> memref<128x64xbf16, #tpu.memory_space<vmem>>
      %dma_start3A_276 = arith.constant 0 : i32
      %dma_start3A_277 = tpu.memref_slice %arg8[%add3A_255, %dma_start3A_276] : memref<112x128xi32, #tpu.memory_space<vmem>> -> memref<1x128xi32, #tpu.memory_space<vmem>>
      %dma_start3A_278 = tpu.memref_squeeze %dma_start3A_277 : memref<1x128xi32, #tpu.memory_space<vmem>> -> memref<128xi32, #tpu.memory_space<vmem>>
      %dma_start3A_279 = arith.constant 0 : i32
      %dma_start3A_280 = arith.constant 0 : i32
      %dma_start3A_281 = tpu.memref_slice %arg10[%dma_start3A_279, %dma_start3A_280] : memref<10112x64xbf16, #tpu.memory_space<vmem_shared>> -> memref<10112x64xbf16, #tpu.memory_space<vmem_shared>>
      %dma_start3A_282 = tpu.memref_slice %arg12[%dma_start3A_271] : memref<4x!tpu.dma_semaphore, #tpu.memory_space<semaphore_mem>> -> memref<1x!tpu.dma_semaphore, #tpu.memory_space<semaphore_mem>>
      %dma_start3A_283 = tpu.memref_squeeze %dma_start3A_282 : memref<1x!tpu.dma_semaphore, #tpu.memory_space<semaphore_mem>> -> memref<!tpu.dma_semaphore, #tpu.memory_space<semaphore_mem>>
      tpu.enqueue_indirect_dma source(%dma_start3A_275 : memref<128x64xbf16, #tpu.memory_space<vmem>>) target(%dma_start3A_281 : memref<10112x64xbf16, #tpu.memory_space<vmem_shared>>) offsets(%dma_start3A_278 : memref<128xi32, #tpu.memory_space<vmem>>) semaphore(%dma_start3A_283 : memref<!tpu.dma_semaphore, #tpu.memory_space<semaphore_mem>>) {add = true}
      %sub3A_284 = arith.constant 2 : i32
      %sub3A_285 = arith.subi %add3A_255, %sub3A_284 : i32
      %ge3A_286 = arith.constant 0 : i32
      %ge3A_287 = arith.cmpi sge, %sub3A_285, %ge3A_286 : i32
      %sub3A_288 = arith.constant 2 : i32
      %sub3A_289 = arith.subi %select_n3A, %sub3A_288 : i32
      %lt3A_290 = arith.cmpi slt, %add3A_255, %sub3A_289 : i32
      %and3A_291 = arith.andi %ge3A_287, %lt3A_290 : i1
      %convert_element_type3A_292 = arith.extui %and3A_291 : i1 to i32
      %cond3A_293 = arith.constant 0 : i32
      %cond3A_294 = arith.cmpi ne, %convert_element_type3A_292, %cond3A_293 : i32
      scf.if %cond3A_294 {
        %dma_wait3A_338 = arith.constant 0 : i32
        %dma_wait3A_339 = arith.constant 0 : i32
        %dma_wait3A_340 = arith.constant 0 : i32
        %dma_wait3A_341 = arith.constant 0 : i32
        %dma_wait3A_342 = tpu.memref_slice %arg9[%dma_wait3A_338, %dma_wait3A_340, %dma_wait3A_341] : memref<4x128x64xbf16, #tpu.memory_space<vmem>> -> memref<1x128x64xbf16, #tpu.memory_space<vmem>>
        %dma_wait3A_343 = tpu.memref_squeeze %dma_wait3A_342 : memref<1x128x64xbf16, #tpu.memory_space<vmem>> -> memref<128x64xbf16, #tpu.memory_space<vmem>>
        %dma_wait3A_344 = arith.constant 0 : i32
        %dma_wait3A_345 = tpu.memref_slice %arg8[%sub3A_285, %dma_wait3A_344] : memref<112x128xi32, #tpu.memory_space<vmem>> -> memref<1x128xi32, #tpu.memory_space<vmem>>
        %dma_wait3A_346 = tpu.memref_squeeze %dma_wait3A_345 : memref<1x128xi32, #tpu.memory_space<vmem>> -> memref<128xi32, #tpu.memory_space<vmem>>
        %dma_wait3A_347 = arith.constant 0 : i32
        %dma_wait3A_348 = arith.constant 0 : i32
        %dma_wait3A_349 = tpu.memref_slice %arg10[%dma_wait3A_347, %dma_wait3A_348] : memref<10112x64xbf16, #tpu.memory_space<vmem_shared>> -> memref<10112x64xbf16, #tpu.memory_space<vmem_shared>>
        %dma_wait3A_350 = tpu.memref_slice %arg12[%dma_wait3A_339] : memref<4x!tpu.dma_semaphore, #tpu.memory_space<semaphore_mem>> -> memref<1x!tpu.dma_semaphore, #tpu.memory_space<semaphore_mem>>
        %dma_wait3A_351 = tpu.memref_squeeze %dma_wait3A_350 : memref<1x!tpu.dma_semaphore, #tpu.memory_space<semaphore_mem>> -> memref<!tpu.dma_semaphore, #tpu.memory_space<semaphore_mem>>
        tpu.wait_indirect_dma semaphore(%dma_wait3A_351 : memref<!tpu.dma_semaphore, #tpu.memory_space<semaphore_mem>>) src(%dma_wait3A_343 : memref<128x64xbf16, #tpu.memory_space<vmem>>) dst(%dma_wait3A_349 : memref<10112x64xbf16, #tpu.memory_space<vmem_shared>>)
        %add3A_352 = arith.constant 4 : i32
        %add3A_353 = arith.addi %sub3A_285, %add3A_352 : i32
        %dma_start3A_354 = arith.constant 0 : i32
        %dma_start3A_355 = arith.constant 0 : i32
        %dma_start3A_356 = arith.constant 0 : i32
        %dma_start3A_357 = arith.constant 0 : i32
        %dma_start3A_358 = tpu.memref_slice %arg9[%dma_start3A_354, %dma_start3A_356, %dma_start3A_357] : memref<4x128x64xbf16, #tpu.memory_space<vmem>> -> memref<1x128x64xbf16, #tpu.memory_space<vmem>>
        %dma_start3A_359 = tpu.memref_squeeze %dma_start3A_358 : memref<1x128x64xbf16, #tpu.memory_space<vmem>> -> memref<128x64xbf16, #tpu.memory_space<vmem>>
        %dma_start3A_360 = arith.constant 0 : i32
        %dma_start3A_361 = tpu.memref_slice %arg7[%add3A_353, %dma_start3A_360] : memref<112x128xi32, #tpu.memory_space<vmem>> -> memref<1x128xi32, #tpu.memory_space<vmem>>
        %dma_start3A_362 = tpu.memref_squeeze %dma_start3A_361 : memref<1x128xi32, #tpu.memory_space<vmem>> -> memref<128xi32, #tpu.memory_space<vmem>>
        %dma_start3A_363 = arith.constant 0 : i32
        %dma_start3A_364 = arith.constant 0 : i32
        %dma_start3A_365 = tpu.memref_slice %arg2[%dma_start3A_363, %dma_start3A_364] : memref<10000x64xbf16, #tpu.memory_space<hbm>> -> memref<10000x64xbf16, #tpu.memory_space<hbm>>
        %dma_start3A_366 = tpu.memref_slice %arg11[%dma_start3A_355] : memref<4x!tpu.dma_semaphore, #tpu.memory_space<semaphore_mem>> -> memref<1x!tpu.dma_semaphore, #tpu.memory_space<semaphore_mem>>
        %dma_start3A_367 = tpu.memref_squeeze %dma_start3A_366 : memref<1x!tpu.dma_semaphore, #tpu.memory_space<semaphore_mem>> -> memref<!tpu.dma_semaphore, #tpu.memory_space<semaphore_mem>>
        tpu.enqueue_indirect_dma source(%dma_start3A_365 : memref<10000x64xbf16, #tpu.memory_space<hbm>>) target(%dma_start3A_359 : memref<128x64xbf16, #tpu.memory_space<vmem>>) offsets(%dma_start3A_362 : memref<128xi32, #tpu.memory_space<vmem>>) semaphore(%dma_start3A_367 : memref<!tpu.dma_semaphore, #tpu.memory_space<semaphore_mem>>)
      } else {
      }
      %mul3A_295 = arith.constant 4 : i32
      %mul3A_296 = arith.muli %while3A_167, %mul3A_295 : i32
      %add3A_297 = arith.constant 3 : i32
      %add3A_298 = arith.addi %mul3A_296, %add3A_297 : i32
      %dma_wait3A_299 = arith.constant 3 : i32
      %dma_wait3A_300 = arith.constant 3 : i32
      %dma_wait3A_301 = arith.constant 0 : i32
      %dma_wait3A_302 = arith.constant 0 : i32
      %dma_wait3A_303 = tpu.memref_slice %arg9[%dma_wait3A_299, %dma_wait3A_301, %dma_wait3A_302] : memref<4x128x64xbf16, #tpu.memory_space<vmem>> -> memref<1x128x64xbf16, #tpu.memory_space<vmem>>
      %dma_wait3A_304 = tpu.memref_squeeze %dma_wait3A_303 : memref<1x128x64xbf16, #tpu.memory_space<vmem>> -> memref<128x64xbf16, #tpu.memory_space<vmem>>
      %dma_wait3A_305 = arith.constant 0 : i32
      %dma_wait3A_306 = tpu.memref_slice %arg7[%add3A_298, %dma_wait3A_305] : memref<112x128xi32, #tpu.memory_space<vmem>> -> memref<1x128xi32, #tpu.memory_space<vmem>>
      %dma_wait3A_307 = tpu.memref_squeeze %dma_wait3A_306 : memref<1x128xi32, #tpu.memory_space<vmem>> -> memref<128xi32, #tpu.memory_space<vmem>>
      %dma_wait3A_308 = arith.constant 0 : i32
      %dma_wait3A_309 = arith.constant 0 : i32
      %dma_wait3A_310 = tpu.memref_slice %arg2[%dma_wait3A_308, %dma_wait3A_309] : memref<10000x64xbf16, #tpu.memory_space<hbm>> -> memref<10000x64xbf16, #tpu.memory_space<hbm>>
      %dma_wait3A_311 = tpu.memref_slice %arg11[%dma_wait3A_300] : memref<4x!tpu.dma_semaphore, #tpu.memory_space<semaphore_mem>> -> memref<1x!tpu.dma_semaphore, #tpu.memory_space<semaphore_mem>>
      %dma_wait3A_312 = tpu.memref_squeeze %dma_wait3A_311 : memref<1x!tpu.dma_semaphore, #tpu.memory_space<semaphore_mem>> -> memref<!tpu.dma_semaphore, #tpu.memory_space<semaphore_mem>>
      tpu.wait_indirect_dma semaphore(%dma_wait3A_312 : memref<!tpu.dma_semaphore, #tpu.memory_space<semaphore_mem>>) src(%dma_wait3A_310 : memref<10000x64xbf16, #tpu.memory_space<hbm>>) dst(%dma_wait3A_304 : memref<128x64xbf16, #tpu.memory_space<vmem>>)
      %dma_start3A_313 = arith.constant 3 : i32
      %dma_start3A_314 = arith.constant 3 : i32
      %dma_start3A_315 = arith.constant 0 : i32
      %dma_start3A_316 = arith.constant 0 : i32
      %dma_start3A_317 = tpu.memref_slice %arg9[%dma_start3A_313, %dma_start3A_315, %dma_start3A_316] : memref<4x128x64xbf16, #tpu.memory_space<vmem>> -> memref<1x128x64xbf16, #tpu.memory_space<vmem>>
      %dma_start3A_318 = tpu.memref_squeeze %dma_start3A_317 : memref<1x128x64xbf16, #tpu.memory_space<vmem>> -> memref<128x64xbf16, #tpu.memory_space<vmem>>
      %dma_start3A_319 = arith.constant 0 : i32
      %dma_start3A_320 = tpu.memref_slice %arg8[%add3A_298, %dma_start3A_319] : memref<112x128xi32, #tpu.memory_space<vmem>> -> memref<1x128xi32, #tpu.memory_space<vmem>>
      %dma_start3A_321 = tpu.memref_squeeze %dma_start3A_320 : memref<1x128xi32, #tpu.memory_space<vmem>> -> memref<128xi32, #tpu.memory_space<vmem>>
      %dma_start3A_322 = arith.constant 0 : i32
      %dma_start3A_323 = arith.constant 0 : i32
      %dma_start3A_324 = tpu.memref_slice %arg10[%dma_start3A_322, %dma_start3A_323] : memref<10112x64xbf16, #tpu.memory_space<vmem_shared>> -> memref<10112x64xbf16, #tpu.memory_space<vmem_shared>>
      %dma_start3A_325 = tpu.memref_slice %arg12[%dma_start3A_314] : memref<4x!tpu.dma_semaphore, #tpu.memory_space<semaphore_mem>> -> memref<1x!tpu.dma_semaphore, #tpu.memory_space<semaphore_mem>>
      %dma_start3A_326 = tpu.memref_squeeze %dma_start3A_325 : memref<1x!tpu.dma_semaphore, #tpu.memory_space<semaphore_mem>> -> memref<!tpu.dma_semaphore, #tpu.memory_space<semaphore_mem>>
      tpu.enqueue_indirect_dma source(%dma_start3A_318 : memref<128x64xbf16, #tpu.memory_space<vmem>>) target(%dma_start3A_324 : memref<10112x64xbf16, #tpu.memory_space<vmem_shared>>) offsets(%dma_start3A_321 : memref<128xi32, #tpu.memory_space<vmem>>) semaphore(%dma_start3A_326 : memref<!tpu.dma_semaphore, #tpu.memory_space<semaphore_mem>>) {add = true}
      %sub3A_327 = arith.constant 2 : i32
      %sub3A_328 = arith.subi %add3A_298, %sub3A_327 : i32
      %ge3A_329 = arith.constant 0 : i32
      %ge3A_330 = arith.cmpi sge, %sub3A_328, %ge3A_329 : i32
      %sub3A_331 = arith.constant 2 : i32
      %sub3A_332 = arith.subi %select_n3A, %sub3A_331 : i32
      %lt3A_333 = arith.cmpi slt, %add3A_298, %sub3A_332 : i32
      %and3A_334 = arith.andi %ge3A_330, %lt3A_333 : i1
      %convert_element_type3A_335 = arith.extui %and3A_334 : i1 to i32
      %cond3A_336 = arith.constant 0 : i32
      %cond3A_337 = arith.cmpi ne, %convert_element_type3A_335, %cond3A_336 : i32
      scf.if %cond3A_337 {
        %dma_wait3A_338 = arith.constant 1 : i32
        %dma_wait3A_339 = arith.constant 1 : i32
        %dma_wait3A_340 = arith.constant 0 : i32
        %dma_wait3A_341 = arith.constant 0 : i32
        %dma_wait3A_342 = tpu.memref_slice %arg9[%dma_wait3A_338, %dma_wait3A_340, %dma_wait3A_341] : memref<4x128x64xbf16, #tpu.memory_space<vmem>> -> memref<1x128x64xbf16, #tpu.memory_space<vmem>>
        %dma_wait3A_343 = tpu.memref_squeeze %dma_wait3A_342 : memref<1x128x64xbf16, #tpu.memory_space<vmem>> -> memref<128x64xbf16, #tpu.memory_space<vmem>>
        %dma_wait3A_344 = arith.constant 0 : i32
        %dma_wait3A_345 = tpu.memref_slice %arg8[%sub3A_328, %dma_wait3A_344] : memref<112x128xi32, #tpu.memory_space<vmem>> -> memref<1x128xi32, #tpu.memory_space<vmem>>
        %dma_wait3A_346 = tpu.memref_squeeze %dma_wait3A_345 : memref<1x128xi32, #tpu.memory_space<vmem>> -> memref<128xi32, #tpu.memory_space<vmem>>
        %dma_wait3A_347 = arith.constant 0 : i32
        %dma_wait3A_348 = arith.constant 0 : i32
        %dma_wait3A_349 = tpu.memref_slice %arg10[%dma_wait3A_347, %dma_wait3A_348] : memref<10112x64xbf16, #tpu.memory_space<vmem_shared>> -> memref<10112x64xbf16, #tpu.memory_space<vmem_shared>>
        %dma_wait3A_350 = tpu.memref_slice %arg12[%dma_wait3A_339] : memref<4x!tpu.dma_semaphore, #tpu.memory_space<semaphore_mem>> -> memref<1x!tpu.dma_semaphore, #tpu.memory_space<semaphore_mem>>
        %dma_wait3A_351 = tpu.memref_squeeze %dma_wait3A_350 : memref<1x!tpu.dma_semaphore, #tpu.memory_space<semaphore_mem>> -> memref<!tpu.dma_semaphore, #tpu.memory_space<semaphore_mem>>
        tpu.wait_indirect_dma semaphore(%dma_wait3A_351 : memref<!tpu.dma_semaphore, #tpu.memory_space<semaphore_mem>>) src(%dma_wait3A_343 : memref<128x64xbf16, #tpu.memory_space<vmem>>) dst(%dma_wait3A_349 : memref<10112x64xbf16, #tpu.memory_space<vmem_shared>>)
        %add3A_352 = arith.constant 4 : i32
        %add3A_353 = arith.addi %sub3A_328, %add3A_352 : i32
        %dma_start3A_354 = arith.constant 1 : i32
        %dma_start3A_355 = arith.constant 1 : i32
        %dma_start3A_356 = arith.constant 0 : i32
        %dma_start3A_357 = arith.constant 0 : i32
        %dma_start3A_358 = tpu.memref_slice %arg9[%dma_start3A_354, %dma_start3A_356, %dma_start3A_357] : memref<4x128x64xbf16, #tpu.memory_space<vmem>> -> memref<1x128x64xbf16, #tpu.memory_space<vmem>>
        %dma_start3A_359 = tpu.memref_squeeze %dma_start3A_358 : memref<1x128x64xbf16, #tpu.memory_space<vmem>> -> memref<128x64xbf16, #tpu.memory_space<vmem>>
        %dma_start3A_360 = arith.constant 0 : i32
        %dma_start3A_361 = tpu.memref_slice %arg7[%add3A_353, %dma_start3A_360] : memref<112x128xi32, #tpu.memory_space<vmem>> -> memref<1x128xi32, #tpu.memory_space<vmem>>
        %dma_start3A_362 = tpu.memref_squeeze %dma_start3A_361 : memref<1x128xi32, #tpu.memory_space<vmem>> -> memref<128xi32, #tpu.memory_space<vmem>>
        %dma_start3A_363 = arith.constant 0 : i32
        %dma_start3A_364 = arith.constant 0 : i32
        %dma_start3A_365 = tpu.memref_slice %arg2[%dma_start3A_363, %dma_start3A_364] : memref<10000x64xbf16, #tpu.memory_space<hbm>> -> memref<10000x64xbf16, #tpu.memory_space<hbm>>
        %dma_start3A_366 = tpu.memref_slice %arg11[%dma_start3A_355] : memref<4x!tpu.dma_semaphore, #tpu.memory_space<semaphore_mem>> -> memref<1x!tpu.dma_semaphore, #tpu.memory_space<semaphore_mem>>
        %dma_start3A_367 = tpu.memref_squeeze %dma_start3A_366 : memref<1x!tpu.dma_semaphore, #tpu.memory_space<semaphore_mem>> -> memref<!tpu.dma_semaphore, #tpu.memory_space<semaphore_mem>>
        tpu.enqueue_indirect_dma source(%dma_start3A_365 : memref<10000x64xbf16, #tpu.memory_space<hbm>>) target(%dma_start3A_359 : memref<128x64xbf16, #tpu.memory_space<vmem>>) offsets(%dma_start3A_362 : memref<128xi32, #tpu.memory_space<vmem>>) semaphore(%dma_start3A_367 : memref<!tpu.dma_semaphore, #tpu.memory_space<semaphore_mem>>)
      } else {
      }
    }
    %while3A_95 = arith.constant 1 : i32
    scf.for %while3A_167 = %while3A_93 to %while3A_89 step %while3A_95  : i32 {
      %mul3A_168 = arith.constant 4 : i32
      %mul3A_169 = arith.muli %while3A_167, %mul3A_168 : i32
      %add3A_170 = arith.constant 0 : i32
      %add3A_171 = arith.addi %mul3A_169, %add3A_170 : i32
      %dma_wait3A_172 = arith.constant 0 : i32
      %dma_wait3A_173 = arith.constant 0 : i32
      %dma_wait3A_174 = arith.constant 0 : i32
      %dma_wait3A_175 = arith.constant 0 : i32
      %dma_wait3A_176 = tpu.memref_slice %arg9[%dma_wait3A_172, %dma_wait3A_174, %dma_wait3A_175] : memref<4x128x64xbf16, #tpu.memory_space<vmem>> -> memref<1x128x64xbf16, #tpu.memory_space<vmem>>
      %dma_wait3A_177 = tpu.memref_squeeze %dma_wait3A_176 : memref<1x128x64xbf16, #tpu.memory_space<vmem>> -> memref<128x64xbf16, #tpu.memory_space<vmem>>
      %dma_wait3A_178 = arith.constant 0 : i32
      %dma_wait3A_179 = tpu.memref_slice %arg7[%add3A_171, %dma_wait3A_178] : memref<112x128xi32, #tpu.memory_space<vmem>> -> memref<1x128xi32, #tpu.memory_space<vmem>>
      %dma_wait3A_180 = tpu.memref_squeeze %dma_wait3A_179 : memref<1x128xi32, #tpu.memory_space<vmem>> -> memref<128xi32, #tpu.memory_space<vmem>>
      %dma_wait3A_181 = arith.constant 0 : i32
      %dma_wait3A_182 = arith.constant 0 : i32
      %dma_wait3A_183 = tpu.memref_slice %arg2[%dma_wait3A_181, %dma_wait3A_182] : memref<10000x64xbf16, #tpu.memory_space<hbm>> -> memref<10000x64xbf16, #tpu.memory_space<hbm>>
      %dma_wait3A_184 = tpu.memref_slice %arg11[%dma_wait3A_173] : memref<4x!tpu.dma_semaphore, #tpu.memory_space<semaphore_mem>> -> memref<1x!tpu.dma_semaphore, #tpu.memory_space<semaphore_mem>>
      %dma_wait3A_185 = tpu.memref_squeeze %dma_wait3A_184 : memref<1x!tpu.dma_semaphore, #tpu.memory_space<semaphore_mem>> -> memref<!tpu.dma_semaphore, #tpu.memory_space<semaphore_mem>>
      tpu.wait_indirect_dma semaphore(%dma_wait3A_185 : memref<!tpu.dma_semaphore, #tpu.memory_space<semaphore_mem>>) src(%dma_wait3A_183 : memref<10000x64xbf16, #tpu.memory_space<hbm>>) dst(%dma_wait3A_177 : memref<128x64xbf16, #tpu.memory_space<vmem>>)
      %dma_start3A_186 = arith.constant 0 : i32
      %dma_start3A_187 = arith.constant 0 : i32
      %dma_start3A_188 = arith.constant 0 : i32
      %dma_start3A_189 = arith.constant 0 : i32
      %dma_start3A_190 = tpu.memref_slice %arg9[%dma_start3A_186, %dma_start3A_188, %dma_start3A_189] : memref<4x128x64xbf16, #tpu.memory_space<vmem>> -> memref<1x128x64xbf16, #tpu.memory_space<vmem>>
      %dma_start3A_191 = tpu.memref_squeeze %dma_start3A_190 : memref<1x128x64xbf16, #tpu.memory_space<vmem>> -> memref<128x64xbf16, #tpu.memory_space<vmem>>
      %dma_start3A_192 = arith.constant 0 : i32
      %dma_start3A_193 = tpu.memref_slice %arg8[%add3A_171, %dma_start3A_192] : memref<112x128xi32, #tpu.memory_space<vmem>> -> memref<1x128xi32, #tpu.memory_space<vmem>>
      %dma_start3A_194 = tpu.memref_squeeze %dma_start3A_193 : memref<1x128xi32, #tpu.memory_space<vmem>> -> memref<128xi32, #tpu.memory_space<vmem>>
      %dma_start3A_195 = arith.constant 0 : i32
      %dma_start3A_196 = arith.constant 0 : i32
      %dma_start3A_197 = tpu.memref_slice %arg10[%dma_start3A_195, %dma_start3A_196] : memref<10112x64xbf16, #tpu.memory_space<vmem_shared>> -> memref<10112x64xbf16, #tpu.memory_space<vmem_shared>>
      %dma_start3A_198 = tpu.memref_slice %arg12[%dma_start3A_187] : memref<4x!tpu.dma_semaphore, #tpu.memory_space<semaphore_mem>> -> memref<1x!tpu.dma_semaphore, #tpu.memory_space<semaphore_mem>>
      %dma_start3A_199 = tpu.memref_squeeze %dma_start3A_198 : memref<1x!tpu.dma_semaphore, #tpu.memory_space<semaphore_mem>> -> memref<!tpu.dma_semaphore, #tpu.memory_space<semaphore_mem>>
      tpu.enqueue_indirect_dma source(%dma_start3A_191 : memref<128x64xbf16, #tpu.memory_space<vmem>>) target(%dma_start3A_197 : memref<10112x64xbf16, #tpu.memory_space<vmem_shared>>) offsets(%dma_start3A_194 : memref<128xi32, #tpu.memory_space<vmem>>) semaphore(%dma_start3A_199 : memref<!tpu.dma_semaphore, #tpu.memory_space<semaphore_mem>>) {add = true}
      %sub3A_200 = arith.constant 2 : i32
      %sub3A_201 = arith.subi %add3A_171, %sub3A_200 : i32
      %ge3A = arith.constant 0 : i32
      %ge3A_202 = arith.cmpi sge, %sub3A_201, %ge3A : i32
      %sub3A_203 = arith.constant 2 : i32
      %sub3A_204 = arith.subi %select_n3A, %sub3A_203 : i32
      %lt3A = arith.cmpi slt, %add3A_171, %sub3A_204 : i32
      %and3A_205 = arith.andi %ge3A_202, %lt3A : i1
      %convert_element_type3A_206 = arith.extui %and3A_205 : i1 to i32
      %cond3A_207 = arith.constant 0 : i32
      %cond3A_208 = arith.cmpi ne, %convert_element_type3A_206, %cond3A_207 : i32
      scf.if %cond3A_208 {
        %dma_wait3A_338 = arith.constant 2 : i32
        %dma_wait3A_339 = arith.constant 2 : i32
        %dma_wait3A_340 = arith.constant 0 : i32
        %dma_wait3A_341 = arith.constant 0 : i32
        %dma_wait3A_342 = tpu.memref_slice %arg9[%dma_wait3A_338, %dma_wait3A_340, %dma_wait3A_341] : memref<4x128x64xbf16, #tpu.memory_space<vmem>> -> memref<1x128x64xbf16, #tpu.memory_space<vmem>>
        %dma_wait3A_343 = tpu.memref_squeeze %dma_wait3A_342 : memref<1x128x64xbf16, #tpu.memory_space<vmem>> -> memref<128x64xbf16, #tpu.memory_space<vmem>>
        %dma_wait3A_344 = arith.constant 0 : i32
        %dma_wait3A_345 = tpu.memref_slice %arg8[%sub3A_201, %dma_wait3A_344] : memref<112x128xi32, #tpu.memory_space<vmem>> -> memref<1x128xi32, #tpu.memory_space<vmem>>
        %dma_wait3A_346 = tpu.memref_squeeze %dma_wait3A_345 : memref<1x128xi32, #tpu.memory_space<vmem>> -> memref<128xi32, #tpu.memory_space<vmem>>
        %dma_wait3A_347 = arith.constant 0 : i32
        %dma_wait3A_348 = arith.constant 0 : i32
        %dma_wait3A_349 = tpu.memref_slice %arg10[%dma_wait3A_347, %dma_wait3A_348] : memref<10112x64xbf16, #tpu.memory_space<vmem_shared>> -> memref<10112x64xbf16, #tpu.memory_space<vmem_shared>>
        %dma_wait3A_350 = tpu.memref_slice %arg12[%dma_wait3A_339] : memref<4x!tpu.dma_semaphore, #tpu.memory_space<semaphore_mem>> -> memref<1x!tpu.dma_semaphore, #tpu.memory_space<semaphore_mem>>
        %dma_wait3A_351 = tpu.memref_squeeze %dma_wait3A_350 : memref<1x!tpu.dma_semaphore, #tpu.memory_space<semaphore_mem>> -> memref<!tpu.dma_semaphore, #tpu.memory_space<semaphore_mem>>
        tpu.wait_indirect_dma semaphore(%dma_wait3A_351 : memref<!tpu.dma_semaphore, #tpu.memory_space<semaphore_mem>>) src(%dma_wait3A_343 : memref<128x64xbf16, #tpu.memory_space<vmem>>) dst(%dma_wait3A_349 : memref<10112x64xbf16, #tpu.memory_space<vmem_shared>>)
        %add3A_352 = arith.constant 4 : i32
        %add3A_353 = arith.addi %sub3A_201, %add3A_352 : i32
        %dma_start3A_354 = arith.constant 2 : i32
        %dma_start3A_355 = arith.constant 2 : i32
        %dma_start3A_356 = arith.constant 0 : i32
        %dma_start3A_357 = arith.constant 0 : i32
        %dma_start3A_358 = tpu.memref_slice %arg9[%dma_start3A_354, %dma_start3A_356, %dma_start3A_357] : memref<4x128x64xbf16, #tpu.memory_space<vmem>> -> memref<1x128x64xbf16, #tpu.memory_space<vmem>>
        %dma_start3A_359 = tpu.memref_squeeze %dma_start3A_358 : memref<1x128x64xbf16, #tpu.memory_space<vmem>> -> memref<128x64xbf16, #tpu.memory_space<vmem>>
        %dma_start3A_360 = arith.constant 0 : i32
        %dma_start3A_361 = tpu.memref_slice %arg7[%add3A_353, %dma_start3A_360] : memref<112x128xi32, #tpu.memory_space<vmem>> -> memref<1x128xi32, #tpu.memory_space<vmem>>
        %dma_start3A_362 = tpu.memref_squeeze %dma_start3A_361 : memref<1x128xi32, #tpu.memory_space<vmem>> -> memref<128xi32, #tpu.memory_space<vmem>>
        %dma_start3A_363 = arith.constant 0 : i32
        %dma_start3A_364 = arith.constant 0 : i32
        %dma_start3A_365 = tpu.memref_slice %arg2[%dma_start3A_363, %dma_start3A_364] : memref<10000x64xbf16, #tpu.memory_space<hbm>> -> memref<10000x64xbf16, #tpu.memory_space<hbm>>
        %dma_start3A_366 = tpu.memref_slice %arg11[%dma_start3A_355] : memref<4x!tpu.dma_semaphore, #tpu.memory_space<semaphore_mem>> -> memref<1x!tpu.dma_semaphore, #tpu.memory_space<semaphore_mem>>
        %dma_start3A_367 = tpu.memref_squeeze %dma_start3A_366 : memref<1x!tpu.dma_semaphore, #tpu.memory_space<semaphore_mem>> -> memref<!tpu.dma_semaphore, #tpu.memory_space<semaphore_mem>>
        tpu.enqueue_indirect_dma source(%dma_start3A_365 : memref<10000x64xbf16, #tpu.memory_space<hbm>>) target(%dma_start3A_359 : memref<128x64xbf16, #tpu.memory_space<vmem>>) offsets(%dma_start3A_362 : memref<128xi32, #tpu.memory_space<vmem>>) semaphore(%dma_start3A_367 : memref<!tpu.dma_semaphore, #tpu.memory_space<semaphore_mem>>)
      } else {
      }
      %mul3A_209 = arith.constant 4 : i32
      %mul3A_210 = arith.muli %while3A_167, %mul3A_209 : i32
      %add3A_211 = arith.constant 1 : i32
      %add3A_212 = arith.addi %mul3A_210, %add3A_211 : i32
      %dma_wait3A_213 = arith.constant 1 : i32
      %dma_wait3A_214 = arith.constant 1 : i32
      %dma_wait3A_215 = arith.constant 0 : i32
      %dma_wait3A_216 = arith.constant 0 : i32
      %dma_wait3A_217 = tpu.memref_slice %arg9[%dma_wait3A_213, %dma_wait3A_215, %dma_wait3A_216] : memref<4x128x64xbf16, #tpu.memory_space<vmem>> -> memref<1x128x64xbf16, #tpu.memory_space<vmem>>
      %dma_wait3A_218 = tpu.memref_squeeze %dma_wait3A_217 : memref<1x128x64xbf16, #tpu.memory_space<vmem>> -> memref<128x64xbf16, #tpu.memory_space<vmem>>
      %dma_wait3A_219 = arith.constant 0 : i32
      %dma_wait3A_220 = tpu.memref_slice %arg7[%add3A_212, %dma_wait3A_219] : memref<112x128xi32, #tpu.memory_space<vmem>> -> memref<1x128xi32, #tpu.memory_space<vmem>>
      %dma_wait3A_221 = tpu.memref_squeeze %dma_wait3A_220 : memref<1x128xi32, #tpu.memory_space<vmem>> -> memref<128xi32, #tpu.memory_space<vmem>>
      %dma_wait3A_222 = arith.constant 0 : i32
      %dma_wait3A_223 = arith.constant 0 : i32
      %dma_wait3A_224 = tpu.memref_slice %arg2[%dma_wait3A_222, %dma_wait3A_223] : memref<10000x64xbf16, #tpu.memory_space<hbm>> -> memref<10000x64xbf16, #tpu.memory_space<hbm>>
      %dma_wait3A_225 = tpu.memref_slice %arg11[%dma_wait3A_214] : memref<4x!tpu.dma_semaphore, #tpu.memory_space<semaphore_mem>> -> memref<1x!tpu.dma_semaphore, #tpu.memory_space<semaphore_mem>>
      %dma_wait3A_226 = tpu.memref_squeeze %dma_wait3A_225 : memref<1x!tpu.dma_semaphore, #tpu.memory_space<semaphore_mem>> -> memref<!tpu.dma_semaphore, #tpu.memory_space<semaphore_mem>>
      tpu.wait_indirect_dma semaphore(%dma_wait3A_226 : memref<!tpu.dma_semaphore, #tpu.memory_space<semaphore_mem>>) src(%dma_wait3A_224 : memref<10000x64xbf16, #tpu.memory_space<hbm>>) dst(%dma_wait3A_218 : memref<128x64xbf16, #tpu.memory_space<vmem>>)
      %dma_start3A_227 = arith.constant 1 : i32
      %dma_start3A_228 = arith.constant 1 : i32
      %dma_start3A_229 = arith.constant 0 : i32
      %dma_start3A_230 = arith.constant 0 : i32
      %dma_start3A_231 = tpu.memref_slice %arg9[%dma_start3A_227, %dma_start3A_229, %dma_start3A_230] : memref<4x128x64xbf16, #tpu.memory_space<vmem>> -> memref<1x128x64xbf16, #tpu.memory_space<vmem>>
      %dma_start3A_232 = tpu.memref_squeeze %dma_start3A_231 : memref<1x128x64xbf16, #tpu.memory_space<vmem>> -> memref<128x64xbf16, #tpu.memory_space<vmem>>
      %dma_start3A_233 = arith.constant 0 : i32
      %dma_start3A_234 = tpu.memref_slice %arg8[%add3A_212, %dma_start3A_233] : memref<112x128xi32, #tpu.memory_space<vmem>> -> memref<1x128xi32, #tpu.memory_space<vmem>>
      %dma_start3A_235 = tpu.memref_squeeze %dma_start3A_234 : memref<1x128xi32, #tpu.memory_space<vmem>> -> memref<128xi32, #tpu.memory_space<vmem>>
      %dma_start3A_236 = arith.constant 0 : i32
      %dma_start3A_237 = arith.constant 0 : i32
      %dma_start3A_238 = tpu.memref_slice %arg10[%dma_start3A_236, %dma_start3A_237] : memref<10112x64xbf16, #tpu.memory_space<vmem_shared>> -> memref<10112x64xbf16, #tpu.memory_space<vmem_shared>>
      %dma_start3A_239 = tpu.memref_slice %arg12[%dma_start3A_228] : memref<4x!tpu.dma_semaphore, #tpu.memory_space<semaphore_mem>> -> memref<1x!tpu.dma_semaphore, #tpu.memory_space<semaphore_mem>>
      %dma_start3A_240 = tpu.memref_squeeze %dma_start3A_239 : memref<1x!tpu.dma_semaphore, #tpu.memory_space<semaphore_mem>> -> memref<!tpu.dma_semaphore, #tpu.memory_space<semaphore_mem>>
      tpu.enqueue_indirect_dma source(%dma_start3A_232 : memref<128x64xbf16, #tpu.memory_space<vmem>>) target(%dma_start3A_238 : memref<10112x64xbf16, #tpu.memory_space<vmem_shared>>) offsets(%dma_start3A_235 : memref<128xi32, #tpu.memory_space<vmem>>) semaphore(%dma_start3A_240 : memref<!tpu.dma_semaphore, #tpu.memory_space<semaphore_mem>>) {add = true}
      %sub3A_241 = arith.constant 2 : i32
      %sub3A_242 = arith.subi %add3A_212, %sub3A_241 : i32
      %ge3A_243 = arith.constant 0 : i32
      %ge3A_244 = arith.cmpi sge, %sub3A_242, %ge3A_243 : i32
      %sub3A_245 = arith.constant 2 : i32
      %sub3A_246 = arith.subi %select_n3A, %sub3A_245 : i32
      %lt3A_247 = arith.cmpi slt, %add3A_212, %sub3A_246 : i32
      %and3A_248 = arith.andi %ge3A_244, %lt3A_247 : i1
      %convert_element_type3A_249 = arith.extui %and3A_248 : i1 to i32
      %cond3A_250 = arith.constant 0 : i32
      %cond3A_251 = arith.cmpi ne, %convert_element_type3A_249, %cond3A_250 : i32
      scf.if %cond3A_251 {
        %dma_wait3A_338 = arith.constant 3 : i32
        %dma_wait3A_339 = arith.constant 3 : i32
        %dma_wait3A_340 = arith.constant 0 : i32
        %dma_wait3A_341 = arith.constant 0 : i32
        %dma_wait3A_342 = tpu.memref_slice %arg9[%dma_wait3A_338, %dma_wait3A_340, %dma_wait3A_341] : memref<4x128x64xbf16, #tpu.memory_space<vmem>> -> memref<1x128x64xbf16, #tpu.memory_space<vmem>>
        %dma_wait3A_343 = tpu.memref_squeeze %dma_wait3A_342 : memref<1x128x64xbf16, #tpu.memory_space<vmem>> -> memref<128x64xbf16, #tpu.memory_space<vmem>>
        %dma_wait3A_344 = arith.constant 0 : i32
        %dma_wait3A_345 = tpu.memref_slice %arg8[%sub3A_242, %dma_wait3A_344] : memref<112x128xi32, #tpu.memory_space<vmem>> -> memref<1x128xi32, #tpu.memory_space<vmem>>
        %dma_wait3A_346 = tpu.memref_squeeze %dma_wait3A_345 : memref<1x128xi32, #tpu.memory_space<vmem>> -> memref<128xi32, #tpu.memory_space<vmem>>
        %dma_wait3A_347 = arith.constant 0 : i32
        %dma_wait3A_348 = arith.constant 0 : i32
        %dma_wait3A_349 = tpu.memref_slice %arg10[%dma_wait3A_347, %dma_wait3A_348] : memref<10112x64xbf16, #tpu.memory_space<vmem_shared>> -> memref<10112x64xbf16, #tpu.memory_space<vmem_shared>>
        %dma_wait3A_350 = tpu.memref_slice %arg12[%dma_wait3A_339] : memref<4x!tpu.dma_semaphore, #tpu.memory_space<semaphore_mem>> -> memref<1x!tpu.dma_semaphore, #tpu.memory_space<semaphore_mem>>
        %dma_wait3A_351 = tpu.memref_squeeze %dma_wait3A_350 : memref<1x!tpu.dma_semaphore, #tpu.memory_space<semaphore_mem>> -> memref<!tpu.dma_semaphore, #tpu.memory_space<semaphore_mem>>
        tpu.wait_indirect_dma semaphore(%dma_wait3A_351 : memref<!tpu.dma_semaphore, #tpu.memory_space<semaphore_mem>>) src(%dma_wait3A_343 : memref<128x64xbf16, #tpu.memory_space<vmem>>) dst(%dma_wait3A_349 : memref<10112x64xbf16, #tpu.memory_space<vmem_shared>>)
        %add3A_352 = arith.constant 4 : i32
        %add3A_353 = arith.addi %sub3A_242, %add3A_352 : i32
        %dma_start3A_354 = arith.constant 3 : i32
        %dma_start3A_355 = arith.constant 3 : i32
        %dma_start3A_356 = arith.constant 0 : i32
        %dma_start3A_357 = arith.constant 0 : i32
        %dma_start3A_358 = tpu.memref_slice %arg9[%dma_start3A_354, %dma_start3A_356, %dma_start3A_357] : memref<4x128x64xbf16, #tpu.memory_space<vmem>> -> memref<1x128x64xbf16, #tpu.memory_space<vmem>>
        %dma_start3A_359 = tpu.memref_squeeze %dma_start3A_358 : memref<1x128x64xbf16, #tpu.memory_space<vmem>> -> memref<128x64xbf16, #tpu.memory_space<vmem>>
        %dma_start3A_360 = arith.constant 0 : i32
        %dma_start3A_361 = tpu.memref_slice %arg7[%add3A_353, %dma_start3A_360] : memref<112x128xi32, #tpu.memory_space<vmem>> -> memref<1x128xi32, #tpu.memory_space<vmem>>
        %dma_start3A_362 = tpu.memref_squeeze %dma_start3A_361 : memref<1x128xi32, #tpu.memory_space<vmem>> -> memref<128xi32, #tpu.memory_space<vmem>>
        %dma_start3A_363 = arith.constant 0 : i32
        %dma_start3A_364 = arith.constant 0 : i32
        %dma_start3A_365 = tpu.memref_slice %arg2[%dma_start3A_363, %dma_start3A_364] : memref<10000x64xbf16, #tpu.memory_space<hbm>> -> memref<10000x64xbf16, #tpu.memory_space<hbm>>
        %dma_start3A_366 = tpu.memref_slice %arg11[%dma_start3A_355] : memref<4x!tpu.dma_semaphore, #tpu.memory_space<semaphore_mem>> -> memref<1x!tpu.dma_semaphore, #tpu.memory_space<semaphore_mem>>
        %dma_start3A_367 = tpu.memref_squeeze %dma_start3A_366 : memref<1x!tpu.dma_semaphore, #tpu.memory_space<semaphore_mem>> -> memref<!tpu.dma_semaphore, #tpu.memory_space<semaphore_mem>>
        tpu.enqueue_indirect_dma source(%dma_start3A_365 : memref<10000x64xbf16, #tpu.memory_space<hbm>>) target(%dma_start3A_359 : memref<128x64xbf16, #tpu.memory_space<vmem>>) offsets(%dma_start3A_362 : memref<128xi32, #tpu.memory_space<vmem>>) semaphore(%dma_start3A_367 : memref<!tpu.dma_semaphore, #tpu.memory_space<semaphore_mem>>)
      } else {
      }
      %mul3A_252 = arith.constant 4 : i32
      %mul3A_253 = arith.muli %while3A_167, %mul3A_252 : i32
      %add3A_254 = arith.constant 2 : i32
      %add3A_255 = arith.addi %mul3A_253, %add3A_254 : i32
      %dma_wait3A_256 = arith.constant 2 : i32
      %dma_wait3A_257 = arith.constant 2 : i32
      %dma_wait3A_258 = arith.constant 0 : i32
      %dma_wait3A_259 = arith.constant 0 : i32
      %dma_wait3A_260 = tpu.memref_slice %arg9[%dma_wait3A_256, %dma_wait3A_258, %dma_wait3A_259] : memref<4x128x64xbf16, #tpu.memory_space<vmem>> -> memref<1x128x64xbf16, #tpu.memory_space<vmem>>
      %dma_wait3A_261 = tpu.memref_squeeze %dma_wait3A_260 : memref<1x128x64xbf16, #tpu.memory_space<vmem>> -> memref<128x64xbf16, #tpu.memory_space<vmem>>
      %dma_wait3A_262 = arith.constant 0 : i32
      %dma_wait3A_263 = tpu.memref_slice %arg7[%add3A_255, %dma_wait3A_262] : memref<112x128xi32, #tpu.memory_space<vmem>> -> memref<1x128xi32, #tpu.memory_space<vmem>>
      %dma_wait3A_264 = tpu.memref_squeeze %dma_wait3A_263 : memref<1x128xi32, #tpu.memory_space<vmem>> -> memref<128xi32, #tpu.memory_space<vmem>>
      %dma_wait3A_265 = arith.constant 0 : i32
      %dma_wait3A_266 = arith.constant 0 : i32
      %dma_wait3A_267 = tpu.memref_slice %arg2[%dma_wait3A_265, %dma_wait3A_266] : memref<10000x64xbf16, #tpu.memory_space<hbm>> -> memref<10000x64xbf16, #tpu.memory_space<hbm>>
      %dma_wait3A_268 = tpu.memref_slice %arg11[%dma_wait3A_257] : memref<4x!tpu.dma_semaphore, #tpu.memory_space<semaphore_mem>> -> memref<1x!tpu.dma_semaphore, #tpu.memory_space<semaphore_mem>>
      %dma_wait3A_269 = tpu.memref_squeeze %dma_wait3A_268 : memref<1x!tpu.dma_semaphore, #tpu.memory_space<semaphore_mem>> -> memref<!tpu.dma_semaphore, #tpu.memory_space<semaphore_mem>>
      tpu.wait_indirect_dma semaphore(%dma_wait3A_269 : memref<!tpu.dma_semaphore, #tpu.memory_space<semaphore_mem>>) src(%dma_wait3A_267 : memref<10000x64xbf16, #tpu.memory_space<hbm>>) dst(%dma_wait3A_261 : memref<128x64xbf16, #tpu.memory_space<vmem>>)
      %dma_start3A_270 = arith.constant 2 : i32
      %dma_start3A_271 = arith.constant 2 : i32
      %dma_start3A_272 = arith.constant 0 : i32
      %dma_start3A_273 = arith.constant 0 : i32
      %dma_start3A_274 = tpu.memref_slice %arg9[%dma_start3A_270, %dma_start3A_272, %dma_start3A_273] : memref<4x128x64xbf16, #tpu.memory_space<vmem>> -> memref<1x128x64xbf16, #tpu.memory_space<vmem>>
      %dma_start3A_275 = tpu.memref_squeeze %dma_start3A_274 : memref<1x128x64xbf16, #tpu.memory_space<vmem>> -> memref<128x64xbf16, #tpu.memory_space<vmem>>
      %dma_start3A_276 = arith.constant 0 : i32
      %dma_start3A_277 = tpu.memref_slice %arg8[%add3A_255, %dma_start3A_276] : memref<112x128xi32, #tpu.memory_space<vmem>> -> memref<1x128xi32, #tpu.memory_space<vmem>>
      %dma_start3A_278 = tpu.memref_squeeze %dma_start3A_277 : memref<1x128xi32, #tpu.memory_space<vmem>> -> memref<128xi32, #tpu.memory_space<vmem>>
      %dma_start3A_279 = arith.constant 0 : i32
      %dma_start3A_280 = arith.constant 0 : i32
      %dma_start3A_281 = tpu.memref_slice %arg10[%dma_start3A_279, %dma_start3A_280] : memref<10112x64xbf16, #tpu.memory_space<vmem_shared>> -> memref<10112x64xbf16, #tpu.memory_space<vmem_shared>>
      %dma_start3A_282 = tpu.memref_slice %arg12[%dma_start3A_271] : memref<4x!tpu.dma_semaphore, #tpu.memory_space<semaphore_mem>> -> memref<1x!tpu.dma_semaphore, #tpu.memory_space<semaphore_mem>>
      %dma_start3A_283 = tpu.memref_squeeze %dma_start3A_282 : memref<1x!tpu.dma_semaphore, #tpu.memory_space<semaphore_mem>> -> memref<!tpu.dma_semaphore, #tpu.memory_space<semaphore_mem>>
      tpu.enqueue_indirect_dma source(%dma_start3A_275 : memref<128x64xbf16, #tpu.memory_space<vmem>>) target(%dma_start3A_281 : memref<10112x64xbf16, #tpu.memory_space<vmem_shared>>) offsets(%dma_start3A_278 : memref<128xi32, #tpu.memory_space<vmem>>) semaphore(%dma_start3A_283 : memref<!tpu.dma_semaphore, #tpu.memory_space<semaphore_mem>>) {add = true}
      %sub3A_284 = arith.constant 2 : i32
      %sub3A_285 = arith.subi %add3A_255, %sub3A_284 : i32
      %ge3A_286 = arith.constant 0 : i32
      %ge3A_287 = arith.cmpi sge, %sub3A_285, %ge3A_286 : i32
      %sub3A_288 = arith.constant 2 : i32
      %sub3A_289 = arith.subi %select_n3A, %sub3A_288 : i32
      %lt3A_290 = arith.cmpi slt, %add3A_255, %sub3A_289 : i32
      %and3A_291 = arith.andi %ge3A_287, %lt3A_290 : i1
      %convert_element_type3A_292 = arith.extui %and3A_291 : i1 to i32
      %cond3A_293 = arith.constant 0 : i32
      %cond3A_294 = arith.cmpi ne, %convert_element_type3A_292, %cond3A_293 : i32
      scf.if %cond3A_294 {
        %dma_wait3A_338 = arith.constant 0 : i32
        %dma_wait3A_339 = arith.constant 0 : i32
        %dma_wait3A_340 = arith.constant 0 : i32
        %dma_wait3A_341 = arith.constant 0 : i32
        %dma_wait3A_342 = tpu.memref_slice %arg9[%dma_wait3A_338, %dma_wait3A_340, %dma_wait3A_341] : memref<4x128x64xbf16, #tpu.memory_space<vmem>> -> memref<1x128x64xbf16, #tpu.memory_space<vmem>>
        %dma_wait3A_343 = tpu.memref_squeeze %dma_wait3A_342 : memref<1x128x64xbf16, #tpu.memory_space<vmem>> -> memref<128x64xbf16, #tpu.memory_space<vmem>>
        %dma_wait3A_344 = arith.constant 0 : i32
        %dma_wait3A_345 = tpu.memref_slice %arg8[%sub3A_285, %dma_wait3A_344] : memref<112x128xi32, #tpu.memory_space<vmem>> -> memref<1x128xi32, #tpu.memory_space<vmem>>
        %dma_wait3A_346 = tpu.memref_squeeze %dma_wait3A_345 : memref<1x128xi32, #tpu.memory_space<vmem>> -> memref<128xi32, #tpu.memory_space<vmem>>
        %dma_wait3A_347 = arith.constant 0 : i32
        %dma_wait3A_348 = arith.constant 0 : i32
        %dma_wait3A_349 = tpu.memref_slice %arg10[%dma_wait3A_347, %dma_wait3A_348] : memref<10112x64xbf16, #tpu.memory_space<vmem_shared>> -> memref<10112x64xbf16, #tpu.memory_space<vmem_shared>>
        %dma_wait3A_350 = tpu.memref_slice %arg12[%dma_wait3A_339] : memref<4x!tpu.dma_semaphore, #tpu.memory_space<semaphore_mem>> -> memref<1x!tpu.dma_semaphore, #tpu.memory_space<semaphore_mem>>
        %dma_wait3A_351 = tpu.memref_squeeze %dma_wait3A_350 : memref<1x!tpu.dma_semaphore, #tpu.memory_space<semaphore_mem>> -> memref<!tpu.dma_semaphore, #tpu.memory_space<semaphore_mem>>
        tpu.wait_indirect_dma semaphore(%dma_wait3A_351 : memref<!tpu.dma_semaphore, #tpu.memory_space<semaphore_mem>>) src(%dma_wait3A_343 : memref<128x64xbf16, #tpu.memory_space<vmem>>) dst(%dma_wait3A_349 : memref<10112x64xbf16, #tpu.memory_space<vmem_shared>>)
        %add3A_352 = arith.constant 4 : i32
        %add3A_353 = arith.addi %sub3A_285, %add3A_352 : i32
        %dma_start3A_354 = arith.constant 0 : i32
        %dma_start3A_355 = arith.constant 0 : i32
        %dma_start3A_356 = arith.constant 0 : i32
        %dma_start3A_357 = arith.constant 0 : i32
        %dma_start3A_358 = tpu.memref_slice %arg9[%dma_start3A_354, %dma_start3A_356, %dma_start3A_357] : memref<4x128x64xbf16, #tpu.memory_space<vmem>> -> memref<1x128x64xbf16, #tpu.memory_space<vmem>>
        %dma_start3A_359 = tpu.memref_squeeze %dma_start3A_358 : memref<1x128x64xbf16, #tpu.memory_space<vmem>> -> memref<128x64xbf16, #tpu.memory_space<vmem>>
        %dma_start3A_360 = arith.constant 0 : i32
        %dma_start3A_361 = tpu.memref_slice %arg7[%add3A_353, %dma_start3A_360] : memref<112x128xi32, #tpu.memory_space<vmem>> -> memref<1x128xi32, #tpu.memory_space<vmem>>
        %dma_start3A_362 = tpu.memref_squeeze %dma_start3A_361 : memref<1x128xi32, #tpu.memory_space<vmem>> -> memref<128xi32, #tpu.memory_space<vmem>>
        %dma_start3A_363 = arith.constant 0 : i32
        %dma_start3A_364 = arith.constant 0 : i32
        %dma_start3A_365 = tpu.memref_slice %arg2[%dma_start3A_363, %dma_start3A_364] : memref<10000x64xbf16, #tpu.memory_space<hbm>> -> memref<10000x64xbf16, #tpu.memory_space<hbm>>
        %dma_start3A_366 = tpu.memref_slice %arg11[%dma_start3A_355] : memref<4x!tpu.dma_semaphore, #tpu.memory_space<semaphore_mem>> -> memref<1x!tpu.dma_semaphore, #tpu.memory_space<semaphore_mem>>
        %dma_start3A_367 = tpu.memref_squeeze %dma_start3A_366 : memref<1x!tpu.dma_semaphore, #tpu.memory_space<semaphore_mem>> -> memref<!tpu.dma_semaphore, #tpu.memory_space<semaphore_mem>>
        tpu.enqueue_indirect_dma source(%dma_start3A_365 : memref<10000x64xbf16, #tpu.memory_space<hbm>>) target(%dma_start3A_359 : memref<128x64xbf16, #tpu.memory_space<vmem>>) offsets(%dma_start3A_362 : memref<128xi32, #tpu.memory_space<vmem>>) semaphore(%dma_start3A_367 : memref<!tpu.dma_semaphore, #tpu.memory_space<semaphore_mem>>)
      } else {
      }
      %mul3A_295 = arith.constant 4 : i32
      %mul3A_296 = arith.muli %while3A_167, %mul3A_295 : i32
      %add3A_297 = arith.constant 3 : i32
      %add3A_298 = arith.addi %mul3A_296, %add3A_297 : i32
      %dma_wait3A_299 = arith.constant 3 : i32
      %dma_wait3A_300 = arith.constant 3 : i32
      %dma_wait3A_301 = arith.constant 0 : i32
      %dma_wait3A_302 = arith.constant 0 : i32
      %dma_wait3A_303 = tpu.memref_slice %arg9[%dma_wait3A_299, %dma_wait3A_301, %dma_wait3A_302] : memref<4x128x64xbf16, #tpu.memory_space<vmem>> -> memref<1x128x64xbf16, #tpu.memory_space<vmem>>
      %dma_wait3A_304 = tpu.memref_squeeze %dma_wait3A_303 : memref<1x128x64xbf16, #tpu.memory_space<vmem>> -> memref<128x64xbf16, #tpu.memory_space<vmem>>
      %dma_wait3A_305 = arith.constant 0 : i32
      %dma_wait3A_306 = tpu.memref_slice %arg7[%add3A_298, %dma_wait3A_305] : memref<112x128xi32, #tpu.memory_space<vmem>> -> memref<1x128xi32, #tpu.memory_space<vmem>>
      %dma_wait3A_307 = tpu.memref_squeeze %dma_wait3A_306 : memref<1x128xi32, #tpu.memory_space<vmem>> -> memref<128xi32, #tpu.memory_space<vmem>>
      %dma_wait3A_308 = arith.constant 0 : i32
      %dma_wait3A_309 = arith.constant 0 : i32
      %dma_wait3A_310 = tpu.memref_slice %arg2[%dma_wait3A_308, %dma_wait3A_309] : memref<10000x64xbf16, #tpu.memory_space<hbm>> -> memref<10000x64xbf16, #tpu.memory_space<hbm>>
      %dma_wait3A_311 = tpu.memref_slice %arg11[%dma_wait3A_300] : memref<4x!tpu.dma_semaphore, #tpu.memory_space<semaphore_mem>> -> memref<1x!tpu.dma_semaphore, #tpu.memory_space<semaphore_mem>>
      %dma_wait3A_312 = tpu.memref_squeeze %dma_wait3A_311 : memref<1x!tpu.dma_semaphore, #tpu.memory_space<semaphore_mem>> -> memref<!tpu.dma_semaphore, #tpu.memory_space<semaphore_mem>>
      tpu.wait_indirect_dma semaphore(%dma_wait3A_312 : memref<!tpu.dma_semaphore, #tpu.memory_space<semaphore_mem>>) src(%dma_wait3A_310 : memref<10000x64xbf16, #tpu.memory_space<hbm>>) dst(%dma_wait3A_304 : memref<128x64xbf16, #tpu.memory_space<vmem>>)
      %dma_start3A_313 = arith.constant 3 : i32
      %dma_start3A_314 = arith.constant 3 : i32
      %dma_start3A_315 = arith.constant 0 : i32
      %dma_start3A_316 = arith.constant 0 : i32
      %dma_start3A_317 = tpu.memref_slice %arg9[%dma_start3A_313, %dma_start3A_315, %dma_start3A_316] : memref<4x128x64xbf16, #tpu.memory_space<vmem>> -> memref<1x128x64xbf16, #tpu.memory_space<vmem>>
      %dma_start3A_318 = tpu.memref_squeeze %dma_start3A_317 : memref<1x128x64xbf16, #tpu.memory_space<vmem>> -> memref<128x64xbf16, #tpu.memory_space<vmem>>
      %dma_start3A_319 = arith.constant 0 : i32
      %dma_start3A_320 = tpu.memref_slice %arg8[%add3A_298, %dma_start3A_319] : memref<112x128xi32, #tpu.memory_space<vmem>> -> memref<1x128xi32, #tpu.memory_space<vmem>>
      %dma_start3A_321 = tpu.memref_squeeze %dma_start3A_320 : memref<1x128xi32, #tpu.memory_space<vmem>> -> memref<128xi32, #tpu.memory_space<vmem>>
      %dma_start3A_322 = arith.constant 0 : i32
      %dma_start3A_323 = arith.constant 0 : i32
      %dma_start3A_324 = tpu.memref_slice %arg10[%dma_start3A_322, %dma_start3A_323] : memref<10112x64xbf16, #tpu.memory_space<vmem_shared>> -> memref<10112x64xbf16, #tpu.memory_space<vmem_shared>>
      %dma_start3A_325 = tpu.memref_slice %arg12[%dma_start3A_314] : memref<4x!tpu.dma_semaphore, #tpu.memory_space<semaphore_mem>> -> memref<1x!tpu.dma_semaphore, #tpu.memory_space<semaphore_mem>>
      %dma_start3A_326 = tpu.memref_squeeze %dma_start3A_325 : memref<1x!tpu.dma_semaphore, #tpu.memory_space<semaphore_mem>> -> memref<!tpu.dma_semaphore, #tpu.memory_space<semaphore_mem>>
      tpu.enqueue_indirect_dma source(%dma_start3A_318 : memref<128x64xbf16, #tpu.memory_space<vmem>>) target(%dma_start3A_324 : memref<10112x64xbf16, #tpu.memory_space<vmem_shared>>) offsets(%dma_start3A_321 : memref<128xi32, #tpu.memory_space<vmem>>) semaphore(%dma_start3A_326 : memref<!tpu.dma_semaphore, #tpu.memory_space<semaphore_mem>>) {add = true}
      %sub3A_327 = arith.constant 2 : i32
      %sub3A_328 = arith.subi %add3A_298, %sub3A_327 : i32
      %ge3A_329 = arith.constant 0 : i32
      %ge3A_330 = arith.cmpi sge, %sub3A_328, %ge3A_329 : i32
      %sub3A_331 = arith.constant 2 : i32
      %sub3A_332 = arith.subi %select_n3A, %sub3A_331 : i32
      %lt3A_333 = arith.cmpi slt, %add3A_298, %sub3A_332 : i32
      %and3A_334 = arith.andi %ge3A_330, %lt3A_333 : i1
      %convert_element_type3A_335 = arith.extui %and3A_334 : i1 to i32
      %cond3A_336 = arith.constant 0 : i32
      %cond3A_337 = arith.cmpi ne, %convert_element_type3A_335, %cond3A_336 : i32
      scf.if %cond3A_337 {
        %dma_wait3A_338 = arith.constant 1 : i32
        %dma_wait3A_339 = arith.constant 1 : i32
        %dma_wait3A_340 = arith.constant 0 : i32
        %dma_wait3A_341 = arith.constant 0 : i32
        %dma_wait3A_342 = tpu.memref_slice %arg9[%dma_wait3A_338, %dma_wait3A_340, %dma_wait3A_341] : memref<4x128x64xbf16, #tpu.memory_space<vmem>> -> memref<1x128x64xbf16, #tpu.memory_space<vmem>>
        %dma_wait3A_343 = tpu.memref_squeeze %dma_wait3A_342 : memref<1x128x64xbf16, #tpu.memory_space<vmem>> -> memref<128x64xbf16, #tpu.memory_space<vmem>>
        %dma_wait3A_344 = arith.constant 0 : i32
        %dma_wait3A_345 = tpu.memref_slice %arg8[%sub3A_328, %dma_wait3A_344] : memref<112x128xi32, #tpu.memory_space<vmem>> -> memref<1x128xi32, #tpu.memory_space<vmem>>
        %dma_wait3A_346 = tpu.memref_squeeze %dma_wait3A_345 : memref<1x128xi32, #tpu.memory_space<vmem>> -> memref<128xi32, #tpu.memory_space<vmem>>
        %dma_wait3A_347 = arith.constant 0 : i32
        %dma_wait3A_348 = arith.constant 0 : i32
        %dma_wait3A_349 = tpu.memref_slice %arg10[%dma_wait3A_347, %dma_wait3A_348] : memref<10112x64xbf16, #tpu.memory_space<vmem_shared>> -> memref<10112x64xbf16, #tpu.memory_space<vmem_shared>>
        %dma_wait3A_350 = tpu.memref_slice %arg12[%dma_wait3A_339] : memref<4x!tpu.dma_semaphore, #tpu.memory_space<semaphore_mem>> -> memref<1x!tpu.dma_semaphore, #tpu.memory_space<semaphore_mem>>
        %dma_wait3A_351 = tpu.memref_squeeze %dma_wait3A_350 : memref<1x!tpu.dma_semaphore, #tpu.memory_space<semaphore_mem>> -> memref<!tpu.dma_semaphore, #tpu.memory_space<semaphore_mem>>
        tpu.wait_indirect_dma semaphore(%dma_wait3A_351 : memref<!tpu.dma_semaphore, #tpu.memory_space<semaphore_mem>>) src(%dma_wait3A_343 : memref<128x64xbf16, #tpu.memory_space<vmem>>) dst(%dma_wait3A_349 : memref<10112x64xbf16, #tpu.memory_space<vmem_shared>>)
        %add3A_352 = arith.constant 4 : i32
        %add3A_353 = arith.addi %sub3A_328, %add3A_352 : i32
        %dma_start3A_354 = arith.constant 1 : i32
        %dma_start3A_355 = arith.constant 1 : i32
        %dma_start3A_356 = arith.constant 0 : i32
        %dma_start3A_357 = arith.constant 0 : i32
        %dma_start3A_358 = tpu.memref_slice %arg9[%dma_start3A_354, %dma_start3A_356, %dma_start3A_357] : memref<4x128x64xbf16, #tpu.memory_space<vmem>> -> memref<1x128x64xbf16, #tpu.memory_space<vmem>>
        %dma_start3A_359 = tpu.memref_squeeze %dma_start3A_358 : memref<1x128x64xbf16, #tpu.memory_space<vmem>> -> memref<128x64xbf16, #tpu.memory_space<vmem>>
        %dma_start3A_360 = arith.constant 0 : i32
        %dma_start3A_361 = tpu.memref_slice %arg7[%add3A_353, %dma_start3A_360] : memref<112x128xi32, #tpu.memory_space<vmem>> -> memref<1x128xi32, #tpu.memory_space<vmem>>
        %dma_start3A_362 = tpu.memref_squeeze %dma_start3A_361 : memref<1x128xi32, #tpu.memory_space<vmem>> -> memref<128xi32, #tpu.memory_space<vmem>>
        %dma_start3A_363 = arith.constant 0 : i32
        %dma_start3A_364 = arith.constant 0 : i32
        %dma_start3A_365 = tpu.memref_slice %arg2[%dma_start3A_363, %dma_start3A_364] : memref<10000x64xbf16, #tpu.memory_space<hbm>> -> memref<10000x64xbf16, #tpu.memory_space<hbm>>
        %dma_start3A_366 = tpu.memref_slice %arg11[%dma_start3A_355] : memref<4x!tpu.dma_semaphore, #tpu.memory_space<semaphore_mem>> -> memref<1x!tpu.dma_semaphore, #tpu.memory_space<semaphore_mem>>
        %dma_start3A_367 = tpu.memref_squeeze %dma_start3A_366 : memref<1x!tpu.dma_semaphore, #tpu.memory_space<semaphore_mem>> -> memref<!tpu.dma_semaphore, #tpu.memory_space<semaphore_mem>>
        tpu.enqueue_indirect_dma source(%dma_start3A_365 : memref<10000x64xbf16, #tpu.memory_space<hbm>>) target(%dma_start3A_359 : memref<128x64xbf16, #tpu.memory_space<vmem>>) offsets(%dma_start3A_362 : memref<128xi32, #tpu.memory_space<vmem>>) semaphore(%dma_start3A_367 : memref<!tpu.dma_semaphore, #tpu.memory_space<semaphore_mem>>)
      } else {
      }
    }
    %sub3A_96 = arith.constant 4 : i32
    %sub3A_97 = arith.subi %select_n3A, %sub3A_96 : i32
    %add3A = arith.constant 0 : i32
    %add3A_98 = arith.addi %sub3A_97, %add3A : i32
    %dma_wait3A = arith.constant 0 : i32
    %dma_wait3A_99 = arith.constant 0 : i32
    %dma_wait3A_100 = arith.constant 0 : i32
    %dma_wait3A_101 = arith.constant 0 : i32
    %dma_wait3A_102 = tpu.memref_slice %arg9[%dma_wait3A, %dma_wait3A_100, %dma_wait3A_101] : memref<4x128x64xbf16, #tpu.memory_space<vmem>> -> memref<1x128x64xbf16, #tpu.memory_space<vmem>>
    %dma_wait3A_103 = tpu.memref_squeeze %dma_wait3A_102 : memref<1x128x64xbf16, #tpu.memory_space<vmem>> -> memref<128x64xbf16, #tpu.memory_space<vmem>>
    %dma_wait3A_104 = arith.constant 0 : i32
    %dma_wait3A_105 = tpu.memref_slice %arg8[%add3A_98, %dma_wait3A_104] : memref<112x128xi32, #tpu.memory_space<vmem>> -> memref<1x128xi32, #tpu.memory_space<vmem>>
    %dma_wait3A_106 = tpu.memref_squeeze %dma_wait3A_105 : memref<1x128xi32, #tpu.memory_space<vmem>> -> memref<128xi32, #tpu.memory_space<vmem>>
    %dma_wait3A_107 = arith.constant 0 : i32
    %dma_wait3A_108 = arith.constant 0 : i32
    %dma_wait3A_109 = tpu.memref_slice %arg10[%dma_wait3A_107, %dma_wait3A_108] : memref<10112x64xbf16, #tpu.memory_space<vmem_shared>> -> memref<10112x64xbf16, #tpu.memory_space<vmem_shared>>
    %dma_wait3A_110 = tpu.memref_slice %arg12[%dma_wait3A_99] : memref<4x!tpu.dma_semaphore, #tpu.memory_space<semaphore_mem>> -> memref<1x!tpu.dma_semaphore, #tpu.memory_space<semaphore_mem>>
    %dma_wait3A_111 = tpu.memref_squeeze %dma_wait3A_110 : memref<1x!tpu.dma_semaphore, #tpu.memory_space<semaphore_mem>> -> memref<!tpu.dma_semaphore, #tpu.memory_space<semaphore_mem>>
    tpu.wait_indirect_dma semaphore(%dma_wait3A_111 : memref<!tpu.dma_semaphore, #tpu.memory_space<semaphore_mem>>) src(%dma_wait3A_103 : memref<128x64xbf16, #tpu.memory_space<vmem>>) dst(%dma_wait3A_109 : memref<10112x64xbf16, #tpu.memory_space<vmem_shared>>)
    %sub3A_112 = arith.constant 4 : i32
    %sub3A_113 = arith.subi %select_n3A, %sub3A_112 : i32
    %add3A_114 = arith.constant 1 : i32
    %add3A_115 = arith.addi %sub3A_113, %add3A_114 : i32
    %dma_wait3A_116 = arith.constant 1 : i32
    %dma_wait3A_117 = arith.constant 1 : i32
    %dma_wait3A_118 = arith.constant 0 : i32
    %dma_wait3A_119 = arith.constant 0 : i32
    %dma_wait3A_120 = tpu.memref_slice %arg9[%dma_wait3A_116, %dma_wait3A_118, %dma_wait3A_119] : memref<4x128x64xbf16, #tpu.memory_space<vmem>> -> memref<1x128x64xbf16, #tpu.memory_space<vmem>>
    %dma_wait3A_121 = tpu.memref_squeeze %dma_wait3A_120 : memref<1x128x64xbf16, #tpu.memory_space<vmem>> -> memref<128x64xbf16, #tpu.memory_space<vmem>>
    %dma_wait3A_122 = arith.constant 0 : i32
    %dma_wait3A_123 = tpu.memref_slice %arg8[%add3A_115, %dma_wait3A_122] : memref<112x128xi32, #tpu.memory_space<vmem>> -> memref<1x128xi32, #tpu.memory_space<vmem>>
    %dma_wait3A_124 = tpu.memref_squeeze %dma_wait3A_123 : memref<1x128xi32, #tpu.memory_space<vmem>> -> memref<128xi32, #tpu.memory_space<vmem>>
    %dma_wait3A_125 = arith.constant 0 : i32
    %dma_wait3A_126 = arith.constant 0 : i32
    %dma_wait3A_127 = tpu.memref_slice %arg10[%dma_wait3A_125, %dma_wait3A_126] : memref<10112x64xbf16, #tpu.memory_space<vmem_shared>> -> memref<10112x64xbf16, #tpu.memory_space<vmem_shared>>
    %dma_wait3A_128 = tpu.memref_slice %arg12[%dma_wait3A_117] : memref<4x!tpu.dma_semaphore, #tpu.memory_space<semaphore_mem>> -> memref<1x!tpu.dma_semaphore, #tpu.memory_space<semaphore_mem>>
    %dma_wait3A_129 = tpu.memref_squeeze %dma_wait3A_128 : memref<1x!tpu.dma_semaphore, #tpu.memory_space<semaphore_mem>> -> memref<!tpu.dma_semaphore, #tpu.memory_space<semaphore_mem>>
    tpu.wait_indirect_dma semaphore(%dma_wait3A_129 : memref<!tpu.dma_semaphore, #tpu.memory_space<semaphore_mem>>) src(%dma_wait3A_121 : memref<128x64xbf16, #tpu.memory_space<vmem>>) dst(%dma_wait3A_127 : memref<10112x64xbf16, #tpu.memory_space<vmem_shared>>)
    %sub3A_130 = arith.constant 4 : i32
    %sub3A_131 = arith.subi %select_n3A, %sub3A_130 : i32
    %add3A_132 = arith.constant 2 : i32
    %add3A_133 = arith.addi %sub3A_131, %add3A_132 : i32
    %dma_wait3A_134 = arith.constant 2 : i32
    %dma_wait3A_135 = arith.constant 2 : i32
    %dma_wait3A_136 = arith.constant 0 : i32
    %dma_wait3A_137 = arith.constant 0 : i32
    %dma_wait3A_138 = tpu.memref_slice %arg9[%dma_wait3A_134, %dma_wait3A_136, %dma_wait3A_137] : memref<4x128x64xbf16, #tpu.memory_space<vmem>> -> memref<1x128x64xbf16, #tpu.memory_space<vmem>>
    %dma_wait3A_139 = tpu.memref_squeeze %dma_wait3A_138 : memref<1x128x64xbf16, #tpu.memory_space<vmem>> -> memref<128x64xbf16, #tpu.memory_space<vmem>>
    %dma_wait3A_140 = arith.constant 0 : i32
    %dma_wait3A_141 = tpu.memref_slice %arg8[%add3A_133, %dma_wait3A_140] : memref<112x128xi32, #tpu.memory_space<vmem>> -> memref<1x128xi32, #tpu.memory_space<vmem>>
    %dma_wait3A_142 = tpu.memref_squeeze %dma_wait3A_141 : memref<1x128xi32, #tpu.memory_space<vmem>> -> memref<128xi32, #tpu.memory_space<vmem>>
    %dma_wait3A_143 = arith.constant 0 : i32
    %dma_wait3A_144 = arith.constant 0 : i32
    %dma_wait3A_145 = tpu.memref_slice %arg10[%dma_wait3A_143, %dma_wait3A_144] : memref<10112x64xbf16, #tpu.memory_space<vmem_shared>> -> memref<10112x64xbf16, #tpu.memory_space<vmem_shared>>
    %dma_wait3A_146 = tpu.memref_slice %arg12[%dma_wait3A_135] : memref<4x!tpu.dma_semaphore, #tpu.memory_space<semaphore_mem>> -> memref<1x!tpu.dma_semaphore, #tpu.memory_space<semaphore_mem>>
    %dma_wait3A_147 = tpu.memref_squeeze %dma_wait3A_146 : memref<1x!tpu.dma_semaphore, #tpu.memory_space<semaphore_mem>> -> memref<!tpu.dma_semaphore, #tpu.memory_space<semaphore_mem>>
    tpu.wait_indirect_dma semaphore(%dma_wait3A_147 : memref<!tpu.dma_semaphore, #tpu.memory_space<semaphore_mem>>) src(%dma_wait3A_139 : memref<128x64xbf16, #tpu.memory_space<vmem>>) dst(%dma_wait3A_145 : memref<10112x64xbf16, #tpu.memory_space<vmem_shared>>)
    %sub3A_148 = arith.constant 4 : i32
    %sub3A_149 = arith.subi %select_n3A, %sub3A_148 : i32
    %add3A_150 = arith.constant 3 : i32
    %add3A_151 = arith.addi %sub3A_149, %add3A_150 : i32
    %dma_wait3A_152 = arith.constant 3 : i32
    %dma_wait3A_153 = arith.constant 3 : i32
    %dma_wait3A_154 = arith.constant 0 : i32
    %dma_wait3A_155 = arith.constant 0 : i32
    %dma_wait3A_156 = tpu.memref_slice %arg9[%dma_wait3A_152, %dma_wait3A_154, %dma_wait3A_155] : memref<4x128x64xbf16, #tpu.memory_space<vmem>> -> memref<1x128x64xbf16, #tpu.memory_space<vmem>>
    %dma_wait3A_157 = tpu.memref_squeeze %dma_wait3A_156 : memref<1x128x64xbf16, #tpu.memory_space<vmem>> -> memref<128x64xbf16, #tpu.memory_space<vmem>>
    %dma_wait3A_158 = arith.constant 0 : i32
    %dma_wait3A_159 = tpu.memref_slice %arg8[%add3A_151, %dma_wait3A_158] : memref<112x128xi32, #tpu.memory_space<vmem>> -> memref<1x128xi32, #tpu.memory_space<vmem>>
    %dma_wait3A_160 = tpu.memref_squeeze %dma_wait3A_159 : memref<1x128xi32, #tpu.memory_space<vmem>> -> memref<128xi32, #tpu.memory_space<vmem>>
    %dma_wait3A_161 = arith.constant 0 : i32
    %dma_wait3A_162 = arith.constant 0 : i32
    %dma_wait3A_163 = tpu.memref_slice %arg10[%dma_wait3A_161, %dma_wait3A_162] : memref<10112x64xbf16, #tpu.memory_space<vmem_shared>> -> memref<10112x64xbf16, #tpu.memory_space<vmem_shared>>
    %dma_wait3A_164 = tpu.memref_slice %arg12[%dma_wait3A_153] : memref<4x!tpu.dma_semaphore, #tpu.memory_space<semaphore_mem>> -> memref<1x!tpu.dma_semaphore, #tpu.memory_space<semaphore_mem>>
    %dma_wait3A_165 = tpu.memref_squeeze %dma_wait3A_164 : memref<1x!tpu.dma_semaphore, #tpu.memory_space<semaphore_mem>> -> memref<!tpu.dma_semaphore, #tpu.memory_space<semaphore_mem>>
    tpu.wait_indirect_dma semaphore(%dma_wait3A_165 : memref<!tpu.dma_semaphore, #tpu.memory_space<semaphore_mem>>) src(%dma_wait3A_157 : memref<128x64xbf16, #tpu.memory_space<vmem>>) dst(%dma_wait3A_163 : memref<10112x64xbf16, #tpu.memory_space<vmem_shared>>)
    %barrier3A_166 = arith.constant 0 : index
    tpu.barrier barrier_id(%barrier3A_166)
    "tpu.region"() ({
      %run_scoped3A = tpu.sem_alloc : memref<!tpu.dma_semaphore, #tpu.memory_space<semaphore_mem>>
      %dma_start3A_167 = arith.constant 0 : i32
      %dma_start3A_168 = tpu.memref_slice %arg6[%arg0, %mul3A_10, %dma_start3A_167] : memref<2x10112x64xbf16, #tpu.memory_space<hbm>> -> memref<1x632x64xbf16, #tpu.memory_space<hbm>>
      %dma_start3A_169 = tpu.memref_squeeze %dma_start3A_168 : memref<1x632x64xbf16, #tpu.memory_space<hbm>> -> memref<632x64xbf16, #tpu.memory_space<hbm>>
      %dma_start3A_170 = arith.constant 0 : i32
      %dma_start3A_171 = tpu.memref_slice %arg10[%mul3A_10, %dma_start3A_170] : memref<10112x64xbf16, #tpu.memory_space<vmem_shared>> -> memref<632x64xbf16, #tpu.memory_space<vmem_shared>>
      tpu.enqueue_dma source(%dma_start3A_171 : memref<632x64xbf16, #tpu.memory_space<vmem_shared>>) target(%dma_start3A_169 : memref<632x64xbf16, #tpu.memory_space<hbm>>) target_semaphore(%run_scoped3A : memref<!tpu.dma_semaphore, #tpu.memory_space<semaphore_mem>>)
      %dma_wait3A_172 = arith.constant 0 : i32
      %dma_wait3A_173 = tpu.memref_slice %arg6[%arg0, %mul3A_10, %dma_wait3A_172] : memref<2x10112x64xbf16, #tpu.memory_space<hbm>> -> memref<1x632x64xbf16, #tpu.memory_space<hbm>>
      %dma_wait3A_174 = tpu.memref_squeeze %dma_wait3A_173 : memref<1x632x64xbf16, #tpu.memory_space<hbm>> -> memref<632x64xbf16, #tpu.memory_space<hbm>>
      %dma_wait3A_175 = arith.constant 0 : i32
      %dma_wait3A_176 = tpu.memref_slice %arg10[%mul3A_10, %dma_wait3A_175] : memref<10112x64xbf16, #tpu.memory_space<vmem_shared>> -> memref<632x64xbf16, #tpu.memory_space<vmem_shared>>
      tpu.wait_dma2 semaphore(%run_scoped3A : memref<!tpu.dma_semaphore, #tpu.memory_space<semaphore_mem>>) src(%dma_wait3A_176 : memref<632x64xbf16, #tpu.memory_space<vmem_shared>>) dst(%dma_wait3A_174 : memref<632x64xbf16, #tpu.memory_space<hbm>>)
      tpu.yield
    }) : () -> ()
    return
  }
}

#map = affine_map<(d0, d1) -> (0, 0)>
#map1 = affine_map<(d0, d1) -> (0, 0, 0)>
module attributes {stable_mosaic.version = 14 : i64} {
  func.func @body(%arg0: i32, %arg1: i32, %arg2: memref<10000x128xbf16, #tpu.memory_space<hbm>>, %arg3: memref<2560x128xi32, #tpu.memory_space<hbm>>, %arg4: memref<2560x128xi32, #tpu.memory_space<hbm>>, %arg5: memref<10112x128xbf16, #tpu.memory_space<hbm>>, %arg6: memref<10112x8xf32, #tpu.memory_space<hbm>>, %arg7: memref<128x8xf32, #tpu.memory_space<hbm>>, %arg8: memref<2x10112x128xbf16, #tpu.memory_space<hbm>>, %arg9: memref<2x10112x8xf32, #tpu.memory_space<hbm>>, %arg10: memref<124x128xi32, #tpu.memory_space<vmem>>, %arg11: memref<124x128xi32, #tpu.memory_space<vmem>>, %arg12: memref<4x128x128xbf16, #tpu.memory_space<vmem>>, %arg13: memref<10112x128xbf16, #tpu.memory_space<vmem_shared>>, %arg14: memref<4x!tpu.dma_semaphore, #tpu.memory_space<semaphore_mem>>, %arg15: memref<4x!tpu.dma_semaphore, #tpu.memory_space<semaphore_mem>>, %arg16: memref<128x8xf32, #tpu.memory_space<vmem>>, %arg17: memref<10112x8xf32, #tpu.memory_space<vmem_shared>>, %arg18: memref<!tpu.dma_semaphore, #tpu.memory_space<semaphore_mem>>) attributes {dimension_semantics = [#tpu.dimension_semantics<core_parallel>, #tpu.dimension_semantics<subcore_parallel>], iteration_bounds = array<i64: 2, 16>, scalar_prefetch = 0 : i64, scratch_operands = 9 : i64, tpu.core_type = #tpu.core_type<sc_vector_subcore>, window_params = [{transform_indices = #map}, {transform_indices = #map}, {transform_indices = #map}, {transform_indices = #map}, {transform_indices = #map}, {transform_indices = #map}, {transform_indices = #map1}, {transform_indices = #map1}]} {
    %eq3A = arith.constant 0 : i32
    %eq3A_0 = arith.cmpi eq, %arg0, %eq3A : i32
    %jit3A = arith.constant 124 : i32
    %jit3A_1 = arith.constant 36 : i32
    %select_n3A = arith.select %eq3A_0, %jit3A, %jit3A_1 : i32
    %eq3A_2 = arith.constant 0 : i32
    %eq3A_3 = arith.cmpi eq, %arg0, %eq3A_2 : i32
    %convert_element_type3A = arith.extui %eq3A_3 : i1 to i32
    %cond3A = arith.constant 0 : i32
    %cond3A_4 = arith.cmpi ne, %convert_element_type3A, %cond3A : i32
    scf.if %cond3A_4 {
      %mul3A_175 = arith.constant 124 : i32
      %mul3A_176 = arith.muli %arg1, %mul3A_175 : i32
      "tpu.region"() ({
        %run_scoped3A = tpu.sem_alloc : memref<!tpu.dma_semaphore, #tpu.memory_space<semaphore_mem>>
        %dma_start3A_177 = arith.constant 0 : i32
        %dma_start3A_178 = arith.constant 0 : i32
        %dma_start3A_179 = tpu.memref_slice %arg10[%dma_start3A_177, %dma_start3A_178] : memref<124x128xi32, #tpu.memory_space<vmem>> -> memref<124x128xi32, #tpu.memory_space<vmem>>
        %dma_start3A_180 = arith.constant 0 : i32
        %dma_start3A_181 = tpu.memref_slice %arg3[%mul3A_176, %dma_start3A_180] : memref<2560x128xi32, #tpu.memory_space<hbm>> -> memref<124x128xi32, #tpu.memory_space<hbm>>
        %dma_start3A_182 = arith.constant 0 : i32
        %dma_start3A_183 = arith.constant 0 : i32
        %dma_start3A_184 = tpu.memref_slice %arg10[%dma_start3A_182, %dma_start3A_183] : memref<124x128xi32, #tpu.memory_space<vmem>> -> memref<124x128xi32, #tpu.memory_space<vmem>>
        %dma_start3A_185 = arith.constant 0 : i32
        %dma_start3A_186 = tpu.memref_slice %arg3[%mul3A_176, %dma_start3A_185] : memref<2560x128xi32, #tpu.memory_space<hbm>> -> memref<124x128xi32, #tpu.memory_space<hbm>>
        tpu.enqueue_dma source(%dma_start3A_186 : memref<124x128xi32, #tpu.memory_space<hbm>>) target(%dma_start3A_184 : memref<124x128xi32, #tpu.memory_space<vmem>>) target_semaphore(%run_scoped3A : memref<!tpu.dma_semaphore, #tpu.memory_space<semaphore_mem>>)
        %dma_wait3A_187 = arith.constant 0 : i32
        %dma_wait3A_188 = arith.constant 0 : i32
        %dma_wait3A_189 = tpu.memref_slice %arg10[%dma_wait3A_187, %dma_wait3A_188] : memref<124x128xi32, #tpu.memory_space<vmem>> -> memref<124x128xi32, #tpu.memory_space<vmem>>
        %dma_wait3A_190 = arith.constant 0 : i32
        %dma_wait3A_191 = tpu.memref_slice %arg3[%mul3A_176, %dma_wait3A_190] : memref<2560x128xi32, #tpu.memory_space<hbm>> -> memref<124x128xi32, #tpu.memory_space<hbm>>
        %dma_wait3A_192 = arith.constant 0 : i32
        %dma_wait3A_193 = arith.constant 0 : i32
        %dma_wait3A_194 = tpu.memref_slice %arg10[%dma_wait3A_192, %dma_wait3A_193] : memref<124x128xi32, #tpu.memory_space<vmem>> -> memref<124x128xi32, #tpu.memory_space<vmem>>
        %dma_wait3A_195 = arith.constant 0 : i32
        %dma_wait3A_196 = tpu.memref_slice %arg3[%mul3A_176, %dma_wait3A_195] : memref<2560x128xi32, #tpu.memory_space<hbm>> -> memref<124x128xi32, #tpu.memory_space<hbm>>
        tpu.wait_dma2 semaphore(%run_scoped3A : memref<!tpu.dma_semaphore, #tpu.memory_space<semaphore_mem>>) src(%dma_wait3A_196 : memref<124x128xi32, #tpu.memory_space<hbm>>) dst(%dma_wait3A_194 : memref<124x128xi32, #tpu.memory_space<vmem>>)
        tpu.yield
      }) : () -> ()
      "tpu.region"() ({
        %run_scoped3A = tpu.sem_alloc : memref<!tpu.dma_semaphore, #tpu.memory_space<semaphore_mem>>
        %dma_start3A_177 = arith.constant 0 : i32
        %dma_start3A_178 = arith.constant 0 : i32
        %dma_start3A_179 = tpu.memref_slice %arg11[%dma_start3A_177, %dma_start3A_178] : memref<124x128xi32, #tpu.memory_space<vmem>> -> memref<124x128xi32, #tpu.memory_space<vmem>>
        %dma_start3A_180 = arith.constant 0 : i32
        %dma_start3A_181 = tpu.memref_slice %arg4[%mul3A_176, %dma_start3A_180] : memref<2560x128xi32, #tpu.memory_space<hbm>> -> memref<124x128xi32, #tpu.memory_space<hbm>>
        %dma_start3A_182 = arith.constant 0 : i32
        %dma_start3A_183 = arith.constant 0 : i32
        %dma_start3A_184 = tpu.memref_slice %arg11[%dma_start3A_182, %dma_start3A_183] : memref<124x128xi32, #tpu.memory_space<vmem>> -> memref<124x128xi32, #tpu.memory_space<vmem>>
        %dma_start3A_185 = arith.constant 0 : i32
        %dma_start3A_186 = tpu.memref_slice %arg4[%mul3A_176, %dma_start3A_185] : memref<2560x128xi32, #tpu.memory_space<hbm>> -> memref<124x128xi32, #tpu.memory_space<hbm>>
        tpu.enqueue_dma source(%dma_start3A_186 : memref<124x128xi32, #tpu.memory_space<hbm>>) target(%dma_start3A_184 : memref<124x128xi32, #tpu.memory_space<vmem>>) target_semaphore(%run_scoped3A : memref<!tpu.dma_semaphore, #tpu.memory_space<semaphore_mem>>)
        %dma_wait3A_187 = arith.constant 0 : i32
        %dma_wait3A_188 = arith.constant 0 : i32
        %dma_wait3A_189 = tpu.memref_slice %arg11[%dma_wait3A_187, %dma_wait3A_188] : memref<124x128xi32, #tpu.memory_space<vmem>> -> memref<124x128xi32, #tpu.memory_space<vmem>>
        %dma_wait3A_190 = arith.constant 0 : i32
        %dma_wait3A_191 = tpu.memref_slice %arg4[%mul3A_176, %dma_wait3A_190] : memref<2560x128xi32, #tpu.memory_space<hbm>> -> memref<124x128xi32, #tpu.memory_space<hbm>>
        %dma_wait3A_192 = arith.constant 0 : i32
        %dma_wait3A_193 = arith.constant 0 : i32
        %dma_wait3A_194 = tpu.memref_slice %arg11[%dma_wait3A_192, %dma_wait3A_193] : memref<124x128xi32, #tpu.memory_space<vmem>> -> memref<124x128xi32, #tpu.memory_space<vmem>>
        %dma_wait3A_195 = arith.constant 0 : i32
        %dma_wait3A_196 = tpu.memref_slice %arg4[%mul3A_176, %dma_wait3A_195] : memref<2560x128xi32, #tpu.memory_space<hbm>> -> memref<124x128xi32, #tpu.memory_space<hbm>>
        tpu.wait_dma2 semaphore(%run_scoped3A : memref<!tpu.dma_semaphore, #tpu.memory_space<semaphore_mem>>) src(%dma_wait3A_196 : memref<124x128xi32, #tpu.memory_space<hbm>>) dst(%dma_wait3A_194 : memref<124x128xi32, #tpu.memory_space<vmem>>)
        tpu.yield
      }) : () -> ()
    } else {
    }
    %eq3A_5 = arith.constant 1 : i32
    %eq3A_6 = arith.cmpi eq, %arg0, %eq3A_5 : i32
    %convert_element_type3A_7 = arith.extui %eq3A_6 : i1 to i32
    %cond3A_8 = arith.constant 0 : i32
    %cond3A_9 = arith.cmpi ne, %convert_element_type3A_7, %cond3A_8 : i32
    scf.if %cond3A_9 {
      %mul3A_175 = arith.constant 36 : i32
      %mul3A_176 = arith.muli %arg1, %mul3A_175 : i32
      %add3A_177 = arith.constant 1984 : i32
      %add3A_178 = arith.addi %add3A_177, %mul3A_176 : i32
      "tpu.region"() ({
        %run_scoped3A = tpu.sem_alloc : memref<!tpu.dma_semaphore, #tpu.memory_space<semaphore_mem>>
        %dma_start3A_179 = arith.constant 0 : i32
        %dma_start3A_180 = arith.constant 0 : i32
        %dma_start3A_181 = tpu.memref_slice %arg10[%dma_start3A_179, %dma_start3A_180] : memref<124x128xi32, #tpu.memory_space<vmem>> -> memref<36x128xi32, #tpu.memory_space<vmem>>
        %dma_start3A_182 = arith.constant 0 : i32
        %dma_start3A_183 = tpu.memref_slice %arg3[%add3A_178, %dma_start3A_182] : memref<2560x128xi32, #tpu.memory_space<hbm>> -> memref<36x128xi32, #tpu.memory_space<hbm>>
        %dma_start3A_184 = arith.constant 0 : i32
        %dma_start3A_185 = arith.constant 0 : i32
        %dma_start3A_186 = tpu.memref_slice %arg10[%dma_start3A_184, %dma_start3A_185] : memref<124x128xi32, #tpu.memory_space<vmem>> -> memref<36x128xi32, #tpu.memory_space<vmem>>
        %dma_start3A_187 = arith.constant 0 : i32
        %dma_start3A_188 = tpu.memref_slice %arg3[%add3A_178, %dma_start3A_187] : memref<2560x128xi32, #tpu.memory_space<hbm>> -> memref<36x128xi32, #tpu.memory_space<hbm>>
        tpu.enqueue_dma source(%dma_start3A_188 : memref<36x128xi32, #tpu.memory_space<hbm>>) target(%dma_start3A_186 : memref<36x128xi32, #tpu.memory_space<vmem>>) target_semaphore(%run_scoped3A : memref<!tpu.dma_semaphore, #tpu.memory_space<semaphore_mem>>)
        %dma_wait3A_189 = arith.constant 0 : i32
        %dma_wait3A_190 = arith.constant 0 : i32
        %dma_wait3A_191 = tpu.memref_slice %arg10[%dma_wait3A_189, %dma_wait3A_190] : memref<124x128xi32, #tpu.memory_space<vmem>> -> memref<36x128xi32, #tpu.memory_space<vmem>>
        %dma_wait3A_192 = arith.constant 0 : i32
        %dma_wait3A_193 = tpu.memref_slice %arg3[%add3A_178, %dma_wait3A_192] : memref<2560x128xi32, #tpu.memory_space<hbm>> -> memref<36x128xi32, #tpu.memory_space<hbm>>
        %dma_wait3A_194 = arith.constant 0 : i32
        %dma_wait3A_195 = arith.constant 0 : i32
        %dma_wait3A_196 = tpu.memref_slice %arg10[%dma_wait3A_194, %dma_wait3A_195] : memref<124x128xi32, #tpu.memory_space<vmem>> -> memref<36x128xi32, #tpu.memory_space<vmem>>
        %dma_wait3A_197 = arith.constant 0 : i32
        %dma_wait3A_198 = tpu.memref_slice %arg3[%add3A_178, %dma_wait3A_197] : memref<2560x128xi32, #tpu.memory_space<hbm>> -> memref<36x128xi32, #tpu.memory_space<hbm>>
        tpu.wait_dma2 semaphore(%run_scoped3A : memref<!tpu.dma_semaphore, #tpu.memory_space<semaphore_mem>>) src(%dma_wait3A_198 : memref<36x128xi32, #tpu.memory_space<hbm>>) dst(%dma_wait3A_196 : memref<36x128xi32, #tpu.memory_space<vmem>>)
        tpu.yield
      }) : () -> ()
      "tpu.region"() ({
        %run_scoped3A = tpu.sem_alloc : memref<!tpu.dma_semaphore, #tpu.memory_space<semaphore_mem>>
        %dma_start3A_179 = arith.constant 0 : i32
        %dma_start3A_180 = arith.constant 0 : i32
        %dma_start3A_181 = tpu.memref_slice %arg11[%dma_start3A_179, %dma_start3A_180] : memref<124x128xi32, #tpu.memory_space<vmem>> -> memref<36x128xi32, #tpu.memory_space<vmem>>
        %dma_start3A_182 = arith.constant 0 : i32
        %dma_start3A_183 = tpu.memref_slice %arg4[%add3A_178, %dma_start3A_182] : memref<2560x128xi32, #tpu.memory_space<hbm>> -> memref<36x128xi32, #tpu.memory_space<hbm>>
        %dma_start3A_184 = arith.constant 0 : i32
        %dma_start3A_185 = arith.constant 0 : i32
        %dma_start3A_186 = tpu.memref_slice %arg11[%dma_start3A_184, %dma_start3A_185] : memref<124x128xi32, #tpu.memory_space<vmem>> -> memref<36x128xi32, #tpu.memory_space<vmem>>
        %dma_start3A_187 = arith.constant 0 : i32
        %dma_start3A_188 = tpu.memref_slice %arg4[%add3A_178, %dma_start3A_187] : memref<2560x128xi32, #tpu.memory_space<hbm>> -> memref<36x128xi32, #tpu.memory_space<hbm>>
        tpu.enqueue_dma source(%dma_start3A_188 : memref<36x128xi32, #tpu.memory_space<hbm>>) target(%dma_start3A_186 : memref<36x128xi32, #tpu.memory_space<vmem>>) target_semaphore(%run_scoped3A : memref<!tpu.dma_semaphore, #tpu.memory_space<semaphore_mem>>)
        %dma_wait3A_189 = arith.constant 0 : i32
        %dma_wait3A_190 = arith.constant 0 : i32
        %dma_wait3A_191 = tpu.memref_slice %arg11[%dma_wait3A_189, %dma_wait3A_190] : memref<124x128xi32, #tpu.memory_space<vmem>> -> memref<36x128xi32, #tpu.memory_space<vmem>>
        %dma_wait3A_192 = arith.constant 0 : i32
        %dma_wait3A_193 = tpu.memref_slice %arg4[%add3A_178, %dma_wait3A_192] : memref<2560x128xi32, #tpu.memory_space<hbm>> -> memref<36x128xi32, #tpu.memory_space<hbm>>
        %dma_wait3A_194 = arith.constant 0 : i32
        %dma_wait3A_195 = arith.constant 0 : i32
        %dma_wait3A_196 = tpu.memref_slice %arg11[%dma_wait3A_194, %dma_wait3A_195] : memref<124x128xi32, #tpu.memory_space<vmem>> -> memref<36x128xi32, #tpu.memory_space<vmem>>
        %dma_wait3A_197 = arith.constant 0 : i32
        %dma_wait3A_198 = tpu.memref_slice %arg4[%add3A_178, %dma_wait3A_197] : memref<2560x128xi32, #tpu.memory_space<hbm>> -> memref<36x128xi32, #tpu.memory_space<hbm>>
        tpu.wait_dma2 semaphore(%run_scoped3A : memref<!tpu.dma_semaphore, #tpu.memory_space<semaphore_mem>>) src(%dma_wait3A_198 : memref<36x128xi32, #tpu.memory_space<hbm>>) dst(%dma_wait3A_196 : memref<36x128xi32, #tpu.memory_space<vmem>>)
        tpu.yield
      }) : () -> ()
    } else {
    }
    %mul3A = arith.constant 632 : i32
    %mul3A_10 = arith.muli %arg1, %mul3A : i32
    "tpu.region"() ({
      %run_scoped3A = tpu.sem_alloc : memref<!tpu.dma_semaphore, #tpu.memory_space<semaphore_mem>>
      %dma_start3A_175 = arith.constant 0 : i32
      %dma_start3A_176 = tpu.memref_slice %arg13[%mul3A_10, %dma_start3A_175] : memref<10112x128xbf16, #tpu.memory_space<vmem_shared>> -> memref<632x128xbf16, #tpu.memory_space<vmem_shared>>
      %dma_start3A_177 = arith.constant 0 : i32
      %dma_start3A_178 = tpu.memref_slice %arg5[%mul3A_10, %dma_start3A_177] : memref<10112x128xbf16, #tpu.memory_space<hbm>> -> memref<632x128xbf16, #tpu.memory_space<hbm>>
      tpu.enqueue_dma source(%dma_start3A_178 : memref<632x128xbf16, #tpu.memory_space<hbm>>) target(%dma_start3A_176 : memref<632x128xbf16, #tpu.memory_space<vmem_shared>>) target_semaphore(%run_scoped3A : memref<!tpu.dma_semaphore, #tpu.memory_space<semaphore_mem>>)
      %dma_wait3A_179 = arith.constant 0 : i32
      %dma_wait3A_180 = tpu.memref_slice %arg13[%mul3A_10, %dma_wait3A_179] : memref<10112x128xbf16, #tpu.memory_space<vmem_shared>> -> memref<632x128xbf16, #tpu.memory_space<vmem_shared>>
      %dma_wait3A_181 = arith.constant 0 : i32
      %dma_wait3A_182 = tpu.memref_slice %arg5[%mul3A_10, %dma_wait3A_181] : memref<10112x128xbf16, #tpu.memory_space<hbm>> -> memref<632x128xbf16, #tpu.memory_space<hbm>>
      tpu.wait_dma2 semaphore(%run_scoped3A : memref<!tpu.dma_semaphore, #tpu.memory_space<semaphore_mem>>) src(%dma_wait3A_182 : memref<632x128xbf16, #tpu.memory_space<hbm>>) dst(%dma_wait3A_180 : memref<632x128xbf16, #tpu.memory_space<vmem_shared>>)
      tpu.yield
    }) : () -> ()
    "tpu.region"() ({
      %run_scoped3A = tpu.sem_alloc : memref<!tpu.dma_semaphore, #tpu.memory_space<semaphore_mem>>
      %dma_start3A_175 = arith.constant 0 : i32
      %dma_start3A_176 = tpu.memref_slice %arg17[%mul3A_10, %dma_start3A_175] : memref<10112x8xf32, #tpu.memory_space<vmem_shared>> -> memref<632x8xf32, #tpu.memory_space<vmem_shared>>
      %dma_start3A_177 = arith.constant 0 : i32
      %dma_start3A_178 = tpu.memref_slice %arg6[%mul3A_10, %dma_start3A_177] : memref<10112x8xf32, #tpu.memory_space<hbm>> -> memref<632x8xf32, #tpu.memory_space<hbm>>
      tpu.enqueue_dma source(%dma_start3A_178 : memref<632x8xf32, #tpu.memory_space<hbm>>) target(%dma_start3A_176 : memref<632x8xf32, #tpu.memory_space<vmem_shared>>) target_semaphore(%run_scoped3A : memref<!tpu.dma_semaphore, #tpu.memory_space<semaphore_mem>>)
      %dma_wait3A_179 = arith.constant 0 : i32
      %dma_wait3A_180 = tpu.memref_slice %arg17[%mul3A_10, %dma_wait3A_179] : memref<10112x8xf32, #tpu.memory_space<vmem_shared>> -> memref<632x8xf32, #tpu.memory_space<vmem_shared>>
      %dma_wait3A_181 = arith.constant 0 : i32
      %dma_wait3A_182 = tpu.memref_slice %arg6[%mul3A_10, %dma_wait3A_181] : memref<10112x8xf32, #tpu.memory_space<hbm>> -> memref<632x8xf32, #tpu.memory_space<hbm>>
      tpu.wait_dma2 semaphore(%run_scoped3A : memref<!tpu.dma_semaphore, #tpu.memory_space<semaphore_mem>>) src(%dma_wait3A_182 : memref<632x8xf32, #tpu.memory_space<hbm>>) dst(%dma_wait3A_180 : memref<632x8xf32, #tpu.memory_space<vmem_shared>>)
      tpu.yield
    }) : () -> ()
    "tpu.region"() ({
      %run_scoped3A = tpu.sem_alloc : memref<!tpu.dma_semaphore, #tpu.memory_space<semaphore_mem>>
      tpu.enqueue_dma source(%arg7 : memref<128x8xf32, #tpu.memory_space<hbm>>) target(%arg16 : memref<128x8xf32, #tpu.memory_space<vmem>>) target_semaphore(%run_scoped3A : memref<!tpu.dma_semaphore, #tpu.memory_space<semaphore_mem>>)
      tpu.wait_dma2 semaphore(%run_scoped3A : memref<!tpu.dma_semaphore, #tpu.memory_space<semaphore_mem>>) src(%arg7 : memref<128x8xf32, #tpu.memory_space<hbm>>) dst(%arg16 : memref<128x8xf32, #tpu.memory_space<vmem>>)
      tpu.yield
    }) : () -> ()
    %barrier3A = arith.constant 0 : index
    tpu.barrier barrier_id(%barrier3A)
    %dma_start3A = arith.constant 0 : i32
    %dma_start3A_11 = arith.constant 0 : i32
    %dma_start3A_12 = arith.constant 0 : i32
    %dma_start3A_13 = arith.constant 0 : i32
    %dma_start3A_14 = arith.constant 0 : i32
    %dma_start3A_15 = tpu.memref_slice %arg12[%dma_start3A_11, %dma_start3A_13, %dma_start3A_14] : memref<4x128x128xbf16, #tpu.memory_space<vmem>> -> memref<1x128x128xbf16, #tpu.memory_space<vmem>>
    %dma_start3A_16 = tpu.memref_squeeze %dma_start3A_15 : memref<1x128x128xbf16, #tpu.memory_space<vmem>> -> memref<128x128xbf16, #tpu.memory_space<vmem>>
    %dma_start3A_17 = arith.constant 0 : i32
    %dma_start3A_18 = tpu.memref_slice %arg10[%dma_start3A, %dma_start3A_17] : memref<124x128xi32, #tpu.memory_space<vmem>> -> memref<1x128xi32, #tpu.memory_space<vmem>>
    %dma_start3A_19 = tpu.memref_squeeze %dma_start3A_18 : memref<1x128xi32, #tpu.memory_space<vmem>> -> memref<128xi32, #tpu.memory_space<vmem>>
    %dma_start3A_20 = arith.constant 0 : i32
    %dma_start3A_21 = arith.constant 0 : i32
    %dma_start3A_22 = tpu.memref_slice %arg2[%dma_start3A_20, %dma_start3A_21] : memref<10000x128xbf16, #tpu.memory_space<hbm>> -> memref<10000x128xbf16, #tpu.memory_space<hbm>>
    %dma_start3A_23 = tpu.memref_slice %arg14[%dma_start3A_12] : memref<4x!tpu.dma_semaphore, #tpu.memory_space<semaphore_mem>> -> memref<1x!tpu.dma_semaphore, #tpu.memory_space<semaphore_mem>>
    %dma_start3A_24 = tpu.memref_squeeze %dma_start3A_23 : memref<1x!tpu.dma_semaphore, #tpu.memory_space<semaphore_mem>> -> memref<!tpu.dma_semaphore, #tpu.memory_space<semaphore_mem>>
    tpu.enqueue_indirect_dma source(%dma_start3A_22 : memref<10000x128xbf16, #tpu.memory_space<hbm>>) target(%dma_start3A_16 : memref<128x128xbf16, #tpu.memory_space<vmem>>) offsets(%dma_start3A_19 : memref<128xi32, #tpu.memory_space<vmem>>) semaphore(%dma_start3A_24 : memref<!tpu.dma_semaphore, #tpu.memory_space<semaphore_mem>>)
    %dma_start3A_25 = arith.constant 1 : i32
    %dma_start3A_26 = arith.constant 1 : i32
    %dma_start3A_27 = arith.constant 1 : i32
    %dma_start3A_28 = arith.constant 0 : i32
    %dma_start3A_29 = arith.constant 0 : i32
    %dma_start3A_30 = tpu.memref_slice %arg12[%dma_start3A_26, %dma_start3A_28, %dma_start3A_29] : memref<4x128x128xbf16, #tpu.memory_space<vmem>> -> memref<1x128x128xbf16, #tpu.memory_space<vmem>>
    %dma_start3A_31 = tpu.memref_squeeze %dma_start3A_30 : memref<1x128x128xbf16, #tpu.memory_space<vmem>> -> memref<128x128xbf16, #tpu.memory_space<vmem>>
    %dma_start3A_32 = arith.constant 0 : i32
    %dma_start3A_33 = tpu.memref_slice %arg10[%dma_start3A_25, %dma_start3A_32] : memref<124x128xi32, #tpu.memory_space<vmem>> -> memref<1x128xi32, #tpu.memory_space<vmem>>
    %dma_start3A_34 = tpu.memref_squeeze %dma_start3A_33 : memref<1x128xi32, #tpu.memory_space<vmem>> -> memref<128xi32, #tpu.memory_space<vmem>>
    %dma_start3A_35 = arith.constant 0 : i32
    %dma_start3A_36 = arith.constant 0 : i32
    %dma_start3A_37 = tpu.memref_slice %arg2[%dma_start3A_35, %dma_start3A_36] : memref<10000x128xbf16, #tpu.memory_space<hbm>> -> memref<10000x128xbf16, #tpu.memory_space<hbm>>
    %dma_start3A_38 = tpu.memref_slice %arg14[%dma_start3A_27] : memref<4x!tpu.dma_semaphore, #tpu.memory_space<semaphore_mem>> -> memref<1x!tpu.dma_semaphore, #tpu.memory_space<semaphore_mem>>
    %dma_start3A_39 = tpu.memref_squeeze %dma_start3A_38 : memref<1x!tpu.dma_semaphore, #tpu.memory_space<semaphore_mem>> -> memref<!tpu.dma_semaphore, #tpu.memory_space<semaphore_mem>>
    tpu.enqueue_indirect_dma source(%dma_start3A_37 : memref<10000x128xbf16, #tpu.memory_space<hbm>>) target(%dma_start3A_31 : memref<128x128xbf16, #tpu.memory_space<vmem>>) offsets(%dma_start3A_34 : memref<128xi32, #tpu.memory_space<vmem>>) semaphore(%dma_start3A_39 : memref<!tpu.dma_semaphore, #tpu.memory_space<semaphore_mem>>)
    %dma_start3A_40 = arith.constant 2 : i32
    %dma_start3A_41 = arith.constant 2 : i32
    %dma_start3A_42 = arith.constant 2 : i32
    %dma_start3A_43 = arith.constant 0 : i32
    %dma_start3A_44 = arith.constant 0 : i32
    %dma_start3A_45 = tpu.memref_slice %arg12[%dma_start3A_41, %dma_start3A_43, %dma_start3A_44] : memref<4x128x128xbf16, #tpu.memory_space<vmem>> -> memref<1x128x128xbf16, #tpu.memory_space<vmem>>
    %dma_start3A_46 = tpu.memref_squeeze %dma_start3A_45 : memref<1x128x128xbf16, #tpu.memory_space<vmem>> -> memref<128x128xbf16, #tpu.memory_space<vmem>>
    %dma_start3A_47 = arith.constant 0 : i32
    %dma_start3A_48 = tpu.memref_slice %arg10[%dma_start3A_40, %dma_start3A_47] : memref<124x128xi32, #tpu.memory_space<vmem>> -> memref<1x128xi32, #tpu.memory_space<vmem>>
    %dma_start3A_49 = tpu.memref_squeeze %dma_start3A_48 : memref<1x128xi32, #tpu.memory_space<vmem>> -> memref<128xi32, #tpu.memory_space<vmem>>
    %dma_start3A_50 = arith.constant 0 : i32
    %dma_start3A_51 = arith.constant 0 : i32
    %dma_start3A_52 = tpu.memref_slice %arg2[%dma_start3A_50, %dma_start3A_51] : memref<10000x128xbf16, #tpu.memory_space<hbm>> -> memref<10000x128xbf16, #tpu.memory_space<hbm>>
    %dma_start3A_53 = tpu.memref_slice %arg14[%dma_start3A_42] : memref<4x!tpu.dma_semaphore, #tpu.memory_space<semaphore_mem>> -> memref<1x!tpu.dma_semaphore, #tpu.memory_space<semaphore_mem>>
    %dma_start3A_54 = tpu.memref_squeeze %dma_start3A_53 : memref<1x!tpu.dma_semaphore, #tpu.memory_space<semaphore_mem>> -> memref<!tpu.dma_semaphore, #tpu.memory_space<semaphore_mem>>
    tpu.enqueue_indirect_dma source(%dma_start3A_52 : memref<10000x128xbf16, #tpu.memory_space<hbm>>) target(%dma_start3A_46 : memref<128x128xbf16, #tpu.memory_space<vmem>>) offsets(%dma_start3A_49 : memref<128xi32, #tpu.memory_space<vmem>>) semaphore(%dma_start3A_54 : memref<!tpu.dma_semaphore, #tpu.memory_space<semaphore_mem>>)
    %dma_start3A_55 = arith.constant 3 : i32
    %dma_start3A_56 = arith.constant 3 : i32
    %dma_start3A_57 = arith.constant 3 : i32
    %dma_start3A_58 = arith.constant 0 : i32
    %dma_start3A_59 = arith.constant 0 : i32
    %dma_start3A_60 = tpu.memref_slice %arg12[%dma_start3A_56, %dma_start3A_58, %dma_start3A_59] : memref<4x128x128xbf16, #tpu.memory_space<vmem>> -> memref<1x128x128xbf16, #tpu.memory_space<vmem>>
    %dma_start3A_61 = tpu.memref_squeeze %dma_start3A_60 : memref<1x128x128xbf16, #tpu.memory_space<vmem>> -> memref<128x128xbf16, #tpu.memory_space<vmem>>
    %dma_start3A_62 = arith.constant 0 : i32
    %dma_start3A_63 = tpu.memref_slice %arg10[%dma_start3A_55, %dma_start3A_62] : memref<124x128xi32, #tpu.memory_space<vmem>> -> memref<1x128xi32, #tpu.memory_space<vmem>>
    %dma_start3A_64 = tpu.memref_squeeze %dma_start3A_63 : memref<1x128xi32, #tpu.memory_space<vmem>> -> memref<128xi32, #tpu.memory_space<vmem>>
    %dma_start3A_65 = arith.constant 0 : i32
    %dma_start3A_66 = arith.constant 0 : i32
    %dma_start3A_67 = tpu.memref_slice %arg2[%dma_start3A_65, %dma_start3A_66] : memref<10000x128xbf16, #tpu.memory_space<hbm>> -> memref<10000x128xbf16, #tpu.memory_space<hbm>>
    %dma_start3A_68 = tpu.memref_slice %arg14[%dma_start3A_57] : memref<4x!tpu.dma_semaphore, #tpu.memory_space<semaphore_mem>> -> memref<1x!tpu.dma_semaphore, #tpu.memory_space<semaphore_mem>>
    %dma_start3A_69 = tpu.memref_squeeze %dma_start3A_68 : memref<1x!tpu.dma_semaphore, #tpu.memory_space<semaphore_mem>> -> memref<!tpu.dma_semaphore, #tpu.memory_space<semaphore_mem>>
    tpu.enqueue_indirect_dma source(%dma_start3A_67 : memref<10000x128xbf16, #tpu.memory_space<hbm>>) target(%dma_start3A_61 : memref<128x128xbf16, #tpu.memory_space<vmem>>) offsets(%dma_start3A_64 : memref<128xi32, #tpu.memory_space<vmem>>) semaphore(%dma_start3A_69 : memref<!tpu.dma_semaphore, #tpu.memory_space<semaphore_mem>>)
    %jit3A_70 = arith.constant 4 : i32
    %div3A = arith.divsi %select_n3A, %jit3A_70 : i32
    %sign3A = arith.constant 0 : i32
    %sign3A_71 = arith.cmpi sgt, %select_n3A, %sign3A : i32
    %sign3A_72 = arith.extui %sign3A_71 : i1 to i32
    %sign3A_73 = arith.constant 0 : i32
    %sign3A_74 = arith.cmpi slt, %select_n3A, %sign3A_73 : i32
    %sign3A_75 = arith.extui %sign3A_74 : i1 to i32
    %sign3A_76 = arith.subi %sign3A_72, %sign3A_75 : i32
    %sign3A_77 = arith.constant 0 : i32
    %sign3A_78 = arith.cmpi sgt, %jit3A_70, %sign3A_77 : i32
    %sign3A_79 = arith.extui %sign3A_78 : i1 to i32
    %sign3A_80 = arith.constant 0 : i32
    %sign3A_81 = arith.cmpi slt, %jit3A_70, %sign3A_80 : i32
    %sign3A_82 = arith.extui %sign3A_81 : i1 to i32
    %sign3A_83 = arith.subi %sign3A_79, %sign3A_82 : i32
    %ne3A = arith.cmpi ne, %sign3A_76, %sign3A_83 : i32
    %rem3A = arith.remsi %select_n3A, %jit3A_70 : i32
    %ne3A_84 = arith.constant 0 : i32
    %ne3A_85 = arith.cmpi ne, %rem3A, %ne3A_84 : i32
    %and3A = arith.andi %ne3A, %ne3A_85 : i1
    %sub3A = arith.constant 1 : i32
    %sub3A_86 = arith.subi %div3A, %sub3A : i32
    %select_n3A_87 = arith.select %and3A, %sub3A_86, %div3A : i32
    %while3A = arith.constant 0 : i32
    %while3A_88 = arith.subi %select_n3A_87, %while3A : i32
    %while3A_89 = arith.addi %while3A, %while3A_88 : i32
    %while3A_90 = arith.constant 1 : i32
    %while3A_91 = arith.divsi %while3A_88, %while3A_90 : i32
    %while3A_92 = arith.muli %while3A_91, %while3A_90 : i32
    %while3A_93 = arith.addi %while3A, %while3A_92 : i32
    %while3A_94 = arith.constant 1 : i32
    scf.for %while3A_175 = %while3A to %while3A_93 step %while3A_94  : i32 {
      %mul3A_176 = arith.constant 4 : i32
      %mul3A_177 = arith.muli %while3A_175, %mul3A_176 : i32
      %add3A_178 = arith.constant 0 : i32
      %add3A_179 = arith.addi %mul3A_177, %add3A_178 : i32
      %dma_wait3A_180 = arith.constant 0 : i32
      %dma_wait3A_181 = arith.constant 0 : i32
      %dma_wait3A_182 = arith.constant 0 : i32
      %dma_wait3A_183 = arith.constant 0 : i32
      %dma_wait3A_184 = tpu.memref_slice %arg12[%dma_wait3A_180, %dma_wait3A_182, %dma_wait3A_183] : memref<4x128x128xbf16, #tpu.memory_space<vmem>> -> memref<1x128x128xbf16, #tpu.memory_space<vmem>>
      %dma_wait3A_185 = tpu.memref_squeeze %dma_wait3A_184 : memref<1x128x128xbf16, #tpu.memory_space<vmem>> -> memref<128x128xbf16, #tpu.memory_space<vmem>>
      %dma_wait3A_186 = arith.constant 0 : i32
      %dma_wait3A_187 = tpu.memref_slice %arg10[%add3A_179, %dma_wait3A_186] : memref<124x128xi32, #tpu.memory_space<vmem>> -> memref<1x128xi32, #tpu.memory_space<vmem>>
      %dma_wait3A_188 = tpu.memref_squeeze %dma_wait3A_187 : memref<1x128xi32, #tpu.memory_space<vmem>> -> memref<128xi32, #tpu.memory_space<vmem>>
      %dma_wait3A_189 = arith.constant 0 : i32
      %dma_wait3A_190 = arith.constant 0 : i32
      %dma_wait3A_191 = tpu.memref_slice %arg2[%dma_wait3A_189, %dma_wait3A_190] : memref<10000x128xbf16, #tpu.memory_space<hbm>> -> memref<10000x128xbf16, #tpu.memory_space<hbm>>
      %dma_wait3A_192 = tpu.memref_slice %arg14[%dma_wait3A_181] : memref<4x!tpu.dma_semaphore, #tpu.memory_space<semaphore_mem>> -> memref<1x!tpu.dma_semaphore, #tpu.memory_space<semaphore_mem>>
      %dma_wait3A_193 = tpu.memref_squeeze %dma_wait3A_192 : memref<1x!tpu.dma_semaphore, #tpu.memory_space<semaphore_mem>> -> memref<!tpu.dma_semaphore, #tpu.memory_space<semaphore_mem>>
      tpu.wait_indirect_dma semaphore(%dma_wait3A_193 : memref<!tpu.dma_semaphore, #tpu.memory_space<semaphore_mem>>) src(%dma_wait3A_191 : memref<10000x128xbf16, #tpu.memory_space<hbm>>) dst(%dma_wait3A_185 : memref<128x128xbf16, #tpu.memory_space<vmem>>)
      %dma_start3A_194 = arith.constant 0 : i32
      %dma_start3A_195 = arith.constant 0 : i32
      %dma_start3A_196 = arith.constant 0 : i32
      %dma_start3A_197 = arith.constant 0 : i32
      %dma_start3A_198 = tpu.memref_slice %arg12[%dma_start3A_194, %dma_start3A_196, %dma_start3A_197] : memref<4x128x128xbf16, #tpu.memory_space<vmem>> -> memref<1x128x128xbf16, #tpu.memory_space<vmem>>
      %dma_start3A_199 = tpu.memref_squeeze %dma_start3A_198 : memref<1x128x128xbf16, #tpu.memory_space<vmem>> -> memref<128x128xbf16, #tpu.memory_space<vmem>>
      %dma_start3A_200 = arith.constant 0 : i32
      %dma_start3A_201 = tpu.memref_slice %arg11[%add3A_179, %dma_start3A_200] : memref<124x128xi32, #tpu.memory_space<vmem>> -> memref<1x128xi32, #tpu.memory_space<vmem>>
      %dma_start3A_202 = tpu.memref_squeeze %dma_start3A_201 : memref<1x128xi32, #tpu.memory_space<vmem>> -> memref<128xi32, #tpu.memory_space<vmem>>
      %dma_start3A_203 = arith.constant 0 : i32
      %dma_start3A_204 = arith.constant 0 : i32
      %dma_start3A_205 = tpu.memref_slice %arg13[%dma_start3A_203, %dma_start3A_204] : memref<10112x128xbf16, #tpu.memory_space<vmem_shared>> -> memref<10112x128xbf16, #tpu.memory_space<vmem_shared>>
      %dma_start3A_206 = tpu.memref_slice %arg15[%dma_start3A_195] : memref<4x!tpu.dma_semaphore, #tpu.memory_space<semaphore_mem>> -> memref<1x!tpu.dma_semaphore, #tpu.memory_space<semaphore_mem>>
      %dma_start3A_207 = tpu.memref_squeeze %dma_start3A_206 : memref<1x!tpu.dma_semaphore, #tpu.memory_space<semaphore_mem>> -> memref<!tpu.dma_semaphore, #tpu.memory_space<semaphore_mem>>
      tpu.enqueue_indirect_dma source(%dma_start3A_199 : memref<128x128xbf16, #tpu.memory_space<vmem>>) target(%dma_start3A_205 : memref<10112x128xbf16, #tpu.memory_space<vmem_shared>>) offsets(%dma_start3A_202 : memref<128xi32, #tpu.memory_space<vmem>>) semaphore(%dma_start3A_207 : memref<!tpu.dma_semaphore, #tpu.memory_space<semaphore_mem>>) {add = true}
      %gt3A = arith.constant 0 : i32
      %gt3A_208 = arith.cmpi sgt, %add3A_179, %gt3A : i32
      %convert_element_type3A_209 = arith.extui %gt3A_208 : i1 to i32
      %cond3A_210 = arith.constant 0 : i32
      %cond3A_211 = arith.cmpi ne, %convert_element_type3A_209, %cond3A_210 : i32
      scf.if %cond3A_211 {
        %sub3A_389 = arith.constant 1 : i32
        %sub3A_390 = arith.subi %add3A_179, %sub3A_389 : i32
        %dma_wait3A_391 = arith.constant 0 : i32
        %dma_wait3A_392 = tpu.memref_slice %arg11[%sub3A_390, %dma_wait3A_391] : memref<124x128xi32, #tpu.memory_space<vmem>> -> memref<1x128xi32, #tpu.memory_space<vmem>>
        %dma_wait3A_393 = tpu.memref_squeeze %dma_wait3A_392 : memref<1x128xi32, #tpu.memory_space<vmem>> -> memref<128xi32, #tpu.memory_space<vmem>>
        %dma_wait3A_394 = arith.constant 0 : i32
        %dma_wait3A_395 = arith.constant 0 : i32
        %dma_wait3A_396 = tpu.memref_slice %arg17[%dma_wait3A_394, %dma_wait3A_395] : memref<10112x8xf32, #tpu.memory_space<vmem_shared>> -> memref<10112x8xf32, #tpu.memory_space<vmem_shared>>
        tpu.wait_indirect_dma semaphore(%arg18 : memref<!tpu.dma_semaphore, #tpu.memory_space<semaphore_mem>>) src(%arg16 : memref<128x8xf32, #tpu.memory_space<vmem>>) dst(%dma_wait3A_396 : memref<10112x8xf32, #tpu.memory_space<vmem_shared>>)
      } else {
      }
      %dma_start3A_212 = arith.constant 0 : i32
      %dma_start3A_213 = tpu.memref_slice %arg11[%add3A_179, %dma_start3A_212] : memref<124x128xi32, #tpu.memory_space<vmem>> -> memref<1x128xi32, #tpu.memory_space<vmem>>
      %dma_start3A_214 = tpu.memref_squeeze %dma_start3A_213 : memref<1x128xi32, #tpu.memory_space<vmem>> -> memref<128xi32, #tpu.memory_space<vmem>>
      %dma_start3A_215 = arith.constant 0 : i32
      %dma_start3A_216 = arith.constant 0 : i32
      %dma_start3A_217 = tpu.memref_slice %arg17[%dma_start3A_215, %dma_start3A_216] : memref<10112x8xf32, #tpu.memory_space<vmem_shared>> -> memref<10112x8xf32, #tpu.memory_space<vmem_shared>>
      tpu.enqueue_indirect_dma source(%arg16 : memref<128x8xf32, #tpu.memory_space<vmem>>) target(%dma_start3A_217 : memref<10112x8xf32, #tpu.memory_space<vmem_shared>>) offsets(%dma_start3A_214 : memref<128xi32, #tpu.memory_space<vmem>>) semaphore(%arg18 : memref<!tpu.dma_semaphore, #tpu.memory_space<semaphore_mem>>) {add = true}
      %sub3A_218 = arith.constant 2 : i32
      %sub3A_219 = arith.subi %add3A_179, %sub3A_218 : i32
      %ge3A = arith.constant 0 : i32
      %ge3A_220 = arith.cmpi sge, %sub3A_219, %ge3A : i32
      %sub3A_221 = arith.constant 2 : i32
      %sub3A_222 = arith.subi %select_n3A, %sub3A_221 : i32
      %lt3A = arith.cmpi slt, %add3A_179, %sub3A_222 : i32
      %and3A_223 = arith.andi %ge3A_220, %lt3A : i1
      %convert_element_type3A_224 = arith.extui %and3A_223 : i1 to i32
      %cond3A_225 = arith.constant 0 : i32
      %cond3A_226 = arith.cmpi ne, %convert_element_type3A_224, %cond3A_225 : i32
      scf.if %cond3A_226 {
        %dma_wait3A_389 = arith.constant 2 : i32
        %dma_wait3A_390 = arith.constant 2 : i32
        %dma_wait3A_391 = arith.constant 0 : i32
        %dma_wait3A_392 = arith.constant 0 : i32
        %dma_wait3A_393 = tpu.memref_slice %arg12[%dma_wait3A_389, %dma_wait3A_391, %dma_wait3A_392] : memref<4x128x128xbf16, #tpu.memory_space<vmem>> -> memref<1x128x128xbf16, #tpu.memory_space<vmem>>
        %dma_wait3A_394 = tpu.memref_squeeze %dma_wait3A_393 : memref<1x128x128xbf16, #tpu.memory_space<vmem>> -> memref<128x128xbf16, #tpu.memory_space<vmem>>
        %dma_wait3A_395 = arith.constant 0 : i32
        %dma_wait3A_396 = tpu.memref_slice %arg11[%sub3A_219, %dma_wait3A_395] : memref<124x128xi32, #tpu.memory_space<vmem>> -> memref<1x128xi32, #tpu.memory_space<vmem>>
        %dma_wait3A_397 = tpu.memref_squeeze %dma_wait3A_396 : memref<1x128xi32, #tpu.memory_space<vmem>> -> memref<128xi32, #tpu.memory_space<vmem>>
        %dma_wait3A_398 = arith.constant 0 : i32
        %dma_wait3A_399 = arith.constant 0 : i32
        %dma_wait3A_400 = tpu.memref_slice %arg13[%dma_wait3A_398, %dma_wait3A_399] : memref<10112x128xbf16, #tpu.memory_space<vmem_shared>> -> memref<10112x128xbf16, #tpu.memory_space<vmem_shared>>
        %dma_wait3A_401 = tpu.memref_slice %arg15[%dma_wait3A_390] : memref<4x!tpu.dma_semaphore, #tpu.memory_space<semaphore_mem>> -> memref<1x!tpu.dma_semaphore, #tpu.memory_space<semaphore_mem>>
        %dma_wait3A_402 = tpu.memref_squeeze %dma_wait3A_401 : memref<1x!tpu.dma_semaphore, #tpu.memory_space<semaphore_mem>> -> memref<!tpu.dma_semaphore, #tpu.memory_space<semaphore_mem>>
        tpu.wait_indirect_dma semaphore(%dma_wait3A_402 : memref<!tpu.dma_semaphore, #tpu.memory_space<semaphore_mem>>) src(%dma_wait3A_394 : memref<128x128xbf16, #tpu.memory_space<vmem>>) dst(%dma_wait3A_400 : memref<10112x128xbf16, #tpu.memory_space<vmem_shared>>)
        %add3A_403 = arith.constant 4 : i32
        %add3A_404 = arith.addi %sub3A_219, %add3A_403 : i32
        %dma_start3A_405 = arith.constant 2 : i32
        %dma_start3A_406 = arith.constant 2 : i32
        %dma_start3A_407 = arith.constant 0 : i32
        %dma_start3A_408 = arith.constant 0 : i32
        %dma_start3A_409 = tpu.memref_slice %arg12[%dma_start3A_405, %dma_start3A_407, %dma_start3A_408] : memref<4x128x128xbf16, #tpu.memory_space<vmem>> -> memref<1x128x128xbf16, #tpu.memory_space<vmem>>
        %dma_start3A_410 = tpu.memref_squeeze %dma_start3A_409 : memref<1x128x128xbf16, #tpu.memory_space<vmem>> -> memref<128x128xbf16, #tpu.memory_space<vmem>>
        %dma_start3A_411 = arith.constant 0 : i32
        %dma_start3A_412 = tpu.memref_slice %arg10[%add3A_404, %dma_start3A_411] : memref<124x128xi32, #tpu.memory_space<vmem>> -> memref<1x128xi32, #tpu.memory_space<vmem>>
        %dma_start3A_413 = tpu.memref_squeeze %dma_start3A_412 : memref<1x128xi32, #tpu.memory_space<vmem>> -> memref<128xi32, #tpu.memory_space<vmem>>
        %dma_start3A_414 = arith.constant 0 : i32
        %dma_start3A_415 = arith.constant 0 : i32
        %dma_start3A_416 = tpu.memref_slice %arg2[%dma_start3A_414, %dma_start3A_415] : memref<10000x128xbf16, #tpu.memory_space<hbm>> -> memref<10000x128xbf16, #tpu.memory_space<hbm>>
        %dma_start3A_417 = tpu.memref_slice %arg14[%dma_start3A_406] : memref<4x!tpu.dma_semaphore, #tpu.memory_space<semaphore_mem>> -> memref<1x!tpu.dma_semaphore, #tpu.memory_space<semaphore_mem>>
        %dma_start3A_418 = tpu.memref_squeeze %dma_start3A_417 : memref<1x!tpu.dma_semaphore, #tpu.memory_space<semaphore_mem>> -> memref<!tpu.dma_semaphore, #tpu.memory_space<semaphore_mem>>
        tpu.enqueue_indirect_dma source(%dma_start3A_416 : memref<10000x128xbf16, #tpu.memory_space<hbm>>) target(%dma_start3A_410 : memref<128x128xbf16, #tpu.memory_space<vmem>>) offsets(%dma_start3A_413 : memref<128xi32, #tpu.memory_space<vmem>>) semaphore(%dma_start3A_418 : memref<!tpu.dma_semaphore, #tpu.memory_space<semaphore_mem>>)
      } else {
      }
      %mul3A_227 = arith.constant 4 : i32
      %mul3A_228 = arith.muli %while3A_175, %mul3A_227 : i32
      %add3A_229 = arith.constant 1 : i32
      %add3A_230 = arith.addi %mul3A_228, %add3A_229 : i32
      %dma_wait3A_231 = arith.constant 1 : i32
      %dma_wait3A_232 = arith.constant 1 : i32
      %dma_wait3A_233 = arith.constant 0 : i32
      %dma_wait3A_234 = arith.constant 0 : i32
      %dma_wait3A_235 = tpu.memref_slice %arg12[%dma_wait3A_231, %dma_wait3A_233, %dma_wait3A_234] : memref<4x128x128xbf16, #tpu.memory_space<vmem>> -> memref<1x128x128xbf16, #tpu.memory_space<vmem>>
      %dma_wait3A_236 = tpu.memref_squeeze %dma_wait3A_235 : memref<1x128x128xbf16, #tpu.memory_space<vmem>> -> memref<128x128xbf16, #tpu.memory_space<vmem>>
      %dma_wait3A_237 = arith.constant 0 : i32
      %dma_wait3A_238 = tpu.memref_slice %arg10[%add3A_230, %dma_wait3A_237] : memref<124x128xi32, #tpu.memory_space<vmem>> -> memref<1x128xi32, #tpu.memory_space<vmem>>
      %dma_wait3A_239 = tpu.memref_squeeze %dma_wait3A_238 : memref<1x128xi32, #tpu.memory_space<vmem>> -> memref<128xi32, #tpu.memory_space<vmem>>
      %dma_wait3A_240 = arith.constant 0 : i32
      %dma_wait3A_241 = arith.constant 0 : i32
      %dma_wait3A_242 = tpu.memref_slice %arg2[%dma_wait3A_240, %dma_wait3A_241] : memref<10000x128xbf16, #tpu.memory_space<hbm>> -> memref<10000x128xbf16, #tpu.memory_space<hbm>>
      %dma_wait3A_243 = tpu.memref_slice %arg14[%dma_wait3A_232] : memref<4x!tpu.dma_semaphore, #tpu.memory_space<semaphore_mem>> -> memref<1x!tpu.dma_semaphore, #tpu.memory_space<semaphore_mem>>
      %dma_wait3A_244 = tpu.memref_squeeze %dma_wait3A_243 : memref<1x!tpu.dma_semaphore, #tpu.memory_space<semaphore_mem>> -> memref<!tpu.dma_semaphore, #tpu.memory_space<semaphore_mem>>
      tpu.wait_indirect_dma semaphore(%dma_wait3A_244 : memref<!tpu.dma_semaphore, #tpu.memory_space<semaphore_mem>>) src(%dma_wait3A_242 : memref<10000x128xbf16, #tpu.memory_space<hbm>>) dst(%dma_wait3A_236 : memref<128x128xbf16, #tpu.memory_space<vmem>>)
      %dma_start3A_245 = arith.constant 1 : i32
      %dma_start3A_246 = arith.constant 1 : i32
      %dma_start3A_247 = arith.constant 0 : i32
      %dma_start3A_248 = arith.constant 0 : i32
      %dma_start3A_249 = tpu.memref_slice %arg12[%dma_start3A_245, %dma_start3A_247, %dma_start3A_248] : memref<4x128x128xbf16, #tpu.memory_space<vmem>> -> memref<1x128x128xbf16, #tpu.memory_space<vmem>>
      %dma_start3A_250 = tpu.memref_squeeze %dma_start3A_249 : memref<1x128x128xbf16, #tpu.memory_space<vmem>> -> memref<128x128xbf16, #tpu.memory_space<vmem>>
      %dma_start3A_251 = arith.constant 0 : i32
      %dma_start3A_252 = tpu.memref_slice %arg11[%add3A_230, %dma_start3A_251] : memref<124x128xi32, #tpu.memory_space<vmem>> -> memref<1x128xi32, #tpu.memory_space<vmem>>
      %dma_start3A_253 = tpu.memref_squeeze %dma_start3A_252 : memref<1x128xi32, #tpu.memory_space<vmem>> -> memref<128xi32, #tpu.memory_space<vmem>>
      %dma_start3A_254 = arith.constant 0 : i32
      %dma_start3A_255 = arith.constant 0 : i32
      %dma_start3A_256 = tpu.memref_slice %arg13[%dma_start3A_254, %dma_start3A_255] : memref<10112x128xbf16, #tpu.memory_space<vmem_shared>> -> memref<10112x128xbf16, #tpu.memory_space<vmem_shared>>
      %dma_start3A_257 = tpu.memref_slice %arg15[%dma_start3A_246] : memref<4x!tpu.dma_semaphore, #tpu.memory_space<semaphore_mem>> -> memref<1x!tpu.dma_semaphore, #tpu.memory_space<semaphore_mem>>
      %dma_start3A_258 = tpu.memref_squeeze %dma_start3A_257 : memref<1x!tpu.dma_semaphore, #tpu.memory_space<semaphore_mem>> -> memref<!tpu.dma_semaphore, #tpu.memory_space<semaphore_mem>>
      tpu.enqueue_indirect_dma source(%dma_start3A_250 : memref<128x128xbf16, #tpu.memory_space<vmem>>) target(%dma_start3A_256 : memref<10112x128xbf16, #tpu.memory_space<vmem_shared>>) offsets(%dma_start3A_253 : memref<128xi32, #tpu.memory_space<vmem>>) semaphore(%dma_start3A_258 : memref<!tpu.dma_semaphore, #tpu.memory_space<semaphore_mem>>) {add = true}
      %gt3A_259 = arith.constant 0 : i32
      %gt3A_260 = arith.cmpi sgt, %add3A_230, %gt3A_259 : i32
      %convert_element_type3A_261 = arith.extui %gt3A_260 : i1 to i32
      %cond3A_262 = arith.constant 0 : i32
      %cond3A_263 = arith.cmpi ne, %convert_element_type3A_261, %cond3A_262 : i32
      scf.if %cond3A_263 {
        %sub3A_389 = arith.constant 1 : i32
        %sub3A_390 = arith.subi %add3A_230, %sub3A_389 : i32
        %dma_wait3A_391 = arith.constant 0 : i32
        %dma_wait3A_392 = tpu.memref_slice %arg11[%sub3A_390, %dma_wait3A_391] : memref<124x128xi32, #tpu.memory_space<vmem>> -> memref<1x128xi32, #tpu.memory_space<vmem>>
        %dma_wait3A_393 = tpu.memref_squeeze %dma_wait3A_392 : memref<1x128xi32, #tpu.memory_space<vmem>> -> memref<128xi32, #tpu.memory_space<vmem>>
        %dma_wait3A_394 = arith.constant 0 : i32
        %dma_wait3A_395 = arith.constant 0 : i32
        %dma_wait3A_396 = tpu.memref_slice %arg17[%dma_wait3A_394, %dma_wait3A_395] : memref<10112x8xf32, #tpu.memory_space<vmem_shared>> -> memref<10112x8xf32, #tpu.memory_space<vmem_shared>>
        tpu.wait_indirect_dma semaphore(%arg18 : memref<!tpu.dma_semaphore, #tpu.memory_space<semaphore_mem>>) src(%arg16 : memref<128x8xf32, #tpu.memory_space<vmem>>) dst(%dma_wait3A_396 : memref<10112x8xf32, #tpu.memory_space<vmem_shared>>)
      } else {
      }
      %dma_start3A_264 = arith.constant 0 : i32
      %dma_start3A_265 = tpu.memref_slice %arg11[%add3A_230, %dma_start3A_264] : memref<124x128xi32, #tpu.memory_space<vmem>> -> memref<1x128xi32, #tpu.memory_space<vmem>>
      %dma_start3A_266 = tpu.memref_squeeze %dma_start3A_265 : memref<1x128xi32, #tpu.memory_space<vmem>> -> memref<128xi32, #tpu.memory_space<vmem>>
      %dma_start3A_267 = arith.constant 0 : i32
      %dma_start3A_268 = arith.constant 0 : i32
      %dma_start3A_269 = tpu.memref_slice %arg17[%dma_start3A_267, %dma_start3A_268] : memref<10112x8xf32, #tpu.memory_space<vmem_shared>> -> memref<10112x8xf32, #tpu.memory_space<vmem_shared>>
      tpu.enqueue_indirect_dma source(%arg16 : memref<128x8xf32, #tpu.memory_space<vmem>>) target(%dma_start3A_269 : memref<10112x8xf32, #tpu.memory_space<vmem_shared>>) offsets(%dma_start3A_266 : memref<128xi32, #tpu.memory_space<vmem>>) semaphore(%arg18 : memref<!tpu.dma_semaphore, #tpu.memory_space<semaphore_mem>>) {add = true}
      %sub3A_270 = arith.constant 2 : i32
      %sub3A_271 = arith.subi %add3A_230, %sub3A_270 : i32
      %ge3A_272 = arith.constant 0 : i32
      %ge3A_273 = arith.cmpi sge, %sub3A_271, %ge3A_272 : i32
      %sub3A_274 = arith.constant 2 : i32
      %sub3A_275 = arith.subi %select_n3A, %sub3A_274 : i32
      %lt3A_276 = arith.cmpi slt, %add3A_230, %sub3A_275 : i32
      %and3A_277 = arith.andi %ge3A_273, %lt3A_276 : i1
      %convert_element_type3A_278 = arith.extui %and3A_277 : i1 to i32
      %cond3A_279 = arith.constant 0 : i32
      %cond3A_280 = arith.cmpi ne, %convert_element_type3A_278, %cond3A_279 : i32
      scf.if %cond3A_280 {
        %dma_wait3A_389 = arith.constant 3 : i32
        %dma_wait3A_390 = arith.constant 3 : i32
        %dma_wait3A_391 = arith.constant 0 : i32
        %dma_wait3A_392 = arith.constant 0 : i32
        %dma_wait3A_393 = tpu.memref_slice %arg12[%dma_wait3A_389, %dma_wait3A_391, %dma_wait3A_392] : memref<4x128x128xbf16, #tpu.memory_space<vmem>> -> memref<1x128x128xbf16, #tpu.memory_space<vmem>>
        %dma_wait3A_394 = tpu.memref_squeeze %dma_wait3A_393 : memref<1x128x128xbf16, #tpu.memory_space<vmem>> -> memref<128x128xbf16, #tpu.memory_space<vmem>>
        %dma_wait3A_395 = arith.constant 0 : i32
        %dma_wait3A_396 = tpu.memref_slice %arg11[%sub3A_271, %dma_wait3A_395] : memref<124x128xi32, #tpu.memory_space<vmem>> -> memref<1x128xi32, #tpu.memory_space<vmem>>
        %dma_wait3A_397 = tpu.memref_squeeze %dma_wait3A_396 : memref<1x128xi32, #tpu.memory_space<vmem>> -> memref<128xi32, #tpu.memory_space<vmem>>
        %dma_wait3A_398 = arith.constant 0 : i32
        %dma_wait3A_399 = arith.constant 0 : i32
        %dma_wait3A_400 = tpu.memref_slice %arg13[%dma_wait3A_398, %dma_wait3A_399] : memref<10112x128xbf16, #tpu.memory_space<vmem_shared>> -> memref<10112x128xbf16, #tpu.memory_space<vmem_shared>>
        %dma_wait3A_401 = tpu.memref_slice %arg15[%dma_wait3A_390] : memref<4x!tpu.dma_semaphore, #tpu.memory_space<semaphore_mem>> -> memref<1x!tpu.dma_semaphore, #tpu.memory_space<semaphore_mem>>
        %dma_wait3A_402 = tpu.memref_squeeze %dma_wait3A_401 : memref<1x!tpu.dma_semaphore, #tpu.memory_space<semaphore_mem>> -> memref<!tpu.dma_semaphore, #tpu.memory_space<semaphore_mem>>
        tpu.wait_indirect_dma semaphore(%dma_wait3A_402 : memref<!tpu.dma_semaphore, #tpu.memory_space<semaphore_mem>>) src(%dma_wait3A_394 : memref<128x128xbf16, #tpu.memory_space<vmem>>) dst(%dma_wait3A_400 : memref<10112x128xbf16, #tpu.memory_space<vmem_shared>>)
        %add3A_403 = arith.constant 4 : i32
        %add3A_404 = arith.addi %sub3A_271, %add3A_403 : i32
        %dma_start3A_405 = arith.constant 3 : i32
        %dma_start3A_406 = arith.constant 3 : i32
        %dma_start3A_407 = arith.constant 0 : i32
        %dma_start3A_408 = arith.constant 0 : i32
        %dma_start3A_409 = tpu.memref_slice %arg12[%dma_start3A_405, %dma_start3A_407, %dma_start3A_408] : memref<4x128x128xbf16, #tpu.memory_space<vmem>> -> memref<1x128x128xbf16, #tpu.memory_space<vmem>>
        %dma_start3A_410 = tpu.memref_squeeze %dma_start3A_409 : memref<1x128x128xbf16, #tpu.memory_space<vmem>> -> memref<128x128xbf16, #tpu.memory_space<vmem>>
        %dma_start3A_411 = arith.constant 0 : i32
        %dma_start3A_412 = tpu.memref_slice %arg10[%add3A_404, %dma_start3A_411] : memref<124x128xi32, #tpu.memory_space<vmem>> -> memref<1x128xi32, #tpu.memory_space<vmem>>
        %dma_start3A_413 = tpu.memref_squeeze %dma_start3A_412 : memref<1x128xi32, #tpu.memory_space<vmem>> -> memref<128xi32, #tpu.memory_space<vmem>>
        %dma_start3A_414 = arith.constant 0 : i32
        %dma_start3A_415 = arith.constant 0 : i32
        %dma_start3A_416 = tpu.memref_slice %arg2[%dma_start3A_414, %dma_start3A_415] : memref<10000x128xbf16, #tpu.memory_space<hbm>> -> memref<10000x128xbf16, #tpu.memory_space<hbm>>
        %dma_start3A_417 = tpu.memref_slice %arg14[%dma_start3A_406] : memref<4x!tpu.dma_semaphore, #tpu.memory_space<semaphore_mem>> -> memref<1x!tpu.dma_semaphore, #tpu.memory_space<semaphore_mem>>
        %dma_start3A_418 = tpu.memref_squeeze %dma_start3A_417 : memref<1x!tpu.dma_semaphore, #tpu.memory_space<semaphore_mem>> -> memref<!tpu.dma_semaphore, #tpu.memory_space<semaphore_mem>>
        tpu.enqueue_indirect_dma source(%dma_start3A_416 : memref<10000x128xbf16, #tpu.memory_space<hbm>>) target(%dma_start3A_410 : memref<128x128xbf16, #tpu.memory_space<vmem>>) offsets(%dma_start3A_413 : memref<128xi32, #tpu.memory_space<vmem>>) semaphore(%dma_start3A_418 : memref<!tpu.dma_semaphore, #tpu.memory_space<semaphore_mem>>)
      } else {
      }
      %mul3A_281 = arith.constant 4 : i32
      %mul3A_282 = arith.muli %while3A_175, %mul3A_281 : i32
      %add3A_283 = arith.constant 2 : i32
      %add3A_284 = arith.addi %mul3A_282, %add3A_283 : i32
      %dma_wait3A_285 = arith.constant 2 : i32
      %dma_wait3A_286 = arith.constant 2 : i32
      %dma_wait3A_287 = arith.constant 0 : i32
      %dma_wait3A_288 = arith.constant 0 : i32
      %dma_wait3A_289 = tpu.memref_slice %arg12[%dma_wait3A_285, %dma_wait3A_287, %dma_wait3A_288] : memref<4x128x128xbf16, #tpu.memory_space<vmem>> -> memref<1x128x128xbf16, #tpu.memory_space<vmem>>
      %dma_wait3A_290 = tpu.memref_squeeze %dma_wait3A_289 : memref<1x128x128xbf16, #tpu.memory_space<vmem>> -> memref<128x128xbf16, #tpu.memory_space<vmem>>
      %dma_wait3A_291 = arith.constant 0 : i32
      %dma_wait3A_292 = tpu.memref_slice %arg10[%add3A_284, %dma_wait3A_291] : memref<124x128xi32, #tpu.memory_space<vmem>> -> memref<1x128xi32, #tpu.memory_space<vmem>>
      %dma_wait3A_293 = tpu.memref_squeeze %dma_wait3A_292 : memref<1x128xi32, #tpu.memory_space<vmem>> -> memref<128xi32, #tpu.memory_space<vmem>>
      %dma_wait3A_294 = arith.constant 0 : i32
      %dma_wait3A_295 = arith.constant 0 : i32
      %dma_wait3A_296 = tpu.memref_slice %arg2[%dma_wait3A_294, %dma_wait3A_295] : memref<10000x128xbf16, #tpu.memory_space<hbm>> -> memref<10000x128xbf16, #tpu.memory_space<hbm>>
      %dma_wait3A_297 = tpu.memref_slice %arg14[%dma_wait3A_286] : memref<4x!tpu.dma_semaphore, #tpu.memory_space<semaphore_mem>> -> memref<1x!tpu.dma_semaphore, #tpu.memory_space<semaphore_mem>>
      %dma_wait3A_298 = tpu.memref_squeeze %dma_wait3A_297 : memref<1x!tpu.dma_semaphore, #tpu.memory_space<semaphore_mem>> -> memref<!tpu.dma_semaphore, #tpu.memory_space<semaphore_mem>>
      tpu.wait_indirect_dma semaphore(%dma_wait3A_298 : memref<!tpu.dma_semaphore, #tpu.memory_space<semaphore_mem>>) src(%dma_wait3A_296 : memref<10000x128xbf16, #tpu.memory_space<hbm>>) dst(%dma_wait3A_290 : memref<128x128xbf16, #tpu.memory_space<vmem>>)
      %dma_start3A_299 = arith.constant 2 : i32
      %dma_start3A_300 = arith.constant 2 : i32
      %dma_start3A_301 = arith.constant 0 : i32
      %dma_start3A_302 = arith.constant 0 : i32
      %dma_start3A_303 = tpu.memref_slice %arg12[%dma_start3A_299, %dma_start3A_301, %dma_start3A_302] : memref<4x128x128xbf16, #tpu.memory_space<vmem>> -> memref<1x128x128xbf16, #tpu.memory_space<vmem>>
      %dma_start3A_304 = tpu.memref_squeeze %dma_start3A_303 : memref<1x128x128xbf16, #tpu.memory_space<vmem>> -> memref<128x128xbf16, #tpu.memory_space<vmem>>
      %dma_start3A_305 = arith.constant 0 : i32
      %dma_start3A_306 = tpu.memref_slice %arg11[%add3A_284, %dma_start3A_305] : memref<124x128xi32, #tpu.memory_space<vmem>> -> memref<1x128xi32, #tpu.memory_space<vmem>>
      %dma_start3A_307 = tpu.memref_squeeze %dma_start3A_306 : memref<1x128xi32, #tpu.memory_space<vmem>> -> memref<128xi32, #tpu.memory_space<vmem>>
      %dma_start3A_308 = arith.constant 0 : i32
      %dma_start3A_309 = arith.constant 0 : i32
      %dma_start3A_310 = tpu.memref_slice %arg13[%dma_start3A_308, %dma_start3A_309] : memref<10112x128xbf16, #tpu.memory_space<vmem_shared>> -> memref<10112x128xbf16, #tpu.memory_space<vmem_shared>>
      %dma_start3A_311 = tpu.memref_slice %arg15[%dma_start3A_300] : memref<4x!tpu.dma_semaphore, #tpu.memory_space<semaphore_mem>> -> memref<1x!tpu.dma_semaphore, #tpu.memory_space<semaphore_mem>>
      %dma_start3A_312 = tpu.memref_squeeze %dma_start3A_311 : memref<1x!tpu.dma_semaphore, #tpu.memory_space<semaphore_mem>> -> memref<!tpu.dma_semaphore, #tpu.memory_space<semaphore_mem>>
      tpu.enqueue_indirect_dma source(%dma_start3A_304 : memref<128x128xbf16, #tpu.memory_space<vmem>>) target(%dma_start3A_310 : memref<10112x128xbf16, #tpu.memory_space<vmem_shared>>) offsets(%dma_start3A_307 : memref<128xi32, #tpu.memory_space<vmem>>) semaphore(%dma_start3A_312 : memref<!tpu.dma_semaphore, #tpu.memory_space<semaphore_mem>>) {add = true}
      %gt3A_313 = arith.constant 0 : i32
      %gt3A_314 = arith.cmpi sgt, %add3A_284, %gt3A_313 : i32
      %convert_element_type3A_315 = arith.extui %gt3A_314 : i1 to i32
      %cond3A_316 = arith.constant 0 : i32
      %cond3A_317 = arith.cmpi ne, %convert_element_type3A_315, %cond3A_316 : i32
      scf.if %cond3A_317 {
        %sub3A_389 = arith.constant 1 : i32
        %sub3A_390 = arith.subi %add3A_284, %sub3A_389 : i32
        %dma_wait3A_391 = arith.constant 0 : i32
        %dma_wait3A_392 = tpu.memref_slice %arg11[%sub3A_390, %dma_wait3A_391] : memref<124x128xi32, #tpu.memory_space<vmem>> -> memref<1x128xi32, #tpu.memory_space<vmem>>
        %dma_wait3A_393 = tpu.memref_squeeze %dma_wait3A_392 : memref<1x128xi32, #tpu.memory_space<vmem>> -> memref<128xi32, #tpu.memory_space<vmem>>
        %dma_wait3A_394 = arith.constant 0 : i32
        %dma_wait3A_395 = arith.constant 0 : i32
        %dma_wait3A_396 = tpu.memref_slice %arg17[%dma_wait3A_394, %dma_wait3A_395] : memref<10112x8xf32, #tpu.memory_space<vmem_shared>> -> memref<10112x8xf32, #tpu.memory_space<vmem_shared>>
        tpu.wait_indirect_dma semaphore(%arg18 : memref<!tpu.dma_semaphore, #tpu.memory_space<semaphore_mem>>) src(%arg16 : memref<128x8xf32, #tpu.memory_space<vmem>>) dst(%dma_wait3A_396 : memref<10112x8xf32, #tpu.memory_space<vmem_shared>>)
      } else {
      }
      %dma_start3A_318 = arith.constant 0 : i32
      %dma_start3A_319 = tpu.memref_slice %arg11[%add3A_284, %dma_start3A_318] : memref<124x128xi32, #tpu.memory_space<vmem>> -> memref<1x128xi32, #tpu.memory_space<vmem>>
      %dma_start3A_320 = tpu.memref_squeeze %dma_start3A_319 : memref<1x128xi32, #tpu.memory_space<vmem>> -> memref<128xi32, #tpu.memory_space<vmem>>
      %dma_start3A_321 = arith.constant 0 : i32
      %dma_start3A_322 = arith.constant 0 : i32
      %dma_start3A_323 = tpu.memref_slice %arg17[%dma_start3A_321, %dma_start3A_322] : memref<10112x8xf32, #tpu.memory_space<vmem_shared>> -> memref<10112x8xf32, #tpu.memory_space<vmem_shared>>
      tpu.enqueue_indirect_dma source(%arg16 : memref<128x8xf32, #tpu.memory_space<vmem>>) target(%dma_start3A_323 : memref<10112x8xf32, #tpu.memory_space<vmem_shared>>) offsets(%dma_start3A_320 : memref<128xi32, #tpu.memory_space<vmem>>) semaphore(%arg18 : memref<!tpu.dma_semaphore, #tpu.memory_space<semaphore_mem>>) {add = true}
      %sub3A_324 = arith.constant 2 : i32
      %sub3A_325 = arith.subi %add3A_284, %sub3A_324 : i32
      %ge3A_326 = arith.constant 0 : i32
      %ge3A_327 = arith.cmpi sge, %sub3A_325, %ge3A_326 : i32
      %sub3A_328 = arith.constant 2 : i32
      %sub3A_329 = arith.subi %select_n3A, %sub3A_328 : i32
      %lt3A_330 = arith.cmpi slt, %add3A_284, %sub3A_329 : i32
      %and3A_331 = arith.andi %ge3A_327, %lt3A_330 : i1
      %convert_element_type3A_332 = arith.extui %and3A_331 : i1 to i32
      %cond3A_333 = arith.constant 0 : i32
      %cond3A_334 = arith.cmpi ne, %convert_element_type3A_332, %cond3A_333 : i32
      scf.if %cond3A_334 {
        %dma_wait3A_389 = arith.constant 0 : i32
        %dma_wait3A_390 = arith.constant 0 : i32
        %dma_wait3A_391 = arith.constant 0 : i32
        %dma_wait3A_392 = arith.constant 0 : i32
        %dma_wait3A_393 = tpu.memref_slice %arg12[%dma_wait3A_389, %dma_wait3A_391, %dma_wait3A_392] : memref<4x128x128xbf16, #tpu.memory_space<vmem>> -> memref<1x128x128xbf16, #tpu.memory_space<vmem>>
        %dma_wait3A_394 = tpu.memref_squeeze %dma_wait3A_393 : memref<1x128x128xbf16, #tpu.memory_space<vmem>> -> memref<128x128xbf16, #tpu.memory_space<vmem>>
        %dma_wait3A_395 = arith.constant 0 : i32
        %dma_wait3A_396 = tpu.memref_slice %arg11[%sub3A_325, %dma_wait3A_395] : memref<124x128xi32, #tpu.memory_space<vmem>> -> memref<1x128xi32, #tpu.memory_space<vmem>>
        %dma_wait3A_397 = tpu.memref_squeeze %dma_wait3A_396 : memref<1x128xi32, #tpu.memory_space<vmem>> -> memref<128xi32, #tpu.memory_space<vmem>>
        %dma_wait3A_398 = arith.constant 0 : i32
        %dma_wait3A_399 = arith.constant 0 : i32
        %dma_wait3A_400 = tpu.memref_slice %arg13[%dma_wait3A_398, %dma_wait3A_399] : memref<10112x128xbf16, #tpu.memory_space<vmem_shared>> -> memref<10112x128xbf16, #tpu.memory_space<vmem_shared>>
        %dma_wait3A_401 = tpu.memref_slice %arg15[%dma_wait3A_390] : memref<4x!tpu.dma_semaphore, #tpu.memory_space<semaphore_mem>> -> memref<1x!tpu.dma_semaphore, #tpu.memory_space<semaphore_mem>>
        %dma_wait3A_402 = tpu.memref_squeeze %dma_wait3A_401 : memref<1x!tpu.dma_semaphore, #tpu.memory_space<semaphore_mem>> -> memref<!tpu.dma_semaphore, #tpu.memory_space<semaphore_mem>>
        tpu.wait_indirect_dma semaphore(%dma_wait3A_402 : memref<!tpu.dma_semaphore, #tpu.memory_space<semaphore_mem>>) src(%dma_wait3A_394 : memref<128x128xbf16, #tpu.memory_space<vmem>>) dst(%dma_wait3A_400 : memref<10112x128xbf16, #tpu.memory_space<vmem_shared>>)
        %add3A_403 = arith.constant 4 : i32
        %add3A_404 = arith.addi %sub3A_325, %add3A_403 : i32
        %dma_start3A_405 = arith.constant 0 : i32
        %dma_start3A_406 = arith.constant 0 : i32
        %dma_start3A_407 = arith.constant 0 : i32
        %dma_start3A_408 = arith.constant 0 : i32
        %dma_start3A_409 = tpu.memref_slice %arg12[%dma_start3A_405, %dma_start3A_407, %dma_start3A_408] : memref<4x128x128xbf16, #tpu.memory_space<vmem>> -> memref<1x128x128xbf16, #tpu.memory_space<vmem>>
        %dma_start3A_410 = tpu.memref_squeeze %dma_start3A_409 : memref<1x128x128xbf16, #tpu.memory_space<vmem>> -> memref<128x128xbf16, #tpu.memory_space<vmem>>
        %dma_start3A_411 = arith.constant 0 : i32
        %dma_start3A_412 = tpu.memref_slice %arg10[%add3A_404, %dma_start3A_411] : memref<124x128xi32, #tpu.memory_space<vmem>> -> memref<1x128xi32, #tpu.memory_space<vmem>>
        %dma_start3A_413 = tpu.memref_squeeze %dma_start3A_412 : memref<1x128xi32, #tpu.memory_space<vmem>> -> memref<128xi32, #tpu.memory_space<vmem>>
        %dma_start3A_414 = arith.constant 0 : i32
        %dma_start3A_415 = arith.constant 0 : i32
        %dma_start3A_416 = tpu.memref_slice %arg2[%dma_start3A_414, %dma_start3A_415] : memref<10000x128xbf16, #tpu.memory_space<hbm>> -> memref<10000x128xbf16, #tpu.memory_space<hbm>>
        %dma_start3A_417 = tpu.memref_slice %arg14[%dma_start3A_406] : memref<4x!tpu.dma_semaphore, #tpu.memory_space<semaphore_mem>> -> memref<1x!tpu.dma_semaphore, #tpu.memory_space<semaphore_mem>>
        %dma_start3A_418 = tpu.memref_squeeze %dma_start3A_417 : memref<1x!tpu.dma_semaphore, #tpu.memory_space<semaphore_mem>> -> memref<!tpu.dma_semaphore, #tpu.memory_space<semaphore_mem>>
        tpu.enqueue_indirect_dma source(%dma_start3A_416 : memref<10000x128xbf16, #tpu.memory_space<hbm>>) target(%dma_start3A_410 : memref<128x128xbf16, #tpu.memory_space<vmem>>) offsets(%dma_start3A_413 : memref<128xi32, #tpu.memory_space<vmem>>) semaphore(%dma_start3A_418 : memref<!tpu.dma_semaphore, #tpu.memory_space<semaphore_mem>>)
      } else {
      }
      %mul3A_335 = arith.constant 4 : i32
      %mul3A_336 = arith.muli %while3A_175, %mul3A_335 : i32
      %add3A_337 = arith.constant 3 : i32
      %add3A_338 = arith.addi %mul3A_336, %add3A_337 : i32
      %dma_wait3A_339 = arith.constant 3 : i32
      %dma_wait3A_340 = arith.constant 3 : i32
      %dma_wait3A_341 = arith.constant 0 : i32
      %dma_wait3A_342 = arith.constant 0 : i32
      %dma_wait3A_343 = tpu.memref_slice %arg12[%dma_wait3A_339, %dma_wait3A_341, %dma_wait3A_342] : memref<4x128x128xbf16, #tpu.memory_space<vmem>> -> memref<1x128x128xbf16, #tpu.memory_space<vmem>>
      %dma_wait3A_344 = tpu.memref_squeeze %dma_wait3A_343 : memref<1x128x128xbf16, #tpu.memory_space<vmem>> -> memref<128x128xbf16, #tpu.memory_space<vmem>>
      %dma_wait3A_345 = arith.constant 0 : i32
      %dma_wait3A_346 = tpu.memref_slice %arg10[%add3A_338, %dma_wait3A_345] : memref<124x128xi32, #tpu.memory_space<vmem>> -> memref<1x128xi32, #tpu.memory_space<vmem>>
      %dma_wait3A_347 = tpu.memref_squeeze %dma_wait3A_346 : memref<1x128xi32, #tpu.memory_space<vmem>> -> memref<128xi32, #tpu.memory_space<vmem>>
      %dma_wait3A_348 = arith.constant 0 : i32
      %dma_wait3A_349 = arith.constant 0 : i32
      %dma_wait3A_350 = tpu.memref_slice %arg2[%dma_wait3A_348, %dma_wait3A_349] : memref<10000x128xbf16, #tpu.memory_space<hbm>> -> memref<10000x128xbf16, #tpu.memory_space<hbm>>
      %dma_wait3A_351 = tpu.memref_slice %arg14[%dma_wait3A_340] : memref<4x!tpu.dma_semaphore, #tpu.memory_space<semaphore_mem>> -> memref<1x!tpu.dma_semaphore, #tpu.memory_space<semaphore_mem>>
      %dma_wait3A_352 = tpu.memref_squeeze %dma_wait3A_351 : memref<1x!tpu.dma_semaphore, #tpu.memory_space<semaphore_mem>> -> memref<!tpu.dma_semaphore, #tpu.memory_space<semaphore_mem>>
      tpu.wait_indirect_dma semaphore(%dma_wait3A_352 : memref<!tpu.dma_semaphore, #tpu.memory_space<semaphore_mem>>) src(%dma_wait3A_350 : memref<10000x128xbf16, #tpu.memory_space<hbm>>) dst(%dma_wait3A_344 : memref<128x128xbf16, #tpu.memory_space<vmem>>)
      %dma_start3A_353 = arith.constant 3 : i32
      %dma_start3A_354 = arith.constant 3 : i32
      %dma_start3A_355 = arith.constant 0 : i32
      %dma_start3A_356 = arith.constant 0 : i32
      %dma_start3A_357 = tpu.memref_slice %arg12[%dma_start3A_353, %dma_start3A_355, %dma_start3A_356] : memref<4x128x128xbf16, #tpu.memory_space<vmem>> -> memref<1x128x128xbf16, #tpu.memory_space<vmem>>
      %dma_start3A_358 = tpu.memref_squeeze %dma_start3A_357 : memref<1x128x128xbf16, #tpu.memory_space<vmem>> -> memref<128x128xbf16, #tpu.memory_space<vmem>>
      %dma_start3A_359 = arith.constant 0 : i32
      %dma_start3A_360 = tpu.memref_slice %arg11[%add3A_338, %dma_start3A_359] : memref<124x128xi32, #tpu.memory_space<vmem>> -> memref<1x128xi32, #tpu.memory_space<vmem>>
      %dma_start3A_361 = tpu.memref_squeeze %dma_start3A_360 : memref<1x128xi32, #tpu.memory_space<vmem>> -> memref<128xi32, #tpu.memory_space<vmem>>
      %dma_start3A_362 = arith.constant 0 : i32
      %dma_start3A_363 = arith.constant 0 : i32
      %dma_start3A_364 = tpu.memref_slice %arg13[%dma_start3A_362, %dma_start3A_363] : memref<10112x128xbf16, #tpu.memory_space<vmem_shared>> -> memref<10112x128xbf16, #tpu.memory_space<vmem_shared>>
      %dma_start3A_365 = tpu.memref_slice %arg15[%dma_start3A_354] : memref<4x!tpu.dma_semaphore, #tpu.memory_space<semaphore_mem>> -> memref<1x!tpu.dma_semaphore, #tpu.memory_space<semaphore_mem>>
      %dma_start3A_366 = tpu.memref_squeeze %dma_start3A_365 : memref<1x!tpu.dma_semaphore, #tpu.memory_space<semaphore_mem>> -> memref<!tpu.dma_semaphore, #tpu.memory_space<semaphore_mem>>
      tpu.enqueue_indirect_dma source(%dma_start3A_358 : memref<128x128xbf16, #tpu.memory_space<vmem>>) target(%dma_start3A_364 : memref<10112x128xbf16, #tpu.memory_space<vmem_shared>>) offsets(%dma_start3A_361 : memref<128xi32, #tpu.memory_space<vmem>>) semaphore(%dma_start3A_366 : memref<!tpu.dma_semaphore, #tpu.memory_space<semaphore_mem>>) {add = true}
      %gt3A_367 = arith.constant 0 : i32
      %gt3A_368 = arith.cmpi sgt, %add3A_338, %gt3A_367 : i32
      %convert_element_type3A_369 = arith.extui %gt3A_368 : i1 to i32
      %cond3A_370 = arith.constant 0 : i32
      %cond3A_371 = arith.cmpi ne, %convert_element_type3A_369, %cond3A_370 : i32
      scf.if %cond3A_371 {
        %sub3A_389 = arith.constant 1 : i32
        %sub3A_390 = arith.subi %add3A_338, %sub3A_389 : i32
        %dma_wait3A_391 = arith.constant 0 : i32
        %dma_wait3A_392 = tpu.memref_slice %arg11[%sub3A_390, %dma_wait3A_391] : memref<124x128xi32, #tpu.memory_space<vmem>> -> memref<1x128xi32, #tpu.memory_space<vmem>>
        %dma_wait3A_393 = tpu.memref_squeeze %dma_wait3A_392 : memref<1x128xi32, #tpu.memory_space<vmem>> -> memref<128xi32, #tpu.memory_space<vmem>>
        %dma_wait3A_394 = arith.constant 0 : i32
        %dma_wait3A_395 = arith.constant 0 : i32
        %dma_wait3A_396 = tpu.memref_slice %arg17[%dma_wait3A_394, %dma_wait3A_395] : memref<10112x8xf32, #tpu.memory_space<vmem_shared>> -> memref<10112x8xf32, #tpu.memory_space<vmem_shared>>
        tpu.wait_indirect_dma semaphore(%arg18 : memref<!tpu.dma_semaphore, #tpu.memory_space<semaphore_mem>>) src(%arg16 : memref<128x8xf32, #tpu.memory_space<vmem>>) dst(%dma_wait3A_396 : memref<10112x8xf32, #tpu.memory_space<vmem_shared>>)
      } else {
      }
      %dma_start3A_372 = arith.constant 0 : i32
      %dma_start3A_373 = tpu.memref_slice %arg11[%add3A_338, %dma_start3A_372] : memref<124x128xi32, #tpu.memory_space<vmem>> -> memref<1x128xi32, #tpu.memory_space<vmem>>
      %dma_start3A_374 = tpu.memref_squeeze %dma_start3A_373 : memref<1x128xi32, #tpu.memory_space<vmem>> -> memref<128xi32, #tpu.memory_space<vmem>>
      %dma_start3A_375 = arith.constant 0 : i32
      %dma_start3A_376 = arith.constant 0 : i32
      %dma_start3A_377 = tpu.memref_slice %arg17[%dma_start3A_375, %dma_start3A_376] : memref<10112x8xf32, #tpu.memory_space<vmem_shared>> -> memref<10112x8xf32, #tpu.memory_space<vmem_shared>>
      tpu.enqueue_indirect_dma source(%arg16 : memref<128x8xf32, #tpu.memory_space<vmem>>) target(%dma_start3A_377 : memref<10112x8xf32, #tpu.memory_space<vmem_shared>>) offsets(%dma_start3A_374 : memref<128xi32, #tpu.memory_space<vmem>>) semaphore(%arg18 : memref<!tpu.dma_semaphore, #tpu.memory_space<semaphore_mem>>) {add = true}
      %sub3A_378 = arith.constant 2 : i32
      %sub3A_379 = arith.subi %add3A_338, %sub3A_378 : i32
      %ge3A_380 = arith.constant 0 : i32
      %ge3A_381 = arith.cmpi sge, %sub3A_379, %ge3A_380 : i32
      %sub3A_382 = arith.constant 2 : i32
      %sub3A_383 = arith.subi %select_n3A, %sub3A_382 : i32
      %lt3A_384 = arith.cmpi slt, %add3A_338, %sub3A_383 : i32
      %and3A_385 = arith.andi %ge3A_381, %lt3A_384 : i1
      %convert_element_type3A_386 = arith.extui %and3A_385 : i1 to i32
      %cond3A_387 = arith.constant 0 : i32
      %cond3A_388 = arith.cmpi ne, %convert_element_type3A_386, %cond3A_387 : i32
      scf.if %cond3A_388 {
        %dma_wait3A_389 = arith.constant 1 : i32
        %dma_wait3A_390 = arith.constant 1 : i32
        %dma_wait3A_391 = arith.constant 0 : i32
        %dma_wait3A_392 = arith.constant 0 : i32
        %dma_wait3A_393 = tpu.memref_slice %arg12[%dma_wait3A_389, %dma_wait3A_391, %dma_wait3A_392] : memref<4x128x128xbf16, #tpu.memory_space<vmem>> -> memref<1x128x128xbf16, #tpu.memory_space<vmem>>
        %dma_wait3A_394 = tpu.memref_squeeze %dma_wait3A_393 : memref<1x128x128xbf16, #tpu.memory_space<vmem>> -> memref<128x128xbf16, #tpu.memory_space<vmem>>
        %dma_wait3A_395 = arith.constant 0 : i32
        %dma_wait3A_396 = tpu.memref_slice %arg11[%sub3A_379, %dma_wait3A_395] : memref<124x128xi32, #tpu.memory_space<vmem>> -> memref<1x128xi32, #tpu.memory_space<vmem>>
        %dma_wait3A_397 = tpu.memref_squeeze %dma_wait3A_396 : memref<1x128xi32, #tpu.memory_space<vmem>> -> memref<128xi32, #tpu.memory_space<vmem>>
        %dma_wait3A_398 = arith.constant 0 : i32
        %dma_wait3A_399 = arith.constant 0 : i32
        %dma_wait3A_400 = tpu.memref_slice %arg13[%dma_wait3A_398, %dma_wait3A_399] : memref<10112x128xbf16, #tpu.memory_space<vmem_shared>> -> memref<10112x128xbf16, #tpu.memory_space<vmem_shared>>
        %dma_wait3A_401 = tpu.memref_slice %arg15[%dma_wait3A_390] : memref<4x!tpu.dma_semaphore, #tpu.memory_space<semaphore_mem>> -> memref<1x!tpu.dma_semaphore, #tpu.memory_space<semaphore_mem>>
        %dma_wait3A_402 = tpu.memref_squeeze %dma_wait3A_401 : memref<1x!tpu.dma_semaphore, #tpu.memory_space<semaphore_mem>> -> memref<!tpu.dma_semaphore, #tpu.memory_space<semaphore_mem>>
        tpu.wait_indirect_dma semaphore(%dma_wait3A_402 : memref<!tpu.dma_semaphore, #tpu.memory_space<semaphore_mem>>) src(%dma_wait3A_394 : memref<128x128xbf16, #tpu.memory_space<vmem>>) dst(%dma_wait3A_400 : memref<10112x128xbf16, #tpu.memory_space<vmem_shared>>)
        %add3A_403 = arith.constant 4 : i32
        %add3A_404 = arith.addi %sub3A_379, %add3A_403 : i32
        %dma_start3A_405 = arith.constant 1 : i32
        %dma_start3A_406 = arith.constant 1 : i32
        %dma_start3A_407 = arith.constant 0 : i32
        %dma_start3A_408 = arith.constant 0 : i32
        %dma_start3A_409 = tpu.memref_slice %arg12[%dma_start3A_405, %dma_start3A_407, %dma_start3A_408] : memref<4x128x128xbf16, #tpu.memory_space<vmem>> -> memref<1x128x128xbf16, #tpu.memory_space<vmem>>
        %dma_start3A_410 = tpu.memref_squeeze %dma_start3A_409 : memref<1x128x128xbf16, #tpu.memory_space<vmem>> -> memref<128x128xbf16, #tpu.memory_space<vmem>>
        %dma_start3A_411 = arith.constant 0 : i32
        %dma_start3A_412 = tpu.memref_slice %arg10[%add3A_404, %dma_start3A_411] : memref<124x128xi32, #tpu.memory_space<vmem>> -> memref<1x128xi32, #tpu.memory_space<vmem>>
        %dma_start3A_413 = tpu.memref_squeeze %dma_start3A_412 : memref<1x128xi32, #tpu.memory_space<vmem>> -> memref<128xi32, #tpu.memory_space<vmem>>
        %dma_start3A_414 = arith.constant 0 : i32
        %dma_start3A_415 = arith.constant 0 : i32
        %dma_start3A_416 = tpu.memref_slice %arg2[%dma_start3A_414, %dma_start3A_415] : memref<10000x128xbf16, #tpu.memory_space<hbm>> -> memref<10000x128xbf16, #tpu.memory_space<hbm>>
        %dma_start3A_417 = tpu.memref_slice %arg14[%dma_start3A_406] : memref<4x!tpu.dma_semaphore, #tpu.memory_space<semaphore_mem>> -> memref<1x!tpu.dma_semaphore, #tpu.memory_space<semaphore_mem>>
        %dma_start3A_418 = tpu.memref_squeeze %dma_start3A_417 : memref<1x!tpu.dma_semaphore, #tpu.memory_space<semaphore_mem>> -> memref<!tpu.dma_semaphore, #tpu.memory_space<semaphore_mem>>
        tpu.enqueue_indirect_dma source(%dma_start3A_416 : memref<10000x128xbf16, #tpu.memory_space<hbm>>) target(%dma_start3A_410 : memref<128x128xbf16, #tpu.memory_space<vmem>>) offsets(%dma_start3A_413 : memref<128xi32, #tpu.memory_space<vmem>>) semaphore(%dma_start3A_418 : memref<!tpu.dma_semaphore, #tpu.memory_space<semaphore_mem>>)
      } else {
      }
    }
    %while3A_95 = arith.constant 1 : i32
    scf.for %while3A_175 = %while3A_93 to %while3A_89 step %while3A_95  : i32 {
      %mul3A_176 = arith.constant 4 : i32
      %mul3A_177 = arith.muli %while3A_175, %mul3A_176 : i32
      %add3A_178 = arith.constant 0 : i32
      %add3A_179 = arith.addi %mul3A_177, %add3A_178 : i32
      %dma_wait3A_180 = arith.constant 0 : i32
      %dma_wait3A_181 = arith.constant 0 : i32
      %dma_wait3A_182 = arith.constant 0 : i32
      %dma_wait3A_183 = arith.constant 0 : i32
      %dma_wait3A_184 = tpu.memref_slice %arg12[%dma_wait3A_180, %dma_wait3A_182, %dma_wait3A_183] : memref<4x128x128xbf16, #tpu.memory_space<vmem>> -> memref<1x128x128xbf16, #tpu.memory_space<vmem>>
      %dma_wait3A_185 = tpu.memref_squeeze %dma_wait3A_184 : memref<1x128x128xbf16, #tpu.memory_space<vmem>> -> memref<128x128xbf16, #tpu.memory_space<vmem>>
      %dma_wait3A_186 = arith.constant 0 : i32
      %dma_wait3A_187 = tpu.memref_slice %arg10[%add3A_179, %dma_wait3A_186] : memref<124x128xi32, #tpu.memory_space<vmem>> -> memref<1x128xi32, #tpu.memory_space<vmem>>
      %dma_wait3A_188 = tpu.memref_squeeze %dma_wait3A_187 : memref<1x128xi32, #tpu.memory_space<vmem>> -> memref<128xi32, #tpu.memory_space<vmem>>
      %dma_wait3A_189 = arith.constant 0 : i32
      %dma_wait3A_190 = arith.constant 0 : i32
      %dma_wait3A_191 = tpu.memref_slice %arg2[%dma_wait3A_189, %dma_wait3A_190] : memref<10000x128xbf16, #tpu.memory_space<hbm>> -> memref<10000x128xbf16, #tpu.memory_space<hbm>>
      %dma_wait3A_192 = tpu.memref_slice %arg14[%dma_wait3A_181] : memref<4x!tpu.dma_semaphore, #tpu.memory_space<semaphore_mem>> -> memref<1x!tpu.dma_semaphore, #tpu.memory_space<semaphore_mem>>
      %dma_wait3A_193 = tpu.memref_squeeze %dma_wait3A_192 : memref<1x!tpu.dma_semaphore, #tpu.memory_space<semaphore_mem>> -> memref<!tpu.dma_semaphore, #tpu.memory_space<semaphore_mem>>
      tpu.wait_indirect_dma semaphore(%dma_wait3A_193 : memref<!tpu.dma_semaphore, #tpu.memory_space<semaphore_mem>>) src(%dma_wait3A_191 : memref<10000x128xbf16, #tpu.memory_space<hbm>>) dst(%dma_wait3A_185 : memref<128x128xbf16, #tpu.memory_space<vmem>>)
      %dma_start3A_194 = arith.constant 0 : i32
      %dma_start3A_195 = arith.constant 0 : i32
      %dma_start3A_196 = arith.constant 0 : i32
      %dma_start3A_197 = arith.constant 0 : i32
      %dma_start3A_198 = tpu.memref_slice %arg12[%dma_start3A_194, %dma_start3A_196, %dma_start3A_197] : memref<4x128x128xbf16, #tpu.memory_space<vmem>> -> memref<1x128x128xbf16, #tpu.memory_space<vmem>>
      %dma_start3A_199 = tpu.memref_squeeze %dma_start3A_198 : memref<1x128x128xbf16, #tpu.memory_space<vmem>> -> memref<128x128xbf16, #tpu.memory_space<vmem>>
      %dma_start3A_200 = arith.constant 0 : i32
      %dma_start3A_201 = tpu.memref_slice %arg11[%add3A_179, %dma_start3A_200] : memref<124x128xi32, #tpu.memory_space<vmem>> -> memref<1x128xi32, #tpu.memory_space<vmem>>
      %dma_start3A_202 = tpu.memref_squeeze %dma_start3A_201 : memref<1x128xi32, #tpu.memory_space<vmem>> -> memref<128xi32, #tpu.memory_space<vmem>>
      %dma_start3A_203 = arith.constant 0 : i32
      %dma_start3A_204 = arith.constant 0 : i32
      %dma_start3A_205 = tpu.memref_slice %arg13[%dma_start3A_203, %dma_start3A_204] : memref<10112x128xbf16, #tpu.memory_space<vmem_shared>> -> memref<10112x128xbf16, #tpu.memory_space<vmem_shared>>
      %dma_start3A_206 = tpu.memref_slice %arg15[%dma_start3A_195] : memref<4x!tpu.dma_semaphore, #tpu.memory_space<semaphore_mem>> -> memref<1x!tpu.dma_semaphore, #tpu.memory_space<semaphore_mem>>
      %dma_start3A_207 = tpu.memref_squeeze %dma_start3A_206 : memref<1x!tpu.dma_semaphore, #tpu.memory_space<semaphore_mem>> -> memref<!tpu.dma_semaphore, #tpu.memory_space<semaphore_mem>>
      tpu.enqueue_indirect_dma source(%dma_start3A_199 : memref<128x128xbf16, #tpu.memory_space<vmem>>) target(%dma_start3A_205 : memref<10112x128xbf16, #tpu.memory_space<vmem_shared>>) offsets(%dma_start3A_202 : memref<128xi32, #tpu.memory_space<vmem>>) semaphore(%dma_start3A_207 : memref<!tpu.dma_semaphore, #tpu.memory_space<semaphore_mem>>) {add = true}
      %gt3A = arith.constant 0 : i32
      %gt3A_208 = arith.cmpi sgt, %add3A_179, %gt3A : i32
      %convert_element_type3A_209 = arith.extui %gt3A_208 : i1 to i32
      %cond3A_210 = arith.constant 0 : i32
      %cond3A_211 = arith.cmpi ne, %convert_element_type3A_209, %cond3A_210 : i32
      scf.if %cond3A_211 {
        %sub3A_389 = arith.constant 1 : i32
        %sub3A_390 = arith.subi %add3A_179, %sub3A_389 : i32
        %dma_wait3A_391 = arith.constant 0 : i32
        %dma_wait3A_392 = tpu.memref_slice %arg11[%sub3A_390, %dma_wait3A_391] : memref<124x128xi32, #tpu.memory_space<vmem>> -> memref<1x128xi32, #tpu.memory_space<vmem>>
        %dma_wait3A_393 = tpu.memref_squeeze %dma_wait3A_392 : memref<1x128xi32, #tpu.memory_space<vmem>> -> memref<128xi32, #tpu.memory_space<vmem>>
        %dma_wait3A_394 = arith.constant 0 : i32
        %dma_wait3A_395 = arith.constant 0 : i32
        %dma_wait3A_396 = tpu.memref_slice %arg17[%dma_wait3A_394, %dma_wait3A_395] : memref<10112x8xf32, #tpu.memory_space<vmem_shared>> -> memref<10112x8xf32, #tpu.memory_space<vmem_shared>>
        tpu.wait_indirect_dma semaphore(%arg18 : memref<!tpu.dma_semaphore, #tpu.memory_space<semaphore_mem>>) src(%arg16 : memref<128x8xf32, #tpu.memory_space<vmem>>) dst(%dma_wait3A_396 : memref<10112x8xf32, #tpu.memory_space<vmem_shared>>)
      } else {
      }
      %dma_start3A_212 = arith.constant 0 : i32
      %dma_start3A_213 = tpu.memref_slice %arg11[%add3A_179, %dma_start3A_212] : memref<124x128xi32, #tpu.memory_space<vmem>> -> memref<1x128xi32, #tpu.memory_space<vmem>>
      %dma_start3A_214 = tpu.memref_squeeze %dma_start3A_213 : memref<1x128xi32, #tpu.memory_space<vmem>> -> memref<128xi32, #tpu.memory_space<vmem>>
      %dma_start3A_215 = arith.constant 0 : i32
      %dma_start3A_216 = arith.constant 0 : i32
      %dma_start3A_217 = tpu.memref_slice %arg17[%dma_start3A_215, %dma_start3A_216] : memref<10112x8xf32, #tpu.memory_space<vmem_shared>> -> memref<10112x8xf32, #tpu.memory_space<vmem_shared>>
      tpu.enqueue_indirect_dma source(%arg16 : memref<128x8xf32, #tpu.memory_space<vmem>>) target(%dma_start3A_217 : memref<10112x8xf32, #tpu.memory_space<vmem_shared>>) offsets(%dma_start3A_214 : memref<128xi32, #tpu.memory_space<vmem>>) semaphore(%arg18 : memref<!tpu.dma_semaphore, #tpu.memory_space<semaphore_mem>>) {add = true}
      %sub3A_218 = arith.constant 2 : i32
      %sub3A_219 = arith.subi %add3A_179, %sub3A_218 : i32
      %ge3A = arith.constant 0 : i32
      %ge3A_220 = arith.cmpi sge, %sub3A_219, %ge3A : i32
      %sub3A_221 = arith.constant 2 : i32
      %sub3A_222 = arith.subi %select_n3A, %sub3A_221 : i32
      %lt3A = arith.cmpi slt, %add3A_179, %sub3A_222 : i32
      %and3A_223 = arith.andi %ge3A_220, %lt3A : i1
      %convert_element_type3A_224 = arith.extui %and3A_223 : i1 to i32
      %cond3A_225 = arith.constant 0 : i32
      %cond3A_226 = arith.cmpi ne, %convert_element_type3A_224, %cond3A_225 : i32
      scf.if %cond3A_226 {
        %dma_wait3A_389 = arith.constant 2 : i32
        %dma_wait3A_390 = arith.constant 2 : i32
        %dma_wait3A_391 = arith.constant 0 : i32
        %dma_wait3A_392 = arith.constant 0 : i32
        %dma_wait3A_393 = tpu.memref_slice %arg12[%dma_wait3A_389, %dma_wait3A_391, %dma_wait3A_392] : memref<4x128x128xbf16, #tpu.memory_space<vmem>> -> memref<1x128x128xbf16, #tpu.memory_space<vmem>>
        %dma_wait3A_394 = tpu.memref_squeeze %dma_wait3A_393 : memref<1x128x128xbf16, #tpu.memory_space<vmem>> -> memref<128x128xbf16, #tpu.memory_space<vmem>>
        %dma_wait3A_395 = arith.constant 0 : i32
        %dma_wait3A_396 = tpu.memref_slice %arg11[%sub3A_219, %dma_wait3A_395] : memref<124x128xi32, #tpu.memory_space<vmem>> -> memref<1x128xi32, #tpu.memory_space<vmem>>
        %dma_wait3A_397 = tpu.memref_squeeze %dma_wait3A_396 : memref<1x128xi32, #tpu.memory_space<vmem>> -> memref<128xi32, #tpu.memory_space<vmem>>
        %dma_wait3A_398 = arith.constant 0 : i32
        %dma_wait3A_399 = arith.constant 0 : i32
        %dma_wait3A_400 = tpu.memref_slice %arg13[%dma_wait3A_398, %dma_wait3A_399] : memref<10112x128xbf16, #tpu.memory_space<vmem_shared>> -> memref<10112x128xbf16, #tpu.memory_space<vmem_shared>>
        %dma_wait3A_401 = tpu.memref_slice %arg15[%dma_wait3A_390] : memref<4x!tpu.dma_semaphore, #tpu.memory_space<semaphore_mem>> -> memref<1x!tpu.dma_semaphore, #tpu.memory_space<semaphore_mem>>
        %dma_wait3A_402 = tpu.memref_squeeze %dma_wait3A_401 : memref<1x!tpu.dma_semaphore, #tpu.memory_space<semaphore_mem>> -> memref<!tpu.dma_semaphore, #tpu.memory_space<semaphore_mem>>
        tpu.wait_indirect_dma semaphore(%dma_wait3A_402 : memref<!tpu.dma_semaphore, #tpu.memory_space<semaphore_mem>>) src(%dma_wait3A_394 : memref<128x128xbf16, #tpu.memory_space<vmem>>) dst(%dma_wait3A_400 : memref<10112x128xbf16, #tpu.memory_space<vmem_shared>>)
        %add3A_403 = arith.constant 4 : i32
        %add3A_404 = arith.addi %sub3A_219, %add3A_403 : i32
        %dma_start3A_405 = arith.constant 2 : i32
        %dma_start3A_406 = arith.constant 2 : i32
        %dma_start3A_407 = arith.constant 0 : i32
        %dma_start3A_408 = arith.constant 0 : i32
        %dma_start3A_409 = tpu.memref_slice %arg12[%dma_start3A_405, %dma_start3A_407, %dma_start3A_408] : memref<4x128x128xbf16, #tpu.memory_space<vmem>> -> memref<1x128x128xbf16, #tpu.memory_space<vmem>>
        %dma_start3A_410 = tpu.memref_squeeze %dma_start3A_409 : memref<1x128x128xbf16, #tpu.memory_space<vmem>> -> memref<128x128xbf16, #tpu.memory_space<vmem>>
        %dma_start3A_411 = arith.constant 0 : i32
        %dma_start3A_412 = tpu.memref_slice %arg10[%add3A_404, %dma_start3A_411] : memref<124x128xi32, #tpu.memory_space<vmem>> -> memref<1x128xi32, #tpu.memory_space<vmem>>
        %dma_start3A_413 = tpu.memref_squeeze %dma_start3A_412 : memref<1x128xi32, #tpu.memory_space<vmem>> -> memref<128xi32, #tpu.memory_space<vmem>>
        %dma_start3A_414 = arith.constant 0 : i32
        %dma_start3A_415 = arith.constant 0 : i32
        %dma_start3A_416 = tpu.memref_slice %arg2[%dma_start3A_414, %dma_start3A_415] : memref<10000x128xbf16, #tpu.memory_space<hbm>> -> memref<10000x128xbf16, #tpu.memory_space<hbm>>
        %dma_start3A_417 = tpu.memref_slice %arg14[%dma_start3A_406] : memref<4x!tpu.dma_semaphore, #tpu.memory_space<semaphore_mem>> -> memref<1x!tpu.dma_semaphore, #tpu.memory_space<semaphore_mem>>
        %dma_start3A_418 = tpu.memref_squeeze %dma_start3A_417 : memref<1x!tpu.dma_semaphore, #tpu.memory_space<semaphore_mem>> -> memref<!tpu.dma_semaphore, #tpu.memory_space<semaphore_mem>>
        tpu.enqueue_indirect_dma source(%dma_start3A_416 : memref<10000x128xbf16, #tpu.memory_space<hbm>>) target(%dma_start3A_410 : memref<128x128xbf16, #tpu.memory_space<vmem>>) offsets(%dma_start3A_413 : memref<128xi32, #tpu.memory_space<vmem>>) semaphore(%dma_start3A_418 : memref<!tpu.dma_semaphore, #tpu.memory_space<semaphore_mem>>)
      } else {
      }
      %mul3A_227 = arith.constant 4 : i32
      %mul3A_228 = arith.muli %while3A_175, %mul3A_227 : i32
      %add3A_229 = arith.constant 1 : i32
      %add3A_230 = arith.addi %mul3A_228, %add3A_229 : i32
      %dma_wait3A_231 = arith.constant 1 : i32
      %dma_wait3A_232 = arith.constant 1 : i32
      %dma_wait3A_233 = arith.constant 0 : i32
      %dma_wait3A_234 = arith.constant 0 : i32
      %dma_wait3A_235 = tpu.memref_slice %arg12[%dma_wait3A_231, %dma_wait3A_233, %dma_wait3A_234] : memref<4x128x128xbf16, #tpu.memory_space<vmem>> -> memref<1x128x128xbf16, #tpu.memory_space<vmem>>
      %dma_wait3A_236 = tpu.memref_squeeze %dma_wait3A_235 : memref<1x128x128xbf16, #tpu.memory_space<vmem>> -> memref<128x128xbf16, #tpu.memory_space<vmem>>
      %dma_wait3A_237 = arith.constant 0 : i32
      %dma_wait3A_238 = tpu.memref_slice %arg10[%add3A_230, %dma_wait3A_237] : memref<124x128xi32, #tpu.memory_space<vmem>> -> memref<1x128xi32, #tpu.memory_space<vmem>>
      %dma_wait3A_239 = tpu.memref_squeeze %dma_wait3A_238 : memref<1x128xi32, #tpu.memory_space<vmem>> -> memref<128xi32, #tpu.memory_space<vmem>>
      %dma_wait3A_240 = arith.constant 0 : i32
      %dma_wait3A_241 = arith.constant 0 : i32
      %dma_wait3A_242 = tpu.memref_slice %arg2[%dma_wait3A_240, %dma_wait3A_241] : memref<10000x128xbf16, #tpu.memory_space<hbm>> -> memref<10000x128xbf16, #tpu.memory_space<hbm>>
      %dma_wait3A_243 = tpu.memref_slice %arg14[%dma_wait3A_232] : memref<4x!tpu.dma_semaphore, #tpu.memory_space<semaphore_mem>> -> memref<1x!tpu.dma_semaphore, #tpu.memory_space<semaphore_mem>>
      %dma_wait3A_244 = tpu.memref_squeeze %dma_wait3A_243 : memref<1x!tpu.dma_semaphore, #tpu.memory_space<semaphore_mem>> -> memref<!tpu.dma_semaphore, #tpu.memory_space<semaphore_mem>>
      tpu.wait_indirect_dma semaphore(%dma_wait3A_244 : memref<!tpu.dma_semaphore, #tpu.memory_space<semaphore_mem>>) src(%dma_wait3A_242 : memref<10000x128xbf16, #tpu.memory_space<hbm>>) dst(%dma_wait3A_236 : memref<128x128xbf16, #tpu.memory_space<vmem>>)
      %dma_start3A_245 = arith.constant 1 : i32
      %dma_start3A_246 = arith.constant 1 : i32
      %dma_start3A_247 = arith.constant 0 : i32
      %dma_start3A_248 = arith.constant 0 : i32
      %dma_start3A_249 = tpu.memref_slice %arg12[%dma_start3A_245, %dma_start3A_247, %dma_start3A_248] : memref<4x128x128xbf16, #tpu.memory_space<vmem>> -> memref<1x128x128xbf16, #tpu.memory_space<vmem>>
      %dma_start3A_250 = tpu.memref_squeeze %dma_start3A_249 : memref<1x128x128xbf16, #tpu.memory_space<vmem>> -> memref<128x128xbf16, #tpu.memory_space<vmem>>
      %dma_start3A_251 = arith.constant 0 : i32
      %dma_start3A_252 = tpu.memref_slice %arg11[%add3A_230, %dma_start3A_251] : memref<124x128xi32, #tpu.memory_space<vmem>> -> memref<1x128xi32, #tpu.memory_space<vmem>>
      %dma_start3A_253 = tpu.memref_squeeze %dma_start3A_252 : memref<1x128xi32, #tpu.memory_space<vmem>> -> memref<128xi32, #tpu.memory_space<vmem>>
      %dma_start3A_254 = arith.constant 0 : i32
      %dma_start3A_255 = arith.constant 0 : i32
      %dma_start3A_256 = tpu.memref_slice %arg13[%dma_start3A_254, %dma_start3A_255] : memref<10112x128xbf16, #tpu.memory_space<vmem_shared>> -> memref<10112x128xbf16, #tpu.memory_space<vmem_shared>>
      %dma_start3A_257 = tpu.memref_slice %arg15[%dma_start3A_246] : memref<4x!tpu.dma_semaphore, #tpu.memory_space<semaphore_mem>> -> memref<1x!tpu.dma_semaphore, #tpu.memory_space<semaphore_mem>>
      %dma_start3A_258 = tpu.memref_squeeze %dma_start3A_257 : memref<1x!tpu.dma_semaphore, #tpu.memory_space<semaphore_mem>> -> memref<!tpu.dma_semaphore, #tpu.memory_space<semaphore_mem>>
      tpu.enqueue_indirect_dma source(%dma_start3A_250 : memref<128x128xbf16, #tpu.memory_space<vmem>>) target(%dma_start3A_256 : memref<10112x128xbf16, #tpu.memory_space<vmem_shared>>) offsets(%dma_start3A_253 : memref<128xi32, #tpu.memory_space<vmem>>) semaphore(%dma_start3A_258 : memref<!tpu.dma_semaphore, #tpu.memory_space<semaphore_mem>>) {add = true}
      %gt3A_259 = arith.constant 0 : i32
      %gt3A_260 = arith.cmpi sgt, %add3A_230, %gt3A_259 : i32
      %convert_element_type3A_261 = arith.extui %gt3A_260 : i1 to i32
      %cond3A_262 = arith.constant 0 : i32
      %cond3A_263 = arith.cmpi ne, %convert_element_type3A_261, %cond3A_262 : i32
      scf.if %cond3A_263 {
        %sub3A_389 = arith.constant 1 : i32
        %sub3A_390 = arith.subi %add3A_230, %sub3A_389 : i32
        %dma_wait3A_391 = arith.constant 0 : i32
        %dma_wait3A_392 = tpu.memref_slice %arg11[%sub3A_390, %dma_wait3A_391] : memref<124x128xi32, #tpu.memory_space<vmem>> -> memref<1x128xi32, #tpu.memory_space<vmem>>
        %dma_wait3A_393 = tpu.memref_squeeze %dma_wait3A_392 : memref<1x128xi32, #tpu.memory_space<vmem>> -> memref<128xi32, #tpu.memory_space<vmem>>
        %dma_wait3A_394 = arith.constant 0 : i32
        %dma_wait3A_395 = arith.constant 0 : i32
        %dma_wait3A_396 = tpu.memref_slice %arg17[%dma_wait3A_394, %dma_wait3A_395] : memref<10112x8xf32, #tpu.memory_space<vmem_shared>> -> memref<10112x8xf32, #tpu.memory_space<vmem_shared>>
        tpu.wait_indirect_dma semaphore(%arg18 : memref<!tpu.dma_semaphore, #tpu.memory_space<semaphore_mem>>) src(%arg16 : memref<128x8xf32, #tpu.memory_space<vmem>>) dst(%dma_wait3A_396 : memref<10112x8xf32, #tpu.memory_space<vmem_shared>>)
      } else {
      }
      %dma_start3A_264 = arith.constant 0 : i32
      %dma_start3A_265 = tpu.memref_slice %arg11[%add3A_230, %dma_start3A_264] : memref<124x128xi32, #tpu.memory_space<vmem>> -> memref<1x128xi32, #tpu.memory_space<vmem>>
      %dma_start3A_266 = tpu.memref_squeeze %dma_start3A_265 : memref<1x128xi32, #tpu.memory_space<vmem>> -> memref<128xi32, #tpu.memory_space<vmem>>
      %dma_start3A_267 = arith.constant 0 : i32
      %dma_start3A_268 = arith.constant 0 : i32
      %dma_start3A_269 = tpu.memref_slice %arg17[%dma_start3A_267, %dma_start3A_268] : memref<10112x8xf32, #tpu.memory_space<vmem_shared>> -> memref<10112x8xf32, #tpu.memory_space<vmem_shared>>
      tpu.enqueue_indirect_dma source(%arg16 : memref<128x8xf32, #tpu.memory_space<vmem>>) target(%dma_start3A_269 : memref<10112x8xf32, #tpu.memory_space<vmem_shared>>) offsets(%dma_start3A_266 : memref<128xi32, #tpu.memory_space<vmem>>) semaphore(%arg18 : memref<!tpu.dma_semaphore, #tpu.memory_space<semaphore_mem>>) {add = true}
      %sub3A_270 = arith.constant 2 : i32
      %sub3A_271 = arith.subi %add3A_230, %sub3A_270 : i32
      %ge3A_272 = arith.constant 0 : i32
      %ge3A_273 = arith.cmpi sge, %sub3A_271, %ge3A_272 : i32
      %sub3A_274 = arith.constant 2 : i32
      %sub3A_275 = arith.subi %select_n3A, %sub3A_274 : i32
      %lt3A_276 = arith.cmpi slt, %add3A_230, %sub3A_275 : i32
      %and3A_277 = arith.andi %ge3A_273, %lt3A_276 : i1
      %convert_element_type3A_278 = arith.extui %and3A_277 : i1 to i32
      %cond3A_279 = arith.constant 0 : i32
      %cond3A_280 = arith.cmpi ne, %convert_element_type3A_278, %cond3A_279 : i32
      scf.if %cond3A_280 {
        %dma_wait3A_389 = arith.constant 3 : i32
        %dma_wait3A_390 = arith.constant 3 : i32
        %dma_wait3A_391 = arith.constant 0 : i32
        %dma_wait3A_392 = arith.constant 0 : i32
        %dma_wait3A_393 = tpu.memref_slice %arg12[%dma_wait3A_389, %dma_wait3A_391, %dma_wait3A_392] : memref<4x128x128xbf16, #tpu.memory_space<vmem>> -> memref<1x128x128xbf16, #tpu.memory_space<vmem>>
        %dma_wait3A_394 = tpu.memref_squeeze %dma_wait3A_393 : memref<1x128x128xbf16, #tpu.memory_space<vmem>> -> memref<128x128xbf16, #tpu.memory_space<vmem>>
        %dma_wait3A_395 = arith.constant 0 : i32
        %dma_wait3A_396 = tpu.memref_slice %arg11[%sub3A_271, %dma_wait3A_395] : memref<124x128xi32, #tpu.memory_space<vmem>> -> memref<1x128xi32, #tpu.memory_space<vmem>>
        %dma_wait3A_397 = tpu.memref_squeeze %dma_wait3A_396 : memref<1x128xi32, #tpu.memory_space<vmem>> -> memref<128xi32, #tpu.memory_space<vmem>>
        %dma_wait3A_398 = arith.constant 0 : i32
        %dma_wait3A_399 = arith.constant 0 : i32
        %dma_wait3A_400 = tpu.memref_slice %arg13[%dma_wait3A_398, %dma_wait3A_399] : memref<10112x128xbf16, #tpu.memory_space<vmem_shared>> -> memref<10112x128xbf16, #tpu.memory_space<vmem_shared>>
        %dma_wait3A_401 = tpu.memref_slice %arg15[%dma_wait3A_390] : memref<4x!tpu.dma_semaphore, #tpu.memory_space<semaphore_mem>> -> memref<1x!tpu.dma_semaphore, #tpu.memory_space<semaphore_mem>>
        %dma_wait3A_402 = tpu.memref_squeeze %dma_wait3A_401 : memref<1x!tpu.dma_semaphore, #tpu.memory_space<semaphore_mem>> -> memref<!tpu.dma_semaphore, #tpu.memory_space<semaphore_mem>>
        tpu.wait_indirect_dma semaphore(%dma_wait3A_402 : memref<!tpu.dma_semaphore, #tpu.memory_space<semaphore_mem>>) src(%dma_wait3A_394 : memref<128x128xbf16, #tpu.memory_space<vmem>>) dst(%dma_wait3A_400 : memref<10112x128xbf16, #tpu.memory_space<vmem_shared>>)
        %add3A_403 = arith.constant 4 : i32
        %add3A_404 = arith.addi %sub3A_271, %add3A_403 : i32
        %dma_start3A_405 = arith.constant 3 : i32
        %dma_start3A_406 = arith.constant 3 : i32
        %dma_start3A_407 = arith.constant 0 : i32
        %dma_start3A_408 = arith.constant 0 : i32
        %dma_start3A_409 = tpu.memref_slice %arg12[%dma_start3A_405, %dma_start3A_407, %dma_start3A_408] : memref<4x128x128xbf16, #tpu.memory_space<vmem>> -> memref<1x128x128xbf16, #tpu.memory_space<vmem>>
        %dma_start3A_410 = tpu.memref_squeeze %dma_start3A_409 : memref<1x128x128xbf16, #tpu.memory_space<vmem>> -> memref<128x128xbf16, #tpu.memory_space<vmem>>
        %dma_start3A_411 = arith.constant 0 : i32
        %dma_start3A_412 = tpu.memref_slice %arg10[%add3A_404, %dma_start3A_411] : memref<124x128xi32, #tpu.memory_space<vmem>> -> memref<1x128xi32, #tpu.memory_space<vmem>>
        %dma_start3A_413 = tpu.memref_squeeze %dma_start3A_412 : memref<1x128xi32, #tpu.memory_space<vmem>> -> memref<128xi32, #tpu.memory_space<vmem>>
        %dma_start3A_414 = arith.constant 0 : i32
        %dma_start3A_415 = arith.constant 0 : i32
        %dma_start3A_416 = tpu.memref_slice %arg2[%dma_start3A_414, %dma_start3A_415] : memref<10000x128xbf16, #tpu.memory_space<hbm>> -> memref<10000x128xbf16, #tpu.memory_space<hbm>>
        %dma_start3A_417 = tpu.memref_slice %arg14[%dma_start3A_406] : memref<4x!tpu.dma_semaphore, #tpu.memory_space<semaphore_mem>> -> memref<1x!tpu.dma_semaphore, #tpu.memory_space<semaphore_mem>>
        %dma_start3A_418 = tpu.memref_squeeze %dma_start3A_417 : memref<1x!tpu.dma_semaphore, #tpu.memory_space<semaphore_mem>> -> memref<!tpu.dma_semaphore, #tpu.memory_space<semaphore_mem>>
        tpu.enqueue_indirect_dma source(%dma_start3A_416 : memref<10000x128xbf16, #tpu.memory_space<hbm>>) target(%dma_start3A_410 : memref<128x128xbf16, #tpu.memory_space<vmem>>) offsets(%dma_start3A_413 : memref<128xi32, #tpu.memory_space<vmem>>) semaphore(%dma_start3A_418 : memref<!tpu.dma_semaphore, #tpu.memory_space<semaphore_mem>>)
      } else {
      }
      %mul3A_281 = arith.constant 4 : i32
      %mul3A_282 = arith.muli %while3A_175, %mul3A_281 : i32
      %add3A_283 = arith.constant 2 : i32
      %add3A_284 = arith.addi %mul3A_282, %add3A_283 : i32
      %dma_wait3A_285 = arith.constant 2 : i32
      %dma_wait3A_286 = arith.constant 2 : i32
      %dma_wait3A_287 = arith.constant 0 : i32
      %dma_wait3A_288 = arith.constant 0 : i32
      %dma_wait3A_289 = tpu.memref_slice %arg12[%dma_wait3A_285, %dma_wait3A_287, %dma_wait3A_288] : memref<4x128x128xbf16, #tpu.memory_space<vmem>> -> memref<1x128x128xbf16, #tpu.memory_space<vmem>>
      %dma_wait3A_290 = tpu.memref_squeeze %dma_wait3A_289 : memref<1x128x128xbf16, #tpu.memory_space<vmem>> -> memref<128x128xbf16, #tpu.memory_space<vmem>>
      %dma_wait3A_291 = arith.constant 0 : i32
      %dma_wait3A_292 = tpu.memref_slice %arg10[%add3A_284, %dma_wait3A_291] : memref<124x128xi32, #tpu.memory_space<vmem>> -> memref<1x128xi32, #tpu.memory_space<vmem>>
      %dma_wait3A_293 = tpu.memref_squeeze %dma_wait3A_292 : memref<1x128xi32, #tpu.memory_space<vmem>> -> memref<128xi32, #tpu.memory_space<vmem>>
      %dma_wait3A_294 = arith.constant 0 : i32
      %dma_wait3A_295 = arith.constant 0 : i32
      %dma_wait3A_296 = tpu.memref_slice %arg2[%dma_wait3A_294, %dma_wait3A_295] : memref<10000x128xbf16, #tpu.memory_space<hbm>> -> memref<10000x128xbf16, #tpu.memory_space<hbm>>
      %dma_wait3A_297 = tpu.memref_slice %arg14[%dma_wait3A_286] : memref<4x!tpu.dma_semaphore, #tpu.memory_space<semaphore_mem>> -> memref<1x!tpu.dma_semaphore, #tpu.memory_space<semaphore_mem>>
      %dma_wait3A_298 = tpu.memref_squeeze %dma_wait3A_297 : memref<1x!tpu.dma_semaphore, #tpu.memory_space<semaphore_mem>> -> memref<!tpu.dma_semaphore, #tpu.memory_space<semaphore_mem>>
      tpu.wait_indirect_dma semaphore(%dma_wait3A_298 : memref<!tpu.dma_semaphore, #tpu.memory_space<semaphore_mem>>) src(%dma_wait3A_296 : memref<10000x128xbf16, #tpu.memory_space<hbm>>) dst(%dma_wait3A_290 : memref<128x128xbf16, #tpu.memory_space<vmem>>)
      %dma_start3A_299 = arith.constant 2 : i32
      %dma_start3A_300 = arith.constant 2 : i32
      %dma_start3A_301 = arith.constant 0 : i32
      %dma_start3A_302 = arith.constant 0 : i32
      %dma_start3A_303 = tpu.memref_slice %arg12[%dma_start3A_299, %dma_start3A_301, %dma_start3A_302] : memref<4x128x128xbf16, #tpu.memory_space<vmem>> -> memref<1x128x128xbf16, #tpu.memory_space<vmem>>
      %dma_start3A_304 = tpu.memref_squeeze %dma_start3A_303 : memref<1x128x128xbf16, #tpu.memory_space<vmem>> -> memref<128x128xbf16, #tpu.memory_space<vmem>>
      %dma_start3A_305 = arith.constant 0 : i32
      %dma_start3A_306 = tpu.memref_slice %arg11[%add3A_284, %dma_start3A_305] : memref<124x128xi32, #tpu.memory_space<vmem>> -> memref<1x128xi32, #tpu.memory_space<vmem>>
      %dma_start3A_307 = tpu.memref_squeeze %dma_start3A_306 : memref<1x128xi32, #tpu.memory_space<vmem>> -> memref<128xi32, #tpu.memory_space<vmem>>
      %dma_start3A_308 = arith.constant 0 : i32
      %dma_start3A_309 = arith.constant 0 : i32
      %dma_start3A_310 = tpu.memref_slice %arg13[%dma_start3A_308, %dma_start3A_309] : memref<10112x128xbf16, #tpu.memory_space<vmem_shared>> -> memref<10112x128xbf16, #tpu.memory_space<vmem_shared>>
      %dma_start3A_311 = tpu.memref_slice %arg15[%dma_start3A_300] : memref<4x!tpu.dma_semaphore, #tpu.memory_space<semaphore_mem>> -> memref<1x!tpu.dma_semaphore, #tpu.memory_space<semaphore_mem>>
      %dma_start3A_312 = tpu.memref_squeeze %dma_start3A_311 : memref<1x!tpu.dma_semaphore, #tpu.memory_space<semaphore_mem>> -> memref<!tpu.dma_semaphore, #tpu.memory_space<semaphore_mem>>
      tpu.enqueue_indirect_dma source(%dma_start3A_304 : memref<128x128xbf16, #tpu.memory_space<vmem>>) target(%dma_start3A_310 : memref<10112x128xbf16, #tpu.memory_space<vmem_shared>>) offsets(%dma_start3A_307 : memref<128xi32, #tpu.memory_space<vmem>>) semaphore(%dma_start3A_312 : memref<!tpu.dma_semaphore, #tpu.memory_space<semaphore_mem>>) {add = true}
      %gt3A_313 = arith.constant 0 : i32
      %gt3A_314 = arith.cmpi sgt, %add3A_284, %gt3A_313 : i32
      %convert_element_type3A_315 = arith.extui %gt3A_314 : i1 to i32
      %cond3A_316 = arith.constant 0 : i32
      %cond3A_317 = arith.cmpi ne, %convert_element_type3A_315, %cond3A_316 : i32
      scf.if %cond3A_317 {
        %sub3A_389 = arith.constant 1 : i32
        %sub3A_390 = arith.subi %add3A_284, %sub3A_389 : i32
        %dma_wait3A_391 = arith.constant 0 : i32
        %dma_wait3A_392 = tpu.memref_slice %arg11[%sub3A_390, %dma_wait3A_391] : memref<124x128xi32, #tpu.memory_space<vmem>> -> memref<1x128xi32, #tpu.memory_space<vmem>>
        %dma_wait3A_393 = tpu.memref_squeeze %dma_wait3A_392 : memref<1x128xi32, #tpu.memory_space<vmem>> -> memref<128xi32, #tpu.memory_space<vmem>>
        %dma_wait3A_394 = arith.constant 0 : i32
        %dma_wait3A_395 = arith.constant 0 : i32
        %dma_wait3A_396 = tpu.memref_slice %arg17[%dma_wait3A_394, %dma_wait3A_395] : memref<10112x8xf32, #tpu.memory_space<vmem_shared>> -> memref<10112x8xf32, #tpu.memory_space<vmem_shared>>
        tpu.wait_indirect_dma semaphore(%arg18 : memref<!tpu.dma_semaphore, #tpu.memory_space<semaphore_mem>>) src(%arg16 : memref<128x8xf32, #tpu.memory_space<vmem>>) dst(%dma_wait3A_396 : memref<10112x8xf32, #tpu.memory_space<vmem_shared>>)
      } else {
      }
      %dma_start3A_318 = arith.constant 0 : i32
      %dma_start3A_319 = tpu.memref_slice %arg11[%add3A_284, %dma_start3A_318] : memref<124x128xi32, #tpu.memory_space<vmem>> -> memref<1x128xi32, #tpu.memory_space<vmem>>
      %dma_start3A_320 = tpu.memref_squeeze %dma_start3A_319 : memref<1x128xi32, #tpu.memory_space<vmem>> -> memref<128xi32, #tpu.memory_space<vmem>>
      %dma_start3A_321 = arith.constant 0 : i32
      %dma_start3A_322 = arith.constant 0 : i32
      %dma_start3A_323 = tpu.memref_slice %arg17[%dma_start3A_321, %dma_start3A_322] : memref<10112x8xf32, #tpu.memory_space<vmem_shared>> -> memref<10112x8xf32, #tpu.memory_space<vmem_shared>>
      tpu.enqueue_indirect_dma source(%arg16 : memref<128x8xf32, #tpu.memory_space<vmem>>) target(%dma_start3A_323 : memref<10112x8xf32, #tpu.memory_space<vmem_shared>>) offsets(%dma_start3A_320 : memref<128xi32, #tpu.memory_space<vmem>>) semaphore(%arg18 : memref<!tpu.dma_semaphore, #tpu.memory_space<semaphore_mem>>) {add = true}
      %sub3A_324 = arith.constant 2 : i32
      %sub3A_325 = arith.subi %add3A_284, %sub3A_324 : i32
      %ge3A_326 = arith.constant 0 : i32
      %ge3A_327 = arith.cmpi sge, %sub3A_325, %ge3A_326 : i32
      %sub3A_328 = arith.constant 2 : i32
      %sub3A_329 = arith.subi %select_n3A, %sub3A_328 : i32
      %lt3A_330 = arith.cmpi slt, %add3A_284, %sub3A_329 : i32
      %and3A_331 = arith.andi %ge3A_327, %lt3A_330 : i1
      %convert_element_type3A_332 = arith.extui %and3A_331 : i1 to i32
      %cond3A_333 = arith.constant 0 : i32
      %cond3A_334 = arith.cmpi ne, %convert_element_type3A_332, %cond3A_333 : i32
      scf.if %cond3A_334 {
        %dma_wait3A_389 = arith.constant 0 : i32
        %dma_wait3A_390 = arith.constant 0 : i32
        %dma_wait3A_391 = arith.constant 0 : i32
        %dma_wait3A_392 = arith.constant 0 : i32
        %dma_wait3A_393 = tpu.memref_slice %arg12[%dma_wait3A_389, %dma_wait3A_391, %dma_wait3A_392] : memref<4x128x128xbf16, #tpu.memory_space<vmem>> -> memref<1x128x128xbf16, #tpu.memory_space<vmem>>
        %dma_wait3A_394 = tpu.memref_squeeze %dma_wait3A_393 : memref<1x128x128xbf16, #tpu.memory_space<vmem>> -> memref<128x128xbf16, #tpu.memory_space<vmem>>
        %dma_wait3A_395 = arith.constant 0 : i32
        %dma_wait3A_396 = tpu.memref_slice %arg11[%sub3A_325, %dma_wait3A_395] : memref<124x128xi32, #tpu.memory_space<vmem>> -> memref<1x128xi32, #tpu.memory_space<vmem>>
        %dma_wait3A_397 = tpu.memref_squeeze %dma_wait3A_396 : memref<1x128xi32, #tpu.memory_space<vmem>> -> memref<128xi32, #tpu.memory_space<vmem>>
        %dma_wait3A_398 = arith.constant 0 : i32
        %dma_wait3A_399 = arith.constant 0 : i32
        %dma_wait3A_400 = tpu.memref_slice %arg13[%dma_wait3A_398, %dma_wait3A_399] : memref<10112x128xbf16, #tpu.memory_space<vmem_shared>> -> memref<10112x128xbf16, #tpu.memory_space<vmem_shared>>
        %dma_wait3A_401 = tpu.memref_slice %arg15[%dma_wait3A_390] : memref<4x!tpu.dma_semaphore, #tpu.memory_space<semaphore_mem>> -> memref<1x!tpu.dma_semaphore, #tpu.memory_space<semaphore_mem>>
        %dma_wait3A_402 = tpu.memref_squeeze %dma_wait3A_401 : memref<1x!tpu.dma_semaphore, #tpu.memory_space<semaphore_mem>> -> memref<!tpu.dma_semaphore, #tpu.memory_space<semaphore_mem>>
        tpu.wait_indirect_dma semaphore(%dma_wait3A_402 : memref<!tpu.dma_semaphore, #tpu.memory_space<semaphore_mem>>) src(%dma_wait3A_394 : memref<128x128xbf16, #tpu.memory_space<vmem>>) dst(%dma_wait3A_400 : memref<10112x128xbf16, #tpu.memory_space<vmem_shared>>)
        %add3A_403 = arith.constant 4 : i32
        %add3A_404 = arith.addi %sub3A_325, %add3A_403 : i32
        %dma_start3A_405 = arith.constant 0 : i32
        %dma_start3A_406 = arith.constant 0 : i32
        %dma_start3A_407 = arith.constant 0 : i32
        %dma_start3A_408 = arith.constant 0 : i32
        %dma_start3A_409 = tpu.memref_slice %arg12[%dma_start3A_405, %dma_start3A_407, %dma_start3A_408] : memref<4x128x128xbf16, #tpu.memory_space<vmem>> -> memref<1x128x128xbf16, #tpu.memory_space<vmem>>
        %dma_start3A_410 = tpu.memref_squeeze %dma_start3A_409 : memref<1x128x128xbf16, #tpu.memory_space<vmem>> -> memref<128x128xbf16, #tpu.memory_space<vmem>>
        %dma_start3A_411 = arith.constant 0 : i32
        %dma_start3A_412 = tpu.memref_slice %arg10[%add3A_404, %dma_start3A_411] : memref<124x128xi32, #tpu.memory_space<vmem>> -> memref<1x128xi32, #tpu.memory_space<vmem>>
        %dma_start3A_413 = tpu.memref_squeeze %dma_start3A_412 : memref<1x128xi32, #tpu.memory_space<vmem>> -> memref<128xi32, #tpu.memory_space<vmem>>
        %dma_start3A_414 = arith.constant 0 : i32
        %dma_start3A_415 = arith.constant 0 : i32
        %dma_start3A_416 = tpu.memref_slice %arg2[%dma_start3A_414, %dma_start3A_415] : memref<10000x128xbf16, #tpu.memory_space<hbm>> -> memref<10000x128xbf16, #tpu.memory_space<hbm>>
        %dma_start3A_417 = tpu.memref_slice %arg14[%dma_start3A_406] : memref<4x!tpu.dma_semaphore, #tpu.memory_space<semaphore_mem>> -> memref<1x!tpu.dma_semaphore, #tpu.memory_space<semaphore_mem>>
        %dma_start3A_418 = tpu.memref_squeeze %dma_start3A_417 : memref<1x!tpu.dma_semaphore, #tpu.memory_space<semaphore_mem>> -> memref<!tpu.dma_semaphore, #tpu.memory_space<semaphore_mem>>
        tpu.enqueue_indirect_dma source(%dma_start3A_416 : memref<10000x128xbf16, #tpu.memory_space<hbm>>) target(%dma_start3A_410 : memref<128x128xbf16, #tpu.memory_space<vmem>>) offsets(%dma_start3A_413 : memref<128xi32, #tpu.memory_space<vmem>>) semaphore(%dma_start3A_418 : memref<!tpu.dma_semaphore, #tpu.memory_space<semaphore_mem>>)
      } else {
      }
      %mul3A_335 = arith.constant 4 : i32
      %mul3A_336 = arith.muli %while3A_175, %mul3A_335 : i32
      %add3A_337 = arith.constant 3 : i32
      %add3A_338 = arith.addi %mul3A_336, %add3A_337 : i32
      %dma_wait3A_339 = arith.constant 3 : i32
      %dma_wait3A_340 = arith.constant 3 : i32
      %dma_wait3A_341 = arith.constant 0 : i32
      %dma_wait3A_342 = arith.constant 0 : i32
      %dma_wait3A_343 = tpu.memref_slice %arg12[%dma_wait3A_339, %dma_wait3A_341, %dma_wait3A_342] : memref<4x128x128xbf16, #tpu.memory_space<vmem>> -> memref<1x128x128xbf16, #tpu.memory_space<vmem>>
      %dma_wait3A_344 = tpu.memref_squeeze %dma_wait3A_343 : memref<1x128x128xbf16, #tpu.memory_space<vmem>> -> memref<128x128xbf16, #tpu.memory_space<vmem>>
      %dma_wait3A_345 = arith.constant 0 : i32
      %dma_wait3A_346 = tpu.memref_slice %arg10[%add3A_338, %dma_wait3A_345] : memref<124x128xi32, #tpu.memory_space<vmem>> -> memref<1x128xi32, #tpu.memory_space<vmem>>
      %dma_wait3A_347 = tpu.memref_squeeze %dma_wait3A_346 : memref<1x128xi32, #tpu.memory_space<vmem>> -> memref<128xi32, #tpu.memory_space<vmem>>
      %dma_wait3A_348 = arith.constant 0 : i32
      %dma_wait3A_349 = arith.constant 0 : i32
      %dma_wait3A_350 = tpu.memref_slice %arg2[%dma_wait3A_348, %dma_wait3A_349] : memref<10000x128xbf16, #tpu.memory_space<hbm>> -> memref<10000x128xbf16, #tpu.memory_space<hbm>>
      %dma_wait3A_351 = tpu.memref_slice %arg14[%dma_wait3A_340] : memref<4x!tpu.dma_semaphore, #tpu.memory_space<semaphore_mem>> -> memref<1x!tpu.dma_semaphore, #tpu.memory_space<semaphore_mem>>
      %dma_wait3A_352 = tpu.memref_squeeze %dma_wait3A_351 : memref<1x!tpu.dma_semaphore, #tpu.memory_space<semaphore_mem>> -> memref<!tpu.dma_semaphore, #tpu.memory_space<semaphore_mem>>
      tpu.wait_indirect_dma semaphore(%dma_wait3A_352 : memref<!tpu.dma_semaphore, #tpu.memory_space<semaphore_mem>>) src(%dma_wait3A_350 : memref<10000x128xbf16, #tpu.memory_space<hbm>>) dst(%dma_wait3A_344 : memref<128x128xbf16, #tpu.memory_space<vmem>>)
      %dma_start3A_353 = arith.constant 3 : i32
      %dma_start3A_354 = arith.constant 3 : i32
      %dma_start3A_355 = arith.constant 0 : i32
      %dma_start3A_356 = arith.constant 0 : i32
      %dma_start3A_357 = tpu.memref_slice %arg12[%dma_start3A_353, %dma_start3A_355, %dma_start3A_356] : memref<4x128x128xbf16, #tpu.memory_space<vmem>> -> memref<1x128x128xbf16, #tpu.memory_space<vmem>>
      %dma_start3A_358 = tpu.memref_squeeze %dma_start3A_357 : memref<1x128x128xbf16, #tpu.memory_space<vmem>> -> memref<128x128xbf16, #tpu.memory_space<vmem>>
      %dma_start3A_359 = arith.constant 0 : i32
      %dma_start3A_360 = tpu.memref_slice %arg11[%add3A_338, %dma_start3A_359] : memref<124x128xi32, #tpu.memory_space<vmem>> -> memref<1x128xi32, #tpu.memory_space<vmem>>
      %dma_start3A_361 = tpu.memref_squeeze %dma_start3A_360 : memref<1x128xi32, #tpu.memory_space<vmem>> -> memref<128xi32, #tpu.memory_space<vmem>>
      %dma_start3A_362 = arith.constant 0 : i32
      %dma_start3A_363 = arith.constant 0 : i32
      %dma_start3A_364 = tpu.memref_slice %arg13[%dma_start3A_362, %dma_start3A_363] : memref<10112x128xbf16, #tpu.memory_space<vmem_shared>> -> memref<10112x128xbf16, #tpu.memory_space<vmem_shared>>
      %dma_start3A_365 = tpu.memref_slice %arg15[%dma_start3A_354] : memref<4x!tpu.dma_semaphore, #tpu.memory_space<semaphore_mem>> -> memref<1x!tpu.dma_semaphore, #tpu.memory_space<semaphore_mem>>
      %dma_start3A_366 = tpu.memref_squeeze %dma_start3A_365 : memref<1x!tpu.dma_semaphore, #tpu.memory_space<semaphore_mem>> -> memref<!tpu.dma_semaphore, #tpu.memory_space<semaphore_mem>>
      tpu.enqueue_indirect_dma source(%dma_start3A_358 : memref<128x128xbf16, #tpu.memory_space<vmem>>) target(%dma_start3A_364 : memref<10112x128xbf16, #tpu.memory_space<vmem_shared>>) offsets(%dma_start3A_361 : memref<128xi32, #tpu.memory_space<vmem>>) semaphore(%dma_start3A_366 : memref<!tpu.dma_semaphore, #tpu.memory_space<semaphore_mem>>) {add = true}
      %gt3A_367 = arith.constant 0 : i32
      %gt3A_368 = arith.cmpi sgt, %add3A_338, %gt3A_367 : i32
      %convert_element_type3A_369 = arith.extui %gt3A_368 : i1 to i32
      %cond3A_370 = arith.constant 0 : i32
      %cond3A_371 = arith.cmpi ne, %convert_element_type3A_369, %cond3A_370 : i32
      scf.if %cond3A_371 {
        %sub3A_389 = arith.constant 1 : i32
        %sub3A_390 = arith.subi %add3A_338, %sub3A_389 : i32
        %dma_wait3A_391 = arith.constant 0 : i32
        %dma_wait3A_392 = tpu.memref_slice %arg11[%sub3A_390, %dma_wait3A_391] : memref<124x128xi32, #tpu.memory_space<vmem>> -> memref<1x128xi32, #tpu.memory_space<vmem>>
        %dma_wait3A_393 = tpu.memref_squeeze %dma_wait3A_392 : memref<1x128xi32, #tpu.memory_space<vmem>> -> memref<128xi32, #tpu.memory_space<vmem>>
        %dma_wait3A_394 = arith.constant 0 : i32
        %dma_wait3A_395 = arith.constant 0 : i32
        %dma_wait3A_396 = tpu.memref_slice %arg17[%dma_wait3A_394, %dma_wait3A_395] : memref<10112x8xf32, #tpu.memory_space<vmem_shared>> -> memref<10112x8xf32, #tpu.memory_space<vmem_shared>>
        tpu.wait_indirect_dma semaphore(%arg18 : memref<!tpu.dma_semaphore, #tpu.memory_space<semaphore_mem>>) src(%arg16 : memref<128x8xf32, #tpu.memory_space<vmem>>) dst(%dma_wait3A_396 : memref<10112x8xf32, #tpu.memory_space<vmem_shared>>)
      } else {
      }
      %dma_start3A_372 = arith.constant 0 : i32
      %dma_start3A_373 = tpu.memref_slice %arg11[%add3A_338, %dma_start3A_372] : memref<124x128xi32, #tpu.memory_space<vmem>> -> memref<1x128xi32, #tpu.memory_space<vmem>>
      %dma_start3A_374 = tpu.memref_squeeze %dma_start3A_373 : memref<1x128xi32, #tpu.memory_space<vmem>> -> memref<128xi32, #tpu.memory_space<vmem>>
      %dma_start3A_375 = arith.constant 0 : i32
      %dma_start3A_376 = arith.constant 0 : i32
      %dma_start3A_377 = tpu.memref_slice %arg17[%dma_start3A_375, %dma_start3A_376] : memref<10112x8xf32, #tpu.memory_space<vmem_shared>> -> memref<10112x8xf32, #tpu.memory_space<vmem_shared>>
      tpu.enqueue_indirect_dma source(%arg16 : memref<128x8xf32, #tpu.memory_space<vmem>>) target(%dma_start3A_377 : memref<10112x8xf32, #tpu.memory_space<vmem_shared>>) offsets(%dma_start3A_374 : memref<128xi32, #tpu.memory_space<vmem>>) semaphore(%arg18 : memref<!tpu.dma_semaphore, #tpu.memory_space<semaphore_mem>>) {add = true}
      %sub3A_378 = arith.constant 2 : i32
      %sub3A_379 = arith.subi %add3A_338, %sub3A_378 : i32
      %ge3A_380 = arith.constant 0 : i32
      %ge3A_381 = arith.cmpi sge, %sub3A_379, %ge3A_380 : i32
      %sub3A_382 = arith.constant 2 : i32
      %sub3A_383 = arith.subi %select_n3A, %sub3A_382 : i32
      %lt3A_384 = arith.cmpi slt, %add3A_338, %sub3A_383 : i32
      %and3A_385 = arith.andi %ge3A_381, %lt3A_384 : i1
      %convert_element_type3A_386 = arith.extui %and3A_385 : i1 to i32
      %cond3A_387 = arith.constant 0 : i32
      %cond3A_388 = arith.cmpi ne, %convert_element_type3A_386, %cond3A_387 : i32
      scf.if %cond3A_388 {
        %dma_wait3A_389 = arith.constant 1 : i32
        %dma_wait3A_390 = arith.constant 1 : i32
        %dma_wait3A_391 = arith.constant 0 : i32
        %dma_wait3A_392 = arith.constant 0 : i32
        %dma_wait3A_393 = tpu.memref_slice %arg12[%dma_wait3A_389, %dma_wait3A_391, %dma_wait3A_392] : memref<4x128x128xbf16, #tpu.memory_space<vmem>> -> memref<1x128x128xbf16, #tpu.memory_space<vmem>>
        %dma_wait3A_394 = tpu.memref_squeeze %dma_wait3A_393 : memref<1x128x128xbf16, #tpu.memory_space<vmem>> -> memref<128x128xbf16, #tpu.memory_space<vmem>>
        %dma_wait3A_395 = arith.constant 0 : i32
        %dma_wait3A_396 = tpu.memref_slice %arg11[%sub3A_379, %dma_wait3A_395] : memref<124x128xi32, #tpu.memory_space<vmem>> -> memref<1x128xi32, #tpu.memory_space<vmem>>
        %dma_wait3A_397 = tpu.memref_squeeze %dma_wait3A_396 : memref<1x128xi32, #tpu.memory_space<vmem>> -> memref<128xi32, #tpu.memory_space<vmem>>
        %dma_wait3A_398 = arith.constant 0 : i32
        %dma_wait3A_399 = arith.constant 0 : i32
        %dma_wait3A_400 = tpu.memref_slice %arg13[%dma_wait3A_398, %dma_wait3A_399] : memref<10112x128xbf16, #tpu.memory_space<vmem_shared>> -> memref<10112x128xbf16, #tpu.memory_space<vmem_shared>>
        %dma_wait3A_401 = tpu.memref_slice %arg15[%dma_wait3A_390] : memref<4x!tpu.dma_semaphore, #tpu.memory_space<semaphore_mem>> -> memref<1x!tpu.dma_semaphore, #tpu.memory_space<semaphore_mem>>
        %dma_wait3A_402 = tpu.memref_squeeze %dma_wait3A_401 : memref<1x!tpu.dma_semaphore, #tpu.memory_space<semaphore_mem>> -> memref<!tpu.dma_semaphore, #tpu.memory_space<semaphore_mem>>
        tpu.wait_indirect_dma semaphore(%dma_wait3A_402 : memref<!tpu.dma_semaphore, #tpu.memory_space<semaphore_mem>>) src(%dma_wait3A_394 : memref<128x128xbf16, #tpu.memory_space<vmem>>) dst(%dma_wait3A_400 : memref<10112x128xbf16, #tpu.memory_space<vmem_shared>>)
        %add3A_403 = arith.constant 4 : i32
        %add3A_404 = arith.addi %sub3A_379, %add3A_403 : i32
        %dma_start3A_405 = arith.constant 1 : i32
        %dma_start3A_406 = arith.constant 1 : i32
        %dma_start3A_407 = arith.constant 0 : i32
        %dma_start3A_408 = arith.constant 0 : i32
        %dma_start3A_409 = tpu.memref_slice %arg12[%dma_start3A_405, %dma_start3A_407, %dma_start3A_408] : memref<4x128x128xbf16, #tpu.memory_space<vmem>> -> memref<1x128x128xbf16, #tpu.memory_space<vmem>>
        %dma_start3A_410 = tpu.memref_squeeze %dma_start3A_409 : memref<1x128x128xbf16, #tpu.memory_space<vmem>> -> memref<128x128xbf16, #tpu.memory_space<vmem>>
        %dma_start3A_411 = arith.constant 0 : i32
        %dma_start3A_412 = tpu.memref_slice %arg10[%add3A_404, %dma_start3A_411] : memref<124x128xi32, #tpu.memory_space<vmem>> -> memref<1x128xi32, #tpu.memory_space<vmem>>
        %dma_start3A_413 = tpu.memref_squeeze %dma_start3A_412 : memref<1x128xi32, #tpu.memory_space<vmem>> -> memref<128xi32, #tpu.memory_space<vmem>>
        %dma_start3A_414 = arith.constant 0 : i32
        %dma_start3A_415 = arith.constant 0 : i32
        %dma_start3A_416 = tpu.memref_slice %arg2[%dma_start3A_414, %dma_start3A_415] : memref<10000x128xbf16, #tpu.memory_space<hbm>> -> memref<10000x128xbf16, #tpu.memory_space<hbm>>
        %dma_start3A_417 = tpu.memref_slice %arg14[%dma_start3A_406] : memref<4x!tpu.dma_semaphore, #tpu.memory_space<semaphore_mem>> -> memref<1x!tpu.dma_semaphore, #tpu.memory_space<semaphore_mem>>
        %dma_start3A_418 = tpu.memref_squeeze %dma_start3A_417 : memref<1x!tpu.dma_semaphore, #tpu.memory_space<semaphore_mem>> -> memref<!tpu.dma_semaphore, #tpu.memory_space<semaphore_mem>>
        tpu.enqueue_indirect_dma source(%dma_start3A_416 : memref<10000x128xbf16, #tpu.memory_space<hbm>>) target(%dma_start3A_410 : memref<128x128xbf16, #tpu.memory_space<vmem>>) offsets(%dma_start3A_413 : memref<128xi32, #tpu.memory_space<vmem>>) semaphore(%dma_start3A_418 : memref<!tpu.dma_semaphore, #tpu.memory_space<semaphore_mem>>)
      } else {
      }
    }
    %sub3A_96 = arith.constant 4 : i32
    %sub3A_97 = arith.subi %select_n3A, %sub3A_96 : i32
    %add3A = arith.constant 0 : i32
    %add3A_98 = arith.addi %sub3A_97, %add3A : i32
    %dma_wait3A = arith.constant 0 : i32
    %dma_wait3A_99 = arith.constant 0 : i32
    %dma_wait3A_100 = arith.constant 0 : i32
    %dma_wait3A_101 = arith.constant 0 : i32
    %dma_wait3A_102 = tpu.memref_slice %arg12[%dma_wait3A, %dma_wait3A_100, %dma_wait3A_101] : memref<4x128x128xbf16, #tpu.memory_space<vmem>> -> memref<1x128x128xbf16, #tpu.memory_space<vmem>>
    %dma_wait3A_103 = tpu.memref_squeeze %dma_wait3A_102 : memref<1x128x128xbf16, #tpu.memory_space<vmem>> -> memref<128x128xbf16, #tpu.memory_space<vmem>>
    %dma_wait3A_104 = arith.constant 0 : i32
    %dma_wait3A_105 = tpu.memref_slice %arg11[%add3A_98, %dma_wait3A_104] : memref<124x128xi32, #tpu.memory_space<vmem>> -> memref<1x128xi32, #tpu.memory_space<vmem>>
    %dma_wait3A_106 = tpu.memref_squeeze %dma_wait3A_105 : memref<1x128xi32, #tpu.memory_space<vmem>> -> memref<128xi32, #tpu.memory_space<vmem>>
    %dma_wait3A_107 = arith.constant 0 : i32
    %dma_wait3A_108 = arith.constant 0 : i32
    %dma_wait3A_109 = tpu.memref_slice %arg13[%dma_wait3A_107, %dma_wait3A_108] : memref<10112x128xbf16, #tpu.memory_space<vmem_shared>> -> memref<10112x128xbf16, #tpu.memory_space<vmem_shared>>
    %dma_wait3A_110 = tpu.memref_slice %arg15[%dma_wait3A_99] : memref<4x!tpu.dma_semaphore, #tpu.memory_space<semaphore_mem>> -> memref<1x!tpu.dma_semaphore, #tpu.memory_space<semaphore_mem>>
    %dma_wait3A_111 = tpu.memref_squeeze %dma_wait3A_110 : memref<1x!tpu.dma_semaphore, #tpu.memory_space<semaphore_mem>> -> memref<!tpu.dma_semaphore, #tpu.memory_space<semaphore_mem>>
    tpu.wait_indirect_dma semaphore(%dma_wait3A_111 : memref<!tpu.dma_semaphore, #tpu.memory_space<semaphore_mem>>) src(%dma_wait3A_103 : memref<128x128xbf16, #tpu.memory_space<vmem>>) dst(%dma_wait3A_109 : memref<10112x128xbf16, #tpu.memory_space<vmem_shared>>)
    %sub3A_112 = arith.constant 4 : i32
    %sub3A_113 = arith.subi %select_n3A, %sub3A_112 : i32
    %add3A_114 = arith.constant 1 : i32
    %add3A_115 = arith.addi %sub3A_113, %add3A_114 : i32
    %dma_wait3A_116 = arith.constant 1 : i32
    %dma_wait3A_117 = arith.constant 1 : i32
    %dma_wait3A_118 = arith.constant 0 : i32
    %dma_wait3A_119 = arith.constant 0 : i32
    %dma_wait3A_120 = tpu.memref_slice %arg12[%dma_wait3A_116, %dma_wait3A_118, %dma_wait3A_119] : memref<4x128x128xbf16, #tpu.memory_space<vmem>> -> memref<1x128x128xbf16, #tpu.memory_space<vmem>>
    %dma_wait3A_121 = tpu.memref_squeeze %dma_wait3A_120 : memref<1x128x128xbf16, #tpu.memory_space<vmem>> -> memref<128x128xbf16, #tpu.memory_space<vmem>>
    %dma_wait3A_122 = arith.constant 0 : i32
    %dma_wait3A_123 = tpu.memref_slice %arg11[%add3A_115, %dma_wait3A_122] : memref<124x128xi32, #tpu.memory_space<vmem>> -> memref<1x128xi32, #tpu.memory_space<vmem>>
    %dma_wait3A_124 = tpu.memref_squeeze %dma_wait3A_123 : memref<1x128xi32, #tpu.memory_space<vmem>> -> memref<128xi32, #tpu.memory_space<vmem>>
    %dma_wait3A_125 = arith.constant 0 : i32
    %dma_wait3A_126 = arith.constant 0 : i32
    %dma_wait3A_127 = tpu.memref_slice %arg13[%dma_wait3A_125, %dma_wait3A_126] : memref<10112x128xbf16, #tpu.memory_space<vmem_shared>> -> memref<10112x128xbf16, #tpu.memory_space<vmem_shared>>
    %dma_wait3A_128 = tpu.memref_slice %arg15[%dma_wait3A_117] : memref<4x!tpu.dma_semaphore, #tpu.memory_space<semaphore_mem>> -> memref<1x!tpu.dma_semaphore, #tpu.memory_space<semaphore_mem>>
    %dma_wait3A_129 = tpu.memref_squeeze %dma_wait3A_128 : memref<1x!tpu.dma_semaphore, #tpu.memory_space<semaphore_mem>> -> memref<!tpu.dma_semaphore, #tpu.memory_space<semaphore_mem>>
    tpu.wait_indirect_dma semaphore(%dma_wait3A_129 : memref<!tpu.dma_semaphore, #tpu.memory_space<semaphore_mem>>) src(%dma_wait3A_121 : memref<128x128xbf16, #tpu.memory_space<vmem>>) dst(%dma_wait3A_127 : memref<10112x128xbf16, #tpu.memory_space<vmem_shared>>)
    %sub3A_130 = arith.constant 4 : i32
    %sub3A_131 = arith.subi %select_n3A, %sub3A_130 : i32
    %add3A_132 = arith.constant 2 : i32
    %add3A_133 = arith.addi %sub3A_131, %add3A_132 : i32
    %dma_wait3A_134 = arith.constant 2 : i32
    %dma_wait3A_135 = arith.constant 2 : i32
    %dma_wait3A_136 = arith.constant 0 : i32
    %dma_wait3A_137 = arith.constant 0 : i32
    %dma_wait3A_138 = tpu.memref_slice %arg12[%dma_wait3A_134, %dma_wait3A_136, %dma_wait3A_137] : memref<4x128x128xbf16, #tpu.memory_space<vmem>> -> memref<1x128x128xbf16, #tpu.memory_space<vmem>>
    %dma_wait3A_139 = tpu.memref_squeeze %dma_wait3A_138 : memref<1x128x128xbf16, #tpu.memory_space<vmem>> -> memref<128x128xbf16, #tpu.memory_space<vmem>>
    %dma_wait3A_140 = arith.constant 0 : i32
    %dma_wait3A_141 = tpu.memref_slice %arg11[%add3A_133, %dma_wait3A_140] : memref<124x128xi32, #tpu.memory_space<vmem>> -> memref<1x128xi32, #tpu.memory_space<vmem>>
    %dma_wait3A_142 = tpu.memref_squeeze %dma_wait3A_141 : memref<1x128xi32, #tpu.memory_space<vmem>> -> memref<128xi32, #tpu.memory_space<vmem>>
    %dma_wait3A_143 = arith.constant 0 : i32
    %dma_wait3A_144 = arith.constant 0 : i32
    %dma_wait3A_145 = tpu.memref_slice %arg13[%dma_wait3A_143, %dma_wait3A_144] : memref<10112x128xbf16, #tpu.memory_space<vmem_shared>> -> memref<10112x128xbf16, #tpu.memory_space<vmem_shared>>
    %dma_wait3A_146 = tpu.memref_slice %arg15[%dma_wait3A_135] : memref<4x!tpu.dma_semaphore, #tpu.memory_space<semaphore_mem>> -> memref<1x!tpu.dma_semaphore, #tpu.memory_space<semaphore_mem>>
    %dma_wait3A_147 = tpu.memref_squeeze %dma_wait3A_146 : memref<1x!tpu.dma_semaphore, #tpu.memory_space<semaphore_mem>> -> memref<!tpu.dma_semaphore, #tpu.memory_space<semaphore_mem>>
    tpu.wait_indirect_dma semaphore(%dma_wait3A_147 : memref<!tpu.dma_semaphore, #tpu.memory_space<semaphore_mem>>) src(%dma_wait3A_139 : memref<128x128xbf16, #tpu.memory_space<vmem>>) dst(%dma_wait3A_145 : memref<10112x128xbf16, #tpu.memory_space<vmem_shared>>)
    %sub3A_148 = arith.constant 4 : i32
    %sub3A_149 = arith.subi %select_n3A, %sub3A_148 : i32
    %add3A_150 = arith.constant 3 : i32
    %add3A_151 = arith.addi %sub3A_149, %add3A_150 : i32
    %dma_wait3A_152 = arith.constant 3 : i32
    %dma_wait3A_153 = arith.constant 3 : i32
    %dma_wait3A_154 = arith.constant 0 : i32
    %dma_wait3A_155 = arith.constant 0 : i32
    %dma_wait3A_156 = tpu.memref_slice %arg12[%dma_wait3A_152, %dma_wait3A_154, %dma_wait3A_155] : memref<4x128x128xbf16, #tpu.memory_space<vmem>> -> memref<1x128x128xbf16, #tpu.memory_space<vmem>>
    %dma_wait3A_157 = tpu.memref_squeeze %dma_wait3A_156 : memref<1x128x128xbf16, #tpu.memory_space<vmem>> -> memref<128x128xbf16, #tpu.memory_space<vmem>>
    %dma_wait3A_158 = arith.constant 0 : i32
    %dma_wait3A_159 = tpu.memref_slice %arg11[%add3A_151, %dma_wait3A_158] : memref<124x128xi32, #tpu.memory_space<vmem>> -> memref<1x128xi32, #tpu.memory_space<vmem>>
    %dma_wait3A_160 = tpu.memref_squeeze %dma_wait3A_159 : memref<1x128xi32, #tpu.memory_space<vmem>> -> memref<128xi32, #tpu.memory_space<vmem>>
    %dma_wait3A_161 = arith.constant 0 : i32
    %dma_wait3A_162 = arith.constant 0 : i32
    %dma_wait3A_163 = tpu.memref_slice %arg13[%dma_wait3A_161, %dma_wait3A_162] : memref<10112x128xbf16, #tpu.memory_space<vmem_shared>> -> memref<10112x128xbf16, #tpu.memory_space<vmem_shared>>
    %dma_wait3A_164 = tpu.memref_slice %arg15[%dma_wait3A_153] : memref<4x!tpu.dma_semaphore, #tpu.memory_space<semaphore_mem>> -> memref<1x!tpu.dma_semaphore, #tpu.memory_space<semaphore_mem>>
    %dma_wait3A_165 = tpu.memref_squeeze %dma_wait3A_164 : memref<1x!tpu.dma_semaphore, #tpu.memory_space<semaphore_mem>> -> memref<!tpu.dma_semaphore, #tpu.memory_space<semaphore_mem>>
    tpu.wait_indirect_dma semaphore(%dma_wait3A_165 : memref<!tpu.dma_semaphore, #tpu.memory_space<semaphore_mem>>) src(%dma_wait3A_157 : memref<128x128xbf16, #tpu.memory_space<vmem>>) dst(%dma_wait3A_163 : memref<10112x128xbf16, #tpu.memory_space<vmem_shared>>)
    %sub3A_166 = arith.constant 1 : i32
    %sub3A_167 = arith.subi %select_n3A, %sub3A_166 : i32
    %dma_wait3A_168 = arith.constant 0 : i32
    %dma_wait3A_169 = tpu.memref_slice %arg11[%sub3A_167, %dma_wait3A_168] : memref<124x128xi32, #tpu.memory_space<vmem>> -> memref<1x128xi32, #tpu.memory_space<vmem>>
    %dma_wait3A_170 = tpu.memref_squeeze %dma_wait3A_169 : memref<1x128xi32, #tpu.memory_space<vmem>> -> memref<128xi32, #tpu.memory_space<vmem>>
    %dma_wait3A_171 = arith.constant 0 : i32
    %dma_wait3A_172 = arith.constant 0 : i32
    %dma_wait3A_173 = tpu.memref_slice %arg17[%dma_wait3A_171, %dma_wait3A_172] : memref<10112x8xf32, #tpu.memory_space<vmem_shared>> -> memref<10112x8xf32, #tpu.memory_space<vmem_shared>>
    tpu.wait_indirect_dma semaphore(%arg18 : memref<!tpu.dma_semaphore, #tpu.memory_space<semaphore_mem>>) src(%arg16 : memref<128x8xf32, #tpu.memory_space<vmem>>) dst(%dma_wait3A_173 : memref<10112x8xf32, #tpu.memory_space<vmem_shared>>)
    %barrier3A_174 = arith.constant 0 : index
    tpu.barrier barrier_id(%barrier3A_174)
    "tpu.region"() ({
      %run_scoped3A = tpu.sem_alloc : memref<!tpu.dma_semaphore, #tpu.memory_space<semaphore_mem>>
      %dma_start3A_175 = arith.constant 0 : i32
      %dma_start3A_176 = tpu.memref_slice %arg8[%arg0, %mul3A_10, %dma_start3A_175] : memref<2x10112x128xbf16, #tpu.memory_space<hbm>> -> memref<1x632x128xbf16, #tpu.memory_space<hbm>>
      %dma_start3A_177 = tpu.memref_squeeze %dma_start3A_176 : memref<1x632x128xbf16, #tpu.memory_space<hbm>> -> memref<632x128xbf16, #tpu.memory_space<hbm>>
      %dma_start3A_178 = arith.constant 0 : i32
      %dma_start3A_179 = tpu.memref_slice %arg13[%mul3A_10, %dma_start3A_178] : memref<10112x128xbf16, #tpu.memory_space<vmem_shared>> -> memref<632x128xbf16, #tpu.memory_space<vmem_shared>>
      tpu.enqueue_dma source(%dma_start3A_179 : memref<632x128xbf16, #tpu.memory_space<vmem_shared>>) target(%dma_start3A_177 : memref<632x128xbf16, #tpu.memory_space<hbm>>) target_semaphore(%run_scoped3A : memref<!tpu.dma_semaphore, #tpu.memory_space<semaphore_mem>>)
      %dma_wait3A_180 = arith.constant 0 : i32
      %dma_wait3A_181 = tpu.memref_slice %arg8[%arg0, %mul3A_10, %dma_wait3A_180] : memref<2x10112x128xbf16, #tpu.memory_space<hbm>> -> memref<1x632x128xbf16, #tpu.memory_space<hbm>>
      %dma_wait3A_182 = tpu.memref_squeeze %dma_wait3A_181 : memref<1x632x128xbf16, #tpu.memory_space<hbm>> -> memref<632x128xbf16, #tpu.memory_space<hbm>>
      %dma_wait3A_183 = arith.constant 0 : i32
      %dma_wait3A_184 = tpu.memref_slice %arg13[%mul3A_10, %dma_wait3A_183] : memref<10112x128xbf16, #tpu.memory_space<vmem_shared>> -> memref<632x128xbf16, #tpu.memory_space<vmem_shared>>
      tpu.wait_dma2 semaphore(%run_scoped3A : memref<!tpu.dma_semaphore, #tpu.memory_space<semaphore_mem>>) src(%dma_wait3A_184 : memref<632x128xbf16, #tpu.memory_space<vmem_shared>>) dst(%dma_wait3A_182 : memref<632x128xbf16, #tpu.memory_space<hbm>>)
      tpu.yield
    }) : () -> ()
    "tpu.region"() ({
      %run_scoped3A = tpu.sem_alloc : memref<!tpu.dma_semaphore, #tpu.memory_space<semaphore_mem>>
      %dma_start3A_175 = arith.constant 0 : i32
      %dma_start3A_176 = tpu.memref_slice %arg9[%arg0, %mul3A_10, %dma_start3A_175] : memref<2x10112x8xf32, #tpu.memory_space<hbm>> -> memref<1x632x8xf32, #tpu.memory_space<hbm>>
      %dma_start3A_177 = tpu.memref_squeeze %dma_start3A_176 : memref<1x632x8xf32, #tpu.memory_space<hbm>> -> memref<632x8xf32, #tpu.memory_space<hbm>>
      %dma_start3A_178 = arith.constant 0 : i32
      %dma_start3A_179 = tpu.memref_slice %arg17[%mul3A_10, %dma_start3A_178] : memref<10112x8xf32, #tpu.memory_space<vmem_shared>> -> memref<632x8xf32, #tpu.memory_space<vmem_shared>>
      tpu.enqueue_dma source(%dma_start3A_179 : memref<632x8xf32, #tpu.memory_space<vmem_shared>>) target(%dma_start3A_177 : memref<632x8xf32, #tpu.memory_space<hbm>>) target_semaphore(%run_scoped3A : memref<!tpu.dma_semaphore, #tpu.memory_space<semaphore_mem>>)
      %dma_wait3A_180 = arith.constant 0 : i32
      %dma_wait3A_181 = tpu.memref_slice %arg9[%arg0, %mul3A_10, %dma_wait3A_180] : memref<2x10112x8xf32, #tpu.memory_space<hbm>> -> memref<1x632x8xf32, #tpu.memory_space<hbm>>
      %dma_wait3A_182 = tpu.memref_squeeze %dma_wait3A_181 : memref<1x632x8xf32, #tpu.memory_space<hbm>> -> memref<632x8xf32, #tpu.memory_space<hbm>>
      %dma_wait3A_183 = arith.constant 0 : i32
      %dma_wait3A_184 = tpu.memref_slice %arg17[%mul3A_10, %dma_wait3A_183] : memref<10112x8xf32, #tpu.memory_space<vmem_shared>> -> memref<632x8xf32, #tpu.memory_space<vmem_shared>>
      tpu.wait_dma2 semaphore(%run_scoped3A : memref<!tpu.dma_semaphore, #tpu.memory_space<semaphore_mem>>) src(%dma_wait3A_184 : memref<632x8xf32, #tpu.memory_space<vmem_shared>>) dst(%dma_wait3A_182 : memref<632x8xf32, #tpu.memory_space<hbm>>)
      tpu.yield
    }) : () -> ()
    return
  }
}

module attributes {stable_mosaic.version = 14 : i64} {
  func.func @_tc1_body(%arg0: i32, %arg1: memref<2x1000x128xbf16, #tpu.memory_space<vmem>>, %arg2: memref<2x1000x8xf32, #tpu.memory_space<vmem>>, %arg3: memref<1000x128xf32, #tpu.memory_space<vmem>>, %arg4: memref<128x256xf32, #tpu.memory_space<vmem>>, %arg5: memref<256xf32, #tpu.memory_space<vmem>>, %arg6: memref<256x64xf32, #tpu.memory_space<vmem>>, %arg7: memref<1000x64xf32, #tpu.memory_space<vmem>>, %arg8: memref<1000x64xbf16, #tpu.memory_space<vmem>>) attributes {dimension_semantics = [#tpu.dimension_semantics<arbitrary>], iteration_bounds = array<i64: 10>, scalar_prefetch = 0 : i64, scratch_operands = 0 : i64, tpu.core_type = #tpu.core_type<tc>, window_params = [{transform_indices = @transform_0, window_bounds = array<i64: 2, 1000, 128>}, {transform_indices = @transform_1, window_bounds = array<i64: 2, 1000, 8>}, {transform_indices = @transform_2, window_bounds = array<i64: 1000, 128>}, {pipeline_mode = #tpu.pipeline_mode<synchronous>, transform_indices = @transform_3, window_bounds = array<i64: 128, 256>}, {pipeline_mode = #tpu.pipeline_mode<synchronous>, transform_indices = @transform_4, window_bounds = array<i64: 256>}, {pipeline_mode = #tpu.pipeline_mode<synchronous>, transform_indices = @transform_5, window_bounds = array<i64: 256, 64>}, {transform_indices = @transform_6, window_bounds = array<i64: 1000, 64>}, {transform_indices = @transform_7, window_bounds = array<i64: 1000, 64>}]} {
    %get3A = arith.constant 0 : index
    %get3A_0 = arith.constant 0 : index
    %get3A_1 = arith.constant 0 : index
    %get3A_2 = vector.load %arg1[%get3A, %get3A_0, %get3A_1] : memref<2x1000x128xbf16, #tpu.memory_space<vmem>>, vector<1x1000x128xbf16>
    %get3A_3 = vector.shape_cast %get3A_2 : vector<1x1000x128xbf16> to vector<1000x128xbf16>
    %convert_element_type3A = arith.extf %get3A_3 : vector<1000x128xbf16> to vector<1000x128xf32>
    %get3A_4 = arith.constant 1 : index
    %get3A_5 = arith.constant 0 : index
    %get3A_6 = arith.constant 0 : index
    %get3A_7 = vector.load %arg1[%get3A_4, %get3A_5, %get3A_6] : memref<2x1000x128xbf16, #tpu.memory_space<vmem>>, vector<1x1000x128xbf16>
    %get3A_8 = vector.shape_cast %get3A_7 : vector<1x1000x128xbf16> to vector<1000x128xbf16>
    %convert_element_type3A_9 = arith.extf %get3A_8 : vector<1000x128xbf16> to vector<1000x128xf32>
    %add3A = arith.addf %convert_element_type3A, %convert_element_type3A_9 : vector<1000x128xf32>
    %get3A_10 = arith.constant 0 : index
    %get3A_11 = arith.constant 0 : index
    %get3A_12 = vector.load %arg3[%get3A_10, %get3A_11] : memref<1000x128xf32, #tpu.memory_space<vmem>>, vector<1000x128xf32>
    %add3A_13 = arith.addf %add3A, %get3A_12 : vector<1000x128xf32>
    %get3A_14 = arith.constant 0 : index
    %get3A_15 = arith.constant 0 : index
    %get3A_16 = arith.constant 0 : index
    %get3A_17 = vector.load %arg2[%get3A_14, %get3A_15, %get3A_16] : memref<2x1000x8xf32, #tpu.memory_space<vmem>>, vector<1x1000x1xf32>
    %get3A_18 = vector.shape_cast %get3A_17 : vector<1x1000x1xf32> to vector<1000xf32>
    %get3A_19 = arith.constant 1 : index
    %get3A_20 = arith.constant 0 : index
    %get3A_21 = arith.constant 0 : index
    %get3A_22 = vector.load %arg2[%get3A_19, %get3A_20, %get3A_21] : memref<2x1000x8xf32, #tpu.memory_space<vmem>>, vector<1x1000x1xf32>
    %get3A_23 = vector.shape_cast %get3A_22 : vector<1x1000x1xf32> to vector<1000xf32>
    %add3A_24 = arith.addf %get3A_18, %get3A_23 : vector<1000xf32>
    %add3A_25 = arith.constant 1.000000e+00 : f32
    %add3A_26 = vector.broadcast %add3A_25 : f32 to vector<1000xf32>
    %add3A_27 = arith.addf %add3A_24, %add3A_26 : vector<1000xf32>
    %div3A = arith.constant 1.000000e+00 : f32
    %div3A_28 = vector.broadcast %div3A : f32 to vector<1000xf32>
    %div3A_29 = arith.divf %div3A_28, %add3A_27 : vector<1000xf32>
    %broadcast_in_dim3A = vector.shape_cast %div3A_29 : vector<1000xf32> to vector<1000x1xf32>
    %mul3A = vector.broadcast %broadcast_in_dim3A : vector<1000x1xf32> to vector<1000x128xf32>
    %mul3A_30 = arith.mulf %add3A_13, %mul3A : vector<1000x128xf32>
    %get3A_31 = arith.constant 0 : index
    %get3A_32 = arith.constant 0 : index
    %get3A_33 = vector.load %arg4[%get3A_31, %get3A_32] : memref<128x256xf32, #tpu.memory_space<vmem>>, vector<128x256xf32>
    %dot_general3A = arith.constant dense<0.000000e+00> : vector<1000x256xf32>
    %dot_general3A_34 = tpu.matmul %mul3A_30, %get3A_33, %dot_general3A {dimension_numbers = #tpu.dot_dimension_numbers<[1], [0], [0], [1], [0, 0, 1, 1], [], []>, transpose_lhs_hint = false} : vector<1000x128xf32>, vector<128x256xf32>, vector<1000x256xf32> -> vector<1000x256xf32>
    %get3A_35 = arith.constant 0 : index
    %get3A_36 = vector.load %arg5[%get3A_35] : memref<256xf32, #tpu.memory_space<vmem>>, vector<256xf32>
    %broadcast_in_dim3A_37 = vector.shape_cast %get3A_36 : vector<256xf32> to vector<1x256xf32>
    %add3A_38 = vector.broadcast %broadcast_in_dim3A_37 : vector<1x256xf32> to vector<1000x256xf32>
    %add3A_39 = arith.addf %dot_general3A_34, %add3A_38 : vector<1000x256xf32>
    %max3A = arith.constant 0.000000e+00 : f32
    %max3A_40 = vector.broadcast %max3A : f32 to vector<1000x256xf32>
    %max3A_41 = arith.maximumf %add3A_39, %max3A_40 : vector<1000x256xf32>
    %get3A_42 = arith.constant 0 : index
    %get3A_43 = arith.constant 0 : index
    %get3A_44 = vector.load %arg6[%get3A_42, %get3A_43] : memref<256x64xf32, #tpu.memory_space<vmem>>, vector<256x64xf32>
    %dot_general3A_45 = arith.constant dense<0.000000e+00> : vector<1000x64xf32>
    %dot_general3A_46 = tpu.matmul %max3A_41, %get3A_44, %dot_general3A_45 {dimension_numbers = #tpu.dot_dimension_numbers<[1], [0], [0], [1], [0, 0, 1, 1], [], []>, transpose_lhs_hint = false} : vector<1000x256xf32>, vector<256x64xf32>, vector<1000x64xf32> -> vector<1000x64xf32>
    %swap3A = arith.constant 0 : index
    %swap3A_47 = arith.constant 0 : index
    %swap3A_48 = vector.load %arg7[%swap3A, %swap3A_47] : memref<1000x64xf32, #tpu.memory_space<vmem>>, vector<1000x64xf32>
    tpu.vector_store %arg7[%swap3A, %swap3A_47], %dot_general3A_46 {strides = array<i32>} : memref<1000x64xf32, #tpu.memory_space<vmem>>, vector<1000x64xf32>,
    %convert_element_type3A_49 = arith.truncf %dot_general3A_46 : vector<1000x64xf32> to vector<1000x64xbf16>
    %swap3A_50 = arith.constant 0 : index
    %swap3A_51 = arith.constant 0 : index
    %swap3A_52 = vector.load %arg8[%swap3A_50, %swap3A_51] : memref<1000x64xbf16, #tpu.memory_space<vmem>>, vector<1000x64xbf16>
    tpu.vector_store %arg8[%swap3A_50, %swap3A_51], %convert_element_type3A_49 {strides = array<i32>} : memref<1000x64xbf16, #tpu.memory_space<vmem>>, vector<1000x64xbf16>,
    return
  }
  func.func @transform_0(%arg0: i32) -> (i32, i32, i32) {
    %c0_i32 = arith.constant 0 : i32
    %c0_i32_0 = arith.constant 0 : i32
    %c0_i32_1 = arith.constant 0 : i32
    return %c0_i32, %arg0, %c0_i32_0 : i32, i32, i32
  }
  func.func @transform_1(%arg0: i32) -> (i32, i32, i32) {
    %c0_i32 = arith.constant 0 : i32
    %c0_i32_0 = arith.constant 0 : i32
    %c0_i32_1 = arith.constant 0 : i32
    return %c0_i32, %arg0, %c0_i32_0 : i32, i32, i32
  }
  func.func @transform_2(%arg0: i32) -> (i32, i32) {
    %c0_i32 = arith.constant 0 : i32
    %c0_i32_0 = arith.constant 0 : i32
    return %arg0, %c0_i32 : i32, i32
  }
  func.func @transform_3(%arg0: i32) -> (i32, i32) {
    %c0_i32 = arith.constant 0 : i32
    %c0_i32_0 = arith.constant 0 : i32
    %c0_i32_1 = arith.constant 0 : i32
    return %c0_i32, %c0_i32_0 : i32, i32
  }
  func.func @transform_4(%arg0: i32) -> i32 {
    %c0_i32 = arith.constant 0 : i32
    %c0_i32_0 = arith.constant 0 : i32
    return %c0_i32 : i32
  }
  func.func @transform_5(%arg0: i32) -> (i32, i32) {
    %c0_i32 = arith.constant 0 : i32
    %c0_i32_0 = arith.constant 0 : i32
    %c0_i32_1 = arith.constant 0 : i32
    return %c0_i32, %c0_i32_0 : i32, i32
  }
  func.func @transform_6(%arg0: i32) -> (i32, i32) {
    %c0_i32 = arith.constant 0 : i32
    %c0_i32_0 = arith.constant 0 : i32
    return %arg0, %c0_i32 : i32, i32
  }
  func.func @transform_7(%arg0: i32) -> (i32, i32) {
    %c0_i32 = arith.constant 0 : i32
    %c0_i32_0 = arith.constant 0 : i32
    return %arg0, %c0_i32 : i32, i32
  }
}

module attributes {stable_mosaic.version = 14 : i64} {
  func.func @_tc2_body(%arg0: i32, %arg1: memref<2x1000x64xbf16, #tpu.memory_space<vmem>>, %arg2: memref<2x1000x8xf32, #tpu.memory_space<vmem>>, %arg3: memref<1000x64xf32, #tpu.memory_space<vmem>>, %arg4: memref<64xf32, #tpu.memory_space<vmem>>, %arg5: memref<64x16xf32, #tpu.memory_space<vmem>>, %arg6: memref<1000x16xf32, #tpu.memory_space<vmem>>) attributes {dimension_semantics = [#tpu.dimension_semantics<arbitrary>], iteration_bounds = array<i64: 10>, scalar_prefetch = 0 : i64, scratch_operands = 0 : i64, tpu.core_type = #tpu.core_type<tc>, window_params = [{transform_indices = @transform_0, window_bounds = array<i64: 2, 1000, 64>}, {transform_indices = @transform_1, window_bounds = array<i64: 2, 1000, 8>}, {transform_indices = @transform_2, window_bounds = array<i64: 1000, 64>}, {pipeline_mode = #tpu.pipeline_mode<synchronous>, transform_indices = @transform_3, window_bounds = array<i64: 64>}, {pipeline_mode = #tpu.pipeline_mode<synchronous>, transform_indices = @transform_4, window_bounds = array<i64: 64, 16>}, {transform_indices = @transform_5, window_bounds = array<i64: 1000, 16>}]} {
    %get3A = arith.constant 0 : index
    %get3A_0 = arith.constant 0 : index
    %get3A_1 = arith.constant 0 : index
    %get3A_2 = vector.load %arg1[%get3A, %get3A_0, %get3A_1] : memref<2x1000x64xbf16, #tpu.memory_space<vmem>>, vector<1x1000x64xbf16>
    %get3A_3 = vector.shape_cast %get3A_2 : vector<1x1000x64xbf16> to vector<1000x64xbf16>
    %convert_element_type3A = arith.extf %get3A_3 : vector<1000x64xbf16> to vector<1000x64xf32>
    %get3A_4 = arith.constant 1 : index
    %get3A_5 = arith.constant 0 : index
    %get3A_6 = arith.constant 0 : index
    %get3A_7 = vector.load %arg1[%get3A_4, %get3A_5, %get3A_6] : memref<2x1000x64xbf16, #tpu.memory_space<vmem>>, vector<1x1000x64xbf16>
    %get3A_8 = vector.shape_cast %get3A_7 : vector<1x1000x64xbf16> to vector<1000x64xbf16>
    %convert_element_type3A_9 = arith.extf %get3A_8 : vector<1000x64xbf16> to vector<1000x64xf32>
    %add3A = arith.addf %convert_element_type3A, %convert_element_type3A_9 : vector<1000x64xf32>
    %get3A_10 = arith.constant 0 : index
    %get3A_11 = arith.constant 0 : index
    %get3A_12 = vector.load %arg3[%get3A_10, %get3A_11] : memref<1000x64xf32, #tpu.memory_space<vmem>>, vector<1000x64xf32>
    %add3A_13 = arith.addf %add3A, %get3A_12 : vector<1000x64xf32>
    %get3A_14 = arith.constant 0 : index
    %get3A_15 = arith.constant 0 : index
    %get3A_16 = arith.constant 0 : index
    %get3A_17 = vector.load %arg2[%get3A_14, %get3A_15, %get3A_16] : memref<2x1000x8xf32, #tpu.memory_space<vmem>>, vector<1x1000x1xf32>
    %get3A_18 = vector.shape_cast %get3A_17 : vector<1x1000x1xf32> to vector<1000xf32>
    %get3A_19 = arith.constant 1 : index
    %get3A_20 = arith.constant 0 : index
    %get3A_21 = arith.constant 0 : index
    %get3A_22 = vector.load %arg2[%get3A_19, %get3A_20, %get3A_21] : memref<2x1000x8xf32, #tpu.memory_space<vmem>>, vector<1x1000x1xf32>
    %get3A_23 = vector.shape_cast %get3A_22 : vector<1x1000x1xf32> to vector<1000xf32>
    %add3A_24 = arith.addf %get3A_18, %get3A_23 : vector<1000xf32>
    %add3A_25 = arith.constant 1.000000e+00 : f32
    %add3A_26 = vector.broadcast %add3A_25 : f32 to vector<1000xf32>
    %add3A_27 = arith.addf %add3A_24, %add3A_26 : vector<1000xf32>
    %div3A = arith.constant 1.000000e+00 : f32
    %div3A_28 = vector.broadcast %div3A : f32 to vector<1000xf32>
    %div3A_29 = arith.divf %div3A_28, %add3A_27 : vector<1000xf32>
    %broadcast_in_dim3A = vector.shape_cast %div3A_29 : vector<1000xf32> to vector<1000x1xf32>
    %mul3A = vector.broadcast %broadcast_in_dim3A : vector<1000x1xf32> to vector<1000x64xf32>
    %mul3A_30 = arith.mulf %add3A_13, %mul3A : vector<1000x64xf32>
    %get3A_31 = arith.constant 0 : index
    %get3A_32 = vector.load %arg4[%get3A_31] : memref<64xf32, #tpu.memory_space<vmem>>, vector<64xf32>
    %broadcast_in_dim3A_33 = vector.shape_cast %get3A_32 : vector<64xf32> to vector<1x64xf32>
    %add3A_34 = vector.broadcast %broadcast_in_dim3A_33 : vector<1x64xf32> to vector<1000x64xf32>
    %add3A_35 = arith.addf %mul3A_30, %add3A_34 : vector<1000x64xf32>
    %max3A = arith.constant 0.000000e+00 : f32
    %max3A_36 = vector.broadcast %max3A : f32 to vector<1000x64xf32>
    %max3A_37 = arith.maximumf %add3A_35, %max3A_36 : vector<1000x64xf32>
    %get3A_38 = arith.constant 0 : index
    %get3A_39 = arith.constant 0 : index
    %get3A_40 = vector.load %arg5[%get3A_38, %get3A_39] : memref<64x16xf32, #tpu.memory_space<vmem>>, vector<64x16xf32>
    %dot_general3A = arith.constant dense<0.000000e+00> : vector<1000x16xf32>
    %dot_general3A_41 = tpu.matmul %max3A_37, %get3A_40, %dot_general3A {dimension_numbers = #tpu.dot_dimension_numbers<[1], [0], [0], [1], [0, 0, 1, 1], [], []>, transpose_lhs_hint = false} : vector<1000x64xf32>, vector<64x16xf32>, vector<1000x16xf32> -> vector<1000x16xf32>
    %swap3A = arith.constant 0 : index
    %swap3A_42 = arith.constant 0 : index
    %swap3A_43 = vector.load %arg6[%swap3A, %swap3A_42] : memref<1000x16xf32, #tpu.memory_space<vmem>>, vector<1000x16xf32>
    tpu.vector_store %arg6[%swap3A, %swap3A_42], %dot_general3A_41 {strides = array<i32>} : memref<1000x16xf32, #tpu.memory_space<vmem>>, vector<1000x16xf32>,
    return
  }
  func.func @transform_0(%arg0: i32) -> (i32, i32, i32) {
    %c0_i32 = arith.constant 0 : i32
    %c0_i32_0 = arith.constant 0 : i32
    %c0_i32_1 = arith.constant 0 : i32
    return %c0_i32, %arg0, %c0_i32_0 : i32, i32, i32
  }
  func.func @transform_1(%arg0: i32) -> (i32, i32, i32) {
    %c0_i32 = arith.constant 0 : i32
    %c0_i32_0 = arith.constant 0 : i32
    %c0_i32_1 = arith.constant 0 : i32
    return %c0_i32, %arg0, %c0_i32_0 : i32, i32, i32
  }
  func.func @transform_2(%arg0: i32) -> (i32, i32) {
    %c0_i32 = arith.constant 0 : i32
    %c0_i32_0 = arith.constant 0 : i32
    return %arg0, %c0_i32 : i32, i32
  }
  func.func @transform_3(%arg0: i32) -> i32 {
    %c0_i32 = arith.constant 0 : i32
    %c0_i32_0 = arith.constant 0 : i32
    return %c0_i32 : i32
  }
  func.func @transform_4(%arg0: i32) -> (i32, i32) {
    %c0_i32 = arith.constant 0 : i32
    %c0_i32_0 = arith.constant 0 : i32
    %c0_i32_1 = arith.constant 0 : i32
    return %c0_i32, %c0_i32_0 : i32, i32
  }
  func.func @transform_5(%arg0: i32) -> (i32, i32) {
    %c0_i32 = arith.constant 0 : i32
    %c0_i32_0 = arith.constant 0 : i32
    return %arg0, %c0_i32 : i32, i32
  }
}

module attributes {stable_mosaic.version = 14 : i64} {
  func.func @_tc3_body(%arg0: i32, %arg1: memref<2x1000x16xf32, #tpu.memory_space<vmem>>, %arg2: memref<2x1000x8xf32, #tpu.memory_space<vmem>>, %arg3: memref<1000x16xf32, #tpu.memory_space<vmem>>, %arg4: memref<16xf32, #tpu.memory_space<vmem>>, %arg5: memref<16x64xf32, #tpu.memory_space<vmem>>, %arg6: memref<64xf32, #tpu.memory_space<vmem>>, %arg7: memref<64x256xf32, #tpu.memory_space<vmem>>, %arg8: memref<256xf32, #tpu.memory_space<vmem>>, %arg9: memref<256x128xf32, #tpu.memory_space<vmem>>, %arg10: memref<128xf32, #tpu.memory_space<vmem>>, %arg11: memref<1000x16xf32, #tpu.memory_space<vmem>>, %arg12: memref<1000x128xf32, #tpu.memory_space<vmem>>) attributes {dimension_semantics = [#tpu.dimension_semantics<arbitrary>], iteration_bounds = array<i64: 10>, scalar_prefetch = 0 : i64, scratch_operands = 0 : i64, tpu.core_type = #tpu.core_type<tc>, window_params = [{transform_indices = @transform_0, window_bounds = array<i64: 2, 1000, 16>}, {transform_indices = @transform_1, window_bounds = array<i64: 2, 1000, 8>}, {transform_indices = @transform_2, window_bounds = array<i64: 1000, 16>}, {pipeline_mode = #tpu.pipeline_mode<synchronous>, transform_indices = @transform_3, window_bounds = array<i64: 16>}, {pipeline_mode = #tpu.pipeline_mode<synchronous>, transform_indices = @transform_4, window_bounds = array<i64: 16, 64>}, {pipeline_mode = #tpu.pipeline_mode<synchronous>, transform_indices = @transform_5, window_bounds = array<i64: 64>}, {pipeline_mode = #tpu.pipeline_mode<synchronous>, transform_indices = @transform_6, window_bounds = array<i64: 64, 256>}, {pipeline_mode = #tpu.pipeline_mode<synchronous>, transform_indices = @transform_7, window_bounds = array<i64: 256>}, {pipeline_mode = #tpu.pipeline_mode<synchronous>, transform_indices = @transform_8, window_bounds = array<i64: 256, 128>}, {pipeline_mode = #tpu.pipeline_mode<synchronous>, transform_indices = @transform_9, window_bounds = array<i64: 128>}, {transform_indices = @transform_10, window_bounds = array<i64: 1000, 16>}, {transform_indices = @transform_11, window_bounds = array<i64: 1000, 128>}]} {
    %get3A = arith.constant 0 : index
    %get3A_0 = arith.constant 0 : index
    %get3A_1 = arith.constant 0 : index
    %get3A_2 = vector.load %arg1[%get3A, %get3A_0, %get3A_1] : memref<2x1000x16xf32, #tpu.memory_space<vmem>>, vector<1x1000x16xf32>
    %get3A_3 = vector.shape_cast %get3A_2 : vector<1x1000x16xf32> to vector<1000x16xf32>
    %get3A_4 = arith.constant 1 : index
    %get3A_5 = arith.constant 0 : index
    %get3A_6 = arith.constant 0 : index
    %get3A_7 = vector.load %arg1[%get3A_4, %get3A_5, %get3A_6] : memref<2x1000x16xf32, #tpu.memory_space<vmem>>, vector<1x1000x16xf32>
    %get3A_8 = vector.shape_cast %get3A_7 : vector<1x1000x16xf32> to vector<1000x16xf32>
    %add3A = arith.addf %get3A_3, %get3A_8 : vector<1000x16xf32>
    %get3A_9 = arith.constant 0 : index
    %get3A_10 = arith.constant 0 : index
    %get3A_11 = vector.load %arg3[%get3A_9, %get3A_10] : memref<1000x16xf32, #tpu.memory_space<vmem>>, vector<1000x16xf32>
    %add3A_12 = arith.addf %add3A, %get3A_11 : vector<1000x16xf32>
    %get3A_13 = arith.constant 0 : index
    %get3A_14 = arith.constant 0 : index
    %get3A_15 = arith.constant 0 : index
    %get3A_16 = vector.load %arg2[%get3A_13, %get3A_14, %get3A_15] : memref<2x1000x8xf32, #tpu.memory_space<vmem>>, vector<1x1000x1xf32>
    %get3A_17 = vector.shape_cast %get3A_16 : vector<1x1000x1xf32> to vector<1000xf32>
    %get3A_18 = arith.constant 1 : index
    %get3A_19 = arith.constant 0 : index
    %get3A_20 = arith.constant 0 : index
    %get3A_21 = vector.load %arg2[%get3A_18, %get3A_19, %get3A_20] : memref<2x1000x8xf32, #tpu.memory_space<vmem>>, vector<1x1000x1xf32>
    %get3A_22 = vector.shape_cast %get3A_21 : vector<1x1000x1xf32> to vector<1000xf32>
    %add3A_23 = arith.addf %get3A_17, %get3A_22 : vector<1000xf32>
    %add3A_24 = arith.constant 1.000000e+00 : f32
    %add3A_25 = vector.broadcast %add3A_24 : f32 to vector<1000xf32>
    %add3A_26 = arith.addf %add3A_23, %add3A_25 : vector<1000xf32>
    %div3A = arith.constant 1.000000e+00 : f32
    %div3A_27 = vector.broadcast %div3A : f32 to vector<1000xf32>
    %div3A_28 = arith.divf %div3A_27, %add3A_26 : vector<1000xf32>
    %broadcast_in_dim3A = vector.shape_cast %div3A_28 : vector<1000xf32> to vector<1000x1xf32>
    %mul3A = vector.broadcast %broadcast_in_dim3A : vector<1000x1xf32> to vector<1000x16xf32>
    %mul3A_29 = arith.mulf %add3A_12, %mul3A : vector<1000x16xf32>
    %get3A_30 = arith.constant 0 : index
    %get3A_31 = vector.load %arg4[%get3A_30] : memref<16xf32, #tpu.memory_space<vmem>>, vector<16xf32>
    %broadcast_in_dim3A_32 = vector.shape_cast %get3A_31 : vector<16xf32> to vector<1x16xf32>
    %add3A_33 = vector.broadcast %broadcast_in_dim3A_32 : vector<1x16xf32> to vector<1000x16xf32>
    %add3A_34 = arith.addf %mul3A_29, %add3A_33 : vector<1000x16xf32>
    %swap3A = arith.constant 0 : index
    %swap3A_35 = arith.constant 0 : index
    %swap3A_36 = vector.load %arg11[%swap3A, %swap3A_35] : memref<1000x16xf32, #tpu.memory_space<vmem>>, vector<1000x16xf32>
    tpu.vector_store %arg11[%swap3A, %swap3A_35], %add3A_34 {strides = array<i32>} : memref<1000x16xf32, #tpu.memory_space<vmem>>, vector<1000x16xf32>,
    %get3A_37 = arith.constant 0 : index
    %get3A_38 = arith.constant 0 : index
    %get3A_39 = vector.load %arg5[%get3A_37, %get3A_38] : memref<16x64xf32, #tpu.memory_space<vmem>>, vector<16x64xf32>
    %dot_general3A = arith.constant dense<0.000000e+00> : vector<1000x64xf32>
    %dot_general3A_40 = tpu.matmul %add3A_34, %get3A_39, %dot_general3A {dimension_numbers = #tpu.dot_dimension_numbers<[1], [0], [0], [1], [0, 0, 1, 1], [], []>, transpose_lhs_hint = false} : vector<1000x16xf32>, vector<16x64xf32>, vector<1000x64xf32> -> vector<1000x64xf32>
    %get3A_41 = arith.constant 0 : index
    %get3A_42 = vector.load %arg6[%get3A_41] : memref<64xf32, #tpu.memory_space<vmem>>, vector<64xf32>
    %broadcast_in_dim3A_43 = vector.shape_cast %get3A_42 : vector<64xf32> to vector<1x64xf32>
    %add3A_44 = vector.broadcast %broadcast_in_dim3A_43 : vector<1x64xf32> to vector<1000x64xf32>
    %add3A_45 = arith.addf %dot_general3A_40, %add3A_44 : vector<1000x64xf32>
    %max3A = arith.constant 0.000000e+00 : f32
    %max3A_46 = vector.broadcast %max3A : f32 to vector<1000x64xf32>
    %max3A_47 = arith.maximumf %add3A_45, %max3A_46 : vector<1000x64xf32>
    %get3A_48 = arith.constant 0 : index
    %get3A_49 = arith.constant 0 : index
    %get3A_50 = vector.load %arg7[%get3A_48, %get3A_49] : memref<64x256xf32, #tpu.memory_space<vmem>>, vector<64x256xf32>
    %dot_general3A_51 = arith.constant dense<0.000000e+00> : vector<1000x256xf32>
    %dot_general3A_52 = tpu.matmul %max3A_47, %get3A_50, %dot_general3A_51 {dimension_numbers = #tpu.dot_dimension_numbers<[1], [0], [0], [1], [0, 0, 1, 1], [], []>, transpose_lhs_hint = false} : vector<1000x64xf32>, vector<64x256xf32>, vector<1000x256xf32> -> vector<1000x256xf32>
    %get3A_53 = arith.constant 0 : index
    %get3A_54 = vector.load %arg8[%get3A_53] : memref<256xf32, #tpu.memory_space<vmem>>, vector<256xf32>
    %broadcast_in_dim3A_55 = vector.shape_cast %get3A_54 : vector<256xf32> to vector<1x256xf32>
    %add3A_56 = vector.broadcast %broadcast_in_dim3A_55 : vector<1x256xf32> to vector<1000x256xf32>
    %add3A_57 = arith.addf %dot_general3A_52, %add3A_56 : vector<1000x256xf32>
    %max3A_58 = arith.constant 0.000000e+00 : f32
    %max3A_59 = vector.broadcast %max3A_58 : f32 to vector<1000x256xf32>
    %max3A_60 = arith.maximumf %add3A_57, %max3A_59 : vector<1000x256xf32>
    %get3A_61 = arith.constant 0 : index
    %get3A_62 = arith.constant 0 : index
    %get3A_63 = vector.load %arg9[%get3A_61, %get3A_62] : memref<256x128xf32, #tpu.memory_space<vmem>>, vector<256x128xf32>
    %dot_general3A_64 = arith.constant dense<0.000000e+00> : vector<1000x128xf32>
    %dot_general3A_65 = tpu.matmul %max3A_60, %get3A_63, %dot_general3A_64 {dimension_numbers = #tpu.dot_dimension_numbers<[1], [0], [0], [1], [0, 0, 1, 1], [], []>, transpose_lhs_hint = false} : vector<1000x256xf32>, vector<256x128xf32>, vector<1000x128xf32> -> vector<1000x128xf32>
    %get3A_66 = arith.constant 0 : index
    %get3A_67 = vector.load %arg10[%get3A_66] : memref<128xf32, #tpu.memory_space<vmem>>, vector<128xf32>
    %broadcast_in_dim3A_68 = vector.shape_cast %get3A_67 : vector<128xf32> to vector<1x128xf32>
    %add3A_69 = vector.broadcast %broadcast_in_dim3A_68 : vector<1x128xf32> to vector<1000x128xf32>
    %add3A_70 = arith.addf %dot_general3A_65, %add3A_69 : vector<1000x128xf32>
    %swap3A_71 = arith.constant 0 : index
    %swap3A_72 = arith.constant 0 : index
    %swap3A_73 = vector.load %arg12[%swap3A_71, %swap3A_72] : memref<1000x128xf32, #tpu.memory_space<vmem>>, vector<1000x128xf32>
    tpu.vector_store %arg12[%swap3A_71, %swap3A_72], %add3A_70 {strides = array<i32>} : memref<1000x128xf32, #tpu.memory_space<vmem>>, vector<1000x128xf32>,
    return
  }
  func.func @transform_0(%arg0: i32) -> (i32, i32, i32) {
    %c0_i32 = arith.constant 0 : i32
    %c0_i32_0 = arith.constant 0 : i32
    %c0_i32_1 = arith.constant 0 : i32
    return %c0_i32, %arg0, %c0_i32_0 : i32, i32, i32
  }
  func.func @transform_1(%arg0: i32) -> (i32, i32, i32) {
    %c0_i32 = arith.constant 0 : i32
    %c0_i32_0 = arith.constant 0 : i32
    %c0_i32_1 = arith.constant 0 : i32
    return %c0_i32, %arg0, %c0_i32_0 : i32, i32, i32
  }
  func.func @transform_2(%arg0: i32) -> (i32, i32) {
    %c0_i32 = arith.constant 0 : i32
    %c0_i32_0 = arith.constant 0 : i32
    return %arg0, %c0_i32 : i32, i32
  }
  func.func @transform_3(%arg0: i32) -> i32 {
    %c0_i32 = arith.constant 0 : i32
    %c0_i32_0 = arith.constant 0 : i32
    return %c0_i32 : i32
  }
  func.func @transform_4(%arg0: i32) -> (i32, i32) {
    %c0_i32 = arith.constant 0 : i32
    %c0_i32_0 = arith.constant 0 : i32
    %c0_i32_1 = arith.constant 0 : i32
    return %c0_i32, %c0_i32_0 : i32, i32
  }
  func.func @transform_5(%arg0: i32) -> i32 {
    %c0_i32 = arith.constant 0 : i32
    %c0_i32_0 = arith.constant 0 : i32
    return %c0_i32 : i32
  }
  func.func @transform_6(%arg0: i32) -> (i32, i32) {
    %c0_i32 = arith.constant 0 : i32
    %c0_i32_0 = arith.constant 0 : i32
    %c0_i32_1 = arith.constant 0 : i32
    return %c0_i32, %c0_i32_0 : i32, i32
  }
  func.func @transform_7(%arg0: i32) -> i32 {
    %c0_i32 = arith.constant 0 : i32
    %c0_i32_0 = arith.constant 0 : i32
    return %c0_i32 : i32
  }
  func.func @transform_8(%arg0: i32) -> (i32, i32) {
    %c0_i32 = arith.constant 0 : i32
    %c0_i32_0 = arith.constant 0 : i32
    %c0_i32_1 = arith.constant 0 : i32
    return %c0_i32, %c0_i32_0 : i32, i32
  }
  func.func @transform_9(%arg0: i32) -> i32 {
    %c0_i32 = arith.constant 0 : i32
    %c0_i32_0 = arith.constant 0 : i32
    return %c0_i32 : i32
  }
  func.func @transform_10(%arg0: i32) -> (i32, i32) {
    %c0_i32 = arith.constant 0 : i32
    %c0_i32_0 = arith.constant 0 : i32
    return %arg0, %c0_i32 : i32, i32
  }
  func.func @transform_11(%arg0: i32) -> (i32, i32) {
    %c0_i32 = arith.constant 0 : i32
    %c0_i32_0 = arith.constant 0 : i32
    return %arg0, %c0_i32 : i32, i32
  }
}

</mosaic_0001>

<sc_bundles>
// kernel: kernel.11.cloned.1.call-start
scs
__scs_entry_jumppad:
0x0: {  	(pc) =	sbr.rel $0x88, $3  }
0x1: {  	(tag) =	ssettag $0x0;
	lr =	simm.s32 $0x1  }
0x2: {  	[smem:$0x3F93] =	sst lr;
	_ =	strace $0xD0000000  }
0x3: {  	_ = 	snop  }
0x4: {  	_ = 	snop  }
0x5: {  	_ = 	snop  }
0x6: {  	_ = 	snop  }
0x7: {  	_ = 	snop  }
__scs_overlays_trampoline_lowered:
0x8: {  	[smem:$0x3FA2] =	sst s0  }
0x9: {  	[smem:$0x3FA3] =	sst s1  }
0xa: {  	[smem:$0x3FA4] =	sst s2  }
0xb: {  	[smem:$0x3FA5] =	sst s3  }
0xc: {  	[smem:$0x3FA6] =	sst s4  }
0xd: {  	[smem:$0x3FA7] =	sst s5  }
0xe: {  	[smem:$0x3FA8] =	sst s6  }
0xf: {  	[smem:$0x3FA9] =	sst s7  }
0x10: {  	[smem:$0x3FAA] =	sst s8  }
0x11: {  	[smem:$0x3FAB] =	sst s9;
	s0 =	simm.s32 @!p0 $0x0  }
0x12: {  	s1 =	sld [smem:$0x3F91];
	s0 =	simm.s32 @p0 $0x1  }
0x13: {  	[smem:$0x3FAC] =	sst s0;
	s0 =	simm.s32 @!p1 $0x0  }
0x14: {  	s2 =	sld [smem:$0x3F90];
	s0 =	simm.s32 @p1 $0x1  }
0x15: {  	[smem:$0x3FAD] =	sst s0;
	s0 =	simm.s32 @!p2 $0x0  }
0x16: {  	s3 =	sld [smem:$0x3FDB];
	s0 =	simm.s32 @p2 $0x1  }
0x17: {  	s4 =	simm.s32 $0x1BF5;
	[smem:$0x3FAF] =	sst s0  }
0x18: {  	s0 =	sld [smem:$0x3F92];
	_ =	swait.ge [sflag:s4], $0x0  }
0x19: {  	s7 =	sld [smem:$0x3F93]  }
0x1a: {  	s8 =	sadd.s32 $0xFFFFE003, lr  }
0x1b: {  	s9 =	sadd.s32 $0xFFFFFEF7, lr;
	s5 =	simm.s32 $0xFFFFFFFF;
	p2 =	slt.u32 s8, $0xFFFFF086  }
0x1c: {  	p1 =	slt.u32 s9, $0xF7A;
	s5 =	simm.s32 @!p2 $0x0  }
0x1d: {  	s5 =	simm.s32 @p1 $0x1;
	p0 =	seq.s32 s7, s2  }
0x1e: {  	s7 =	smul.u32 @!p0 $0xF7A, s2;
	p2 =	seq.s32 @!p0 s5, $0x0  }
0x1f: {  	s9 =	smul.u32 $0xF7A, s1;
	s8 =	simm.s32 @!p0 $0x1BF5;
	p2 =	por !p2, p0  }
0x20: {  	[sflag:s8] =	ssyncset.s32 @!p0 $0xFFFFF086;
	s6 =	sadd.s32 @!p0 s3, s7;
	s7 =	simm.s32 @!p0 $0x108  }
0x21: {  	s3 =	sadd.s32 s3, s9;
	s6 =	sadd.s32 @!p0 $0x88, s6;
	s7 =	simm.s32 @p2 $0x1082  }
0x22: {  	[simem:s7], [sflag:s8] =	dma.local @!p0 [hbm:s6], $0xF7A  }
0x23: {  	s9 =	sor.u32 $0xD0000000, s2;
	s6 =	simm.s32 $0x108;
	_ =	swait.ge @!p0 [sflag:s8], $0x0  }
0x24: {  	s3 =	sadd.s32 $0x88, s3;
	s6 =	simm.s32 @!p1 $0x1082;
	[sflag:s4] =	ssyncset.s32 $0xFFFFF086  }
0x25: {  	[simem:s6], [sflag:s4] =	dma.local [hbm:s3], $0xF7A  }
0x26: {  	[smem:$0x3F93] =	sst s1;
	(tag) =	ssettag s2;
	_ =	strace s9  }
0x27: {  	s1 =	sld [smem:$0x3FA3]  }
0x28: {  	s2 =	sld [smem:$0x3FA4]  }
0x29: {  	s4 =	sld [smem:$0x3FA6]  }
0x2a: {  	p0 =	seq.s32 s5, $0x0;
	s5 =	sld [smem:$0x3FA7]  }
0x2b: {  	s6 =	sld [smem:$0x3FA8]  }
0x2c: {  	s7 =	sld [smem:$0x3FA9]  }
0x2d: {  	s3 =	simm.s32 $0x108;
	s8 =	sld [smem:$0x3FAA]  }
0x2e: {  	s3 =	simm.s32 @!p0 $0x1082;
	s9 =	sld [smem:$0x3FAB]  }
0x2f: {  	lr =	sadd.s32 s0, s3;
	s0 =	sld [smem:$0x3FA2]  }
0x30: {  	s3 =	sld [smem:$0x3FA5]  }
0x31: {  	[smem:$0x3FAE] =	sst s10  }
0x32: {  	s10 =	sld [smem:$0x3FAC];
	_ =	sdelay $0x3  }
0x33: {  	p0 =	seq.s32 s10, $0x1;
	s10 =	sld [smem:$0x3FAE];
	_ =	sdelay $0x3  }
0x34: {  	[smem:$0x3FAE] =	sst s10  }
0x35: {  	s10 =	sld [smem:$0x3FAD];
	_ =	sdelay $0x3  }
0x36: {  	p1 =	seq.s32 s10, $0x1;
	s10 =	sld [smem:$0x3FAE];
	_ =	sdelay $0x3  }
0x37: {  	[smem:$0x3FAE] =	sst s10  }
0x38: {  	s10 =	sld [smem:$0x3FAF]  }
0x39: {  	_ = 	snop;
	(pc) =	sbr.ind lr, $3  }
0x3a: {  	_ = 	snop  }
0x3b: {  	_ = 	snop  }
0x3c: {  	p2 =	seq.s32 s10, $0x1;
	s10 =	sld [smem:$0x3FAE]  }
0x3d: {  	_ =	shalt  }
0x3e: {  	_ =	shalt  }
0x3f: {  	_ =	shalt  }
0x40: {  	_ =	shalt  }
0x41: {  	_ =	shalt  }
0x42: {  	_ =	shalt  }
0x43: {  	_ =	shalt  }
0x44: {  	_ =	shalt  }
0x45: {  	_ =	shalt  }
0x46: {  	_ =	shalt  }
0x47: {  	_ =	shalt  }
0x48: {  	_ =	shalt  }
0x49: {  	_ =	shalt  }
0x4a: {  	_ =	shalt  }
0x4b: {  	_ =	shalt  }
0x4c: {  	_ =	shalt  }
0x4d: {  	_ =	shalt  }
0x4e: {  	_ =	shalt  }
0x4f: {  	_ =	shalt  }
0x50: {  	_ =	shalt  }
0x51: {  	_ =	shalt  }
0x52: {  	_ =	shalt  }
0x53: {  	_ =	shalt  }
0x54: {  	_ =	shalt  }
0x55: {  	_ =	shalt  }
0x56: {  	_ =	shalt  }
0x57: {  	_ =	shalt  }
0x58: {  	_ =	shalt  }
0x59: {  	_ =	shalt  }
0x5a: {  	_ =	shalt  }
0x5b: {  	_ =	shalt  }
0x5c: {  	_ =	shalt  }
0x5d: {  	_ =	shalt  }
0x5e: {  	_ =	shalt  }
0x5f: {  	_ =	shalt  }
0x60: {  	_ =	shalt  }
0x61: {  	_ =	shalt  }
0x62: {  	_ =	shalt  }
0x63: {  	_ =	shalt  }
0x64: {  	_ =	shalt  }
0x65: {  	_ =	shalt  }
0x66: {  	_ =	shalt  }
0x67: {  	_ =	shalt  }
0x68: {  	_ =	shalt  }
0x69: {  	_ =	shalt  }
0x6a: {  	_ =	shalt  }
0x6b: {  	_ =	shalt  }
0x6c: {  	_ =	shalt  }
0x6d: {  	_ =	shalt  }
0x6e: {  	_ =	shalt  }
0x6f: {  	_ =	shalt  }
0x70: {  	_ =	shalt  }
0x71: {  	_ =	shalt  }
0x72: {  	_ =	shalt  }
0x73: {  	_ =	shalt  }
0x74: {  	_ =	shalt  }
0x75: {  	_ =	shalt  }
0x76: {  	_ =	shalt  }
0x77: {  	_ =	shalt  }
0x78: {  	_ =	shalt  }
0x79: {  	_ =	shalt  }
0x7a: {  	_ =	shalt  }
0x7b: {  	_ =	shalt  }
0x7c: {  	_ =	shalt  }
0x7d: {  	_ =	shalt  }
0x7e: {  	_ =	shalt  }
0x7f: {  	_ =	shalt  }
0x80: {  	_ =	shalt  }
0x81: {  	_ =	shalt  }
0x82: {  	_ =	shalt  }
0x83: {  	_ =	shalt  }
0x84: {  	_ =	shalt  }
0x85: {  	_ =	shalt  }
0x86: {  	_ =	shalt  }
0x87: {  	_ =	shalt  }
.Lfunc_end0:
.L_simem_size_0:
called_computation.1_lowered:
.L_overlay_start_0:
0x88: {  	s2 =	sld [smem:$0x3FD9]  }
0x89: {  	s3 =	sld [smem:$0x3FFE];
	_ =	sdelay $0x1  }
0x8a: {  	s1 =	srdreg.scid  }
0x8b: {  	s0 =	sand.u32 $0x1, s1  }
0x8c: {  	s14 =	sshll.u32 s0, $0xA;
	s2 =	sadd.s32 s3, s2  }
0x8d: {  	s2 =	sadd.s32 s2, s14  }
0x8e: {  	[smem:$0x3FBA] =	sst s2  }
0x8f: {  	_ = 	snop  }
0x90: {  	s2 =	sld [smem:$0x3FD0];
	_ =	sdelay $0x2  }
0x91: {  	s15 =	simm.s32 $0xA;
	s4 =	simm.s32 $0x10  }
0x92: {  	[smem:s4], [sflag:s15] =	dma.local [hbm:s2], $0x1  }
0x93: {  	_ =	swait.eq [sflag:s15], $0x1  }
0x94: {  	[sflag:s15] =	ssyncset.done $0x0  }
0x95: {  	[sflag:s15] =	ssyncadd.s32 $0xFFFFFFFF  }
0x96: {  	s16 =	sld [smem:$0x11];
	(tm) =	ssettm $0x1  }
0x97: {  	s17 =	sld [smem:$0x3FFB];
	_ =	sdelay $0x3  }
0x98: {  	_ =	strace s17  }
0x99: {  	s3 =	sld [smem:$0x3FFC];
	_ =	sdelay $0x3  }
0x9a: {  	_ =	strace s3  }
0x9b: {  	s3 =	sld [smem:$0x3FFD];
	_ =	sdelay $0x3  }
0x9c: {  	_ =	strace s3  }
0x9d: {  	_ =	strace $0x8FFFFFFF  }
0x9e: {  	s18 =	sld [smem:$0x3FDB];
	_ =	sdelay $0x1  }
0x9f: {  	s19 =	simm.s32 $_scs_section_size  }
0xa0: {  	s5 =	simm.s32 $_size__tile_overlayer_lowered;
	s6 =	simm.s32 $_tile_overlayer_lowered  }
0xa1: {  	s22 =	simm.s32 $0x1BFF;
	s21 =	sshll.u32 s6, $0x1;
	s3 =	sadd.s32 s19, s18  }
0xa2: {  	s7 =	simm.s32 $0x0;
	s20 =	sshll.u32 s5, $0x1;
	s5 =	sadd.s32 s21, s3  }
0xa3: {  	[timem:s7], [sflag:s22] =	dma.local [hbm:s5], s20  }
0xa4: {  	_ =	swait.ge [sflag:s22], s20  }
0xa5: {  	s4 =	ssub.s32 $0x0, s20;
	[sflag:s22] =	ssyncset.done $0x0  }
0xa6: {  	[sflag:s22] =	ssyncadd.s32 s4;
	_ =	sdelay $0x1  }
0xa7: {  	s23 =	simm.s32 $0x1B8B  }
0xa8: {  	_ =	swait.ge [sflag:s23], $0x1  }
0xa9: {  	[sflag:s23] =	ssyncset.done $0x0  }
0xaa: {  	s25 =	simm.s32 $0x1B8E;
	s24 =	sld [smem:$0x3FFE];
	[sflag:s23] =	ssyncadd.s32 $0xFFFFFFFF  }
0xab: {  	s26 =	simm.s32 $execute0_lowered;
	[smem:$0x3FD2] =	sst s25  }
0xac: {  	s5 =	sshll.u32 s26, $0x1;
	_ =	strace $0x80000049;
	[dreg:$0x1] =	wrdreg $0xFFFFFFFF  }
0xad: {  	s28 =	simm.s32 $_size_execute0_lowered;
	s3 =	sadd.s32 s3, s5;
	[dreg:$0x0] =	wrdreg $0x0  }
0xae: {  	s5 =	sshll.u32 s28, $0x1;
	[dreg:$0x2] =	wrdreg s3  }
0xaf: {  	[dreg:$0x3] =	wrdreg s5  }
0xb0: {  	[dreg:$0x4] =	wrdreg $0xC0  }
0xb1: {  	_ =	task [dreg:s7], $0x5FFFF  }
0xb2: {  	[dreg:$0x1] =	wrdreg $0xFFFFFFFF  }
0xb3: {  	[dreg:$0x0] =	wrdreg $0x60  }
0xb4: {  	[dreg:$0x2] =	wrdreg s24  }
0xb5: {  	[dreg:$0x3] =	wrdreg s16  }
0xb6: {  	[dreg:$0x4] =	wrdreg $0xB0000  }
0xb7: {  	[dreg:$0x5] =	wrdreg $0x9  }
0xb8: {  	_ =	task.clear_ibuf [dreg:s7], $0x6FFFF;
	_ =	strace $0x90000049  }
0xb9: {  	s29 =	simm.s32 $0x9;
	_ =	strace $0x8000004B  }
0xba: {  	_ =	swait.ge [sflag:s29], $0x1  }
0xbb: {  	[sflag:s29] =	ssyncadd.s32 $0xFFFFFFFF  }
0xbc: {  	_ =	strace $0x9000004B  }
0xbd: {  	_ =	sfence  }
0xbe: {  	s30 =	sld [smem:$0x0];
	_ =	sdelay $0x2  }
0xbf: {  	s31 =	sshll.u32 s1, $0xD;
	s1 =	sshrl.u32 s1, $0x2  }
0xc0: {  	s3 =	sand.u32 $0x4000, s31;
	s1 =	sadd.s32 s1, s30  }
0xc1: {  	s0 =	sor.u32 s3, s0;
	s1 =	sshll.u32 s1, $0x11  }
0xc2: {  	s0 =	sor.u32 s1, s0  }
0xc3: {  	s0 =	sadd.s32 $0x8F2B, s0  }
0xc4: {  	[sflag:s0] =	ssyncadd.remote.s32 $0x1  }
0xc5: {  	_ =	sfence.sel $0xFFFF  }
0xc6: {  	[dreg:$0x0] =	wrdreg $0xFFFFFFFF;
	(pc) =	sbr.abs _section_cstart, $3  }
0xc7: {  	[dreg:$0x1] =	wrdreg $0xFFFFFFFF  }
0xc8: {  	_ =	task.clear_ibuf [dreg:s7], $0x2FFFF;
	_ =	strace $0x9FFFFFFF  }
0xc9: {  	(tm) =	ssettm $0x7FFFFFFF  }
tec
execute0_lowered:
.L_overlay_start_1:
0x0: {  	(tag) =	ssettag $0x1  }
0x1: {  	s0 =	rddreg [dreg:$0x0]  }
0x2: {  	s2 =	rddreg [dreg:$0x1]  }
0x3: {  	s1 =	rddreg [dreg:$0x2];
	s3 =	simm.s32 $0x0;
	s15 =	stileid.u32  }
0x4: {  	s19 =	srdreg.scid;
	s13 =	simm.s32 $0x70;
	s16 =	simm.s32 $0x80  }
0x5: {  	s17 =	simm.s32 $0x7000;
	s18 =	simm.s32 $0x8000;
	s28 =	simm.s32 $0x3  }
0x6: {  	s30 =	simm.s32 $0x5;
	[smem:$0x7FF] =	sst s3;
	s9 =	smul.u32 $0x9E00, s15  }
0x7: {  	s4 =	sadd.s32 $0x3000, s0;
	s3 =	sand.u32 $0x1, s19;
	s11 =	smul.u32 $0x1800, s15  }
0x8: {  	s7 =	sadd.s32 $0x20A00, s0;
	s8 =	sadd.s32 $0x16A00, s0;
	s21 =	smul.u32 $0x700, s15  }
0x9: {  	s31 =	sshll.u32 s15, $0x6;
	s15 =	simm.s32 $0x9;
	_ =	strace $0x8000004A  }
0xa: {  	s5 =	ssub.s32 $0x2, s3;
	p0 =	seq.s32 s3, $0x0;
	s23 =	smul.u32 $0x9E000, s3  }
0xb: {  	s6 =	sshrl.u32 s9, $0x4;
	s10 =	sshrl.u32 s5, $0x1;
	s20 =	sshrl.u32 s11, $0x3  }
0xc: {  	s13 =	simm.s32 @!p0 $0x30;
	s25 =	sshrl.u32 s9, $0x1;
	p0 =	sne.s32 s3, $0x0  }
0xd: {  	s3 =	simm.s32 $0x6;
	s0 =	sadd.s32 s6, s0;
	s12 =	ssub.s32 s5, s10  }
0xe: {  	s22 =	sadd.s32 $0x7000, s20;
	s11 =	sadd.s32 s9, s23;
	s14 =	sadd.s32 s25, s1  }
0xf: {  	s10 =	sadd.s32 $0xFFFFFFFE, s13;
	s29 =	sshll.u32 s13, $0x9;
	s13 =	sor.u32 $0x1C09, s31  }
0x10: {  	s20 =	simm.s32 $0x9000;
	s23 =	simm.s32 $0x1;
	s25 =	simm.s32 $0x2  }
0x11: {  	s5 =	sadd.s32 s7, s22;
	s24 =	sadd.s32 s8, s22;
	s7 =	sadd.s32 s7, s21  }
0x12: {  	s8 =	sadd.s32 s8, s21;
	s9 =	sadd.s32 $0x54C00, s0;
	s26 =	sshrl.u32 s11, $0x4  }
0x13: {  	s12 =	smax.u32 s12, $0x1;
	s0 =	sadd.s32 $0xFFFFF000, s29;
	[dreg:$0x5] =	wrdreg s5  }
0x14: {  	s14 =	sshrl.u32 s14, $0x3;
	s22 =	simm.s32 $0xA000;
	[dreg:$0x6] =	wrdreg s24  }
0x15: {  	s21 =	simm.s32 $0x7;
	s11 =	sadd.s32 s2, s26;
	[dreg:$0x4] =	wrdreg s0  }
0x16: {  	s0 =	simm.s32 $0x4;
	s24 =	simm.s32 $0x8;
	s26 =	simm.s32 $0x0  }
.LBB2_1:
0x17: {  	s29 =	simm.s32 @p0 $0x0;
	s2 =	rddreg [dreg:$0x5];
	s31 =	simm.s32 @p0 $0x9  }
0x18: {  	[tilespmem:s29], [sflag:$0x9] =	stream.linear.gather @p0 [hbm4b:s2+s29], $0x1800, $0x38;
	[tilespmem:$0xFF00] =	vst v63  }
0x19: {  	_ =	swait.ge @p0 [sflag:s31], $0x1800  }
0x1a: {  	[sflag:s31] =	ssyncset.done @p0 $0x0  }
0x1b: {  	s2 =	simm.s32 @p0 $0x3800;
	s5 =	rddreg [dreg:$0x6];
	[sflag:s31] =	ssyncadd.s32 @p0 $0xFFFFE800  }
0x1c: {  	[tilespmem:s2], [sflag:$0x9] =	stream.linear.gather @p0 [hbm4b:s5+s29], $0x1800, $0x38;
	[tilespmem:$0xFF00] =	vst v63  }
0x1d: {  	_ =	swait.ge @p0 [sflag:s31], $0x1800  }
0x1e: {  	[sflag:s31] =	ssyncset.done @p0 $0x0  }
0x1f: {  	s2 =	simm.s32 @!p0 $0x0;
	s29 =	simm.s32 @!p0 $0x9;
	[sflag:s31] =	ssyncadd.s32 @p0 $0xFFFFE800  }
0x20: {  	[tilespmem:s2], [sflag:$0x9] =	stream.linear.gather @!p0 [hbm4b:s7+s2], $0x3800, $0x38;
	[tilespmem:$0xFF00] =	vst v63  }
0x21: {  	_ =	swait.ge @!p0 [sflag:s29], $0x3800  }
0x22: {  	[sflag:s29] =	ssyncset.done @!p0 $0x0  }
0x23: {  	s31 =	simm.s32 @!p0 $0x3800;
	[sflag:s29] =	ssyncadd.s32 @!p0 $0xFFFFC800  }
0x24: {  	[tilespmem:s31], [sflag:$0x9] =	stream.linear.gather @!p0 [hbm4b:s8+s2], $0x3800, $0x38;
	[tilespmem:$0xFF00] =	vst v63  }
0x25: {  	_ =	swait.ge @!p0 [sflag:s29], $0x3800  }
0x26: {  	[sflag:s29] =	ssyncset.done @!p0 $0x0  }
0x27: {  	[sflag:s29] =	ssyncadd.s32 @!p0 $0xFFFFC800  }
0x28: {  	[spmem:s14], [sflag:s13] =	dma.local [hbm:s9], $0x9E0  }
0x29: {  	_ =	swait.ge [sflag:s15], $0x9E0  }
0x2a: {  	[sflag:s15] =	ssyncset.done $0x0  }
0x2b: {  	[sflag:s15] =	ssyncadd.s32 $0xFFFFF620  }
0x2c: {  	s5 =	simm.s32 $0x0;
	[bflag:$0x0] =	sbarrier.arrive $0xFFFF  }
0x2d: {  	[tilespmem:s17], [sflag:$0x1] =	stream.indirect.gather [hbm4b:s4+s16], $0x20, s5, s16, $0xb8;
	[tilespmem:$0xFF00] =	vst v63  }
0x2e: {  	_ = 	snop  }
0x2f: {  	[tilespmem:s18], [sflag:$0x2] =	stream.indirect.gather [hbm4b:s4+s16], $0x20, s16, s16, $0xb8;
	[tilespmem:$0xFF00] =	vst v63  }
0x30: {  	s6 =	simm.s32 $0x100  }
0x31: {  	[tilespmem:s20], [sflag:$0x3] =	stream.indirect.gather [hbm4b:s4+s16], $0x20, s6, s16, $0xb8;
	[tilespmem:$0xFF00] =	vst v63  }
0x32: {  	s19 =	simm.s32 $0x180  }
0x33: {  	[tilespmem:s22], [sflag:$0x4] =	stream.indirect.gather [hbm4b:s4+s16], $0x20, s19, s16, $0xb8;
	[tilespmem:$0xFF00] =	vst v63  }
0x34: {  	_ =	swait.ge [sflag:s23], $0x1000  }
0x35: {  	[sflag:s23] =	ssyncset.done $0x0  }
0x36: {  	s5 =	simm.s32 $0x3800;
	[sflag:s23] =	ssyncadd.s32 $0xFFFFF000  }
0x37: {  	[spmem:s1] =	stream.indirect.scatter.add.bf16 [tilespmem:s17], [sflag:$0x5], $0x20, s5, s16, $0xb8;
	[tilespmem:$0xFF00] =	vst v63  }
0x38: {  	_ =	swait.ge [sflag:s25], $0x1000  }
0x39: {  	[sflag:s25] =	ssyncset.done $0x0  }
0x3a: {  	s6 =	simm.s32 $0x3880;
	[sflag:s25] =	ssyncadd.s32 $0xFFFFF000  }
0x3b: {  	[spmem:s1] =	stream.indirect.scatter.add.bf16 [tilespmem:s18], [sflag:$0x6], $0x20, s6, s16, $0xb8;
	[tilespmem:$0xFF00] =	vst v63  }
0x3c: {  	_ =	swait.ge [sflag:s28], $0x1000  }
0x3d: {  	[sflag:s28] =	ssyncset.done $0x0  }
0x3e: {  	s19 =	simm.s32 $0x3900;
	[sflag:s28] =	ssyncadd.s32 $0xFFFFF000  }
0x3f: {  	[spmem:s1] =	stream.indirect.scatter.add.bf16 [tilespmem:s20], [sflag:$0x7], $0x20, s19, s16, $0xb8;
	[tilespmem:$0xFF00] =	vst v63  }
0x40: {  	_ =	swait.ge [sflag:s30], $0x1000  }
0x41: {  	[sflag:s30] =	ssyncset.done $0x0  }
0x42: {  	s5 =	simm.s32 $0x200;
	[sflag:s30] =	ssyncadd.s32 $0xFFFFF000  }
0x43: {  	[tilespmem:s17], [sflag:$0x1] =	stream.indirect.gather [hbm4b:s4+s16], $0x20, s5, s16, $0xb8;
	[tilespmem:$0xFF00] =	vst v63  }
0x44: {  	_ =	swait.ge [sflag:s0], $0x1000  }
0x45: {  	[sflag:s0] =	ssyncset.done $0x0  }
0x46: {  	s6 =	simm.s32 $0x3980;
	[sflag:s0] =	ssyncadd.s32 $0xFFFFF000  }
0x47: {  	[spmem:s1] =	stream.indirect.scatter.add.bf16 [tilespmem:s22], [sflag:$0x8], $0x20, s6, s16, $0xb8;
	[tilespmem:$0xFF00] =	vst v63  }
0x48: {  	_ =	swait.ge [sflag:s3], $0x1000  }
0x49: {  	s31 =	simm.s32 $0x7;
	[sflag:s3] =	ssyncset.done $0x0  }
0x4a: {  	s29 =	simm.s32 $0x0;
	s19 =	simm.s32 $0x280;
	[sflag:s3] =	ssyncadd.s32 $0xFFFFF000  }
0x4b: {  	[tilespmem:s18], [sflag:$0x2] =	stream.indirect.gather [hbm4b:s4+s16], $0x20, s19, s16, $0xb8;
	[tilespmem:$0xFF00] =	vst v63  }
.LBB2_2:
0x4c: {  	_ =	swait.ge [sflag:s23], $0x1000  }
0x4d: {  	s2 =	sshra.s32 s29, $0x2;
	s19 =	sadd.s32 $0xFFFFFFFD, s31;
	[sflag:s23] =	ssyncset.done $0x0  }
0x4e: {  	s5 =	sadd.s32 $0x3A00, s2;
	p1 =	sge.u32 s19, s10;
	[sflag:s23] =	ssyncadd.s32 $0xFFFFF000  }
0x4f: {  	[spmem:s1] =	stream.indirect.scatter.add.bf16 [tilespmem:s17], [sflag:$0x5], $0x20, s5, s16, $0xb8;
	[tilespmem:$0xFF00] =	vst v63  }
0x50: {  	s5 =	simm.s32 @!p1 $0x7  }
0x51: {  	_ =	swait.ge @!p1 [sflag:s5], $0x1000  }
0x52: {  	[sflag:s5] =	ssyncset.done @!p1 $0x0  }
0x53: {  	[sflag:s5] =	ssyncadd.s32 @!p1 $0xFFFFF000;
	s5 =	sshra.s32 @!p1 s29, $0x2  }
0x54: {  	s19 =	simm.s32 @!p1 $0x80;
	s6 =	simm.s32 @!p1 $0x9000;
	s5 =	sadd.s32 @!p1 $0x300, s5  }
0x55: {  	[tilespmem:s6], [sflag:$0x3] =	stream.indirect.gather @!p1 [hbm4b:s4+s19], $0x20, s5, s19, $0xb8;
	[tilespmem:$0xFF00] =	vst v63  }
0x56: {  	s5 =	sadd.s32 $0xFFFFFFFE, s31;
	_ =	swait.ge [sflag:s25], $0x1000  }
0x57: {  	p1 =	sge.u32 s5, s10;
	[sflag:s25] =	ssyncset.done $0x0  }
0x58: {  	s19 =	sadd.s32 $0x3A80, s2;
	s5 =	simm.s32 @!p1 $0x8;
	[sflag:s25] =	ssyncadd.s32 $0xFFFFF000  }
0x59: {  	[spmem:s1] =	stream.indirect.scatter.add.bf16 [tilespmem:s18], [sflag:$0x6], $0x20, s19, s16, $0xb8;
	[tilespmem:$0xFF00] =	vst v63  }
0x5a: {  	_ =	swait.ge @!p1 [sflag:s5], $0x1000  }
0x5b: {  	[sflag:s5] =	ssyncset.done @!p1 $0x0  }
0x5c: {  	[sflag:s5] =	ssyncadd.s32 @!p1 $0xFFFFF000;
	s5 =	sshra.s32 @!p1 s29, $0x2  }
0x5d: {  	s6 =	simm.s32 @!p1 $0x80;
	s19 =	simm.s32 @!p1 $0xA000;
	s5 =	sadd.s32 @!p1 $0x380, s5  }
0x5e: {  	[tilespmem:s19], [sflag:$0x4] =	stream.indirect.gather @!p1 [hbm4b:s4+s6], $0x20, s5, s6, $0xb8;
	[tilespmem:$0xFF00] =	vst v63  }
0x5f: {  	s5 =	sadd.s32 $0xFFFFFFFF, s31;
	_ =	swait.ge [sflag:s28], $0x1000  }
0x60: {  	p1 =	sge.u32 s5, s10;
	[sflag:s28] =	ssyncset.done $0x0  }
0x61: {  	s19 =	sadd.s32 $0x3B00, s2;
	s5 =	simm.s32 @!p1 $0x5;
	[sflag:s28] =	ssyncadd.s32 $0xFFFFF000  }
0x62: {  	[spmem:s1] =	stream.indirect.scatter.add.bf16 [tilespmem:s20], [sflag:$0x7], $0x20, s19, s16, $0xb8;
	[tilespmem:$0xFF00] =	vst v63  }
0x63: {  	_ =	swait.ge @!p1 [sflag:s5], $0x1000  }
0x64: {  	[sflag:s5] =	ssyncset.done @!p1 $0x0  }
0x65: {  	[sflag:s5] =	ssyncadd.s32 @!p1 $0xFFFFF000;
	s5 =	sshra.s32 @!p1 s29, $0x2  }
0x66: {  	s6 =	simm.s32 @!p1 $0x80;
	s19 =	simm.s32 @!p1 $0x7000;
	s5 =	sadd.s32 @!p1 $0x400, s5  }
0x67: {  	[tilespmem:s19], [sflag:$0x1] =	stream.indirect.gather @!p1 [hbm4b:s4+s6], $0x20, s5, s6, $0xb8;
	[tilespmem:$0xFF00] =	vst v63  }
0x68: {  	_ =	swait.ge [sflag:s0], $0x1000  }
0x69: {  	[sflag:s0] =	ssyncset.done $0x0  }
0x6a: {  	s2 =	sadd.s32 $0x3B80, s2;
	p1 =	sge.u32 s31, s10;
	[sflag:s0] =	ssyncadd.s32 $0xFFFFF000  }
0x6b: {  	[spmem:s1] =	stream.indirect.scatter.add.bf16 [tilespmem:s22], [sflag:$0x8], $0x20, s2, s16, $0xb8;
	[tilespmem:$0xFF00] =	vst v63  }
0x6c: {  	s2 =	simm.s32 @!p1 $0x6  }
0x6d: {  	s5 =	sshra.s32 @!p1 s29, $0x2;
	s6 =	simm.s32 @!p1 $0x8000;
	_ =	swait.ge @!p1 [sflag:s2], $0x1000  }
0x6e: {  	s29 =	sadd.s32 $0x800, s29;
	[sflag:s2] =	ssyncset.done @!p1 $0x0;
	s19 =	rddreg [dreg:$0x4]  }
0x6f: {  	[sflag:s2] =	ssyncadd.s32 @!p1 $0xFFFFF000;
	s2 =	sadd.s32 @!p1 $0x480, s5;
	s5 =	simm.s32 @!p1 $0x80  }
0x70: {  	[tilespmem:s6], [sflag:$0x2] =	stream.indirect.gather @!p1 [hbm4b:s4+s5], $0x20, s2, s5, $0xb8;
	[tilespmem:$0xFF00] =	vst v63  }
0x71: {  	p1 =	sne.s32 s19, s29  }
.Ltmp0:
0x72: {  	_ = 	snop;
	(pc) =	sbr.rel @p1 .LBB2_2-.Ltmp0, $2  }
0x73: {  	_ =	sdelay $0x2  }
0x74: {  	s31 =	sadd.s32 $0x4, s31  }
0x75: {  	_ =	swait.ge [sflag:s23], $0x1000;
	s5 =	sadd.s32 $0xFFFFFFFD, s31  }
0x76: {  	s2 =	sshra.s32 s29, $0x2;
	[sflag:s23] =	ssyncset.done $0x0;
	p1 =	sge.u32 s5, s10  }
0x77: {  	s6 =	sadd.s32 $0x3A00, s2;
	[sflag:s23] =	ssyncadd.s32 $0xFFFFF000;
	s5 =	simm.s32 @!p1 $0x7  }
0x78: {  	[spmem:s1] =	stream.indirect.scatter.add.bf16 [tilespmem:s17], [sflag:$0x5], $0x20, s6, s16, $0xb8;
	[tilespmem:$0xFF00] =	vst v63  }
0x79: {  	_ =	swait.ge @!p1 [sflag:s5], $0x1000  }
0x7a: {  	[sflag:s5] =	ssyncset.done @!p1 $0x0  }
0x7b: {  	[sflag:s5] =	ssyncadd.s32 @!p1 $0xFFFFF000;
	s5 =	sshra.s32 @!p1 s29, $0x2  }
0x7c: {  	s19 =	simm.s32 @!p1 $0x9000;
	s6 =	simm.s32 @!p1 $0x80;
	s5 =	sadd.s32 @!p1 $0x300, s5  }
0x7d: {  	[tilespmem:s19], [sflag:$0x3] =	stream.indirect.gather @!p1 [hbm4b:s4+s6], $0x20, s5, s6, $0xb8;
	[tilespmem:$0xFF00] =	vst v63  }
0x7e: {  	s5 =	sadd.s32 $0xFFFFFFFE, s31;
	_ =	swait.ge [sflag:s25], $0x1000  }
0x7f: {  	p1 =	sge.u32 s5, s10;
	[sflag:s25] =	ssyncset.done $0x0  }
0x80: {  	s19 =	sadd.s32 $0x3A80, s2;
	s5 =	simm.s32 @!p1 $0x8;
	[sflag:s25] =	ssyncadd.s32 $0xFFFFF000  }
0x81: {  	[spmem:s1] =	stream.indirect.scatter.add.bf16 [tilespmem:s18], [sflag:$0x6], $0x20, s19, s16, $0xb8;
	[tilespmem:$0xFF00] =	vst v63  }
0x82: {  	_ =	swait.ge @!p1 [sflag:s5], $0x1000  }
0x83: {  	[sflag:s5] =	ssyncset.done @!p1 $0x0  }
0x84: {  	[sflag:s5] =	ssyncadd.s32 @!p1 $0xFFFFF000;
	s5 =	sshra.s32 @!p1 s29, $0x2  }
0x85: {  	s6 =	simm.s32 @!p1 $0x80;
	s19 =	simm.s32 @!p1 $0xA000;
	s5 =	sadd.s32 @!p1 $0x380, s5  }
0x86: {  	[tilespmem:s19], [sflag:$0x4] =	stream.indirect.gather @!p1 [hbm4b:s4+s6], $0x20, s5, s6, $0xb8;
	[tilespmem:$0xFF00] =	vst v63  }
0x87: {  	s5 =	sadd.s32 $0xFFFFFFFF, s31;
	_ =	swait.ge [sflag:s28], $0x1000  }
0x88: {  	p1 =	sge.u32 s5, s10;
	[sflag:s28] =	ssyncset.done $0x0  }
0x89: {  	s19 =	sadd.s32 $0x3B00, s2;
	s5 =	simm.s32 @!p1 $0x5;
	[sflag:s28] =	ssyncadd.s32 $0xFFFFF000  }
0x8a: {  	[spmem:s1] =	stream.indirect.scatter.add.bf16 [tilespmem:s20], [sflag:$0x7], $0x20, s19, s16, $0xb8;
	[tilespmem:$0xFF00] =	vst v63  }
0x8b: {  	_ =	swait.ge @!p1 [sflag:s5], $0x1000  }
0x8c: {  	[sflag:s5] =	ssyncset.done @!p1 $0x0  }
0x8d: {  	[sflag:s5] =	ssyncadd.s32 @!p1 $0xFFFFF000;
	s5 =	sshra.s32 @!p1 s29, $0x2  }
0x8e: {  	s6 =	simm.s32 @!p1 $0x80;
	s19 =	simm.s32 @!p1 $0x7000;
	s5 =	sadd.s32 @!p1 $0x400, s5  }
0x8f: {  	[tilespmem:s19], [sflag:$0x1] =	stream.indirect.gather @!p1 [hbm4b:s4+s6], $0x20, s5, s6, $0xb8;
	[tilespmem:$0xFF00] =	vst v63  }
0x90: {  	_ =	swait.ge [sflag:s0], $0x1000  }
0x91: {  	[sflag:s0] =	ssyncset.done $0x0  }
0x92: {  	s2 =	sadd.s32 $0x3B80, s2;
	p1 =	sge.u32 s31, s10;
	[sflag:s0] =	ssyncadd.s32 $0xFFFFF000  }
0x93: {  	[spmem:s1] =	stream.indirect.scatter.add.bf16 [tilespmem:s22], [sflag:$0x8], $0x20, s2, s16, $0xb8;
	[tilespmem:$0xFF00] =	vst v63  }
0x94: {  	s2 =	simm.s32 @!p1 $0x6  }
0x95: {  	_ =	swait.ge @!p1 [sflag:s2], $0x1000  }
0x96: {  	[sflag:s2] =	ssyncset.done @!p1 $0x0  }
0x97: {  	[sflag:s2] =	ssyncadd.s32 @!p1 $0xFFFFF000;
	s2 =	sshra.s32 @!p1 s29, $0x2  }
0x98: {  	s5 =	simm.s32 @!p1 $0x80;
	s6 =	simm.s32 @!p1 $0x8000;
	s2 =	sadd.s32 @!p1 $0x480, s2  }
0x99: {  	[tilespmem:s6], [sflag:$0x2] =	stream.indirect.gather @!p1 [hbm4b:s4+s5], $0x20, s2, s5, $0xb8;
	[tilespmem:$0xFF00] =	vst v63  }
0x9a: {  	_ =	swait.ge [sflag:s30], $0x1000  }
0x9b: {  	[sflag:s30] =	ssyncset.done $0x0  }
0x9c: {  	[sflag:s30] =	ssyncadd.s32 $0xFFFFF000  }
0x9d: {  	_ =	swait.ge [sflag:s3], $0x1000  }
0x9e: {  	[sflag:s3] =	ssyncset.done $0x0  }
0x9f: {  	[sflag:s3] =	ssyncadd.s32 $0xFFFFF000  }
0xa0: {  	_ =	swait.ge [sflag:s21], $0x1000  }
0xa1: {  	[sflag:s21] =	ssyncset.done $0x0  }
0xa2: {  	[sflag:s21] =	ssyncadd.s32 $0xFFFFF000  }
0xa3: {  	_ =	swait.ge [sflag:s24], $0x1000  }
0xa4: {  	s26 =	sadd.s32 $0x1, s26;
	[sflag:s24] =	ssyncset.done $0x0  }
0xa5: {  	p1 =	sne.s32 s26, s12;
	[sflag:s24] =	ssyncadd.s32 $0xFFFFF000  }
.Ltmp1:
0xa6: {  	[bflag:$0x0] =	sbarrier.arrive $0xFFFF;
	(pc) =	sbr.rel @p1 .LBB2_1-.Ltmp1, $4  }
0xa7: {  	[hbm:s11], [sflag:s13] =	dma.local [spmem:s14], $0x9E0  }
0xa8: {  	_ =	swait.ge [sflag:s15], $0x9E0  }
0xa9: {  	[sflag:s15] =	ssyncset.done $0x0  }
0xaa: {  	[sflag:s15] =	ssyncadd.s32 $0xFFFFF620  }
0xab: {  	_ =	sfence.sel $0x180000  }
0xac: {  	[bflag:$0x0] =	sbarrier.arrive $0xFFFF  }
0xad: {  	_ =	strace $0x9000004A  }
0xae: {  	s0 =	stileid.u32;
	[bflag:$0x2] =	sbarrier.arrive $0xFFFF  }
0xaf: {  	p0 =	sne.s32 s0, $0x0;
	s0 =	rddreg [dreg:$0x3]  }
0xb0: {  	s0 =	sadd.s32 @!p0 $0x100000, s0  }
0xb1: {  	[sflag:s0] =	ssyncadd.tile.s32 @!p0 $0x1;
	_ =	shalt  }
.Lfunc_end2:
_tile_overlayer_lowered:
.L_overlay_start_2:
0xb2: {  	(tag) =	ssettag $0x2  }
0xb3: {  	s0 =	rddreg [dreg:$0x0];
	s2 =	stileid.u32  }
0xb4: {  	s1 =	rddreg [dreg:$0x1];
	p0 =	sne.s32 s2, $0x0  }
0xb5: {  	s3 =	rddreg [dreg:$0x2];
	[bflag:$0x3] =	sbarrier.arrive $0xFFFF;
	s2 =	simm.s32 @!p0 $0x1C09  }
0xb6: {  	[timem:s3], [sflag:s2] =	dma.local @!p0 [hbm:s0], s1  }
0xb7: {  	s0 =	simm.s32 @!p0 $0x9  }
0xb8: {  	_ =	swait.ge @!p0 [sflag:s0], s1  }
0xb9: {  	s1 =	ssub.s32 @!p0 $0x0, s1;
	[sflag:s0] =	ssyncset.done @!p0 $0x0  }
0xba: {  	[sflag:s0] =	ssyncadd.s32 @!p0 s1  }
0xbb: {  	[bflag:$0x3] =	sbarrier.arrive $0xFFFF  }
0xbc: {  	_ =	shalt  }

// kernel: kernel.14.cloned.1.call-start
scs
__scs_entry_jumppad:
0x0: {  	(pc) =	sbr.rel $0x88, $3  }
0x1: {  	(tag) =	ssettag $0x0;
	lr =	simm.s32 $0x1  }
0x2: {  	[smem:$0x3F93] =	sst lr;
	_ =	strace $0xD0000000  }
0x3: {  	_ = 	snop  }
0x4: {  	_ = 	snop  }
0x5: {  	_ = 	snop  }
0x6: {  	_ = 	snop  }
0x7: {  	_ = 	snop  }
__scs_overlays_trampoline_lowered:
0x8: {  	[smem:$0x3FA2] =	sst s0  }
0x9: {  	[smem:$0x3FA3] =	sst s1  }
0xa: {  	[smem:$0x3FA4] =	sst s2  }
0xb: {  	[smem:$0x3FA5] =	sst s3  }
0xc: {  	[smem:$0x3FA6] =	sst s4  }
0xd: {  	[smem:$0x3FA7] =	sst s5  }
0xe: {  	[smem:$0x3FA8] =	sst s6  }
0xf: {  	[smem:$0x3FA9] =	sst s7  }
0x10: {  	[smem:$0x3FAA] =	sst s8  }
0x11: {  	[smem:$0x3FAB] =	sst s9;
	s0 =	simm.s32 @!p0 $0x0  }
0x12: {  	s1 =	sld [smem:$0x3F91];
	s0 =	simm.s32 @p0 $0x1  }
0x13: {  	[smem:$0x3FAC] =	sst s0;
	s0 =	simm.s32 @!p1 $0x0  }
0x14: {  	s2 =	sld [smem:$0x3F90];
	s0 =	simm.s32 @p1 $0x1  }
0x15: {  	[smem:$0x3FAD] =	sst s0;
	s0 =	simm.s32 @!p2 $0x0  }
0x16: {  	s3 =	sld [smem:$0x3FDB];
	s0 =	simm.s32 @p2 $0x1  }
0x17: {  	s4 =	simm.s32 $0x1BF5;
	[smem:$0x3FAF] =	sst s0  }
0x18: {  	s0 =	sld [smem:$0x3F92];
	_ =	swait.ge [sflag:s4], $0x0  }
0x19: {  	s7 =	sld [smem:$0x3F93]  }
0x1a: {  	s8 =	sadd.s32 $0xFFFFE003, lr  }
0x1b: {  	s9 =	sadd.s32 $0xFFFFFEF7, lr;
	s5 =	simm.s32 $0xFFFFFFFF;
	p2 =	slt.u32 s8, $0xFFFFF086  }
0x1c: {  	p1 =	slt.u32 s9, $0xF7A;
	s5 =	simm.s32 @!p2 $0x0  }
0x1d: {  	s5 =	simm.s32 @p1 $0x1;
	p0 =	seq.s32 s7, s2  }
0x1e: {  	s7 =	smul.u32 @!p0 $0xF7A, s2;
	p2 =	seq.s32 @!p0 s5, $0x0  }
0x1f: {  	s9 =	smul.u32 $0xF7A, s1;
	s8 =	simm.s32 @!p0 $0x1BF5;
	p2 =	por !p2, p0  }
0x20: {  	[sflag:s8] =	ssyncset.s32 @!p0 $0xFFFFF086;
	s6 =	sadd.s32 @!p0 s3, s7;
	s7 =	simm.s32 @!p0 $0x108  }
0x21: {  	s3 =	sadd.s32 s3, s9;
	s6 =	sadd.s32 @!p0 $0x88, s6;
	s7 =	simm.s32 @p2 $0x1082  }
0x22: {  	[simem:s7], [sflag:s8] =	dma.local @!p0 [hbm:s6], $0xF7A  }
0x23: {  	s9 =	sor.u32 $0xD0000000, s2;
	s6 =	simm.s32 $0x108;
	_ =	swait.ge @!p0 [sflag:s8], $0x0  }
0x24: {  	s3 =	sadd.s32 $0x88, s3;
	s6 =	simm.s32 @!p1 $0x1082;
	[sflag:s4] =	ssyncset.s32 $0xFFFFF086  }
0x25: {  	[simem:s6], [sflag:s4] =	dma.local [hbm:s3], $0xF7A  }
0x26: {  	[smem:$0x3F93] =	sst s1;
	(tag) =	ssettag s2;
	_ =	strace s9  }
0x27: {  	s1 =	sld [smem:$0x3FA3]  }
0x28: {  	s2 =	sld [smem:$0x3FA4]  }
0x29: {  	s4 =	sld [smem:$0x3FA6]  }
0x2a: {  	p0 =	seq.s32 s5, $0x0;
	s5 =	sld [smem:$0x3FA7]  }
0x2b: {  	s6 =	sld [smem:$0x3FA8]  }
0x2c: {  	s7 =	sld [smem:$0x3FA9]  }
0x2d: {  	s3 =	simm.s32 $0x108;
	s8 =	sld [smem:$0x3FAA]  }
0x2e: {  	s3 =	simm.s32 @!p0 $0x1082;
	s9 =	sld [smem:$0x3FAB]  }
0x2f: {  	lr =	sadd.s32 s0, s3;
	s0 =	sld [smem:$0x3FA2]  }
0x30: {  	s3 =	sld [smem:$0x3FA5]  }
0x31: {  	[smem:$0x3FAE] =	sst s10  }
0x32: {  	s10 =	sld [smem:$0x3FAC];
	_ =	sdelay $0x3  }
0x33: {  	p0 =	seq.s32 s10, $0x1;
	s10 =	sld [smem:$0x3FAE];
	_ =	sdelay $0x3  }
0x34: {  	[smem:$0x3FAE] =	sst s10  }
0x35: {  	s10 =	sld [smem:$0x3FAD];
	_ =	sdelay $0x3  }
0x36: {  	p1 =	seq.s32 s10, $0x1;
	s10 =	sld [smem:$0x3FAE];
	_ =	sdelay $0x3  }
0x37: {  	[smem:$0x3FAE] =	sst s10  }
0x38: {  	s10 =	sld [smem:$0x3FAF]  }
0x39: {  	_ = 	snop;
	(pc) =	sbr.ind lr, $3  }
0x3a: {  	_ = 	snop  }
0x3b: {  	_ = 	snop  }
0x3c: {  	p2 =	seq.s32 s10, $0x1;
	s10 =	sld [smem:$0x3FAE]  }
0x3d: {  	_ =	shalt  }
0x3e: {  	_ =	shalt  }
0x3f: {  	_ =	shalt  }
0x40: {  	_ =	shalt  }
0x41: {  	_ =	shalt  }
0x42: {  	_ =	shalt  }
0x43: {  	_ =	shalt  }
0x44: {  	_ =	shalt  }
0x45: {  	_ =	shalt  }
0x46: {  	_ =	shalt  }
0x47: {  	_ =	shalt  }
0x48: {  	_ =	shalt  }
0x49: {  	_ =	shalt  }
0x4a: {  	_ =	shalt  }
0x4b: {  	_ =	shalt  }
0x4c: {  	_ =	shalt  }
0x4d: {  	_ =	shalt  }
0x4e: {  	_ =	shalt  }
0x4f: {  	_ =	shalt  }
0x50: {  	_ =	shalt  }
0x51: {  	_ =	shalt  }
0x52: {  	_ =	shalt  }
0x53: {  	_ =	shalt  }
0x54: {  	_ =	shalt  }
0x55: {  	_ =	shalt  }
0x56: {  	_ =	shalt  }
0x57: {  	_ =	shalt  }
0x58: {  	_ =	shalt  }
0x59: {  	_ =	shalt  }
0x5a: {  	_ =	shalt  }
0x5b: {  	_ =	shalt  }
0x5c: {  	_ =	shalt  }
0x5d: {  	_ =	shalt  }
0x5e: {  	_ =	shalt  }
0x5f: {  	_ =	shalt  }
0x60: {  	_ =	shalt  }
0x61: {  	_ =	shalt  }
0x62: {  	_ =	shalt  }
0x63: {  	_ =	shalt  }
0x64: {  	_ =	shalt  }
0x65: {  	_ =	shalt  }
0x66: {  	_ =	shalt  }
0x67: {  	_ =	shalt  }
0x68: {  	_ =	shalt  }
0x69: {  	_ =	shalt  }
0x6a: {  	_ =	shalt  }
0x6b: {  	_ =	shalt  }
0x6c: {  	_ =	shalt  }
0x6d: {  	_ =	shalt  }
0x6e: {  	_ =	shalt  }
0x6f: {  	_ =	shalt  }
0x70: {  	_ =	shalt  }
0x71: {  	_ =	shalt  }
0x72: {  	_ =	shalt  }
0x73: {  	_ =	shalt  }
0x74: {  	_ =	shalt  }
0x75: {  	_ =	shalt  }
0x76: {  	_ =	shalt  }
0x77: {  	_ =	shalt  }
0x78: {  	_ =	shalt  }
0x79: {  	_ =	shalt  }
0x7a: {  	_ =	shalt  }
0x7b: {  	_ =	shalt  }
0x7c: {  	_ =	shalt  }
0x7d: {  	_ =	shalt  }
0x7e: {  	_ =	shalt  }
0x7f: {  	_ =	shalt  }
0x80: {  	_ =	shalt  }
0x81: {  	_ =	shalt  }
0x82: {  	_ =	shalt  }
0x83: {  	_ =	shalt  }
0x84: {  	_ =	shalt  }
0x85: {  	_ =	shalt  }
0x86: {  	_ =	shalt  }
0x87: {  	_ =	shalt  }
.Lfunc_end0:
.L_simem_size_0:
called_computation.2_lowered:
.L_overlay_start_0:
0x88: {  	s2 =	sld [smem:$0x3FD9]  }
0x89: {  	s3 =	sld [smem:$0x3FFE];
	_ =	sdelay $0x1  }
0x8a: {  	s1 =	srdreg.scid  }
0x8b: {  	s0 =	sand.u32 $0x1, s1  }
0x8c: {  	s14 =	sshll.u32 s0, $0xA;
	s2 =	sadd.s32 s3, s2  }
0x8d: {  	s2 =	sadd.s32 s2, s14  }
0x8e: {  	[smem:$0x3FBA] =	sst s2  }
0x8f: {  	_ = 	snop  }
0x90: {  	s2 =	sld [smem:$0x3FD0];
	_ =	sdelay $0x2  }
0x91: {  	s15 =	simm.s32 $0xA;
	s4 =	simm.s32 $0x10  }
0x92: {  	[smem:s4], [sflag:s15] =	dma.local [hbm:s2], $0x1  }
0x93: {  	_ =	swait.eq [sflag:s15], $0x1  }
0x94: {  	[sflag:s15] =	ssyncset.done $0x0  }
0x95: {  	s16 =	sld [smem:$0x10];
	[sflag:s15] =	ssyncadd.s32 $0xFFFFFFFF  }
0x96: {  	s17 =	sld [smem:$0x11];
	(tm) =	ssettm $0x1  }
0x97: {  	s18 =	sld [smem:$0x3FFB];
	_ =	sdelay $0x3  }
0x98: {  	_ =	strace s18  }
0x99: {  	s4 =	sld [smem:$0x3FFC];
	_ =	sdelay $0x3  }
0x9a: {  	_ =	strace s4  }
0x9b: {  	s4 =	sld [smem:$0x3FFD];
	_ =	sdelay $0x3  }
0x9c: {  	_ =	strace s4  }
0x9d: {  	_ =	strace $0x8FFFFFFF  }
0x9e: {  	s19 =	sld [smem:$0x3FDB];
	_ =	sdelay $0x1  }
0x9f: {  	s5 =	simm.s32 $_scs_section_size  }
0xa0: {  	s6 =	simm.s32 $_size__tile_overlayer_lowered;
	s7 =	simm.s32 $_tile_overlayer_lowered  }
0xa1: {  	s22 =	simm.s32 $0x1BFF;
	s21 =	sshll.u32 s7, $0x1;
	s4 =	sadd.s32 s5, s19  }
0xa2: {  	s8 =	simm.s32 $0x0;
	s20 =	sshll.u32 s6, $0x1;
	s6 =	sadd.s32 s21, s4  }
0xa3: {  	[timem:s8], [sflag:s22] =	dma.local [hbm:s6], s20  }
0xa4: {  	_ =	swait.ge [sflag:s22], s20  }
0xa5: {  	s5 =	ssub.s32 $0x0, s20;
	[sflag:s22] =	ssyncset.done $0x0  }
0xa6: {  	[sflag:s22] =	ssyncadd.s32 s5;
	_ =	sdelay $0x1  }
0xa7: {  	s23 =	simm.s32 $0x1B8B  }
0xa8: {  	_ =	swait.ge [sflag:s23], $0x1  }
0xa9: {  	[sflag:s23] =	ssyncset.done $0x0  }
0xaa: {  	s25 =	simm.s32 $0x1B8E;
	s24 =	sld [smem:$0x3FFE];
	[sflag:s23] =	ssyncadd.s32 $0xFFFFFFFF  }
0xab: {  	s26 =	simm.s32 $execute0_lowered;
	[smem:$0x3FD2] =	sst s25  }
0xac: {  	s6 =	sshll.u32 s26, $0x1;
	_ =	strace $0x8000004C;
	[dreg:$0x1] =	wrdreg $0xFFFFFFFF  }
0xad: {  	s28 =	simm.s32 $_size_execute0_lowered;
	s4 =	sadd.s32 s4, s6;
	[dreg:$0x0] =	wrdreg $0x0  }
0xae: {  	s6 =	sshll.u32 s28, $0x1;
	[dreg:$0x2] =	wrdreg s4  }
0xaf: {  	[dreg:$0x3] =	wrdreg s6  }
0xb0: {  	[dreg:$0x4] =	wrdreg $0xC0  }
0xb1: {  	_ =	task [dreg:s8], $0x5FFFF  }
0xb2: {  	[dreg:$0x1] =	wrdreg $0xFFFFFFFF  }
0xb3: {  	[dreg:$0x0] =	wrdreg $0x60  }
0xb4: {  	[dreg:$0x2] =	wrdreg s24  }
0xb5: {  	[dreg:$0x3] =	wrdreg s16  }
0xb6: {  	[dreg:$0x4] =	wrdreg s17  }
0xb7: {  	[dreg:$0x5] =	wrdreg $0x88000  }
0xb8: {  	[dreg:$0x6] =	wrdreg $0x9  }
0xb9: {  	_ =	task.clear_ibuf [dreg:s8], $0x7FFFF;
	_ =	strace $0x9000004C  }
0xba: {  	s29 =	simm.s32 $0x9;
	_ =	strace $0x8000004E  }
0xbb: {  	_ =	swait.ge [sflag:s29], $0x1  }
0xbc: {  	[sflag:s29] =	ssyncadd.s32 $0xFFFFFFFF  }
0xbd: {  	_ =	strace $0x9000004E  }
0xbe: {  	_ =	sfence  }
0xbf: {  	s30 =	sld [smem:$0x0];
	_ =	sdelay $0x2  }
0xc0: {  	s31 =	sshll.u32 s1, $0xD;
	s1 =	sshrl.u32 s1, $0x2  }
0xc1: {  	s3 =	sand.u32 $0x4000, s31;
	s1 =	sadd.s32 s1, s30  }
0xc2: {  	s0 =	sor.u32 s3, s0;
	s1 =	sshll.u32 s1, $0x11  }
0xc3: {  	s0 =	sor.u32 s1, s0  }
0xc4: {  	s0 =	sadd.s32 $0x8F2B, s0  }
0xc5: {  	[sflag:s0] =	ssyncadd.remote.s32 $0x1  }
0xc6: {  	_ =	sfence.sel $0xFFFF  }
0xc7: {  	[dreg:$0x0] =	wrdreg $0xFFFFFFFF;
	(pc) =	sbr.abs _section_cstart, $3  }
0xc8: {  	[dreg:$0x1] =	wrdreg $0xFFFFFFFF  }
0xc9: {  	_ =	task.clear_ibuf [dreg:s8], $0x2FFFF;
	_ =	strace $0x9FFFFFFF  }
0xca: {  	(tm) =	ssettm $0x7FFFFFFF  }
0xcb: {  	_ =	shalt  }
tec
execute0_lowered:
.L_overlay_start_1:
0x0: {  	(tag) =	ssettag $0x1  }
0x1: {  	s0 =	rddreg [dreg:$0x0]  }
0x2: {  	s2 =	rddreg [dreg:$0x1]  }
0x3: {  	s3 =	rddreg [dreg:$0x2]  }
0x4: {  	s1 =	rddreg [dreg:$0x3]  }
0x5: {  	s4 =	simm.s32 $0x0;
	s5 =	srdreg.scid;
	s16 =	stileid.u32  }
0x6: {  	s14 =	simm.s32 $0x68;
	s17 =	simm.s32 $0x6800;
	s18 =	simm.s32 $0x7000  }
0x7: {  	s20 =	simm.s32 $0x7800;
	s28 =	simm.s32 $0x3;
	s30 =	simm.s32 $0x5  }
0x8: {  	s21 =	simm.s32 $0x7;
	[smem:$0x7FF] =	sst s4;
	s8 =	smul.u32 $0x1C00, s16  }
0x9: {  	s4 =	sadd.s32 $0x3000, s0;
	s13 =	sand.u32 $0x1, s5;
	s9 =	smul.u32 $0x680, s16  }
0xa: {  	s7 =	sadd.s32 $0x20A00, s0;
	s0 =	sadd.s32 $0x16A00, s0;
	s10 =	smul.u32 $0x2780, s16  }
0xb: {  	s31 =	sshll.u32 s16, $0x6;
	s16 =	simm.s32 $0x80;
	_ =	strace $0x8000004D  }
0xc: {  	s5 =	ssub.s32 $0x2, s13;
	p0 =	seq.s32 s13, $0x0;
	s11 =	smul.u32 $0x27800, s13  }
0xd: {  	s6 =	sshrl.u32 s5, $0x1;
	s22 =	sshrl.u32 s8, $0x3;
	s14 =	simm.s32 @!p0 $0x38  }
0xe: {  	s8 =	sadd.s32 s0, s9;
	s25 =	sshrl.u32 s10, $0x3;
	s15 =	sadd.s32 s10, s1  }
0xf: {  	p0 =	sne.s32 s13, $0x0;
	s13 =	sor.u32 $0x1C09, s31;
	s12 =	ssub.s32 s5, s6  }
0x10: {  	s23 =	sadd.s32 $0x6800, s22;
	s11 =	sadd.s32 s10, s11;
	s10 =	sadd.s32 $0xFFFFFFFE, s14  }
0x11: {  	s29 =	sshll.u32 s14, $0x9;
	s14 =	sshrl.u32 s15, $0x3;
	s15 =	simm.s32 $0x9  }
0x12: {  	s22 =	simm.s32 $0x8000;
	s5 =	sadd.s32 s7, s23;
	s24 =	sadd.s32 s0, s23  }
0x13: {  	s7 =	sadd.s32 s7, s9;
	s9 =	sadd.s32 s2, s25;
	s26 =	sshrl.u32 s11, $0x3  }
0x14: {  	s12 =	smax.u32 s12, $0x1;
	s0 =	sadd.s32 $0xFFFFF000, s29;
	[dreg:$0x6] =	wrdreg s5  }
0x15: {  	s23 =	simm.s32 $0x1;
	s25 =	simm.s32 $0x2;
	[dreg:$0x7] =	wrdreg s24  }
0x16: {  	s2 =	simm.s32 $0x6;
	s11 =	sadd.s32 s3, s26;
	[dreg:$0x5] =	wrdreg s0  }
0x17: {  	s0 =	simm.s32 $0x4;
	s24 =	simm.s32 $0x8;
	s26 =	simm.s32 $0x0  }
.LBB2_1:
0x18: {  	s29 =	simm.s32 @p0 $0x0;
	s3 =	rddreg [dreg:$0x6];
	s31 =	simm.s32 @p0 $0x9  }
0x19: {  	[tilespmem:s29], [sflag:$0x9] =	stream.linear.gather @p0 [hbm4b:s3+s29], $0x1C00, $0x38;
	[tilespmem:$0xAF80] =	vst v63  }
0x1a: {  	_ =	swait.ge @p0 [sflag:s31], $0x1C00  }
0x1b: {  	[sflag:s31] =	ssyncset.done @p0 $0x0  }
0x1c: {  	s3 =	simm.s32 @p0 $0x3400;
	s5 =	rddreg [dreg:$0x7];
	[sflag:s31] =	ssyncadd.s32 @p0 $0xFFFFE400  }
0x1d: {  	[tilespmem:s3], [sflag:$0x9] =	stream.linear.gather @p0 [hbm4b:s5+s29], $0x1C00, $0x38;
	[tilespmem:$0xAF80] =	vst v63  }
0x1e: {  	_ =	swait.ge @p0 [sflag:s31], $0x1C00  }
0x1f: {  	[sflag:s31] =	ssyncset.done @p0 $0x0  }
0x20: {  	s3 =	simm.s32 @!p0 $0x0;
	s29 =	simm.s32 @!p0 $0x9;
	[sflag:s31] =	ssyncadd.s32 @p0 $0xFFFFE400  }
0x21: {  	[tilespmem:s3], [sflag:$0x9] =	stream.linear.gather @!p0 [hbm4b:s7+s3], $0x3400, $0x38;
	[tilespmem:$0xAF80] =	vst v63  }
0x22: {  	_ =	swait.ge @!p0 [sflag:s29], $0x3400  }
0x23: {  	[sflag:s29] =	ssyncset.done @!p0 $0x0  }
0x24: {  	s31 =	simm.s32 @!p0 $0x3400;
	[sflag:s29] =	ssyncadd.s32 @!p0 $0xFFFFCC00  }
0x25: {  	[tilespmem:s31], [sflag:$0x9] =	stream.linear.gather @!p0 [hbm4b:s8+s3], $0x3400, $0x38;
	[tilespmem:$0xAF80] =	vst v63  }
0x26: {  	_ =	swait.ge @!p0 [sflag:s29], $0x3400  }
0x27: {  	[sflag:s29] =	ssyncset.done @!p0 $0x0  }
0x28: {  	[sflag:s29] =	ssyncadd.s32 @!p0 $0xFFFFCC00  }
0x29: {  	[spmem:s14], [sflag:s13] =	dma.local [hbm:s9], $0x4F0  }
0x2a: {  	_ =	swait.ge [sflag:s15], $0x4F0  }
0x2b: {  	[sflag:s15] =	ssyncset.done $0x0  }
0x2c: {  	[sflag:s15] =	ssyncadd.s32 $0xFFFFFB10  }
0x2d: {  	s5 =	simm.s32 $0x0;
	[bflag:$0x0] =	sbarrier.arrive $0xFFFF  }
0x2e: {  	[tilespmem:s17], [sflag:$0x1] =	stream.indirect.gather [hbm4b:s4+s16], $0x10, s5, s16, $0xb8;
	[tilespmem:$0xAF80] =	vst v63  }
0x2f: {  	_ = 	snop  }
0x30: {  	[tilespmem:s18], [sflag:$0x2] =	stream.indirect.gather [hbm4b:s4+s16], $0x10, s16, s16, $0xb8;
	[tilespmem:$0xAF80] =	vst v63  }
0x31: {  	s6 =	simm.s32 $0x100  }
0x32: {  	[tilespmem:s20], [sflag:$0x3] =	stream.indirect.gather [hbm4b:s4+s16], $0x10, s6, s16, $0xb8;
	[tilespmem:$0xAF80] =	vst v63  }
0x33: {  	s19 =	simm.s32 $0x180  }
0x34: {  	[tilespmem:s22], [sflag:$0x4] =	stream.indirect.gather [hbm4b:s4+s16], $0x10, s19, s16, $0xb8;
	[tilespmem:$0xAF80] =	vst v63  }
0x35: {  	_ =	swait.ge [sflag:s23], $0x800  }
0x36: {  	[sflag:s23] =	ssyncset.done $0x0  }
0x37: {  	s5 =	simm.s32 $0x3400;
	[sflag:s23] =	ssyncadd.s32 $0xFFFFF800  }
0x38: {  	[spmem:s1] =	stream.indirect.scatter.add.f32 [tilespmem:s17], [sflag:$0x5], $0x10, s5, s16, $0xb8;
	[tilespmem:$0xAF80] =	vst v63  }
0x39: {  	_ =	swait.ge [sflag:s25], $0x800  }
0x3a: {  	[sflag:s25] =	ssyncset.done $0x0  }
0x3b: {  	s6 =	simm.s32 $0x3480;
	[sflag:s25] =	ssyncadd.s32 $0xFFFFF800  }
0x3c: {  	[spmem:s1] =	stream.indirect.scatter.add.f32 [tilespmem:s18], [sflag:$0x6], $0x10, s6, s16, $0xb8;
	[tilespmem:$0xAF80] =	vst v63  }
0x3d: {  	_ =	swait.ge [sflag:s28], $0x800  }
0x3e: {  	[sflag:s28] =	ssyncset.done $0x0  }
0x3f: {  	s19 =	simm.s32 $0x3500;
	[sflag:s28] =	ssyncadd.s32 $0xFFFFF800  }
0x40: {  	[spmem:s1] =	stream.indirect.scatter.add.f32 [tilespmem:s20], [sflag:$0x7], $0x10, s19, s16, $0xb8;
	[tilespmem:$0xAF80] =	vst v63  }
0x41: {  	_ =	swait.ge [sflag:s30], $0x800  }
0x42: {  	[sflag:s30] =	ssyncset.done $0x0  }
0x43: {  	s5 =	simm.s32 $0x200;
	[sflag:s30] =	ssyncadd.s32 $0xFFFFF800  }
0x44: {  	[tilespmem:s17], [sflag:$0x1] =	stream.indirect.gather [hbm4b:s4+s16], $0x10, s5, s16, $0xb8;
	[tilespmem:$0xAF80] =	vst v63  }
0x45: {  	_ =	swait.ge [sflag:s0], $0x800  }
0x46: {  	[sflag:s0] =	ssyncset.done $0x0  }
0x47: {  	s6 =	simm.s32 $0x3580;
	[sflag:s0] =	ssyncadd.s32 $0xFFFFF800  }
0x48: {  	[spmem:s1] =	stream.indirect.scatter.add.f32 [tilespmem:s22], [sflag:$0x8], $0x10, s6, s16, $0xb8;
	[tilespmem:$0xAF80] =	vst v63  }
0x49: {  	_ =	swait.ge [sflag:s2], $0x800  }
0x4a: {  	s31 =	simm.s32 $0x7;
	[sflag:s2] =	ssyncset.done $0x0  }
0x4b: {  	s29 =	simm.s32 $0x0;
	s19 =	simm.s32 $0x280;
	[sflag:s2] =	ssyncadd.s32 $0xFFFFF800  }
0x4c: {  	[tilespmem:s18], [sflag:$0x2] =	stream.indirect.gather [hbm4b:s4+s16], $0x10, s19, s16, $0xb8;
	[tilespmem:$0xAF80] =	vst v63  }
.LBB2_2:
0x4d: {  	_ =	swait.ge [sflag:s23], $0x800  }
0x4e: {  	s3 =	sshra.s32 s29, $0x2;
	s19 =	sadd.s32 $0xFFFFFFFD, s31;
	[sflag:s23] =	ssyncset.done $0x0  }
0x4f: {  	s5 =	sadd.s32 $0x3600, s3;
	p1 =	sge.u32 s19, s10;
	[sflag:s23] =	ssyncadd.s32 $0xFFFFF800  }
0x50: {  	[spmem:s1] =	stream.indirect.scatter.add.f32 [tilespmem:s17], [sflag:$0x5], $0x10, s5, s16, $0xb8;
	[tilespmem:$0xAF80] =	vst v63  }
0x51: {  	s5 =	simm.s32 @!p1 $0x7  }
0x52: {  	_ =	swait.ge @!p1 [sflag:s5], $0x800  }
0x53: {  	[sflag:s5] =	ssyncset.done @!p1 $0x0  }
0x54: {  	[sflag:s5] =	ssyncadd.s32 @!p1 $0xFFFFF800;
	s5 =	sshra.s32 @!p1 s29, $0x2  }
0x55: {  	s19 =	simm.s32 @!p1 $0x80;
	s6 =	simm.s32 @!p1 $0x7800;
	s5 =	sadd.s32 @!p1 $0x300, s5  }
0x56: {  	[tilespmem:s6], [sflag:$0x3] =	stream.indirect.gather @!p1 [hbm4b:s4+s19], $0x10, s5, s19, $0xb8;
	[tilespmem:$0xAF80] =	vst v63  }
0x57: {  	s5 =	sadd.s32 $0xFFFFFFFE, s31;
	_ =	swait.ge [sflag:s25], $0x800  }
0x58: {  	p1 =	sge.u32 s5, s10;
	[sflag:s25] =	ssyncset.done $0x0  }
0x59: {  	s19 =	sadd.s32 $0x3680, s3;
	s5 =	simm.s32 @!p1 $0x8;
	[sflag:s25] =	ssyncadd.s32 $0xFFFFF800  }
0x5a: {  	[spmem:s1] =	stream.indirect.scatter.add.f32 [tilespmem:s18], [sflag:$0x6], $0x10, s19, s16, $0xb8;
	[tilespmem:$0xAF80] =	vst v63  }
0x5b: {  	_ =	swait.ge @!p1 [sflag:s5], $0x800  }
0x5c: {  	[sflag:s5] =	ssyncset.done @!p1 $0x0  }
0x5d: {  	[sflag:s5] =	ssyncadd.s32 @!p1 $0xFFFFF800;
	s5 =	sshra.s32 @!p1 s29, $0x2  }
0x5e: {  	s6 =	simm.s32 @!p1 $0x80;
	s19 =	simm.s32 @!p1 $0x8000;
	s5 =	sadd.s32 @!p1 $0x380, s5  }
0x5f: {  	[tilespmem:s19], [sflag:$0x4] =	stream.indirect.gather @!p1 [hbm4b:s4+s6], $0x10, s5, s6, $0xb8;
	[tilespmem:$0xAF80] =	vst v63  }
0x60: {  	s5 =	sadd.s32 $0xFFFFFFFF, s31;
	_ =	swait.ge [sflag:s28], $0x800  }
0x61: {  	p1 =	sge.u32 s5, s10;
	[sflag:s28] =	ssyncset.done $0x0  }
0x62: {  	s19 =	sadd.s32 $0x3700, s3;
	s5 =	simm.s32 @!p1 $0x5;
	[sflag:s28] =	ssyncadd.s32 $0xFFFFF800  }
0x63: {  	[spmem:s1] =	stream.indirect.scatter.add.f32 [tilespmem:s20], [sflag:$0x7], $0x10, s19, s16, $0xb8;
	[tilespmem:$0xAF80] =	vst v63  }
0x64: {  	_ =	swait.ge @!p1 [sflag:s5], $0x800  }
0x65: {  	[sflag:s5] =	ssyncset.done @!p1 $0x0  }
0x66: {  	[sflag:s5] =	ssyncadd.s32 @!p1 $0xFFFFF800;
	s5 =	sshra.s32 @!p1 s29, $0x2  }
0x67: {  	s6 =	simm.s32 @!p1 $0x80;
	s19 =	simm.s32 @!p1 $0x6800;
	s5 =	sadd.s32 @!p1 $0x400, s5  }
0x68: {  	[tilespmem:s19], [sflag:$0x1] =	stream.indirect.gather @!p1 [hbm4b:s4+s6], $0x10, s5, s6, $0xb8;
	[tilespmem:$0xAF80] =	vst v63  }
0x69: {  	_ =	swait.ge [sflag:s0], $0x800  }
0x6a: {  	[sflag:s0] =	ssyncset.done $0x0  }
0x6b: {  	s3 =	sadd.s32 $0x3780, s3;
	p1 =	sge.u32 s31, s10;
	[sflag:s0] =	ssyncadd.s32 $0xFFFFF800  }
0x6c: {  	[spmem:s1] =	stream.indirect.scatter.add.f32 [tilespmem:s22], [sflag:$0x8], $0x10, s3, s16, $0xb8;
	[tilespmem:$0xAF80] =	vst v63  }
0x6d: {  	s3 =	simm.s32 @!p1 $0x6  }
0x6e: {  	s5 =	sshra.s32 @!p1 s29, $0x2;
	s6 =	simm.s32 @!p1 $0x7000;
	_ =	swait.ge @!p1 [sflag:s3], $0x800  }
0x6f: {  	s29 =	sadd.s32 $0x800, s29;
	[sflag:s3] =	ssyncset.done @!p1 $0x0;
	s19 =	rddreg [dreg:$0x5]  }
0x70: {  	[sflag:s3] =	ssyncadd.s32 @!p1 $0xFFFFF800;
	s3 =	sadd.s32 @!p1 $0x480, s5;
	s5 =	simm.s32 @!p1 $0x80  }
0x71: {  	[tilespmem:s6], [sflag:$0x2] =	stream.indirect.gather @!p1 [hbm4b:s4+s5], $0x10, s3, s5, $0xb8;
	[tilespmem:$0xAF80] =	vst v63  }
0x72: {  	p1 =	sne.s32 s19, s29  }
.Ltmp0:
0x73: {  	_ = 	snop;
	(pc) =	sbr.rel @p1 .LBB2_2-.Ltmp0, $2  }
0x74: {  	_ =	sdelay $0x2  }
0x75: {  	s31 =	sadd.s32 $0x4, s31  }
0x76: {  	_ =	swait.ge [sflag:s23], $0x800;
	s5 =	sadd.s32 $0xFFFFFFFD, s31  }
0x77: {  	s3 =	sshra.s32 s29, $0x2;
	[sflag:s23] =	ssyncset.done $0x0;
	p1 =	sge.u32 s5, s10  }
0x78: {  	s6 =	sadd.s32 $0x3600, s3;
	[sflag:s23] =	ssyncadd.s32 $0xFFFFF800;
	s5 =	simm.s32 @!p1 $0x7  }
0x79: {  	[spmem:s1] =	stream.indirect.scatter.add.f32 [tilespmem:s17], [sflag:$0x5], $0x10, s6, s16, $0xb8;
	[tilespmem:$0xAF80] =	vst v63  }
0x7a: {  	_ =	swait.ge @!p1 [sflag:s5], $0x800  }
0x7b: {  	[sflag:s5] =	ssyncset.done @!p1 $0x0  }
0x7c: {  	[sflag:s5] =	ssyncadd.s32 @!p1 $0xFFFFF800;
	s5 =	sshra.s32 @!p1 s29, $0x2  }
0x7d: {  	s19 =	simm.s32 @!p1 $0x7800;
	s6 =	simm.s32 @!p1 $0x80;
	s5 =	sadd.s32 @!p1 $0x300, s5  }
0x7e: {  	[tilespmem:s19], [sflag:$0x3] =	stream.indirect.gather @!p1 [hbm4b:s4+s6], $0x10, s5, s6, $0xb8;
	[tilespmem:$0xAF80] =	vst v63  }
0x7f: {  	s5 =	sadd.s32 $0xFFFFFFFE, s31;
	_ =	swait.ge [sflag:s25], $0x800  }
0x80: {  	p1 =	sge.u32 s5, s10;
	[sflag:s25] =	ssyncset.done $0x0  }
0x81: {  	s19 =	sadd.s32 $0x3680, s3;
	s5 =	simm.s32 @!p1 $0x8;
	[sflag:s25] =	ssyncadd.s32 $0xFFFFF800  }
0x82: {  	[spmem:s1] =	stream.indirect.scatter.add.f32 [tilespmem:s18], [sflag:$0x6], $0x10, s19, s16, $0xb8;
	[tilespmem:$0xAF80] =	vst v63  }
0x83: {  	_ =	swait.ge @!p1 [sflag:s5], $0x800  }
0x84: {  	[sflag:s5] =	ssyncset.done @!p1 $0x0  }
0x85: {  	[sflag:s5] =	ssyncadd.s32 @!p1 $0xFFFFF800;
	s5 =	sshra.s32 @!p1 s29, $0x2  }
0x86: {  	s6 =	simm.s32 @!p1 $0x80;
	s19 =	simm.s32 @!p1 $0x8000;
	s5 =	sadd.s32 @!p1 $0x380, s5  }
0x87: {  	[tilespmem:s19], [sflag:$0x4] =	stream.indirect.gather @!p1 [hbm4b:s4+s6], $0x10, s5, s6, $0xb8;
	[tilespmem:$0xAF80] =	vst v63  }
0x88: {  	s5 =	sadd.s32 $0xFFFFFFFF, s31;
	_ =	swait.ge [sflag:s28], $0x800  }
0x89: {  	p1 =	sge.u32 s5, s10;
	[sflag:s28] =	ssyncset.done $0x0  }
0x8a: {  	s19 =	sadd.s32 $0x3700, s3;
	s5 =	simm.s32 @!p1 $0x5;
	[sflag:s28] =	ssyncadd.s32 $0xFFFFF800  }
0x8b: {  	[spmem:s1] =	stream.indirect.scatter.add.f32 [tilespmem:s20], [sflag:$0x7], $0x10, s19, s16, $0xb8;
	[tilespmem:$0xAF80] =	vst v63  }
0x8c: {  	_ =	swait.ge @!p1 [sflag:s5], $0x800  }
0x8d: {  	[sflag:s5] =	ssyncset.done @!p1 $0x0  }
0x8e: {  	[sflag:s5] =	ssyncadd.s32 @!p1 $0xFFFFF800;
	s5 =	sshra.s32 @!p1 s29, $0x2  }
0x8f: {  	s6 =	simm.s32 @!p1 $0x80;
	s19 =	simm.s32 @!p1 $0x6800;
	s5 =	sadd.s32 @!p1 $0x400, s5  }
0x90: {  	[tilespmem:s19], [sflag:$0x1] =	stream.indirect.gather @!p1 [hbm4b:s4+s6], $0x10, s5, s6, $0xb8;
	[tilespmem:$0xAF80] =	vst v63  }
0x91: {  	_ =	swait.ge [sflag:s0], $0x800  }
0x92: {  	[sflag:s0] =	ssyncset.done $0x0  }
0x93: {  	s3 =	sadd.s32 $0x3780, s3;
	p1 =	sge.u32 s31, s10;
	[sflag:s0] =	ssyncadd.s32 $0xFFFFF800  }
0x94: {  	[spmem:s1] =	stream.indirect.scatter.add.f32 [tilespmem:s22], [sflag:$0x8], $0x10, s3, s16, $0xb8;
	[tilespmem:$0xAF80] =	vst v63  }
0x95: {  	s3 =	simm.s32 @!p1 $0x6  }
0x96: {  	_ =	swait.ge @!p1 [sflag:s3], $0x800  }
0x97: {  	[sflag:s3] =	ssyncset.done @!p1 $0x0  }
0x98: {  	[sflag:s3] =	ssyncadd.s32 @!p1 $0xFFFFF800;
	s3 =	sshra.s32 @!p1 s29, $0x2  }
0x99: {  	s5 =	simm.s32 @!p1 $0x80;
	s6 =	simm.s32 @!p1 $0x7000;
	s3 =	sadd.s32 @!p1 $0x480, s3  }
0x9a: {  	[tilespmem:s6], [sflag:$0x2] =	stream.indirect.gather @!p1 [hbm4b:s4+s5], $0x10, s3, s5, $0xb8;
	[tilespmem:$0xAF80] =	vst v63  }
0x9b: {  	_ =	swait.ge [sflag:s30], $0x800  }
0x9c: {  	[sflag:s30] =	ssyncset.done $0x0  }
0x9d: {  	[sflag:s30] =	ssyncadd.s32 $0xFFFFF800  }
0x9e: {  	_ =	swait.ge [sflag:s2], $0x800  }
0x9f: {  	[sflag:s2] =	ssyncset.done $0x0  }
0xa0: {  	[sflag:s2] =	ssyncadd.s32 $0xFFFFF800  }
0xa1: {  	_ =	swait.ge [sflag:s21], $0x800  }
0xa2: {  	[sflag:s21] =	ssyncset.done $0x0  }
0xa3: {  	[sflag:s21] =	ssyncadd.s32 $0xFFFFF800  }
0xa4: {  	_ =	swait.ge [sflag:s24], $0x800  }
0xa5: {  	s26 =	sadd.s32 $0x1, s26;
	[sflag:s24] =	ssyncset.done $0x0  }
0xa6: {  	p1 =	sne.s32 s26, s12;
	[sflag:s24] =	ssyncadd.s32 $0xFFFFF800  }
.Ltmp1:
0xa7: {  	[bflag:$0x0] =	sbarrier.arrive $0xFFFF;
	(pc) =	sbr.rel @p1 .LBB2_1-.Ltmp1, $4  }
0xa8: {  	[hbm:s11], [sflag:s13] =	dma.local [spmem:s14], $0x4F0  }
0xa9: {  	_ =	swait.ge [sflag:s15], $0x4F0  }
0xaa: {  	[sflag:s15] =	ssyncset.done $0x0  }
0xab: {  	[sflag:s15] =	ssyncadd.s32 $0xFFFFFB10  }
0xac: {  	_ =	sfence.sel $0x180000  }
0xad: {  	[bflag:$0x0] =	sbarrier.arrive $0xFFFF  }
0xae: {  	_ =	strace $0x9000004D  }
0xaf: {  	s0 =	stileid.u32;
	[bflag:$0x2] =	sbarrier.arrive $0xFFFF  }
0xb0: {  	p0 =	sne.s32 s0, $0x0;
	s0 =	rddreg [dreg:$0x4]  }
0xb1: {  	s0 =	sadd.s32 @!p0 $0x100000, s0  }
0xb2: {  	[sflag:s0] =	ssyncadd.tile.s32 @!p0 $0x1;
	_ =	shalt  }
.Lfunc_end2:
_tile_overlayer_lowered:
.L_overlay_start_2:
0xb3: {  	(tag) =	ssettag $0x2  }
0xb4: {  	s0 =	rddreg [dreg:$0x0];
	s2 =	stileid.u32  }
0xb5: {  	s1 =	rddreg [dreg:$0x1];
	p0 =	sne.s32 s2, $0x0  }
0xb6: {  	s3 =	rddreg [dreg:$0x2];
	[bflag:$0x3] =	sbarrier.arrive $0xFFFF;
	s2 =	simm.s32 @!p0 $0x1C09  }
0xb7: {  	[timem:s3], [sflag:s2] =	dma.local @!p0 [hbm:s0], s1  }
0xb8: {  	s0 =	simm.s32 @!p0 $0x9  }
0xb9: {  	_ =	swait.ge @!p0 [sflag:s0], s1  }
0xba: {  	s1 =	ssub.s32 @!p0 $0x0, s1;
	[sflag:s0] =	ssyncset.done @!p0 $0x0  }
0xbb: {  	[sflag:s0] =	ssyncadd.s32 @!p0 s1  }
0xbc: {  	[bflag:$0x3] =	sbarrier.arrive $0xFFFF  }
0xbd: {  	_ =	shalt  }

// kernel: kernel.8.cloned.1.call-start
scs
__scs_entry_jumppad:
0x0: {  	(pc) =	sbr.rel $0x88, $3  }
0x1: {  	(tag) =	ssettag $0x0;
	lr =	simm.s32 $0x1  }
0x2: {  	[smem:$0x3F93] =	sst lr;
	_ =	strace $0xD0000000  }
0x3: {  	_ = 	snop  }
0x4: {  	_ = 	snop  }
0x5: {  	_ = 	snop  }
0x6: {  	_ = 	snop  }
0x7: {  	_ = 	snop  }
__scs_overlays_trampoline_lowered:
0x8: {  	[smem:$0x3FA2] =	sst s0  }
0x9: {  	[smem:$0x3FA3] =	sst s1  }
0xa: {  	[smem:$0x3FA4] =	sst s2  }
0xb: {  	[smem:$0x3FA5] =	sst s3  }
0xc: {  	[smem:$0x3FA6] =	sst s4  }
0xd: {  	[smem:$0x3FA7] =	sst s5  }
0xe: {  	[smem:$0x3FA8] =	sst s6  }
0xf: {  	[smem:$0x3FA9] =	sst s7  }
0x10: {  	[smem:$0x3FAA] =	sst s8  }
0x11: {  	[smem:$0x3FAB] =	sst s9;
	s0 =	simm.s32 @!p0 $0x0  }
0x12: {  	s1 =	sld [smem:$0x3F91];
	s0 =	simm.s32 @p0 $0x1  }
0x13: {  	[smem:$0x3FAC] =	sst s0;
	s0 =	simm.s32 @!p1 $0x0  }
0x14: {  	s2 =	sld [smem:$0x3F90];
	s0 =	simm.s32 @p1 $0x1  }
0x15: {  	[smem:$0x3FAD] =	sst s0;
	s0 =	simm.s32 @!p2 $0x0  }
0x16: {  	s3 =	sld [smem:$0x3FDB];
	s0 =	simm.s32 @p2 $0x1  }
0x17: {  	s4 =	simm.s32 $0x1BF5;
	[smem:$0x3FAF] =	sst s0  }
0x18: {  	s0 =	sld [smem:$0x3F92];
	_ =	swait.ge [sflag:s4], $0x0  }
0x19: {  	s7 =	sld [smem:$0x3F93]  }
0x1a: {  	s8 =	sadd.s32 $0xFFFFE003, lr  }
0x1b: {  	s9 =	sadd.s32 $0xFFFFFEF7, lr;
	s5 =	simm.s32 $0xFFFFFFFF;
	p2 =	slt.u32 s8, $0xFFFFF086  }
0x1c: {  	p1 =	slt.u32 s9, $0xF7A;
	s5 =	simm.s32 @!p2 $0x0  }
0x1d: {  	s5 =	simm.s32 @p1 $0x1;
	p0 =	seq.s32 s7, s2  }
0x1e: {  	s7 =	smul.u32 @!p0 $0xF7A, s2;
	p2 =	seq.s32 @!p0 s5, $0x0  }
0x1f: {  	s9 =	smul.u32 $0xF7A, s1;
	s8 =	simm.s32 @!p0 $0x1BF5;
	p2 =	por !p2, p0  }
0x20: {  	[sflag:s8] =	ssyncset.s32 @!p0 $0xFFFFF086;
	s6 =	sadd.s32 @!p0 s3, s7;
	s7 =	simm.s32 @!p0 $0x108  }
0x21: {  	s3 =	sadd.s32 s3, s9;
	s6 =	sadd.s32 @!p0 $0x88, s6;
	s7 =	simm.s32 @p2 $0x1082  }
0x22: {  	[simem:s7], [sflag:s8] =	dma.local @!p0 [hbm:s6], $0xF7A  }
0x23: {  	s9 =	sor.u32 $0xD0000000, s2;
	s6 =	simm.s32 $0x108;
	_ =	swait.ge @!p0 [sflag:s8], $0x0  }
0x24: {  	s3 =	sadd.s32 $0x88, s3;
	s6 =	simm.s32 @!p1 $0x1082;
	[sflag:s4] =	ssyncset.s32 $0xFFFFF086  }
0x25: {  	[simem:s6], [sflag:s4] =	dma.local [hbm:s3], $0xF7A  }
0x26: {  	[smem:$0x3F93] =	sst s1;
	(tag) =	ssettag s2;
	_ =	strace s9  }
0x27: {  	s1 =	sld [smem:$0x3FA3]  }
0x28: {  	s2 =	sld [smem:$0x3FA4]  }
0x29: {  	s4 =	sld [smem:$0x3FA6]  }
0x2a: {  	p0 =	seq.s32 s5, $0x0;
	s5 =	sld [smem:$0x3FA7]  }
0x2b: {  	s6 =	sld [smem:$0x3FA8]  }
0x2c: {  	s7 =	sld [smem:$0x3FA9]  }
0x2d: {  	s3 =	simm.s32 $0x108;
	s8 =	sld [smem:$0x3FAA]  }
0x2e: {  	s3 =	simm.s32 @!p0 $0x1082;
	s9 =	sld [smem:$0x3FAB]  }
0x2f: {  	lr =	sadd.s32 s0, s3;
	s0 =	sld [smem:$0x3FA2]  }
0x30: {  	s3 =	sld [smem:$0x3FA5]  }
0x31: {  	[smem:$0x3FAE] =	sst s10  }
0x32: {  	s10 =	sld [smem:$0x3FAC];
	_ =	sdelay $0x3  }
0x33: {  	p0 =	seq.s32 s10, $0x1;
	s10 =	sld [smem:$0x3FAE];
	_ =	sdelay $0x3  }
0x34: {  	[smem:$0x3FAE] =	sst s10  }
0x35: {  	s10 =	sld [smem:$0x3FAD];
	_ =	sdelay $0x3  }
0x36: {  	p1 =	seq.s32 s10, $0x1;
	s10 =	sld [smem:$0x3FAE];
	_ =	sdelay $0x3  }
0x37: {  	[smem:$0x3FAE] =	sst s10  }
0x38: {  	s10 =	sld [smem:$0x3FAF]  }
0x39: {  	_ = 	snop;
	(pc) =	sbr.ind lr, $3  }
0x3a: {  	_ = 	snop  }
0x3b: {  	_ = 	snop  }
0x3c: {  	p2 =	seq.s32 s10, $0x1;
	s10 =	sld [smem:$0x3FAE]  }
0x3d: {  	_ =	shalt  }
0x3e: {  	_ =	shalt  }
0x3f: {  	_ =	shalt  }
0x40: {  	_ =	shalt  }
0x41: {  	_ =	shalt  }
0x42: {  	_ =	shalt  }
0x43: {  	_ =	shalt  }
0x44: {  	_ =	shalt  }
0x45: {  	_ =	shalt  }
0x46: {  	_ =	shalt  }
0x47: {  	_ =	shalt  }
0x48: {  	_ =	shalt  }
0x49: {  	_ =	shalt  }
0x4a: {  	_ =	shalt  }
0x4b: {  	_ =	shalt  }
0x4c: {  	_ =	shalt  }
0x4d: {  	_ =	shalt  }
0x4e: {  	_ =	shalt  }
0x4f: {  	_ =	shalt  }
0x50: {  	_ =	shalt  }
0x51: {  	_ =	shalt  }
0x52: {  	_ =	shalt  }
0x53: {  	_ =	shalt  }
0x54: {  	_ =	shalt  }
0x55: {  	_ =	shalt  }
0x56: {  	_ =	shalt  }
0x57: {  	_ =	shalt  }
0x58: {  	_ =	shalt  }
0x59: {  	_ =	shalt  }
0x5a: {  	_ =	shalt  }
0x5b: {  	_ =	shalt  }
0x5c: {  	_ =	shalt  }
0x5d: {  	_ =	shalt  }
0x5e: {  	_ =	shalt  }
0x5f: {  	_ =	shalt  }
0x60: {  	_ =	shalt  }
0x61: {  	_ =	shalt  }
0x62: {  	_ =	shalt  }
0x63: {  	_ =	shalt  }
0x64: {  	_ =	shalt  }
0x65: {  	_ =	shalt  }
0x66: {  	_ =	shalt  }
0x67: {  	_ =	shalt  }
0x68: {  	_ =	shalt  }
0x69: {  	_ =	shalt  }
0x6a: {  	_ =	shalt  }
0x6b: {  	_ =	shalt  }
0x6c: {  	_ =	shalt  }
0x6d: {  	_ =	shalt  }
0x6e: {  	_ =	shalt  }
0x6f: {  	_ =	shalt  }
0x70: {  	_ =	shalt  }
0x71: {  	_ =	shalt  }
0x72: {  	_ =	shalt  }
0x73: {  	_ =	shalt  }
0x74: {  	_ =	shalt  }
0x75: {  	_ =	shalt  }
0x76: {  	_ =	shalt  }
0x77: {  	_ =	shalt  }
0x78: {  	_ =	shalt  }
0x79: {  	_ =	shalt  }
0x7a: {  	_ =	shalt  }
0x7b: {  	_ =	shalt  }
0x7c: {  	_ =	shalt  }
0x7d: {  	_ =	shalt  }
0x7e: {  	_ =	shalt  }
0x7f: {  	_ =	shalt  }
0x80: {  	_ =	shalt  }
0x81: {  	_ =	shalt  }
0x82: {  	_ =	shalt  }
0x83: {  	_ =	shalt  }
0x84: {  	_ =	shalt  }
0x85: {  	_ =	shalt  }
0x86: {  	_ =	shalt  }
0x87: {  	_ =	shalt  }
.Lfunc_end0:
.L_simem_size_0:
called_computation_lowered:
.L_overlay_start_0:
0x88: {  	s2 =	sld [smem:$0x3FD9]  }
0x89: {  	s3 =	sld [smem:$0x3FFE];
	_ =	sdelay $0x1  }
0x8a: {  	s1 =	srdreg.scid  }
0x8b: {  	s0 =	sand.u32 $0x1, s1  }
0x8c: {  	s14 =	sshll.u32 s0, $0xA;
	s2 =	sadd.s32 s3, s2  }
0x8d: {  	s2 =	sadd.s32 s2, s14  }
0x8e: {  	[smem:$0x3FBA] =	sst s2  }
0x8f: {  	_ = 	snop  }
0x90: {  	s2 =	sld [smem:$0x3FD0];
	_ =	sdelay $0x2  }
0x91: {  	s15 =	simm.s32 $0xA;
	s4 =	simm.s32 $0x10  }
0x92: {  	[smem:s4], [sflag:s15] =	dma.local [hbm:s2], $0x1  }
0x93: {  	_ =	swait.eq [sflag:s15], $0x1  }
0x94: {  	[sflag:s15] =	ssyncset.done $0x0  }
0x95: {  	s16 =	sld [smem:$0x10];
	[sflag:s15] =	ssyncadd.s32 $0xFFFFFFFF  }
0x96: {  	s17 =	sld [smem:$0x11];
	(tm) =	ssettm $0x1  }
0x97: {  	s18 =	sld [smem:$0x3FFB];
	_ =	sdelay $0x3  }
0x98: {  	_ =	strace s18  }
0x99: {  	s4 =	sld [smem:$0x3FFC];
	_ =	sdelay $0x3  }
0x9a: {  	_ =	strace s4  }
0x9b: {  	s4 =	sld [smem:$0x3FFD];
	_ =	sdelay $0x3  }
0x9c: {  	_ =	strace s4  }
0x9d: {  	_ =	strace $0x8FFFFFFF  }
0x9e: {  	s19 =	sld [smem:$0x3FDB];
	_ =	sdelay $0x1  }
0x9f: {  	s5 =	simm.s32 $_scs_section_size  }
0xa0: {  	s6 =	simm.s32 $_size__tile_overlayer_lowered;
	s7 =	simm.s32 $_tile_overlayer_lowered  }
0xa1: {  	s22 =	simm.s32 $0x1BFF;
	s21 =	sshll.u32 s7, $0x1;
	s4 =	sadd.s32 s5, s19  }
0xa2: {  	s8 =	simm.s32 $0x0;
	s20 =	sshll.u32 s6, $0x1;
	s6 =	sadd.s32 s21, s4  }
0xa3: {  	[timem:s8], [sflag:s22] =	dma.local [hbm:s6], s20  }
0xa4: {  	_ =	swait.ge [sflag:s22], s20  }
0xa5: {  	s5 =	ssub.s32 $0x0, s20;
	[sflag:s22] =	ssyncset.done $0x0  }
0xa6: {  	[sflag:s22] =	ssyncadd.s32 s5;
	_ =	sdelay $0x1  }
0xa7: {  	s23 =	simm.s32 $0x1B8B  }
0xa8: {  	_ =	swait.ge [sflag:s23], $0x1  }
0xa9: {  	[sflag:s23] =	ssyncset.done $0x0  }
0xaa: {  	s25 =	simm.s32 $0x1B8E;
	s24 =	sld [smem:$0x3FFE];
	[sflag:s23] =	ssyncadd.s32 $0xFFFFFFFF  }
0xab: {  	s26 =	simm.s32 $execute0_lowered;
	[smem:$0x3FD2] =	sst s25  }
0xac: {  	s6 =	sshll.u32 s26, $0x1;
	_ =	strace $0x80000046;
	[dreg:$0x1] =	wrdreg $0xFFFFFFFF  }
0xad: {  	s28 =	simm.s32 $_size_execute0_lowered;
	s4 =	sadd.s32 s4, s6;
	[dreg:$0x0] =	wrdreg $0x0  }
0xae: {  	s6 =	sshll.u32 s28, $0x1;
	[dreg:$0x2] =	wrdreg s4  }
0xaf: {  	[dreg:$0x3] =	wrdreg s6  }
0xb0: {  	[dreg:$0x4] =	wrdreg $0xC0  }
0xb1: {  	_ =	task [dreg:s8], $0x5FFFF  }
0xb2: {  	[dreg:$0x1] =	wrdreg $0xFFFFFFFF  }
0xb3: {  	[dreg:$0x0] =	wrdreg $0x60  }
0xb4: {  	[dreg:$0x2] =	wrdreg s24  }
0xb5: {  	[dreg:$0x3] =	wrdreg s17  }
0xb6: {  	[dreg:$0x4] =	wrdreg s16  }
0xb7: {  	[dreg:$0x5] =	wrdreg $0xFC000  }
0xb8: {  	[dreg:$0x6] =	wrdreg $0x19E000  }
0xb9: {  	[dreg:$0x7] =	wrdreg $0x9  }
0xba: {  	_ =	task.clear_ibuf [dreg:s8], $0x8FFFF;
	_ =	strace $0x90000046  }
0xbb: {  	s29 =	simm.s32 $0x9;
	_ =	strace $0x80000048  }
0xbc: {  	_ =	swait.ge [sflag:s29], $0x1  }
0xbd: {  	[sflag:s29] =	ssyncadd.s32 $0xFFFFFFFF  }
0xbe: {  	_ =	strace $0x90000048  }
0xbf: {  	_ =	sfence  }
0xc0: {  	s30 =	sld [smem:$0x0];
	_ =	sdelay $0x2  }
0xc1: {  	s31 =	sshll.u32 s1, $0xD;
	s1 =	sshrl.u32 s1, $0x2  }
0xc2: {  	s3 =	sand.u32 $0x4000, s31;
	s1 =	sadd.s32 s1, s30  }
0xc3: {  	s0 =	sor.u32 s3, s0;
	s1 =	sshll.u32 s1, $0x11  }
0xc4: {  	s0 =	sor.u32 s1, s0  }
0xc5: {  	s0 =	sadd.s32 $0x8F2B, s0  }
0xc6: {  	[sflag:s0] =	ssyncadd.remote.s32 $0x1  }
0xc7: {  	_ =	sfence.sel $0xFFFF  }
0xc8: {  	[dreg:$0x0] =	wrdreg $0xFFFFFFFF;
	(pc) =	sbr.abs _section_cstart, $3  }
0xc9: {  	[dreg:$0x1] =	wrdreg $0xFFFFFFFF  }
0xca: {  	_ =	task.clear_ibuf [dreg:s8], $0x2FFFF;
	_ =	strace $0x9FFFFFFF  }
0xcb: {  	(tm) =	ssettm $0x7FFFFFFF  }
tec
execute0_lowered:
.L_overlay_start_1:
0x0: {  	(tag) =	ssettag $0x1  }
0x1: {  	s0 =	rddreg [dreg:$0x0]  }
0x2: {  	s1 =	rddreg [dreg:$0x1]  }
0x3: {  	s4 =	rddreg [dreg:$0x2]  }
0x4: {  	s2 =	rddreg [dreg:$0x3]  }
0x5: {  	s3 =	rddreg [dreg:$0x4];
	s16 =	stileid.u32  }
0x6: {  	s7 =	simm.s32 $0x0;
	s5 =	srdreg.scid;
	s18 =	simm.s32 $0x7C  }
0x7: {  	s29 =	simm.s32 $0xDC00;
	s30 =	simm.s32 $0x1;
	s31 =	simm.s32 $0x2  }
0x8: {  	s28 =	simm.s32 $0x5;
	s6 =	smul.u32 $0x13C0, s16;
	[smem:$0x7FF] =	sst s7  }
0x9: {  	s7 =	sand.u32 $0x1, s5;
	s8 =	smul.u32 $0x13C00, s16;
	s5 =	sadd.s32 $0x3000, s0  }
0xa: {  	s10 =	sadd.s32 $0x20A00, s0;
	s12 =	sadd.s32 $0x16A00, s0;
	s14 =	smul.u32 $0x1200, s16  }
0xb: {  	s15 =	sadd.s32 $0x2AA00, s0;
	s25 =	smul.u32 $0x7C0, s16;
	_ =	strace $0x80000047  }
0xc: {  	s9 =	smul.u32 $0x13C000, s7;
	s13 =	ssub.s32 $0x2, s7;
	[dreg:$0x7] =	wrdreg s15  }
0xd: {  	p0 =	seq.s32 s7, $0x0;
	s19 =	smul.u32 $0x13C00, s7;
	s11 =	sshrl.u32 s6, $0x3  }
0xe: {  	s23 =	sshrl.u32 s13, $0x1;
	s24 =	sshrl.u32 s14, $0x3;
	s18 =	simm.s32 @!p0 $0x24  }
0xf: {  	s17 =	sshrl.u32 s8, $0x1;
	s20 =	sadd.s32 s6, s3;
	p0 =	sne.s32 s7, $0x0  }
0x10: {  	s7 =	simm.s32 $0x8;
	s11 =	sadd.s32 s11, s0;
	s9 =	sadd.s32 s8, s9  }
0x11: {  	s8 =	sshrl.u32 s8, $0x4;
	[dreg:$0xe] =	wrdreg s20;
	s21 =	sadd.s32 s6, s19  }
0x12: {  	s15 =	sadd.s32 $0xFFFFFFFE, s18;
	s20 =	simm.s32 $0xA;
	s6 =	simm.s32 $0x7  }
0x13: {  	s9 =	sshrl.u32 s9, $0x4;
	s1 =	sadd.s32 s1, s8;
	s22 =	sadd.s32 $0x2AC00, s11  }
0x14: {  	s0 =	sadd.s32 s9, s0;
	s9 =	ssub.s32 s13, s23;
	[dreg:$0xd] =	wrdreg s1  }
0x15: {  	s13 =	sadd.s32 $0x7C00, s24;
	[dreg:$0xf] =	wrdreg s22;
	s24 =	sshll.u32 s18, $0x9  }
0x16: {  	s8 =	simm.s32 $0x0;
	s26 =	sadd.s32 s10, s13;
	[dreg:$0x6] =	wrdreg s24  }
0x17: {  	s1 =	sshrl.u32 s21, $0x3;
	s13 =	sadd.s32 s12, s13;
	[dreg:$0x8] =	wrdreg s26  }
0x18: {  	s21 =	simm.s32 $0x19A00;
	s10 =	sadd.s32 s10, s25;
	[dreg:$0x9] =	wrdreg s13  }
0x19: {  	s22 =	simm.s32 $0x80;
	s12 =	sadd.s32 s12, s25;
	[dreg:$0xa] =	wrdreg s10  }
0x1a: {  	s0 =	sadd.s32 $0x2D400, s0;
	s23 =	sadd.s32 s4, s1;
	[dreg:$0xb] =	wrdreg s12  }
0x1b: {  	s25 =	smax.u32 s9, $0x1;
	s24 =	simm.s32 $0x9C00;
	[dreg:$0x10] =	wrdreg s0  }
0x1c: {  	s1 =	simm.s32 $0x3;
	s4 =	simm.s32 $0x6;
	[dreg:$0x11] =	wrdreg s23  }
0x1d: {  	s10 =	sadd.s32 s17, s2;
	[dreg:$0x12] =	wrdreg s25;
	s26 =	sshll.u32 s16, $0x6  }
0x1e: {  	s23 =	simm.s32 $0x7C00;
	s0 =	simm.s32 $0x9;
	s25 =	simm.s32 $0x4  }
0x1f: {  	[dreg:$0xc] =	wrdreg s10;
	s19 =	sor.u32 $0x1C0A, s26;
	s26 =	simm.s32 $0xBC00  }
.LBB2_1:
0x20: {  	s9 =	simm.s32 @p0 $0x0;
	s10 =	rddreg [dreg:$0x8]  }
0x21: {  	[tilespmem:s9], [sflag:$0xA] =	stream.linear.gather @p0 [hbm4b:s10+s9], $0x1200, $0x38;
	[tilespmem:$0x1B1C0] =	vst v63  }
0x22: {  	s10 =	simm.s32 @p0 $0xA  }
0x23: {  	_ =	swait.ge @p0 [sflag:s10], $0x1200  }
0x24: {  	[sflag:s10] =	ssyncset.done @p0 $0x0  }
0x25: {  	s11 =	simm.s32 @p0 $0x3E00;
	s12 =	rddreg [dreg:$0x9];
	[sflag:s10] =	ssyncadd.s32 @p0 $0xFFFFEE00  }
0x26: {  	[tilespmem:s11], [sflag:$0xA] =	stream.linear.gather @p0 [hbm4b:s12+s9], $0x1200, $0x38;
	[tilespmem:$0x1B1C0] =	vst v63  }
0x27: {  	_ =	swait.ge @p0 [sflag:s10], $0x1200  }
0x28: {  	[sflag:s10] =	ssyncset.done @p0 $0x0  }
0x29: {  	s9 =	simm.s32 @!p0 $0x0;
	[sflag:s10] =	ssyncadd.s32 @p0 $0xFFFFEE00;
	s10 =	rddreg [dreg:$0xa]  }
0x2a: {  	[tilespmem:s9], [sflag:$0xA] =	stream.linear.gather @!p0 [hbm4b:s10+s9], $0x3E00, $0x38;
	[tilespmem:$0x1B1C0] =	vst v63  }
0x2b: {  	s10 =	simm.s32 @!p0 $0xA  }
0x2c: {  	_ =	swait.ge @!p0 [sflag:s10], $0x3E00  }
0x2d: {  	[sflag:s10] =	ssyncset.done @!p0 $0x0  }
0x2e: {  	s11 =	simm.s32 @!p0 $0x3E00;
	s12 =	rddreg [dreg:$0xb];
	[sflag:s10] =	ssyncadd.s32 @!p0 $0xFFFFC200  }
0x2f: {  	[tilespmem:s11], [sflag:$0xA] =	stream.linear.gather @!p0 [hbm4b:s12+s9], $0x3E00, $0x38;
	[tilespmem:$0x1B1C0] =	vst v63  }
0x30: {  	_ =	swait.ge @!p0 [sflag:s10], $0x3E00  }
0x31: {  	[sflag:s10] =	ssyncset.done @!p0 $0x0  }
0x32: {  	[sflag:s10] =	ssyncadd.s32 @!p0 $0xFFFFC200;
	s10 =	rddreg [dreg:$0xc]  }
0x33: {  	s11 =	rddreg [dreg:$0xd];
	s9 =	sshrl.u32 s10, $0x3  }
0x34: {  	[spmem:s9], [sflag:s19] =	dma.local [hbm:s11], $0x13C0  }
0x35: {  	_ =	swait.ge [sflag:s20], $0x13C0  }
0x36: {  	[sflag:s20] =	ssyncset.done $0x0;
	s12 =	rddreg [dreg:$0xe]  }
0x37: {  	s13 =	rddreg [dreg:$0xf];
	[sflag:s20] =	ssyncadd.s32 $0xFFFFEC40;
	s10 =	sshrl.u32 s12, $0x3  }
0x38: {  	[spmem:s10], [sflag:s19] =	dma.local [hbm:s13], $0x278  }
0x39: {  	_ =	swait.ge [sflag:s20], $0x278  }
0x3a: {  	[sflag:s20] =	ssyncset.done $0x0  }
0x3b: {  	s14 =	simm.s32 $0x0;
	s16 =	rddreg [dreg:$0x7];
	[sflag:s20] =	ssyncadd.s32 $0xFFFFFD88  }
0x3c: {  	[tilespmem:s21], [sflag:$0xA] =	stream.linear.gather [hbm4b:s16+s14], $0x400, $0x38;
	[tilespmem:$0x1B1C0] =	vst v63  }
0x3d: {  	_ =	swait.ge [sflag:s20], $0x400  }
0x3e: {  	[sflag:s20] =	ssyncset.done $0x0  }
0x3f: {  	[sflag:s20] =	ssyncadd.s32 $0xFFFFFC00  }
0x40: {  	[bflag:$0x0] =	sbarrier.arrive $0xFFFF  }
0x41: {  	[tilespmem:s23], [sflag:$0x1] =	stream.indirect.gather [hbm4b:s5+s22], $0x40, s14, s22, $0xb8;
	[tilespmem:$0x1B1C0] =	vst v63  }
0x42: {  	_ = 	snop  }
0x43: {  	[tilespmem:s24], [sflag:$0x2] =	stream.indirect.gather [hbm4b:s5+s22], $0x40, s22, s22, $0xb8;
	[tilespmem:$0x1B1C0] =	vst v63  }
0x44: {  	s17 =	simm.s32 $0x100  }
0x45: {  	[tilespmem:s26], [sflag:$0x3] =	stream.indirect.gather [hbm4b:s5+s22], $0x40, s17, s22, $0xb8;
	[tilespmem:$0x1B1C0] =	vst v63  }
0x46: {  	s18 =	simm.s32 $0x180;
	s11 =	simm.s32 $0x0;
	s12 =	simm.s32 $0x0  }
0x47: {  	[tilespmem:s29], [sflag:$0x4] =	stream.indirect.gather [hbm4b:s5+s22], $0x40, s18, s22, $0xb8;
	[tilespmem:$0x1B1C0] =	vst v63  }
.LBB2_2:
0x48: {  	_ =	swait.ge [sflag:s30], $0x2000;
	s13 =	sshra.s32 s12, $0x2;
	p1 =	sne.s32 s12, $0x0  }
0x49: {  	[sflag:s30] =	ssyncset.done $0x0;
	s14 =	sadd.s32 $0x3E00, s13;
	p2 =	sge.u32 @p1 s11, s15  }
0x4a: {  	s16 =	simm.s32 @p1 $0x9;
	[sflag:s30] =	ssyncadd.s32 $0xFFFFE000;
	p3 =	por p2, !p1  }
0x4b: {  	[spmem:s2] =	stream.indirect.scatter.add.bf16 [tilespmem:s23], [sflag:$0x5], $0x40, s14, s22, $0xb8;
	[tilespmem:$0x1B1C0] =	vst v63  }
0x4c: {  	p3 =	slt.s32 @!p3 s11, $0x4;
	_ =	swait.ge @p1 [sflag:s16], $0x400  }
0x4d: {  	s17 =	simm.s32 @p1 $0x19A00;
	p4 =	por @p1 p3, p2;
	[sflag:s16] =	ssyncset.done @p1 $0x0  }
0x4e: {  	p4 =	por p4, !p1;
	[sflag:s16] =	ssyncadd.s32 @p1 $0xFFFFFC00;
	s16 =	simm.s32 @p1 $0x80  }
0x4f: {  	[spmem:s3] =	stream.indirect.scatter.add.f32 @p1 [tilespmem:s17], [sflag:$0x9], $0x8, s14, s16, $0xb8;
	[tilespmem:$0x1B1C0] =	vst v63  }
0x50: {  	p5 =	sgt.s32 @p1 s11, $0x3;
	s16 =	simm.s32 @!p4 $0x7  }
0x51: {  	p6 =	por p5, p5;
	_ =	swait.ge @!p4 [sflag:s16], $0x2000  }
0x52: {  	p3 =	por @p1 !p3, p2;
	p2 =	por !p2, !p1;
	[sflag:s16] =	ssyncset.done @!p4 $0x0  }
0x53: {  	p3 =	por !p3, !p1;
	[sflag:s16] =	ssyncadd.s32 @!p4 $0xFFFFE000;
	s16 =	sshra.s32 @!p4 s12, $0x2  }
0x54: {  	s18 =	simm.s32 @!p4 $0xBC00;
	s17 =	simm.s32 @!p4 $0x80;
	s16 =	sadd.s32 @!p4 $0x100, s16  }
0x55: {  	[tilespmem:s18], [sflag:$0x3] =	stream.indirect.gather @!p4 [hbm4b:s5+s17], $0x40, s16, s17, $0xb8;
	[tilespmem:$0x1B1C0] =	vst v63  }
0x56: {  	s16 =	simm.s32 @!p1 $0x80;
	s17 =	simm.s32 @!p1 $0x19A00;
	p4 =	por @!p4 $0x1, $0x1  }
0x57: {  	[spmem:s3] =	stream.indirect.scatter.add.f32 @!p1 [tilespmem:s17], [sflag:$0x9], $0x8, s14, s16, $0xb8;
	[tilespmem:$0x1B1C0] =	vst v63  }
0x58: {  	s18 =	sadd.s32 $0x3E80, s13;
	p6 =	por @!p3 p4, p4;
	_ =	swait.ge [sflag:s31], $0x2000  }
0x59: {  	p6 =	por @!p2 p5, p5;
	p2 =	por @!p1 $0x0, $0x0;
	[sflag:s31] =	ssyncset.done $0x0  }
0x5a: {  	s16 =	sadd.s32 $0x1, s11;
	p6 =	por @!p1 p2, p2;
	[sflag:s31] =	ssyncadd.s32 $0xFFFFE000  }
0x5b: {  	[spmem:s2] =	stream.indirect.scatter.add.bf16 [tilespmem:s24], [sflag:$0x6], $0x40, s18, s22, $0xb8;
	[tilespmem:$0x1B1C0] =	vst v63  }
0x5c: {  	p1 =	sge.u32 @p6 s16, s15;
	_ =	swait.ge [sflag:s0], $0x400  }
0x5d: {  	p1 =	por p1, !p6;
	[sflag:s0] =	ssyncset.done $0x0  }
0x5e: {  	s14 =	simm.s32 @!p1 $0x8;
	[sflag:s0] =	ssyncadd.s32 $0xFFFFFC00  }
0x5f: {  	[spmem:s3] =	stream.indirect.scatter.add.f32 [tilespmem:s21], [sflag:$0x9], $0x8, s18, s22, $0xb8;
	[tilespmem:$0x1B1C0] =	vst v63  }
0x60: {  	_ =	swait.ge @!p1 [sflag:s14], $0x2000  }
0x61: {  	[sflag:s14] =	ssyncset.done @!p1 $0x0  }
0x62: {  	[sflag:s14] =	ssyncadd.s32 @!p1 $0xFFFFE000;
	s14 =	sshra.s32 @!p1 s12, $0x2  }
0x63: {  	s16 =	simm.s32 @!p1 $0x80;
	s17 =	simm.s32 @!p1 $0xDC00;
	s14 =	sadd.s32 @!p1 $0x180, s14  }
0x64: {  	[tilespmem:s17], [sflag:$0x4] =	stream.indirect.gather @!p1 [hbm4b:s5+s16], $0x40, s14, s16, $0xb8;
	[tilespmem:$0x1B1C0] =	vst v63  }
0x65: {  	_ =	swait.ge [sflag:s1], $0x2000  }
0x66: {  	[sflag:s1] =	ssyncset.done $0x0  }
0x67: {  	s17 =	sadd.s32 $0x3F00, s13;
	[sflag:s1] =	ssyncadd.s32 $0xFFFFE000  }
0x68: {  	[spmem:s2] =	stream.indirect.scatter.add.bf16 [tilespmem:s26], [sflag:$0x7], $0x40, s17, s22, $0xb8;
	[tilespmem:$0x1B1C0] =	vst v63  }
0x69: {  	s18 =	sadd.s32 $0x2, s11;
	_ =	swait.ge [sflag:s0], $0x400  }
0x6a: {  	p1 =	sge.u32 s18, s15;
	[sflag:s0] =	ssyncset.done $0x0  }
0x6b: {  	s14 =	simm.s32 @!p1 $0x5;
	[sflag:s0] =	ssyncadd.s32 $0xFFFFFC00  }
0x6c: {  	[spmem:s3] =	stream.indirect.scatter.add.f32 [tilespmem:s21], [sflag:$0x9], $0x8, s17, s22, $0xb8;
	[tilespmem:$0x1B1C0] =	vst v63  }
0x6d: {  	_ =	swait.ge @!p1 [sflag:s14], $0x2000  }
0x6e: {  	[sflag:s14] =	ssyncset.done @!p1 $0x0  }
0x6f: {  	[sflag:s14] =	ssyncadd.s32 @!p1 $0xFFFFE000;
	s14 =	sshra.s32 @!p1 s12, $0x2  }
0x70: {  	s16 =	simm.s32 @!p1 $0x80;
	s17 =	simm.s32 @!p1 $0x7C00;
	s14 =	sadd.s32 @!p1 $0x200, s14  }
0x71: {  	[tilespmem:s17], [sflag:$0x1] =	stream.indirect.gather @!p1 [hbm4b:s5+s16], $0x40, s14, s16, $0xb8;
	[tilespmem:$0x1B1C0] =	vst v63  }
0x72: {  	_ =	swait.ge [sflag:s25], $0x2000  }
0x73: {  	[sflag:s25] =	ssyncset.done $0x0  }
0x74: {  	s13 =	sadd.s32 $0x3F80, s13;
	[sflag:s25] =	ssyncadd.s32 $0xFFFFE000  }
0x75: {  	[spmem:s2] =	stream.indirect.scatter.add.bf16 [tilespmem:s29], [sflag:$0x8], $0x40, s13, s22, $0xb8;
	[tilespmem:$0x1B1C0] =	vst v63  }
0x76: {  	_ =	swait.ge [sflag:s0], $0x400  }
0x77: {  	s17 =	sadd.s32 $0x3, s11;
	[sflag:s0] =	ssyncset.done $0x0  }
0x78: {  	p1 =	sge.u32 s17, s15;
	[sflag:s0] =	ssyncadd.s32 $0xFFFFFC00  }
0x79: {  	[spmem:s3] =	stream.indirect.scatter.add.f32 [tilespmem:s21], [sflag:$0x9], $0x8, s13, s22, $0xb8;
	[tilespmem:$0x1B1C0] =	vst v63  }
0x7a: {  	s13 =	simm.s32 @!p1 $0x6  }
0x7b: {  	s14 =	sshra.s32 @!p1 s12, $0x2;
	s16 =	simm.s32 @!p1 $0x9C00;
	_ =	swait.ge @!p1 [sflag:s13], $0x2000  }
0x7c: {  	s12 =	sadd.s32 $0x800, s12;
	[sflag:s13] =	ssyncset.done @!p1 $0x0;
	s18 =	rddreg [dreg:$0x6]  }
0x7d: {  	[sflag:s13] =	ssyncadd.s32 @!p1 $0xFFFFE000;
	s13 =	sadd.s32 @!p1 $0x280, s14;
	s14 =	simm.s32 @!p1 $0x80  }
0x7e: {  	[tilespmem:s16], [sflag:$0x2] =	stream.indirect.gather @!p1 [hbm4b:s5+s14], $0x40, s13, s14, $0xb8;
	[tilespmem:$0x1B1C0] =	vst v63  }
0x7f: {  	p1 =	sne.s32 s18, s12  }
.Ltmp0:
0x80: {  	_ = 	snop;
	(pc) =	sbr.rel @p1 .LBB2_2-.Ltmp0, $2  }
0x81: {  	_ =	sdelay $0x2  }
0x82: {  	s11 =	sadd.s32 $0x4, s11  }
0x83: {  	_ =	swait.ge [sflag:s28], $0x2000  }
0x84: {  	[sflag:s28] =	ssyncset.done $0x0  }
0x85: {  	[sflag:s28] =	ssyncadd.s32 $0xFFFFE000  }
0x86: {  	_ =	swait.ge [sflag:s4], $0x2000  }
0x87: {  	[sflag:s4] =	ssyncset.done $0x0  }
0x88: {  	[sflag:s4] =	ssyncadd.s32 $0xFFFFE000  }
0x89: {  	_ =	swait.ge [sflag:s6], $0x2000  }
0x8a: {  	[sflag:s6] =	ssyncset.done $0x0  }
0x8b: {  	[sflag:s6] =	ssyncadd.s32 $0xFFFFE000  }
0x8c: {  	_ =	swait.ge [sflag:s7], $0x2000  }
0x8d: {  	[sflag:s7] =	ssyncset.done $0x0  }
0x8e: {  	[sflag:s7] =	ssyncadd.s32 $0xFFFFE000  }
0x8f: {  	_ =	swait.ge [sflag:s0], $0x400  }
0x90: {  	[sflag:s0] =	ssyncset.done $0x0  }
0x91: {  	[sflag:s0] =	ssyncadd.s32 $0xFFFFFC00  }
0x92: {  	[bflag:$0x0] =	sbarrier.arrive $0xFFFF  }
0x93: {  	s11 =	rddreg [dreg:$0x10]  }
0x94: {  	[hbm:s11], [sflag:s19] =	dma.local [spmem:s9], $0x13C0  }
0x95: {  	_ =	swait.ge [sflag:s20], $0x13C0  }
0x96: {  	[sflag:s20] =	ssyncset.done $0x0  }
0x97: {  	s17 =	rddreg [dreg:$0x11];
	[sflag:s20] =	ssyncadd.s32 $0xFFFFEC40  }
0x98: {  	[hbm:s17], [sflag:s19] =	dma.local [spmem:s10], $0x278  }
0x99: {  	_ =	swait.ge [sflag:s20], $0x278  }
0x9a: {  	s8 =	sadd.s32 $0x1, s8;
	s18 =	rddreg [dreg:$0x12]  }
0x9b: {  	p1 =	sne.s32 s8, s18  }
.Ltmp1:
0x9c: {  	_ = 	snop;
	(pc) =	sbr.rel @p1 .LBB2_1-.Ltmp1, $3  }
0x9d: {  	_ =	sdelay $0x1  }
0x9e: {  	[sflag:s20] =	ssyncset.done $0x0  }
0x9f: {  	[sflag:s20] =	ssyncadd.s32 $0xFFFFFD88  }
0xa0: {  	_ =	sfence.sel $0x180000  }
0xa1: {  	[bflag:$0x0] =	sbarrier.arrive $0xFFFF  }
0xa2: {  	_ =	strace $0x90000047  }
0xa3: {  	s0 =	stileid.u32;
	[bflag:$0x2] =	sbarrier.arrive $0xFFFF  }
0xa4: {  	p0 =	sne.s32 s0, $0x0;
	s0 =	rddreg [dreg:$0x5]  }
0xa5: {  	s0 =	sadd.s32 @!p0 $0x100000, s0  }
0xa6: {  	[sflag:s0] =	ssyncadd.tile.s32 @!p0 $0x1;
	_ =	shalt  }
.Lfunc_end2:
_tile_overlayer_lowered:
.L_overlay_start_2:
0xa7: {  	(tag) =	ssettag $0x2  }
0xa8: {  	s0 =	rddreg [dreg:$0x0];
	s2 =	stileid.u32  }
0xa9: {  	s1 =	rddreg [dreg:$0x1];
	p0 =	sne.s32 s2, $0x0  }
0xaa: {  	s3 =	rddreg [dreg:$0x2];
	[bflag:$0x3] =	sbarrier.arrive $0xFFFF;
	s2 =	simm.s32 @!p0 $0x1C0A  }
0xab: {  	[timem:s3], [sflag:s2] =	dma.local @!p0 [hbm:s0], s1  }
0xac: {  	s0 =	simm.s32 @!p0 $0xA  }
0xad: {  	_ =	swait.ge @!p0 [sflag:s0], s1  }
0xae: {  	s1 =	ssub.s32 @!p0 $0x0, s1;
	[sflag:s0] =	ssyncset.done @!p0 $0x0  }
0xaf: {  	[sflag:s0] =	ssyncadd.s32 @!p0 s1  }
0xb0: {  	[bflag:$0x3] =	sbarrier.arrive $0xFFFF  }
0xb1: {  	_ =	shalt  }

</sc_bundles>
